<compile_context>
chip_gen: v7x
topology: tpu7x:2x2x1
jax: 0.10.2.dev20260603
libtpu: 0.0.44.dev20260713+nightly
codegen_flags: <defaults>
</compile_context>

<pallas_src>
import functools

import jax
import jax.numpy as jnp
from jax import lax
from jax.experimental import pallas as pl
from jax.experimental.pallas import tpu as pltpu
from jax.experimental.pallas import tpu_sc as plsc

N_NODES = 100000
FT = 128
NB_REL = 4
DEG = 32
BATCH = 4096
SEGS = BATCH * NB_REL

NC = 2
NS = 16
NW = NC * NS
SEG_PER_W = SEGS // NW
SEGS_PER_CHUNK = NB_REL
ROWS_PER_CHUNK = SEGS_PER_CHUNK * DEG
CHUNKS = SEG_PER_W // SEGS_PER_CHUNK
ROWS_W = SEG_PER_W // NB_REL
LANES = 16
VPR = FT // LANES
NBUF = 4


def _seg_mean_body(idx_hbm, feat_hbm, out_hbm, idx_v, idx_f, rows_v, out_v,
                   gs0, gs1, gs2, gs3, osem):
    gsems = (gs0, gs1, gs2, gs3)
    wid = lax.axis_index("s") * NC + lax.axis_index("c")
    seg_base = wid * SEG_PER_W

    half = ROWS_W // 2
    pltpu.sync_copy(idx_hbm.at[pl.ds(wid * ROWS_W, half)], idx_v)

    def flatten(c, fb):
        cc = lax.rem(c, half)
        for r in range(NB_REL):
            for h in range(DEG // LANES):
                idx_f[fb, pl.ds(r * DEG + h * LANES, LANES)] = (
                    idx_v[cc, r, pl.ds(h * LANES, LANES)])

    def gather(c, b):
        return pltpu.make_async_copy(feat_hbm.at[idx_f.at[b]], rows_v.at[b],
                                     gsems[b])

    def out_copy(c):
        dst = out_hbm.at[pl.ds(seg_base + c * SEGS_PER_CHUNK,
                               SEGS_PER_CHUNK)]
        return pltpu.make_async_copy(out_v, dst, osem)

    for b in range(NBUF - 1):
        flatten(b, b)
        gather(b, b).start()

    @pl.loop(0, CHUNKS, step=NBUF)
    def _group(c0):
        for b in range(NBUF):
            c = c0 + b
            gather(c, b).wait()
            nxt = c + NBUF - 1
            nb = (b + NBUF - 1) % NBUF

            @pl.when(nxt == CHUNKS // 2)
            def _():
                pltpu.sync_copy(
                    idx_hbm.at[pl.ds(wid * ROWS_W + half, half)], idx_v)

            @pl.when(nxt < CHUNKS)
            def _():
                flatten(nxt, nb)
                gather(nxt, nb).start()

            @pl.when(c >= 1)
            def _():
                out_copy(c - 1).wait()

            for s in range(SEGS_PER_CHUNK):
                def body(d, acc):
                    return tuple(
                        acc[l] + rows_v[b, s * DEG + d,
                                        pl.ds(l * LANES, LANES)]
                        for l in range(VPR)
                    )
                acc = lax.fori_loop(
                    0, DEG, body,
                    tuple(jnp.zeros((LANES,), jnp.float32)
                          for _ in range(VPR)))
                for l in range(VPR):
                    out_v[s, pl.ds(l * LANES, LANES)] = acc[l] * (1.0 / DEG)

            out_copy(c).start()

    out_copy(CHUNKS - 1).wait()


_seg_mean = functools.partial(
    pl.kernel,
    out_type=jax.ShapeDtypeStruct((SEGS, FT), jnp.float32),
    mesh=plsc.VectorSubcoreMesh(
        core_axis_name="c", subcore_axis_name="s",
        num_cores=NC, num_subcores=NS),
    compiler_params=pltpu.CompilerParams(
        skip_device_barrier=True,
        disable_bounds_checks=True,
        disable_semaphore_checks=True,
    ),
    scratch_types=[
        pltpu.VMEM((ROWS_W // 2, NB_REL, DEG), jnp.int32),
        pltpu.VMEM((NBUF, NB_REL * DEG), jnp.int32),
        pltpu.VMEM((NBUF, ROWS_PER_CHUNK, FT), jnp.float32),
        pltpu.VMEM((SEGS_PER_CHUNK, FT), jnp.float32),
    ] + [pltpu.SemaphoreType.DMA] * (NBUF + 1),
)(_seg_mean_body)


def _gcn_body(x_ref, w_ref, b_ref, a_ref, o_ref):
    a = a_ref[0, 0]
    x = x_ref[...]
    acc = jnp.zeros((x.shape[0], FT), jnp.float32)
    for r in range(NB_REL):
        h = jnp.dot(x[:, r, :], w_ref[r], preferred_element_type=jnp.float32)
        h = h + b_ref[r][None, :]
        h = jnp.where(h > 0, h, a * h)
        acc = acc + h
    o_ref[...] = acc * (1.0 / NB_REL)


def _gcn(v_in, W1, b1, a11):
    BB = 1024
    return pl.pallas_call(
        _gcn_body,
        grid=(BATCH // BB,),
        in_specs=[
            pl.BlockSpec((BB, NB_REL, FT), lambda i: (i, 0, 0)),
            pl.BlockSpec((NB_REL, FT, FT), lambda i: (0, 0, 0)),
            pl.BlockSpec((NB_REL, FT), lambda i: (0, 0)),
            pl.BlockSpec(memory_space=pltpu.SMEM),
        ],
        out_specs=pl.BlockSpec((BB, FT), lambda i: (i, 0)),
        out_shape=jax.ShapeDtypeStruct((BATCH, FT), jnp.float32),
    )(v_in, W1, b1, a11)


def kernel(node_list, neighbor_idx, features, k, W1, b1, prelu_a):
    del node_list, k
    idx3 = neighbor_idx.astype(jnp.int32)
    v_in = _seg_mean(idx3, features)
    v_in = v_in.reshape(BATCH, NB_REL, FT)
    a11 = jnp.asarray(prelu_a, jnp.float32).reshape(1, 1)
    return _gcn(v_in, W1, b1, a11)

# --- scband reference (transcript-rebuilt; emitter-appended) ---
"""Pipeline reference for scband-modeler-46394236731752 (READ-ONLY COPY).

The authoritative reference and input builder live on the scoring server;
editing this copy changes nothing except your own understanding.
"""

import jax, jax.numpy as jnp
import numpy as np

N_NODES = 100000
FT_SIZE = 128
OUT_FT = 128
NB_REL = 4
DEG = 32
BATCH = 4096


def setup_inputs(seed: int = 0) -> dict:
    key = jax.random.key(seed)
    ks = jax.random.split(key, 6)
    features = jax.random.normal(ks[0], (N_NODES, FT_SIZE), dtype=jnp.float32)
    node_list = jax.random.randint(ks[1], (BATCH,), 0, N_NODES)
    # graph[n] = per-relation neighbor lists; materialized as fixed-degree samples
    neighbor_idx = jax.random.randint(ks[2], (BATCH, NB_REL, DEG), 0, N_NODES)
    # GCN layer k=0 parameters: per-relation linear + bias + PReLU slope
    W1 = jax.random.normal(ks[3], (NB_REL, FT_SIZE, OUT_FT), dtype=jnp.float32) * (1.0 / np.sqrt(FT_SIZE))
    b1 = jnp.zeros((NB_REL, OUT_FT), dtype=jnp.float32)
    prelu_a = jnp.array(0.25, dtype=jnp.float32)
    return {
        "node_list": node_list,
        "neighbor_idx": neighbor_idx,
        "features": features,
        "k": 0,
        "W1": W1,
        "b1": b1,
        "prelu_a": prelu_a,
    }


def reference(node_list, neighbor_idx, features, k, W1, b1, prelu_a):
    # Per-node, per-relation mean aggregation of neighbor features
    v_neigh = jnp.take(features, neighbor_idx, axis=0)          # [B, R, D, F]
    v_in = jnp.mean(v_neigh, axis=2)                            # [B, R, F]  (torch.mean(features[neighbors], 0) per relation)
    # bnn1[k]: per-relation GCN linear transform + bias + PReLU
    h = jnp.einsum('brf,rfo->bro', v_in, W1) + b1[None, :, :]   # [B, R, O]
    h = jnp.where(h > 0, h, prelu_a * h)                        # PReLU
    # isAtt=False branch: mean over relations
    v_out = jnp.mean(h, axis=1)                                 # [B, O]
    return v_out

if __name__ == "__main__":
    import jax
    _d = setup_inputs()
    print(jax.jit(kernel)(*tuple(_d.values())))

</pallas_src>

<mosaic_0001>
#map = affine_map<(d0, d1) -> (0, 0, 0)>
#map1 = affine_map<(d0, d1) -> (0, 0)>
module attributes {stable_mosaic.version = 14 : i64} {
  func.func @_seg_mean_body(%arg0: i32, %arg1: i32, %arg2: memref<4096x4x32xi32, #tpu.memory_space<hbm>>, %arg3: memref<100000x128xf32, #tpu.memory_space<hbm>>, %arg4: memref<16384x128xf32, #tpu.memory_space<hbm>>, %arg5: memref<64x4x32xi32, #tpu.memory_space<vmem>>, %arg6: memref<4x128xi32, #tpu.memory_space<vmem>>, %arg7: memref<4x128x128xf32, #tpu.memory_space<vmem>>, %arg8: memref<4x128xf32, #tpu.memory_space<vmem>>, %arg9: memref<!tpu.dma_semaphore, #tpu.memory_space<semaphore_mem>>, %arg10: memref<!tpu.dma_semaphore, #tpu.memory_space<semaphore_mem>>, %arg11: memref<!tpu.dma_semaphore, #tpu.memory_space<semaphore_mem>>, %arg12: memref<!tpu.dma_semaphore, #tpu.memory_space<semaphore_mem>>, %arg13: memref<!tpu.dma_semaphore, #tpu.memory_space<semaphore_mem>>) attributes {dimension_semantics = [#tpu.dimension_semantics<core_parallel>, #tpu.dimension_semantics<subcore_parallel>], iteration_bounds = array<i64: 2, 16>, scalar_prefetch = 0 : i64, scratch_operands = 9 : i64, tpu.core_type = #tpu.core_type<sc_vector_subcore>, window_params = [{transform_indices = #map}, {transform_indices = #map1}, {transform_indices = #map1}]} {
    %mul3A = arith.constant 2 : i32
    %mul3A_0 = arith.muli %arg1, %mul3A : i32
    %add3A = arith.addi %mul3A_0, %arg0 : i32
    %mul3A_1 = arith.constant 512 : i32
    %mul3A_2 = arith.muli %add3A, %mul3A_1 : i32
    %mul3A_3 = arith.constant 128 : i32
    %mul3A_4 = arith.muli %add3A, %mul3A_3 : i32
    "tpu.region"() ({
      %run_scoped3A = tpu.sem_alloc : memref<!tpu.dma_semaphore, #tpu.memory_space<semaphore_mem>>
      %dma_start3A_343 = arith.constant 0 : i32
      %dma_start3A_344 = arith.constant 0 : i32
      %dma_start3A_345 = tpu.memref_slice %arg2[%mul3A_4, %dma_start3A_343, %dma_start3A_344] : memref<4096x4x32xi32, #tpu.memory_space<hbm>> -> memref<64x4x32xi32, #tpu.memory_space<hbm>>
      %dma_start3A_346 = arith.constant 0 : i32
      %dma_start3A_347 = arith.constant 0 : i32
      %dma_start3A_348 = tpu.memref_slice %arg2[%mul3A_4, %dma_start3A_346, %dma_start3A_347] : memref<4096x4x32xi32, #tpu.memory_space<hbm>> -> memref<64x4x32xi32, #tpu.memory_space<hbm>>
      tpu.enqueue_dma source(%dma_start3A_348 : memref<64x4x32xi32, #tpu.memory_space<hbm>>) target(%arg5 : memref<64x4x32xi32, #tpu.memory_space<vmem>>) target_semaphore(%run_scoped3A : memref<!tpu.dma_semaphore, #tpu.memory_space<semaphore_mem>>)
      %dma_wait3A_349 = arith.constant 0 : i32
      %dma_wait3A_350 = arith.constant 0 : i32
      %dma_wait3A_351 = tpu.memref_slice %arg2[%mul3A_4, %dma_wait3A_349, %dma_wait3A_350] : memref<4096x4x32xi32, #tpu.memory_space<hbm>> -> memref<64x4x32xi32, #tpu.memory_space<hbm>>
      %dma_wait3A_352 = arith.constant 0 : i32
      %dma_wait3A_353 = arith.constant 0 : i32
      %dma_wait3A_354 = tpu.memref_slice %arg2[%mul3A_4, %dma_wait3A_352, %dma_wait3A_353] : memref<4096x4x32xi32, #tpu.memory_space<hbm>> -> memref<64x4x32xi32, #tpu.memory_space<hbm>>
      tpu.wait_dma2 semaphore(%run_scoped3A : memref<!tpu.dma_semaphore, #tpu.memory_space<semaphore_mem>>) src(%dma_wait3A_354 : memref<64x4x32xi32, #tpu.memory_space<hbm>>) dst(%arg5 : memref<64x4x32xi32, #tpu.memory_space<vmem>>)
      tpu.yield
    }) : () -> ()
    %rem3A = arith.constant 0 : i32
    %rem3A_5 = arith.constant 64 : i32
    %rem3A_6 = arith.remsi %rem3A, %rem3A_5 : i32
    %get3A = arith.constant 0 : i32
    %get3A_7 = arith.index_cast %rem3A_6 : i32 to index
    %get3A_8 = arith.index_cast %get3A : i32 to index
    %get3A_9 = arith.constant 0 : index
    %get3A_10 = tpu.vector_load %arg5[%get3A_7, %get3A_8, %get3A_9] {strides = array<i32>} : memref<64x4x32xi32, #tpu.memory_space<vmem>>, vector<1x1x16xi32>,
    %get3A_11 = vector.shape_cast %get3A_10 : vector<1x1x16xi32> to vector<16xi32>
    %swap3A = arith.constant 0 : i32
    %swap3A_12 = arith.index_cast %swap3A : i32 to index
    %swap3A_13 = arith.constant 0 : index
    %swap3A_14 = tpu.vector_load %arg6[%swap3A_12, %swap3A_13] {strides = array<i32>} : memref<4x128xi32, #tpu.memory_space<vmem>>, vector<1x16xi32>,
    %swap3A_15 = vector.shape_cast %swap3A_14 : vector<1x16xi32> to vector<16xi32>
    %swap3A_16 = vector.shape_cast %get3A_11 : vector<16xi32> to vector<1x16xi32>
    tpu.vector_store %arg6[%swap3A_12, %swap3A_13], %swap3A_16 {strides = array<i32>} : memref<4x128xi32, #tpu.memory_space<vmem>>, vector<1x16xi32>,
    %get3A_17 = arith.constant 0 : i32
    %get3A_18 = arith.index_cast %rem3A_6 : i32 to index
    %get3A_19 = arith.index_cast %get3A_17 : i32 to index
    %get3A_20 = arith.constant 16 : index
    %get3A_21 = tpu.vector_load %arg5[%get3A_18, %get3A_19, %get3A_20] {strides = array<i32>} : memref<64x4x32xi32, #tpu.memory_space<vmem>>, vector<1x1x16xi32>,
    %get3A_22 = vector.shape_cast %get3A_21 : vector<1x1x16xi32> to vector<16xi32>
    %swap3A_23 = arith.constant 0 : i32
    %swap3A_24 = arith.index_cast %swap3A_23 : i32 to index
    %swap3A_25 = arith.constant 16 : index
    %swap3A_26 = tpu.vector_load %arg6[%swap3A_24, %swap3A_25] {strides = array<i32>} : memref<4x128xi32, #tpu.memory_space<vmem>>, vector<1x16xi32>,
    %swap3A_27 = vector.shape_cast %swap3A_26 : vector<1x16xi32> to vector<16xi32>
    %swap3A_28 = vector.shape_cast %get3A_22 : vector<16xi32> to vector<1x16xi32>
    tpu.vector_store %arg6[%swap3A_24, %swap3A_25], %swap3A_28 {strides = array<i32>} : memref<4x128xi32, #tpu.memory_space<vmem>>, vector<1x16xi32>,
    %get3A_29 = arith.constant 1 : i32
    %get3A_30 = arith.index_cast %rem3A_6 : i32 to index
    %get3A_31 = arith.index_cast %get3A_29 : i32 to index
    %get3A_32 = arith.constant 0 : index
    %get3A_33 = tpu.vector_load %arg5[%get3A_30, %get3A_31, %get3A_32] {strides = array<i32>} : memref<64x4x32xi32, #tpu.memory_space<vmem>>, vector<1x1x16xi32>,
    %get3A_34 = vector.shape_cast %get3A_33 : vector<1x1x16xi32> to vector<16xi32>
    %swap3A_35 = arith.constant 0 : i32
    %swap3A_36 = arith.index_cast %swap3A_35 : i32 to index
    %swap3A_37 = arith.constant 32 : index
    %swap3A_38 = tpu.vector_load %arg6[%swap3A_36, %swap3A_37] {strides = array<i32>} : memref<4x128xi32, #tpu.memory_space<vmem>>, vector<1x16xi32>,
    %swap3A_39 = vector.shape_cast %swap3A_38 : vector<1x16xi32> to vector<16xi32>
    %swap3A_40 = vector.shape_cast %get3A_34 : vector<16xi32> to vector<1x16xi32>
    tpu.vector_store %arg6[%swap3A_36, %swap3A_37], %swap3A_40 {strides = array<i32>} : memref<4x128xi32, #tpu.memory_space<vmem>>, vector<1x16xi32>,
    %get3A_41 = arith.constant 1 : i32
    %get3A_42 = arith.index_cast %rem3A_6 : i32 to index
    %get3A_43 = arith.index_cast %get3A_41 : i32 to index
    %get3A_44 = arith.constant 16 : index
    %get3A_45 = tpu.vector_load %arg5[%get3A_42, %get3A_43, %get3A_44] {strides = array<i32>} : memref<64x4x32xi32, #tpu.memory_space<vmem>>, vector<1x1x16xi32>,
    %get3A_46 = vector.shape_cast %get3A_45 : vector<1x1x16xi32> to vector<16xi32>
    %swap3A_47 = arith.constant 0 : i32
    %swap3A_48 = arith.index_cast %swap3A_47 : i32 to index
    %swap3A_49 = arith.constant 48 : index
    %swap3A_50 = tpu.vector_load %arg6[%swap3A_48, %swap3A_49] {strides = array<i32>} : memref<4x128xi32, #tpu.memory_space<vmem>>, vector<1x16xi32>,
    %swap3A_51 = vector.shape_cast %swap3A_50 : vector<1x16xi32> to vector<16xi32>
    %swap3A_52 = vector.shape_cast %get3A_46 : vector<16xi32> to vector<1x16xi32>
    tpu.vector_store %arg6[%swap3A_48, %swap3A_49], %swap3A_52 {strides = array<i32>} : memref<4x128xi32, #tpu.memory_space<vmem>>, vector<1x16xi32>,
    %get3A_53 = arith.constant 2 : i32
    %get3A_54 = arith.index_cast %rem3A_6 : i32 to index
    %get3A_55 = arith.index_cast %get3A_53 : i32 to index
    %get3A_56 = arith.constant 0 : index
    %get3A_57 = tpu.vector_load %arg5[%get3A_54, %get3A_55, %get3A_56] {strides = array<i32>} : memref<64x4x32xi32, #tpu.memory_space<vmem>>, vector<1x1x16xi32>,
    %get3A_58 = vector.shape_cast %get3A_57 : vector<1x1x16xi32> to vector<16xi32>
    %swap3A_59 = arith.constant 0 : i32
    %swap3A_60 = arith.index_cast %swap3A_59 : i32 to index
    %swap3A_61 = arith.constant 64 : index
    %swap3A_62 = tpu.vector_load %arg6[%swap3A_60, %swap3A_61] {strides = array<i32>} : memref<4x128xi32, #tpu.memory_space<vmem>>, vector<1x16xi32>,
    %swap3A_63 = vector.shape_cast %swap3A_62 : vector<1x16xi32> to vector<16xi32>
    %swap3A_64 = vector.shape_cast %get3A_58 : vector<16xi32> to vector<1x16xi32>
    tpu.vector_store %arg6[%swap3A_60, %swap3A_61], %swap3A_64 {strides = array<i32>} : memref<4x128xi32, #tpu.memory_space<vmem>>, vector<1x16xi32>,
    %get3A_65 = arith.constant 2 : i32
    %get3A_66 = arith.index_cast %rem3A_6 : i32 to index
    %get3A_67 = arith.index_cast %get3A_65 : i32 to index
    %get3A_68 = arith.constant 16 : index
    %get3A_69 = tpu.vector_load %arg5[%get3A_66, %get3A_67, %get3A_68] {strides = array<i32>} : memref<64x4x32xi32, #tpu.memory_space<vmem>>, vector<1x1x16xi32>,
    %get3A_70 = vector.shape_cast %get3A_69 : vector<1x1x16xi32> to vector<16xi32>
    %swap3A_71 = arith.constant 0 : i32
    %swap3A_72 = arith.index_cast %swap3A_71 : i32 to index
    %swap3A_73 = arith.constant 80 : index
    %swap3A_74 = tpu.vector_load %arg6[%swap3A_72, %swap3A_73] {strides = array<i32>} : memref<4x128xi32, #tpu.memory_space<vmem>>, vector<1x16xi32>,
    %swap3A_75 = vector.shape_cast %swap3A_74 : vector<1x16xi32> to vector<16xi32>
    %swap3A_76 = vector.shape_cast %get3A_70 : vector<16xi32> to vector<1x16xi32>
    tpu.vector_store %arg6[%swap3A_72, %swap3A_73], %swap3A_76 {strides = array<i32>} : memref<4x128xi32, #tpu.memory_space<vmem>>, vector<1x16xi32>,
    %get3A_77 = arith.constant 3 : i32
    %get3A_78 = arith.index_cast %rem3A_6 : i32 to index
    %get3A_79 = arith.index_cast %get3A_77 : i32 to index
    %get3A_80 = arith.constant 0 : index
    %get3A_81 = tpu.vector_load %arg5[%get3A_78, %get3A_79, %get3A_80] {strides = array<i32>} : memref<64x4x32xi32, #tpu.memory_space<vmem>>, vector<1x1x16xi32>,
    %get3A_82 = vector.shape_cast %get3A_81 : vector<1x1x16xi32> to vector<16xi32>
    %swap3A_83 = arith.constant 0 : i32
    %swap3A_84 = arith.index_cast %swap3A_83 : i32 to index
    %swap3A_85 = arith.constant 96 : index
    %swap3A_86 = tpu.vector_load %arg6[%swap3A_84, %swap3A_85] {strides = array<i32>} : memref<4x128xi32, #tpu.memory_space<vmem>>, vector<1x16xi32>,
    %swap3A_87 = vector.shape_cast %swap3A_86 : vector<1x16xi32> to vector<16xi32>
    %swap3A_88 = vector.shape_cast %get3A_82 : vector<16xi32> to vector<1x16xi32>
    tpu.vector_store %arg6[%swap3A_84, %swap3A_85], %swap3A_88 {strides = array<i32>} : memref<4x128xi32, #tpu.memory_space<vmem>>, vector<1x16xi32>,
    %get3A_89 = arith.constant 3 : i32
    %get3A_90 = arith.index_cast %rem3A_6 : i32 to index
    %get3A_91 = arith.index_cast %get3A_89 : i32 to index
    %get3A_92 = arith.constant 16 : index
    %get3A_93 = tpu.vector_load %arg5[%get3A_90, %get3A_91, %get3A_92] {strides = array<i32>} : memref<64x4x32xi32, #tpu.memory_space<vmem>>, vector<1x1x16xi32>,
    %get3A_94 = vector.shape_cast %get3A_93 : vector<1x1x16xi32> to vector<16xi32>
    %swap3A_95 = arith.constant 0 : i32
    %swap3A_96 = arith.index_cast %swap3A_95 : i32 to index
    %swap3A_97 = arith.constant 112 : index
    %swap3A_98 = tpu.vector_load %arg6[%swap3A_96, %swap3A_97] {strides = array<i32>} : memref<4x128xi32, #tpu.memory_space<vmem>>, vector<1x16xi32>,
    %swap3A_99 = vector.shape_cast %swap3A_98 : vector<1x16xi32> to vector<16xi32>
    %swap3A_100 = vector.shape_cast %get3A_94 : vector<16xi32> to vector<1x16xi32>
    tpu.vector_store %arg6[%swap3A_96, %swap3A_97], %swap3A_100 {strides = array<i32>} : memref<4x128xi32, #tpu.memory_space<vmem>>, vector<1x16xi32>,
    %dma_start3A = arith.constant 0 : i32
    %dma_start3A_101 = arith.constant 0 : i32
    %dma_start3A_102 = arith.constant 0 : i32
    %dma_start3A_103 = arith.constant 0 : i32
    %dma_start3A_104 = tpu.memref_slice %arg7[%dma_start3A_101, %dma_start3A_102, %dma_start3A_103] : memref<4x128x128xf32, #tpu.memory_space<vmem>> -> memref<1x128x128xf32, #tpu.memory_space<vmem>>
    %dma_start3A_105 = tpu.memref_squeeze %dma_start3A_104 : memref<1x128x128xf32, #tpu.memory_space<vmem>> -> memref<128x128xf32, #tpu.memory_space<vmem>>
    %dma_start3A_106 = arith.constant 0 : i32
    %dma_start3A_107 = tpu.memref_slice %arg6[%dma_start3A, %dma_start3A_106] : memref<4x128xi32, #tpu.memory_space<vmem>> -> memref<1x128xi32, #tpu.memory_space<vmem>>
    %dma_start3A_108 = tpu.memref_squeeze %dma_start3A_107 : memref<1x128xi32, #tpu.memory_space<vmem>> -> memref<128xi32, #tpu.memory_space<vmem>>
    %dma_start3A_109 = arith.constant 0 : i32
    %dma_start3A_110 = arith.constant 0 : i32
    %dma_start3A_111 = tpu.memref_slice %arg3[%dma_start3A_109, %dma_start3A_110] : memref<100000x128xf32, #tpu.memory_space<hbm>> -> memref<100000x128xf32, #tpu.memory_space<hbm>>
    tpu.enqueue_indirect_dma source(%dma_start3A_111 : memref<100000x128xf32, #tpu.memory_space<hbm>>) target(%dma_start3A_105 : memref<128x128xf32, #tpu.memory_space<vmem>>) offsets(%dma_start3A_108 : memref<128xi32, #tpu.memory_space<vmem>>) semaphore(%arg9 : memref<!tpu.dma_semaphore, #tpu.memory_space<semaphore_mem>>)
    %rem3A_112 = arith.constant 1 : i32
    %rem3A_113 = arith.constant 64 : i32
    %rem3A_114 = arith.remsi %rem3A_112, %rem3A_113 : i32
    %get3A_115 = arith.constant 0 : i32
    %get3A_116 = arith.index_cast %rem3A_114 : i32 to index
    %get3A_117 = arith.index_cast %get3A_115 : i32 to index
    %get3A_118 = arith.constant 0 : index
    %get3A_119 = tpu.vector_load %arg5[%get3A_116, %get3A_117, %get3A_118] {strides = array<i32>} : memref<64x4x32xi32, #tpu.memory_space<vmem>>, vector<1x1x16xi32>,
    %get3A_120 = vector.shape_cast %get3A_119 : vector<1x1x16xi32> to vector<16xi32>
    %swap3A_121 = arith.constant 1 : i32
    %swap3A_122 = arith.index_cast %swap3A_121 : i32 to index
    %swap3A_123 = arith.constant 0 : index
    %swap3A_124 = tpu.vector_load %arg6[%swap3A_122, %swap3A_123] {strides = array<i32>} : memref<4x128xi32, #tpu.memory_space<vmem>>, vector<1x16xi32>,
    %swap3A_125 = vector.shape_cast %swap3A_124 : vector<1x16xi32> to vector<16xi32>
    %swap3A_126 = vector.shape_cast %get3A_120 : vector<16xi32> to vector<1x16xi32>
    tpu.vector_store %arg6[%swap3A_122, %swap3A_123], %swap3A_126 {strides = array<i32>} : memref<4x128xi32, #tpu.memory_space<vmem>>, vector<1x16xi32>,
    %get3A_127 = arith.constant 0 : i32
    %get3A_128 = arith.index_cast %rem3A_114 : i32 to index
    %get3A_129 = arith.index_cast %get3A_127 : i32 to index
    %get3A_130 = arith.constant 16 : index
    %get3A_131 = tpu.vector_load %arg5[%get3A_128, %get3A_129, %get3A_130] {strides = array<i32>} : memref<64x4x32xi32, #tpu.memory_space<vmem>>, vector<1x1x16xi32>,
    %get3A_132 = vector.shape_cast %get3A_131 : vector<1x1x16xi32> to vector<16xi32>
    %swap3A_133 = arith.constant 1 : i32
    %swap3A_134 = arith.index_cast %swap3A_133 : i32 to index
    %swap3A_135 = arith.constant 16 : index
    %swap3A_136 = tpu.vector_load %arg6[%swap3A_134, %swap3A_135] {strides = array<i32>} : memref<4x128xi32, #tpu.memory_space<vmem>>, vector<1x16xi32>,
    %swap3A_137 = vector.shape_cast %swap3A_136 : vector<1x16xi32> to vector<16xi32>
    %swap3A_138 = vector.shape_cast %get3A_132 : vector<16xi32> to vector<1x16xi32>
    tpu.vector_store %arg6[%swap3A_134, %swap3A_135], %swap3A_138 {strides = array<i32>} : memref<4x128xi32, #tpu.memory_space<vmem>>, vector<1x16xi32>,
    %get3A_139 = arith.constant 1 : i32
    %get3A_140 = arith.index_cast %rem3A_114 : i32 to index
    %get3A_141 = arith.index_cast %get3A_139 : i32 to index
    %get3A_142 = arith.constant 0 : index
    %get3A_143 = tpu.vector_load %arg5[%get3A_140, %get3A_141, %get3A_142] {strides = array<i32>} : memref<64x4x32xi32, #tpu.memory_space<vmem>>, vector<1x1x16xi32>,
    %get3A_144 = vector.shape_cast %get3A_143 : vector<1x1x16xi32> to vector<16xi32>
    %swap3A_145 = arith.constant 1 : i32
    %swap3A_146 = arith.index_cast %swap3A_145 : i32 to index
    %swap3A_147 = arith.constant 32 : index
    %swap3A_148 = tpu.vector_load %arg6[%swap3A_146, %swap3A_147] {strides = array<i32>} : memref<4x128xi32, #tpu.memory_space<vmem>>, vector<1x16xi32>,
    %swap3A_149 = vector.shape_cast %swap3A_148 : vector<1x16xi32> to vector<16xi32>
    %swap3A_150 = vector.shape_cast %get3A_144 : vector<16xi32> to vector<1x16xi32>
    tpu.vector_store %arg6[%swap3A_146, %swap3A_147], %swap3A_150 {strides = array<i32>} : memref<4x128xi32, #tpu.memory_space<vmem>>, vector<1x16xi32>,
    %get3A_151 = arith.constant 1 : i32
    %get3A_152 = arith.index_cast %rem3A_114 : i32 to index
    %get3A_153 = arith.index_cast %get3A_151 : i32 to index
    %get3A_154 = arith.constant 16 : index
    %get3A_155 = tpu.vector_load %arg5[%get3A_152, %get3A_153, %get3A_154] {strides = array<i32>} : memref<64x4x32xi32, #tpu.memory_space<vmem>>, vector<1x1x16xi32>,
    %get3A_156 = vector.shape_cast %get3A_155 : vector<1x1x16xi32> to vector<16xi32>
    %swap3A_157 = arith.constant 1 : i32
    %swap3A_158 = arith.index_cast %swap3A_157 : i32 to index
    %swap3A_159 = arith.constant 48 : index
    %swap3A_160 = tpu.vector_load %arg6[%swap3A_158, %swap3A_159] {strides = array<i32>} : memref<4x128xi32, #tpu.memory_space<vmem>>, vector<1x16xi32>,
    %swap3A_161 = vector.shape_cast %swap3A_160 : vector<1x16xi32> to vector<16xi32>
    %swap3A_162 = vector.shape_cast %get3A_156 : vector<16xi32> to vector<1x16xi32>
    tpu.vector_store %arg6[%swap3A_158, %swap3A_159], %swap3A_162 {strides = array<i32>} : memref<4x128xi32, #tpu.memory_space<vmem>>, vector<1x16xi32>,
    %get3A_163 = arith.constant 2 : i32
    %get3A_164 = arith.index_cast %rem3A_114 : i32 to index
    %get3A_165 = arith.index_cast %get3A_163 : i32 to index
    %get3A_166 = arith.constant 0 : index
    %get3A_167 = tpu.vector_load %arg5[%get3A_164, %get3A_165, %get3A_166] {strides = array<i32>} : memref<64x4x32xi32, #tpu.memory_space<vmem>>, vector<1x1x16xi32>,
    %get3A_168 = vector.shape_cast %get3A_167 : vector<1x1x16xi32> to vector<16xi32>
    %swap3A_169 = arith.constant 1 : i32
    %swap3A_170 = arith.index_cast %swap3A_169 : i32 to index
    %swap3A_171 = arith.constant 64 : index
    %swap3A_172 = tpu.vector_load %arg6[%swap3A_170, %swap3A_171] {strides = array<i32>} : memref<4x128xi32, #tpu.memory_space<vmem>>, vector<1x16xi32>,
    %swap3A_173 = vector.shape_cast %swap3A_172 : vector<1x16xi32> to vector<16xi32>
    %swap3A_174 = vector.shape_cast %get3A_168 : vector<16xi32> to vector<1x16xi32>
    tpu.vector_store %arg6[%swap3A_170, %swap3A_171], %swap3A_174 {strides = array<i32>} : memref<4x128xi32, #tpu.memory_space<vmem>>, vector<1x16xi32>,
    %get3A_175 = arith.constant 2 : i32
    %get3A_176 = arith.index_cast %rem3A_114 : i32 to index
    %get3A_177 = arith.index_cast %get3A_175 : i32 to index
    %get3A_178 = arith.constant 16 : index
    %get3A_179 = tpu.vector_load %arg5[%get3A_176, %get3A_177, %get3A_178] {strides = array<i32>} : memref<64x4x32xi32, #tpu.memory_space<vmem>>, vector<1x1x16xi32>,
    %get3A_180 = vector.shape_cast %get3A_179 : vector<1x1x16xi32> to vector<16xi32>
    %swap3A_181 = arith.constant 1 : i32
    %swap3A_182 = arith.index_cast %swap3A_181 : i32 to index
    %swap3A_183 = arith.constant 80 : index
    %swap3A_184 = tpu.vector_load %arg6[%swap3A_182, %swap3A_183] {strides = array<i32>} : memref<4x128xi32, #tpu.memory_space<vmem>>, vector<1x16xi32>,
    %swap3A_185 = vector.shape_cast %swap3A_184 : vector<1x16xi32> to vector<16xi32>
    %swap3A_186 = vector.shape_cast %get3A_180 : vector<16xi32> to vector<1x16xi32>
    tpu.vector_store %arg6[%swap3A_182, %swap3A_183], %swap3A_186 {strides = array<i32>} : memref<4x128xi32, #tpu.memory_space<vmem>>, vector<1x16xi32>,
    %get3A_187 = arith.constant 3 : i32
    %get3A_188 = arith.index_cast %rem3A_114 : i32 to index
    %get3A_189 = arith.index_cast %get3A_187 : i32 to index
    %get3A_190 = arith.constant 0 : index
    %get3A_191 = tpu.vector_load %arg5[%get3A_188, %get3A_189, %get3A_190] {strides = array<i32>} : memref<64x4x32xi32, #tpu.memory_space<vmem>>, vector<1x1x16xi32>,
    %get3A_192 = vector.shape_cast %get3A_191 : vector<1x1x16xi32> to vector<16xi32>
    %swap3A_193 = arith.constant 1 : i32
    %swap3A_194 = arith.index_cast %swap3A_193 : i32 to index
    %swap3A_195 = arith.constant 96 : index
    %swap3A_196 = tpu.vector_load %arg6[%swap3A_194, %swap3A_195] {strides = array<i32>} : memref<4x128xi32, #tpu.memory_space<vmem>>, vector<1x16xi32>,
    %swap3A_197 = vector.shape_cast %swap3A_196 : vector<1x16xi32> to vector<16xi32>
    %swap3A_198 = vector.shape_cast %get3A_192 : vector<16xi32> to vector<1x16xi32>
    tpu.vector_store %arg6[%swap3A_194, %swap3A_195], %swap3A_198 {strides = array<i32>} : memref<4x128xi32, #tpu.memory_space<vmem>>, vector<1x16xi32>,
    %get3A_199 = arith.constant 3 : i32
    %get3A_200 = arith.index_cast %rem3A_114 : i32 to index
    %get3A_201 = arith.index_cast %get3A_199 : i32 to index
    %get3A_202 = arith.constant 16 : index
    %get3A_203 = tpu.vector_load %arg5[%get3A_200, %get3A_201, %get3A_202] {strides = array<i32>} : memref<64x4x32xi32, #tpu.memory_space<vmem>>, vector<1x1x16xi32>,
    %get3A_204 = vector.shape_cast %get3A_203 : vector<1x1x16xi32> to vector<16xi32>
    %swap3A_205 = arith.constant 1 : i32
    %swap3A_206 = arith.index_cast %swap3A_205 : i32 to index
    %swap3A_207 = arith.constant 112 : index
    %swap3A_208 = tpu.vector_load %arg6[%swap3A_206, %swap3A_207] {strides = array<i32>} : memref<4x128xi32, #tpu.memory_space<vmem>>, vector<1x16xi32>,
    %swap3A_209 = vector.shape_cast %swap3A_208 : vector<1x16xi32> to vector<16xi32>
    %swap3A_210 = vector.shape_cast %get3A_204 : vector<16xi32> to vector<1x16xi32>
    tpu.vector_store %arg6[%swap3A_206, %swap3A_207], %swap3A_210 {strides = array<i32>} : memref<4x128xi32, #tpu.memory_space<vmem>>, vector<1x16xi32>,
    %dma_start3A_211 = arith.constant 1 : i32
    %dma_start3A_212 = arith.constant 1 : i32
    %dma_start3A_213 = arith.constant 0 : i32
    %dma_start3A_214 = arith.constant 0 : i32
    %dma_start3A_215 = tpu.memref_slice %arg7[%dma_start3A_212, %dma_start3A_213, %dma_start3A_214] : memref<4x128x128xf32, #tpu.memory_space<vmem>> -> memref<1x128x128xf32, #tpu.memory_space<vmem>>
    %dma_start3A_216 = tpu.memref_squeeze %dma_start3A_215 : memref<1x128x128xf32, #tpu.memory_space<vmem>> -> memref<128x128xf32, #tpu.memory_space<vmem>>
    %dma_start3A_217 = arith.constant 0 : i32
    %dma_start3A_218 = tpu.memref_slice %arg6[%dma_start3A_211, %dma_start3A_217] : memref<4x128xi32, #tpu.memory_space<vmem>> -> memref<1x128xi32, #tpu.memory_space<vmem>>
    %dma_start3A_219 = tpu.memref_squeeze %dma_start3A_218 : memref<1x128xi32, #tpu.memory_space<vmem>> -> memref<128xi32, #tpu.memory_space<vmem>>
    %dma_start3A_220 = arith.constant 0 : i32
    %dma_start3A_221 = arith.constant 0 : i32
    %dma_start3A_222 = tpu.memref_slice %arg3[%dma_start3A_220, %dma_start3A_221] : memref<100000x128xf32, #tpu.memory_space<hbm>> -> memref<100000x128xf32, #tpu.memory_space<hbm>>
    tpu.enqueue_indirect_dma source(%dma_start3A_222 : memref<100000x128xf32, #tpu.memory_space<hbm>>) target(%dma_start3A_216 : memref<128x128xf32, #tpu.memory_space<vmem>>) offsets(%dma_start3A_219 : memref<128xi32, #tpu.memory_space<vmem>>) semaphore(%arg10 : memref<!tpu.dma_semaphore, #tpu.memory_space<semaphore_mem>>)
    %rem3A_223 = arith.constant 2 : i32
    %rem3A_224 = arith.constant 64 : i32
    %rem3A_225 = arith.remsi %rem3A_223, %rem3A_224 : i32
    %get3A_226 = arith.constant 0 : i32
    %get3A_227 = arith.index_cast %rem3A_225 : i32 to index
    %get3A_228 = arith.index_cast %get3A_226 : i32 to index
    %get3A_229 = arith.constant 0 : index
    %get3A_230 = tpu.vector_load %arg5[%get3A_227, %get3A_228, %get3A_229] {strides = array<i32>} : memref<64x4x32xi32, #tpu.memory_space<vmem>>, vector<1x1x16xi32>,
    %get3A_231 = vector.shape_cast %get3A_230 : vector<1x1x16xi32> to vector<16xi32>
    %swap3A_232 = arith.constant 2 : i32
    %swap3A_233 = arith.index_cast %swap3A_232 : i32 to index
    %swap3A_234 = arith.constant 0 : index
    %swap3A_235 = tpu.vector_load %arg6[%swap3A_233, %swap3A_234] {strides = array<i32>} : memref<4x128xi32, #tpu.memory_space<vmem>>, vector<1x16xi32>,
    %swap3A_236 = vector.shape_cast %swap3A_235 : vector<1x16xi32> to vector<16xi32>
    %swap3A_237 = vector.shape_cast %get3A_231 : vector<16xi32> to vector<1x16xi32>
    tpu.vector_store %arg6[%swap3A_233, %swap3A_234], %swap3A_237 {strides = array<i32>} : memref<4x128xi32, #tpu.memory_space<vmem>>, vector<1x16xi32>,
    %get3A_238 = arith.constant 0 : i32
    %get3A_239 = arith.index_cast %rem3A_225 : i32 to index
    %get3A_240 = arith.index_cast %get3A_238 : i32 to index
    %get3A_241 = arith.constant 16 : index
    %get3A_242 = tpu.vector_load %arg5[%get3A_239, %get3A_240, %get3A_241] {strides = array<i32>} : memref<64x4x32xi32, #tpu.memory_space<vmem>>, vector<1x1x16xi32>,
    %get3A_243 = vector.shape_cast %get3A_242 : vector<1x1x16xi32> to vector<16xi32>
    %swap3A_244 = arith.constant 2 : i32
    %swap3A_245 = arith.index_cast %swap3A_244 : i32 to index
    %swap3A_246 = arith.constant 16 : index
    %swap3A_247 = tpu.vector_load %arg6[%swap3A_245, %swap3A_246] {strides = array<i32>} : memref<4x128xi32, #tpu.memory_space<vmem>>, vector<1x16xi32>,
    %swap3A_248 = vector.shape_cast %swap3A_247 : vector<1x16xi32> to vector<16xi32>
    %swap3A_249 = vector.shape_cast %get3A_243 : vector<16xi32> to vector<1x16xi32>
    tpu.vector_store %arg6[%swap3A_245, %swap3A_246], %swap3A_249 {strides = array<i32>} : memref<4x128xi32, #tpu.memory_space<vmem>>, vector<1x16xi32>,
    %get3A_250 = arith.constant 1 : i32
    %get3A_251 = arith.index_cast %rem3A_225 : i32 to index
    %get3A_252 = arith.index_cast %get3A_250 : i32 to index
    %get3A_253 = arith.constant 0 : index
    %get3A_254 = tpu.vector_load %arg5[%get3A_251, %get3A_252, %get3A_253] {strides = array<i32>} : memref<64x4x32xi32, #tpu.memory_space<vmem>>, vector<1x1x16xi32>,
    %get3A_255 = vector.shape_cast %get3A_254 : vector<1x1x16xi32> to vector<16xi32>
    %swap3A_256 = arith.constant 2 : i32
    %swap3A_257 = arith.index_cast %swap3A_256 : i32 to index
    %swap3A_258 = arith.constant 32 : index
    %swap3A_259 = tpu.vector_load %arg6[%swap3A_257, %swap3A_258] {strides = array<i32>} : memref<4x128xi32, #tpu.memory_space<vmem>>, vector<1x16xi32>,
    %swap3A_260 = vector.shape_cast %swap3A_259 : vector<1x16xi32> to vector<16xi32>
    %swap3A_261 = vector.shape_cast %get3A_255 : vector<16xi32> to vector<1x16xi32>
    tpu.vector_store %arg6[%swap3A_257, %swap3A_258], %swap3A_261 {strides = array<i32>} : memref<4x128xi32, #tpu.memory_space<vmem>>, vector<1x16xi32>,
    %get3A_262 = arith.constant 1 : i32
    %get3A_263 = arith.index_cast %rem3A_225 : i32 to index
    %get3A_264 = arith.index_cast %get3A_262 : i32 to index
    %get3A_265 = arith.constant 16 : index
    %get3A_266 = tpu.vector_load %arg5[%get3A_263, %get3A_264, %get3A_265] {strides = array<i32>} : memref<64x4x32xi32, #tpu.memory_space<vmem>>, vector<1x1x16xi32>,
    %get3A_267 = vector.shape_cast %get3A_266 : vector<1x1x16xi32> to vector<16xi32>
    %swap3A_268 = arith.constant 2 : i32
    %swap3A_269 = arith.index_cast %swap3A_268 : i32 to index
    %swap3A_270 = arith.constant 48 : index
    %swap3A_271 = tpu.vector_load %arg6[%swap3A_269, %swap3A_270] {strides = array<i32>} : memref<4x128xi32, #tpu.memory_space<vmem>>, vector<1x16xi32>,
    %swap3A_272 = vector.shape_cast %swap3A_271 : vector<1x16xi32> to vector<16xi32>
    %swap3A_273 = vector.shape_cast %get3A_267 : vector<16xi32> to vector<1x16xi32>
    tpu.vector_store %arg6[%swap3A_269, %swap3A_270], %swap3A_273 {strides = array<i32>} : memref<4x128xi32, #tpu.memory_space<vmem>>, vector<1x16xi32>,
    %get3A_274 = arith.constant 2 : i32
    %get3A_275 = arith.index_cast %rem3A_225 : i32 to index
    %get3A_276 = arith.index_cast %get3A_274 : i32 to index
    %get3A_277 = arith.constant 0 : index
    %get3A_278 = tpu.vector_load %arg5[%get3A_275, %get3A_276, %get3A_277] {strides = array<i32>} : memref<64x4x32xi32, #tpu.memory_space<vmem>>, vector<1x1x16xi32>,
    %get3A_279 = vector.shape_cast %get3A_278 : vector<1x1x16xi32> to vector<16xi32>
    %swap3A_280 = arith.constant 2 : i32
    %swap3A_281 = arith.index_cast %swap3A_280 : i32 to index
    %swap3A_282 = arith.constant 64 : index
    %swap3A_283 = tpu.vector_load %arg6[%swap3A_281, %swap3A_282] {strides = array<i32>} : memref<4x128xi32, #tpu.memory_space<vmem>>, vector<1x16xi32>,
    %swap3A_284 = vector.shape_cast %swap3A_283 : vector<1x16xi32> to vector<16xi32>
    %swap3A_285 = vector.shape_cast %get3A_279 : vector<16xi32> to vector<1x16xi32>
    tpu.vector_store %arg6[%swap3A_281, %swap3A_282], %swap3A_285 {strides = array<i32>} : memref<4x128xi32, #tpu.memory_space<vmem>>, vector<1x16xi32>,
    %get3A_286 = arith.constant 2 : i32
    %get3A_287 = arith.index_cast %rem3A_225 : i32 to index
    %get3A_288 = arith.index_cast %get3A_286 : i32 to index
    %get3A_289 = arith.constant 16 : index
    %get3A_290 = tpu.vector_load %arg5[%get3A_287, %get3A_288, %get3A_289] {strides = array<i32>} : memref<64x4x32xi32, #tpu.memory_space<vmem>>, vector<1x1x16xi32>,
    %get3A_291 = vector.shape_cast %get3A_290 : vector<1x1x16xi32> to vector<16xi32>
    %swap3A_292 = arith.constant 2 : i32
    %swap3A_293 = arith.index_cast %swap3A_292 : i32 to index
    %swap3A_294 = arith.constant 80 : index
    %swap3A_295 = tpu.vector_load %arg6[%swap3A_293, %swap3A_294] {strides = array<i32>} : memref<4x128xi32, #tpu.memory_space<vmem>>, vector<1x16xi32>,
    %swap3A_296 = vector.shape_cast %swap3A_295 : vector<1x16xi32> to vector<16xi32>
    %swap3A_297 = vector.shape_cast %get3A_291 : vector<16xi32> to vector<1x16xi32>
    tpu.vector_store %arg6[%swap3A_293, %swap3A_294], %swap3A_297 {strides = array<i32>} : memref<4x128xi32, #tpu.memory_space<vmem>>, vector<1x16xi32>,
    %get3A_298 = arith.constant 3 : i32
    %get3A_299 = arith.index_cast %rem3A_225 : i32 to index
    %get3A_300 = arith.index_cast %get3A_298 : i32 to index
    %get3A_301 = arith.constant 0 : index
    %get3A_302 = tpu.vector_load %arg5[%get3A_299, %get3A_300, %get3A_301] {strides = array<i32>} : memref<64x4x32xi32, #tpu.memory_space<vmem>>, vector<1x1x16xi32>,
    %get3A_303 = vector.shape_cast %get3A_302 : vector<1x1x16xi32> to vector<16xi32>
    %swap3A_304 = arith.constant 2 : i32
    %swap3A_305 = arith.index_cast %swap3A_304 : i32 to index
    %swap3A_306 = arith.constant 96 : index
    %swap3A_307 = tpu.vector_load %arg6[%swap3A_305, %swap3A_306] {strides = array<i32>} : memref<4x128xi32, #tpu.memory_space<vmem>>, vector<1x16xi32>,
    %swap3A_308 = vector.shape_cast %swap3A_307 : vector<1x16xi32> to vector<16xi32>
    %swap3A_309 = vector.shape_cast %get3A_303 : vector<16xi32> to vector<1x16xi32>
    tpu.vector_store %arg6[%swap3A_305, %swap3A_306], %swap3A_309 {strides = array<i32>} : memref<4x128xi32, #tpu.memory_space<vmem>>, vector<1x16xi32>,
    %get3A_310 = arith.constant 3 : i32
    %get3A_311 = arith.index_cast %rem3A_225 : i32 to index
    %get3A_312 = arith.index_cast %get3A_310 : i32 to index
    %get3A_313 = arith.constant 16 : index
    %get3A_314 = tpu.vector_load %arg5[%get3A_311, %get3A_312, %get3A_313] {strides = array<i32>} : memref<64x4x32xi32, #tpu.memory_space<vmem>>, vector<1x1x16xi32>,
    %get3A_315 = vector.shape_cast %get3A_314 : vector<1x1x16xi32> to vector<16xi32>
    %swap3A_316 = arith.constant 2 : i32
    %swap3A_317 = arith.index_cast %swap3A_316 : i32 to index
    %swap3A_318 = arith.constant 112 : index
    %swap3A_319 = tpu.vector_load %arg6[%swap3A_317, %swap3A_318] {strides = array<i32>} : memref<4x128xi32, #tpu.memory_space<vmem>>, vector<1x16xi32>,
    %swap3A_320 = vector.shape_cast %swap3A_319 : vector<1x16xi32> to vector<16xi32>
    %swap3A_321 = vector.shape_cast %get3A_315 : vector<16xi32> to vector<1x16xi32>
    tpu.vector_store %arg6[%swap3A_317, %swap3A_318], %swap3A_321 {strides = array<i32>} : memref<4x128xi32, #tpu.memory_space<vmem>>, vector<1x16xi32>,
    %dma_start3A_322 = arith.constant 2 : i32
    %dma_start3A_323 = arith.constant 2 : i32
    %dma_start3A_324 = arith.constant 0 : i32
    %dma_start3A_325 = arith.constant 0 : i32
    %dma_start3A_326 = tpu.memref_slice %arg7[%dma_start3A_323, %dma_start3A_324, %dma_start3A_325] : memref<4x128x128xf32, #tpu.memory_space<vmem>> -> memref<1x128x128xf32, #tpu.memory_space<vmem>>
    %dma_start3A_327 = tpu.memref_squeeze %dma_start3A_326 : memref<1x128x128xf32, #tpu.memory_space<vmem>> -> memref<128x128xf32, #tpu.memory_space<vmem>>
    %dma_start3A_328 = arith.constant 0 : i32
    %dma_start3A_329 = tpu.memref_slice %arg6[%dma_start3A_322, %dma_start3A_328] : memref<4x128xi32, #tpu.memory_space<vmem>> -> memref<1x128xi32, #tpu.memory_space<vmem>>
    %dma_start3A_330 = tpu.memref_squeeze %dma_start3A_329 : memref<1x128xi32, #tpu.memory_space<vmem>> -> memref<128xi32, #tpu.memory_space<vmem>>
    %dma_start3A_331 = arith.constant 0 : i32
    %dma_start3A_332 = arith.constant 0 : i32
    %dma_start3A_333 = tpu.memref_slice %arg3[%dma_start3A_331, %dma_start3A_332] : memref<100000x128xf32, #tpu.memory_space<hbm>> -> memref<100000x128xf32, #tpu.memory_space<hbm>>
    tpu.enqueue_indirect_dma source(%dma_start3A_333 : memref<100000x128xf32, #tpu.memory_space<hbm>>) target(%dma_start3A_327 : memref<128x128xf32, #tpu.memory_space<vmem>>) offsets(%dma_start3A_330 : memref<128xi32, #tpu.memory_space<vmem>>) semaphore(%arg11 : memref<!tpu.dma_semaphore, #tpu.memory_space<semaphore_mem>>)
    %scan3A = arith.constant 0 : i32
    %scan3A_334 = arith.constant 32 : i32
    %scan3A_335 = arith.addi %scan3A, %scan3A_334 : i32
    %scan3A_336 = arith.constant 1 : i32
    scf.for %scan3A_343 = %scan3A to %scan3A_335 step %scan3A_336  : i32 {
      %mul3A_344 = arith.constant 4 : i32
      %mul3A_345 = arith.muli %scan3A_343, %mul3A_344 : i32
      %add3A_346 = arith.constant 0 : i32
      %add3A_347 = arith.addi %add3A_346, %mul3A_345 : i32
      %add3A_348 = arith.constant 0 : i32
      %add3A_349 = arith.addi %add3A_347, %add3A_348 : i32
      %dma_wait3A_350 = arith.constant 0 : i32
      %dma_wait3A_351 = arith.constant 0 : i32
      %dma_wait3A_352 = arith.constant 0 : i32
      %dma_wait3A_353 = arith.constant 0 : i32
      %dma_wait3A_354 = tpu.memref_slice %arg7[%dma_wait3A_351, %dma_wait3A_352, %dma_wait3A_353] : memref<4x128x128xf32, #tpu.memory_space<vmem>> -> memref<1x128x128xf32, #tpu.memory_space<vmem>>
      %dma_wait3A_355 = tpu.memref_squeeze %dma_wait3A_354 : memref<1x128x128xf32, #tpu.memory_space<vmem>> -> memref<128x128xf32, #tpu.memory_space<vmem>>
      %dma_wait3A_356 = arith.constant 0 : i32
      %dma_wait3A_357 = tpu.memref_slice %arg6[%dma_wait3A_350, %dma_wait3A_356] : memref<4x128xi32, #tpu.memory_space<vmem>> -> memref<1x128xi32, #tpu.memory_space<vmem>>
      %dma_wait3A_358 = tpu.memref_squeeze %dma_wait3A_357 : memref<1x128xi32, #tpu.memory_space<vmem>> -> memref<128xi32, #tpu.memory_space<vmem>>
      %dma_wait3A_359 = arith.constant 0 : i32
      %dma_wait3A_360 = arith.constant 0 : i32
      %dma_wait3A_361 = tpu.memref_slice %arg3[%dma_wait3A_359, %dma_wait3A_360] : memref<100000x128xf32, #tpu.memory_space<hbm>> -> memref<100000x128xf32, #tpu.memory_space<hbm>>
      tpu.wait_indirect_dma semaphore(%arg9 : memref<!tpu.dma_semaphore, #tpu.memory_space<semaphore_mem>>) src(%dma_wait3A_361 : memref<100000x128xf32, #tpu.memory_space<hbm>>) dst(%dma_wait3A_355 : memref<128x128xf32, #tpu.memory_space<vmem>>)
      %add3A_362 = arith.constant 4 : i32
      %add3A_363 = arith.addi %add3A_349, %add3A_362 : i32
      %sub3A = arith.constant 1 : i32
      %sub3A_364 = arith.subi %add3A_363, %sub3A : i32
      %eq3A = arith.constant 64 : i32
      %eq3A_365 = arith.cmpi eq, %sub3A_364, %eq3A : i32
      %convert_element_type3A = arith.extui %eq3A_365 : i1 to i32
      %cond3A = arith.constant 0 : i32
      %cond3A_366 = arith.cmpi ne, %convert_element_type3A, %cond3A : i32
      scf.if %cond3A_366 {
        %mul3A_2005 = arith.constant 128 : i32
        %mul3A_2006 = arith.muli %add3A, %mul3A_2005 : i32
        %add3A_2007 = arith.constant 64 : i32
        %add3A_2008 = arith.addi %mul3A_2006, %add3A_2007 : i32
        "tpu.region"() ({
          %run_scoped3A = tpu.sem_alloc : memref<!tpu.dma_semaphore, #tpu.memory_space<semaphore_mem>>
          %dma_start3A_2009 = arith.constant 0 : i32
          %dma_start3A_2010 = arith.constant 0 : i32
          %dma_start3A_2011 = tpu.memref_slice %arg2[%add3A_2008, %dma_start3A_2009, %dma_start3A_2010] : memref<4096x4x32xi32, #tpu.memory_space<hbm>> -> memref<64x4x32xi32, #tpu.memory_space<hbm>>
          %dma_start3A_2012 = arith.constant 0 : i32
          %dma_start3A_2013 = arith.constant 0 : i32
          %dma_start3A_2014 = tpu.memref_slice %arg2[%add3A_2008, %dma_start3A_2012, %dma_start3A_2013] : memref<4096x4x32xi32, #tpu.memory_space<hbm>> -> memref<64x4x32xi32, #tpu.memory_space<hbm>>
          tpu.enqueue_dma source(%dma_start3A_2014 : memref<64x4x32xi32, #tpu.memory_space<hbm>>) target(%arg5 : memref<64x4x32xi32, #tpu.memory_space<vmem>>) target_semaphore(%run_scoped3A : memref<!tpu.dma_semaphore, #tpu.memory_space<semaphore_mem>>)
          %dma_wait3A_2015 = arith.constant 0 : i32
          %dma_wait3A_2016 = arith.constant 0 : i32
          %dma_wait3A_2017 = tpu.memref_slice %arg2[%add3A_2008, %dma_wait3A_2015, %dma_wait3A_2016] : memref<4096x4x32xi32, #tpu.memory_space<hbm>> -> memref<64x4x32xi32, #tpu.memory_space<hbm>>
          %dma_wait3A_2018 = arith.constant 0 : i32
          %dma_wait3A_2019 = arith.constant 0 : i32
          %dma_wait3A_2020 = tpu.memref_slice %arg2[%add3A_2008, %dma_wait3A_2018, %dma_wait3A_2019] : memref<4096x4x32xi32, #tpu.memory_space<hbm>> -> memref<64x4x32xi32, #tpu.memory_space<hbm>>
          tpu.wait_dma2 semaphore(%run_scoped3A : memref<!tpu.dma_semaphore, #tpu.memory_space<semaphore_mem>>) src(%dma_wait3A_2020 : memref<64x4x32xi32, #tpu.memory_space<hbm>>) dst(%arg5 : memref<64x4x32xi32, #tpu.memory_space<vmem>>)
          tpu.yield
        }) : () -> ()
      } else {
      }
      %lt3A = arith.constant 128 : i32
      %lt3A_367 = arith.cmpi slt, %sub3A_364, %lt3A : i32
      %convert_element_type3A_368 = arith.extui %lt3A_367 : i1 to i32
      %cond3A_369 = arith.constant 0 : i32
      %cond3A_370 = arith.cmpi ne, %convert_element_type3A_368, %cond3A_369 : i32
      scf.if %cond3A_370 {
        %rem3A_2005 = arith.constant 64 : i32
        %rem3A_2006 = arith.remsi %sub3A_364, %rem3A_2005 : i32
        %get3A_2007 = arith.constant 0 : i32
        %get3A_2008 = arith.index_cast %rem3A_2006 : i32 to index
        %get3A_2009 = arith.index_cast %get3A_2007 : i32 to index
        %get3A_2010 = arith.constant 0 : index
        %get3A_2011 = tpu.vector_load %arg5[%get3A_2008, %get3A_2009, %get3A_2010] {strides = array<i32>} : memref<64x4x32xi32, #tpu.memory_space<vmem>>, vector<1x1x16xi32>,
        %get3A_2012 = vector.shape_cast %get3A_2011 : vector<1x1x16xi32> to vector<16xi32>
        %swap3A_2013 = arith.constant 3 : i32
        %swap3A_2014 = arith.index_cast %swap3A_2013 : i32 to index
        %swap3A_2015 = arith.constant 0 : index
        %swap3A_2016 = tpu.vector_load %arg6[%swap3A_2014, %swap3A_2015] {strides = array<i32>} : memref<4x128xi32, #tpu.memory_space<vmem>>, vector<1x16xi32>,
        %swap3A_2017 = vector.shape_cast %swap3A_2016 : vector<1x16xi32> to vector<16xi32>
        %swap3A_2018 = vector.shape_cast %get3A_2012 : vector<16xi32> to vector<1x16xi32>
        tpu.vector_store %arg6[%swap3A_2014, %swap3A_2015], %swap3A_2018 {strides = array<i32>} : memref<4x128xi32, #tpu.memory_space<vmem>>, vector<1x16xi32>,
        %get3A_2019 = arith.constant 0 : i32
        %get3A_2020 = arith.index_cast %rem3A_2006 : i32 to index
        %get3A_2021 = arith.index_cast %get3A_2019 : i32 to index
        %get3A_2022 = arith.constant 16 : index
        %get3A_2023 = tpu.vector_load %arg5[%get3A_2020, %get3A_2021, %get3A_2022] {strides = array<i32>} : memref<64x4x32xi32, #tpu.memory_space<vmem>>, vector<1x1x16xi32>,
        %get3A_2024 = vector.shape_cast %get3A_2023 : vector<1x1x16xi32> to vector<16xi32>
        %swap3A_2025 = arith.constant 3 : i32
        %swap3A_2026 = arith.index_cast %swap3A_2025 : i32 to index
        %swap3A_2027 = arith.constant 16 : index
        %swap3A_2028 = tpu.vector_load %arg6[%swap3A_2026, %swap3A_2027] {strides = array<i32>} : memref<4x128xi32, #tpu.memory_space<vmem>>, vector<1x16xi32>,
        %swap3A_2029 = vector.shape_cast %swap3A_2028 : vector<1x16xi32> to vector<16xi32>
        %swap3A_2030 = vector.shape_cast %get3A_2024 : vector<16xi32> to vector<1x16xi32>
        tpu.vector_store %arg6[%swap3A_2026, %swap3A_2027], %swap3A_2030 {strides = array<i32>} : memref<4x128xi32, #tpu.memory_space<vmem>>, vector<1x16xi32>,
        %get3A_2031 = arith.constant 1 : i32
        %get3A_2032 = arith.index_cast %rem3A_2006 : i32 to index
        %get3A_2033 = arith.index_cast %get3A_2031 : i32 to index
        %get3A_2034 = arith.constant 0 : index
        %get3A_2035 = tpu.vector_load %arg5[%get3A_2032, %get3A_2033, %get3A_2034] {strides = array<i32>} : memref<64x4x32xi32, #tpu.memory_space<vmem>>, vector<1x1x16xi32>,
        %get3A_2036 = vector.shape_cast %get3A_2035 : vector<1x1x16xi32> to vector<16xi32>
        %swap3A_2037 = arith.constant 3 : i32
        %swap3A_2038 = arith.index_cast %swap3A_2037 : i32 to index
        %swap3A_2039 = arith.constant 32 : index
        %swap3A_2040 = tpu.vector_load %arg6[%swap3A_2038, %swap3A_2039] {strides = array<i32>} : memref<4x128xi32, #tpu.memory_space<vmem>>, vector<1x16xi32>,
        %swap3A_2041 = vector.shape_cast %swap3A_2040 : vector<1x16xi32> to vector<16xi32>
        %swap3A_2042 = vector.shape_cast %get3A_2036 : vector<16xi32> to vector<1x16xi32>
        tpu.vector_store %arg6[%swap3A_2038, %swap3A_2039], %swap3A_2042 {strides = array<i32>} : memref<4x128xi32, #tpu.memory_space<vmem>>, vector<1x16xi32>,
        %get3A_2043 = arith.constant 1 : i32
        %get3A_2044 = arith.index_cast %rem3A_2006 : i32 to index
        %get3A_2045 = arith.index_cast %get3A_2043 : i32 to index
        %get3A_2046 = arith.constant 16 : index
        %get3A_2047 = tpu.vector_load %arg5[%get3A_2044, %get3A_2045, %get3A_2046] {strides = array<i32>} : memref<64x4x32xi32, #tpu.memory_space<vmem>>, vector<1x1x16xi32>,
        %get3A_2048 = vector.shape_cast %get3A_2047 : vector<1x1x16xi32> to vector<16xi32>
        %swap3A_2049 = arith.constant 3 : i32
        %swap3A_2050 = arith.index_cast %swap3A_2049 : i32 to index
        %swap3A_2051 = arith.constant 48 : index
        %swap3A_2052 = tpu.vector_load %arg6[%swap3A_2050, %swap3A_2051] {strides = array<i32>} : memref<4x128xi32, #tpu.memory_space<vmem>>, vector<1x16xi32>,
        %swap3A_2053 = vector.shape_cast %swap3A_2052 : vector<1x16xi32> to vector<16xi32>
        %swap3A_2054 = vector.shape_cast %get3A_2048 : vector<16xi32> to vector<1x16xi32>
        tpu.vector_store %arg6[%swap3A_2050, %swap3A_2051], %swap3A_2054 {strides = array<i32>} : memref<4x128xi32, #tpu.memory_space<vmem>>, vector<1x16xi32>,
        %get3A_2055 = arith.constant 2 : i32
        %get3A_2056 = arith.index_cast %rem3A_2006 : i32 to index
        %get3A_2057 = arith.index_cast %get3A_2055 : i32 to index
        %get3A_2058 = arith.constant 0 : index
        %get3A_2059 = tpu.vector_load %arg5[%get3A_2056, %get3A_2057, %get3A_2058] {strides = array<i32>} : memref<64x4x32xi32, #tpu.memory_space<vmem>>, vector<1x1x16xi32>,
        %get3A_2060 = vector.shape_cast %get3A_2059 : vector<1x1x16xi32> to vector<16xi32>
        %swap3A_2061 = arith.constant 3 : i32
        %swap3A_2062 = arith.index_cast %swap3A_2061 : i32 to index
        %swap3A_2063 = arith.constant 64 : index
        %swap3A_2064 = tpu.vector_load %arg6[%swap3A_2062, %swap3A_2063] {strides = array<i32>} : memref<4x128xi32, #tpu.memory_space<vmem>>, vector<1x16xi32>,
        %swap3A_2065 = vector.shape_cast %swap3A_2064 : vector<1x16xi32> to vector<16xi32>
        %swap3A_2066 = vector.shape_cast %get3A_2060 : vector<16xi32> to vector<1x16xi32>
        tpu.vector_store %arg6[%swap3A_2062, %swap3A_2063], %swap3A_2066 {strides = array<i32>} : memref<4x128xi32, #tpu.memory_space<vmem>>, vector<1x16xi32>,
        %get3A_2067 = arith.constant 2 : i32
        %get3A_2068 = arith.index_cast %rem3A_2006 : i32 to index
        %get3A_2069 = arith.index_cast %get3A_2067 : i32 to index
        %get3A_2070 = arith.constant 16 : index
        %get3A_2071 = tpu.vector_load %arg5[%get3A_2068, %get3A_2069, %get3A_2070] {strides = array<i32>} : memref<64x4x32xi32, #tpu.memory_space<vmem>>, vector<1x1x16xi32>,
        %get3A_2072 = vector.shape_cast %get3A_2071 : vector<1x1x16xi32> to vector<16xi32>
        %swap3A_2073 = arith.constant 3 : i32
        %swap3A_2074 = arith.index_cast %swap3A_2073 : i32 to index
        %swap3A_2075 = arith.constant 80 : index
        %swap3A_2076 = tpu.vector_load %arg6[%swap3A_2074, %swap3A_2075] {strides = array<i32>} : memref<4x128xi32, #tpu.memory_space<vmem>>, vector<1x16xi32>,
        %swap3A_2077 = vector.shape_cast %swap3A_2076 : vector<1x16xi32> to vector<16xi32>
        %swap3A_2078 = vector.shape_cast %get3A_2072 : vector<16xi32> to vector<1x16xi32>
        tpu.vector_store %arg6[%swap3A_2074, %swap3A_2075], %swap3A_2078 {strides = array<i32>} : memref<4x128xi32, #tpu.memory_space<vmem>>, vector<1x16xi32>,
        %get3A_2079 = arith.constant 3 : i32
        %get3A_2080 = arith.index_cast %rem3A_2006 : i32 to index
        %get3A_2081 = arith.index_cast %get3A_2079 : i32 to index
        %get3A_2082 = arith.constant 0 : index
        %get3A_2083 = tpu.vector_load %arg5[%get3A_2080, %get3A_2081, %get3A_2082] {strides = array<i32>} : memref<64x4x32xi32, #tpu.memory_space<vmem>>, vector<1x1x16xi32>,
        %get3A_2084 = vector.shape_cast %get3A_2083 : vector<1x1x16xi32> to vector<16xi32>
        %swap3A_2085 = arith.constant 3 : i32
        %swap3A_2086 = arith.index_cast %swap3A_2085 : i32 to index
        %swap3A_2087 = arith.constant 96 : index
        %swap3A_2088 = tpu.vector_load %arg6[%swap3A_2086, %swap3A_2087] {strides = array<i32>} : memref<4x128xi32, #tpu.memory_space<vmem>>, vector<1x16xi32>,
        %swap3A_2089 = vector.shape_cast %swap3A_2088 : vector<1x16xi32> to vector<16xi32>
        %swap3A_2090 = vector.shape_cast %get3A_2084 : vector<16xi32> to vector<1x16xi32>
        tpu.vector_store %arg6[%swap3A_2086, %swap3A_2087], %swap3A_2090 {strides = array<i32>} : memref<4x128xi32, #tpu.memory_space<vmem>>, vector<1x16xi32>,
        %get3A_2091 = arith.constant 3 : i32
        %get3A_2092 = arith.index_cast %rem3A_2006 : i32 to index
        %get3A_2093 = arith.index_cast %get3A_2091 : i32 to index
        %get3A_2094 = arith.constant 16 : index
        %get3A_2095 = tpu.vector_load %arg5[%get3A_2092, %get3A_2093, %get3A_2094] {strides = array<i32>} : memref<64x4x32xi32, #tpu.memory_space<vmem>>, vector<1x1x16xi32>,
        %get3A_2096 = vector.shape_cast %get3A_2095 : vector<1x1x16xi32> to vector<16xi32>
        %swap3A_2097 = arith.constant 3 : i32
        %swap3A_2098 = arith.index_cast %swap3A_2097 : i32 to index
        %swap3A_2099 = arith.constant 112 : index
        %swap3A_2100 = tpu.vector_load %arg6[%swap3A_2098, %swap3A_2099] {strides = array<i32>} : memref<4x128xi32, #tpu.memory_space<vmem>>, vector<1x16xi32>,
        %swap3A_2101 = vector.shape_cast %swap3A_2100 : vector<1x16xi32> to vector<16xi32>
        %swap3A_2102 = vector.shape_cast %get3A_2096 : vector<16xi32> to vector<1x16xi32>
        tpu.vector_store %arg6[%swap3A_2098, %swap3A_2099], %swap3A_2102 {strides = array<i32>} : memref<4x128xi32, #tpu.memory_space<vmem>>, vector<1x16xi32>,
        %dma_start3A_2103 = arith.constant 3 : i32
        %dma_start3A_2104 = arith.constant 3 : i32
        %dma_start3A_2105 = arith.constant 0 : i32
        %dma_start3A_2106 = arith.constant 0 : i32
        %dma_start3A_2107 = tpu.memref_slice %arg7[%dma_start3A_2104, %dma_start3A_2105, %dma_start3A_2106] : memref<4x128x128xf32, #tpu.memory_space<vmem>> -> memref<1x128x128xf32, #tpu.memory_space<vmem>>
        %dma_start3A_2108 = tpu.memref_squeeze %dma_start3A_2107 : memref<1x128x128xf32, #tpu.memory_space<vmem>> -> memref<128x128xf32, #tpu.memory_space<vmem>>
        %dma_start3A_2109 = arith.constant 0 : i32
        %dma_start3A_2110 = tpu.memref_slice %arg6[%dma_start3A_2103, %dma_start3A_2109] : memref<4x128xi32, #tpu.memory_space<vmem>> -> memref<1x128xi32, #tpu.memory_space<vmem>>
        %dma_start3A_2111 = tpu.memref_squeeze %dma_start3A_2110 : memref<1x128xi32, #tpu.memory_space<vmem>> -> memref<128xi32, #tpu.memory_space<vmem>>
        %dma_start3A_2112 = arith.constant 0 : i32
        %dma_start3A_2113 = arith.constant 0 : i32
        %dma_start3A_2114 = tpu.memref_slice %arg3[%dma_start3A_2112, %dma_start3A_2113] : memref<100000x128xf32, #tpu.memory_space<hbm>> -> memref<100000x128xf32, #tpu.memory_space<hbm>>
        tpu.enqueue_indirect_dma source(%dma_start3A_2114 : memref<100000x128xf32, #tpu.memory_space<hbm>>) target(%dma_start3A_2108 : memref<128x128xf32, #tpu.memory_space<vmem>>) offsets(%dma_start3A_2111 : memref<128xi32, #tpu.memory_space<vmem>>) semaphore(%arg12 : memref<!tpu.dma_semaphore, #tpu.memory_space<semaphore_mem>>)
      } else {
      }
      %ge3A = arith.constant 1 : i32
      %ge3A_371 = arith.cmpi sge, %add3A_349, %ge3A : i32
      %convert_element_type3A_372 = arith.extui %ge3A_371 : i1 to i32
      %cond3A_373 = arith.constant 0 : i32
      %cond3A_374 = arith.cmpi ne, %convert_element_type3A_372, %cond3A_373 : i32
      scf.if %cond3A_374 {
        %sub3A_2005 = arith.constant 1 : i32
        %sub3A_2006 = arith.subi %add3A_349, %sub3A_2005 : i32
        %mul3A_2007 = arith.constant 4 : i32
        %mul3A_2008 = arith.muli %sub3A_2006, %mul3A_2007 : i32
        %add3A_2009 = arith.addi %mul3A_2, %mul3A_2008 : i32
        %dma_wait3A_2010 = arith.constant 0 : i32
        %dma_wait3A_2011 = tpu.memref_slice %arg4[%add3A_2009, %dma_wait3A_2010] : memref<16384x128xf32, #tpu.memory_space<hbm>> -> memref<4x128xf32, #tpu.memory_space<hbm>>
        %dma_wait3A_2012 = arith.constant 0 : i32
        %dma_wait3A_2013 = tpu.memref_slice %arg4[%add3A_2009, %dma_wait3A_2012] : memref<16384x128xf32, #tpu.memory_space<hbm>> -> memref<4x128xf32, #tpu.memory_space<hbm>>
        tpu.wait_dma2 semaphore(%arg13 : memref<!tpu.dma_semaphore, #tpu.memory_space<semaphore_mem>>) src(%arg8 : memref<4x128xf32, #tpu.memory_space<vmem>>) dst(%dma_wait3A_2013 : memref<4x128xf32, #tpu.memory_space<hbm>>)
      } else {
      }
      %broadcast_in_dim3A = arith.constant 0.000000e+00 : f32
      %broadcast_in_dim3A_375 = vector.broadcast %broadcast_in_dim3A : f32 to vector<16xf32>
      %broadcast_in_dim3A_376 = arith.constant 0.000000e+00 : f32
      %broadcast_in_dim3A_377 = vector.broadcast %broadcast_in_dim3A_376 : f32 to vector<16xf32>
      %broadcast_in_dim3A_378 = arith.constant 0.000000e+00 : f32
      %broadcast_in_dim3A_379 = vector.broadcast %broadcast_in_dim3A_378 : f32 to vector<16xf32>
      %broadcast_in_dim3A_380 = arith.constant 0.000000e+00 : f32
      %broadcast_in_dim3A_381 = vector.broadcast %broadcast_in_dim3A_380 : f32 to vector<16xf32>
      %broadcast_in_dim3A_382 = arith.constant 0.000000e+00 : f32
      %broadcast_in_dim3A_383 = vector.broadcast %broadcast_in_dim3A_382 : f32 to vector<16xf32>
      %broadcast_in_dim3A_384 = arith.constant 0.000000e+00 : f32
      %broadcast_in_dim3A_385 = vector.broadcast %broadcast_in_dim3A_384 : f32 to vector<16xf32>
      %broadcast_in_dim3A_386 = arith.constant 0.000000e+00 : f32
      %broadcast_in_dim3A_387 = vector.broadcast %broadcast_in_dim3A_386 : f32 to vector<16xf32>
      %broadcast_in_dim3A_388 = arith.constant 0.000000e+00 : f32
      %broadcast_in_dim3A_389 = vector.broadcast %broadcast_in_dim3A_388 : f32 to vector<16xf32>
      %scan3A_390 = arith.constant 0 : i32
      %scan3A_391 = arith.constant 32 : i32
      %scan3A_392 = arith.addi %scan3A_390, %scan3A_391 : i32
      %scan3A_393 = arith.constant 1 : i32
      %scan3A_394:8 = scf.for %scan3A_2005 = %scan3A_390 to %scan3A_392 step %scan3A_393 iter_args(%scan3A_2006 = %broadcast_in_dim3A_375, %scan3A_2007 = %broadcast_in_dim3A_377, %scan3A_2008 = %broadcast_in_dim3A_379, %scan3A_2009 = %broadcast_in_dim3A_381, %scan3A_2010 = %broadcast_in_dim3A_383, %scan3A_2011 = %broadcast_in_dim3A_385, %scan3A_2012 = %broadcast_in_dim3A_387, %scan3A_2013 = %broadcast_in_dim3A_389) -> (vector<16xf32>, vector<16xf32>, vector<16xf32>, vector<16xf32>, vector<16xf32>, vector<16xf32>, vector<16xf32>, vector<16xf32>)  : i32 {
        %add3A_2014 = arith.constant 0 : i32
        %add3A_2015 = arith.addi %add3A_2014, %scan3A_2005 : i32
        %get3A_2016 = arith.constant 0 : i32
        %get3A_2017 = arith.index_cast %get3A_2016 : i32 to index
        %get3A_2018 = arith.index_cast %add3A_2015 : i32 to index
        %get3A_2019 = arith.constant 0 : index
        %get3A_2020 = tpu.vector_load %arg7[%get3A_2017, %get3A_2018, %get3A_2019] {strides = array<i32>} : memref<4x128x128xf32, #tpu.memory_space<vmem>>, vector<1x1x16xf32>,
        %get3A_2021 = vector.shape_cast %get3A_2020 : vector<1x1x16xf32> to vector<16xf32>
        %add3A_2022 = arith.addf %scan3A_2006, %get3A_2021 : vector<16xf32>
        %add3A_2023 = arith.constant 0 : i32
        %add3A_2024 = arith.addi %add3A_2023, %scan3A_2005 : i32
        %get3A_2025 = arith.constant 0 : i32
        %get3A_2026 = arith.index_cast %get3A_2025 : i32 to index
        %get3A_2027 = arith.index_cast %add3A_2024 : i32 to index
        %get3A_2028 = arith.constant 16 : index
        %get3A_2029 = tpu.vector_load %arg7[%get3A_2026, %get3A_2027, %get3A_2028] {strides = array<i32>} : memref<4x128x128xf32, #tpu.memory_space<vmem>>, vector<1x1x16xf32>,
        %get3A_2030 = vector.shape_cast %get3A_2029 : vector<1x1x16xf32> to vector<16xf32>
        %add3A_2031 = arith.addf %scan3A_2007, %get3A_2030 : vector<16xf32>
        %add3A_2032 = arith.constant 0 : i32
        %add3A_2033 = arith.addi %add3A_2032, %scan3A_2005 : i32
        %get3A_2034 = arith.constant 0 : i32
        %get3A_2035 = arith.index_cast %get3A_2034 : i32 to index
        %get3A_2036 = arith.index_cast %add3A_2033 : i32 to index
        %get3A_2037 = arith.constant 32 : index
        %get3A_2038 = tpu.vector_load %arg7[%get3A_2035, %get3A_2036, %get3A_2037] {strides = array<i32>} : memref<4x128x128xf32, #tpu.memory_space<vmem>>, vector<1x1x16xf32>,
        %get3A_2039 = vector.shape_cast %get3A_2038 : vector<1x1x16xf32> to vector<16xf32>
        %add3A_2040 = arith.addf %scan3A_2008, %get3A_2039 : vector<16xf32>
        %add3A_2041 = arith.constant 0 : i32
        %add3A_2042 = arith.addi %add3A_2041, %scan3A_2005 : i32
        %get3A_2043 = arith.constant 0 : i32
        %get3A_2044 = arith.index_cast %get3A_2043 : i32 to index
        %get3A_2045 = arith.index_cast %add3A_2042 : i32 to index
        %get3A_2046 = arith.constant 48 : index
        %get3A_2047 = tpu.vector_load %arg7[%get3A_2044, %get3A_2045, %get3A_2046] {strides = array<i32>} : memref<4x128x128xf32, #tpu.memory_space<vmem>>, vector<1x1x16xf32>,
        %get3A_2048 = vector.shape_cast %get3A_2047 : vector<1x1x16xf32> to vector<16xf32>
        %add3A_2049 = arith.addf %scan3A_2009, %get3A_2048 : vector<16xf32>
        %add3A_2050 = arith.constant 0 : i32
        %add3A_2051 = arith.addi %add3A_2050, %scan3A_2005 : i32
        %get3A_2052 = arith.constant 0 : i32
        %get3A_2053 = arith.index_cast %get3A_2052 : i32 to index
        %get3A_2054 = arith.index_cast %add3A_2051 : i32 to index
        %get3A_2055 = arith.constant 64 : index
        %get3A_2056 = tpu.vector_load %arg7[%get3A_2053, %get3A_2054, %get3A_2055] {strides = array<i32>} : memref<4x128x128xf32, #tpu.memory_space<vmem>>, vector<1x1x16xf32>,
        %get3A_2057 = vector.shape_cast %get3A_2056 : vector<1x1x16xf32> to vector<16xf32>
        %add3A_2058 = arith.addf %scan3A_2010, %get3A_2057 : vector<16xf32>
        %add3A_2059 = arith.constant 0 : i32
        %add3A_2060 = arith.addi %add3A_2059, %scan3A_2005 : i32
        %get3A_2061 = arith.constant 0 : i32
        %get3A_2062 = arith.index_cast %get3A_2061 : i32 to index
        %get3A_2063 = arith.index_cast %add3A_2060 : i32 to index
        %get3A_2064 = arith.constant 80 : index
        %get3A_2065 = tpu.vector_load %arg7[%get3A_2062, %get3A_2063, %get3A_2064] {strides = array<i32>} : memref<4x128x128xf32, #tpu.memory_space<vmem>>, vector<1x1x16xf32>,
        %get3A_2066 = vector.shape_cast %get3A_2065 : vector<1x1x16xf32> to vector<16xf32>
        %add3A_2067 = arith.addf %scan3A_2011, %get3A_2066 : vector<16xf32>
        %add3A_2068 = arith.constant 0 : i32
        %add3A_2069 = arith.addi %add3A_2068, %scan3A_2005 : i32
        %get3A_2070 = arith.constant 0 : i32
        %get3A_2071 = arith.index_cast %get3A_2070 : i32 to index
        %get3A_2072 = arith.index_cast %add3A_2069 : i32 to index
        %get3A_2073 = arith.constant 96 : index
        %get3A_2074 = tpu.vector_load %arg7[%get3A_2071, %get3A_2072, %get3A_2073] {strides = array<i32>} : memref<4x128x128xf32, #tpu.memory_space<vmem>>, vector<1x1x16xf32>,
        %get3A_2075 = vector.shape_cast %get3A_2074 : vector<1x1x16xf32> to vector<16xf32>
        %add3A_2076 = arith.addf %scan3A_2012, %get3A_2075 : vector<16xf32>
        %add3A_2077 = arith.constant 0 : i32
        %add3A_2078 = arith.addi %add3A_2077, %scan3A_2005 : i32
        %get3A_2079 = arith.constant 0 : i32
        %get3A_2080 = arith.index_cast %get3A_2079 : i32 to index
        %get3A_2081 = arith.index_cast %add3A_2078 : i32 to index
        %get3A_2082 = arith.constant 112 : index
        %get3A_2083 = tpu.vector_load %arg7[%get3A_2080, %get3A_2081, %get3A_2082] {strides = array<i32>} : memref<4x128x128xf32, #tpu.memory_space<vmem>>, vector<1x1x16xf32>,
        %get3A_2084 = vector.shape_cast %get3A_2083 : vector<1x1x16xf32> to vector<16xf32>
        %add3A_2085 = arith.addf %scan3A_2013, %get3A_2084 : vector<16xf32>
        scf.yield %add3A_2022, %add3A_2031, %add3A_2040, %add3A_2049, %add3A_2058, %add3A_2067, %add3A_2076, %add3A_2085 : vector<16xf32>, vector<16xf32>, vector<16xf32>, vector<16xf32>, vector<16xf32>, vector<16xf32>, vector<16xf32>, vector<16xf32>
      }
      %scan3A_395 = arith.constant 32 : i32
      %mul3A_396 = arith.constant 3.125000e-02 : f32
      %mul3A_397 = vector.broadcast %mul3A_396 : f32 to vector<16xf32>
      %mul3A_398 = arith.mulf %scan3A_394#0, %mul3A_397 : vector<16xf32>
      %swap3A_399 = arith.constant 0 : i32
      %swap3A_400 = arith.index_cast %swap3A_399 : i32 to index
      %swap3A_401 = arith.constant 0 : index
      %swap3A_402 = tpu.vector_load %arg8[%swap3A_400, %swap3A_401] {strides = array<i32>} : memref<4x128xf32, #tpu.memory_space<vmem>>, vector<1x16xf32>,
      %swap3A_403 = vector.shape_cast %swap3A_402 : vector<1x16xf32> to vector<16xf32>
      %swap3A_404 = vector.shape_cast %mul3A_398 : vector<16xf32> to vector<1x16xf32>
      tpu.vector_store %arg8[%swap3A_400, %swap3A_401], %swap3A_404 {strides = array<i32>} : memref<4x128xf32, #tpu.memory_space<vmem>>, vector<1x16xf32>,
      %mul3A_405 = arith.constant 3.125000e-02 : f32
      %mul3A_406 = vector.broadcast %mul3A_405 : f32 to vector<16xf32>
      %mul3A_407 = arith.mulf %scan3A_394#1, %mul3A_406 : vector<16xf32>
      %swap3A_408 = arith.constant 0 : i32
      %swap3A_409 = arith.index_cast %swap3A_408 : i32 to index
      %swap3A_410 = arith.constant 16 : index
      %swap3A_411 = tpu.vector_load %arg8[%swap3A_409, %swap3A_410] {strides = array<i32>} : memref<4x128xf32, #tpu.memory_space<vmem>>, vector<1x16xf32>,
      %swap3A_412 = vector.shape_cast %swap3A_411 : vector<1x16xf32> to vector<16xf32>
      %swap3A_413 = vector.shape_cast %mul3A_407 : vector<16xf32> to vector<1x16xf32>
      tpu.vector_store %arg8[%swap3A_409, %swap3A_410], %swap3A_413 {strides = array<i32>} : memref<4x128xf32, #tpu.memory_space<vmem>>, vector<1x16xf32>,
      %mul3A_414 = arith.constant 3.125000e-02 : f32
      %mul3A_415 = vector.broadcast %mul3A_414 : f32 to vector<16xf32>
      %mul3A_416 = arith.mulf %scan3A_394#2, %mul3A_415 : vector<16xf32>
      %swap3A_417 = arith.constant 0 : i32
      %swap3A_418 = arith.index_cast %swap3A_417 : i32 to index
      %swap3A_419 = arith.constant 32 : index
      %swap3A_420 = tpu.vector_load %arg8[%swap3A_418, %swap3A_419] {strides = array<i32>} : memref<4x128xf32, #tpu.memory_space<vmem>>, vector<1x16xf32>,
      %swap3A_421 = vector.shape_cast %swap3A_420 : vector<1x16xf32> to vector<16xf32>
      %swap3A_422 = vector.shape_cast %mul3A_416 : vector<16xf32> to vector<1x16xf32>
      tpu.vector_store %arg8[%swap3A_418, %swap3A_419], %swap3A_422 {strides = array<i32>} : memref<4x128xf32, #tpu.memory_space<vmem>>, vector<1x16xf32>,
      %mul3A_423 = arith.constant 3.125000e-02 : f32
      %mul3A_424 = vector.broadcast %mul3A_423 : f32 to vector<16xf32>
      %mul3A_425 = arith.mulf %scan3A_394#3, %mul3A_424 : vector<16xf32>
      %swap3A_426 = arith.constant 0 : i32
      %swap3A_427 = arith.index_cast %swap3A_426 : i32 to index
      %swap3A_428 = arith.constant 48 : index
      %swap3A_429 = tpu.vector_load %arg8[%swap3A_427, %swap3A_428] {strides = array<i32>} : memref<4x128xf32, #tpu.memory_space<vmem>>, vector<1x16xf32>,
      %swap3A_430 = vector.shape_cast %swap3A_429 : vector<1x16xf32> to vector<16xf32>
      %swap3A_431 = vector.shape_cast %mul3A_425 : vector<16xf32> to vector<1x16xf32>
      tpu.vector_store %arg8[%swap3A_427, %swap3A_428], %swap3A_431 {strides = array<i32>} : memref<4x128xf32, #tpu.memory_space<vmem>>, vector<1x16xf32>,
      %mul3A_432 = arith.constant 3.125000e-02 : f32
      %mul3A_433 = vector.broadcast %mul3A_432 : f32 to vector<16xf32>
      %mul3A_434 = arith.mulf %scan3A_394#4, %mul3A_433 : vector<16xf32>
      %swap3A_435 = arith.constant 0 : i32
      %swap3A_436 = arith.index_cast %swap3A_435 : i32 to index
      %swap3A_437 = arith.constant 64 : index
      %swap3A_438 = tpu.vector_load %arg8[%swap3A_436, %swap3A_437] {strides = array<i32>} : memref<4x128xf32, #tpu.memory_space<vmem>>, vector<1x16xf32>,
      %swap3A_439 = vector.shape_cast %swap3A_438 : vector<1x16xf32> to vector<16xf32>
      %swap3A_440 = vector.shape_cast %mul3A_434 : vector<16xf32> to vector<1x16xf32>
      tpu.vector_store %arg8[%swap3A_436, %swap3A_437], %swap3A_440 {strides = array<i32>} : memref<4x128xf32, #tpu.memory_space<vmem>>, vector<1x16xf32>,
      %mul3A_441 = arith.constant 3.125000e-02 : f32
      %mul3A_442 = vector.broadcast %mul3A_441 : f32 to vector<16xf32>
      %mul3A_443 = arith.mulf %scan3A_394#5, %mul3A_442 : vector<16xf32>
      %swap3A_444 = arith.constant 0 : i32
      %swap3A_445 = arith.index_cast %swap3A_444 : i32 to index
      %swap3A_446 = arith.constant 80 : index
      %swap3A_447 = tpu.vector_load %arg8[%swap3A_445, %swap3A_446] {strides = array<i32>} : memref<4x128xf32, #tpu.memory_space<vmem>>, vector<1x16xf32>,
      %swap3A_448 = vector.shape_cast %swap3A_447 : vector<1x16xf32> to vector<16xf32>
      %swap3A_449 = vector.shape_cast %mul3A_443 : vector<16xf32> to vector<1x16xf32>
      tpu.vector_store %arg8[%swap3A_445, %swap3A_446], %swap3A_449 {strides = array<i32>} : memref<4x128xf32, #tpu.memory_space<vmem>>, vector<1x16xf32>,
      %mul3A_450 = arith.constant 3.125000e-02 : f32
      %mul3A_451 = vector.broadcast %mul3A_450 : f32 to vector<16xf32>
      %mul3A_452 = arith.mulf %scan3A_394#6, %mul3A_451 : vector<16xf32>
      %swap3A_453 = arith.constant 0 : i32
      %swap3A_454 = arith.index_cast %swap3A_453 : i32 to index
      %swap3A_455 = arith.constant 96 : index
      %swap3A_456 = tpu.vector_load %arg8[%swap3A_454, %swap3A_455] {strides = array<i32>} : memref<4x128xf32, #tpu.memory_space<vmem>>, vector<1x16xf32>,
      %swap3A_457 = vector.shape_cast %swap3A_456 : vector<1x16xf32> to vector<16xf32>
      %swap3A_458 = vector.shape_cast %mul3A_452 : vector<16xf32> to vector<1x16xf32>
      tpu.vector_store %arg8[%swap3A_454, %swap3A_455], %swap3A_458 {strides = array<i32>} : memref<4x128xf32, #tpu.memory_space<vmem>>, vector<1x16xf32>,
      %mul3A_459 = arith.constant 3.125000e-02 : f32
      %mul3A_460 = vector.broadcast %mul3A_459 : f32 to vector<16xf32>
      %mul3A_461 = arith.mulf %scan3A_394#7, %mul3A_460 : vector<16xf32>
      %swap3A_462 = arith.constant 0 : i32
      %swap3A_463 = arith.index_cast %swap3A_462 : i32 to index
      %swap3A_464 = arith.constant 112 : index
      %swap3A_465 = tpu.vector_load %arg8[%swap3A_463, %swap3A_464] {strides = array<i32>} : memref<4x128xf32, #tpu.memory_space<vmem>>, vector<1x16xf32>,
      %swap3A_466 = vector.shape_cast %swap3A_465 : vector<1x16xf32> to vector<16xf32>
      %swap3A_467 = vector.shape_cast %mul3A_461 : vector<16xf32> to vector<1x16xf32>
      tpu.vector_store %arg8[%swap3A_463, %swap3A_464], %swap3A_467 {strides = array<i32>} : memref<4x128xf32, #tpu.memory_space<vmem>>, vector<1x16xf32>,
      %broadcast_in_dim3A_468 = arith.constant 0.000000e+00 : f32
      %broadcast_in_dim3A_469 = vector.broadcast %broadcast_in_dim3A_468 : f32 to vector<16xf32>
      %broadcast_in_dim3A_470 = arith.constant 0.000000e+00 : f32
      %broadcast_in_dim3A_471 = vector.broadcast %broadcast_in_dim3A_470 : f32 to vector<16xf32>
      %broadcast_in_dim3A_472 = arith.constant 0.000000e+00 : f32
      %broadcast_in_dim3A_473 = vector.broadcast %broadcast_in_dim3A_472 : f32 to vector<16xf32>
      %broadcast_in_dim3A_474 = arith.constant 0.000000e+00 : f32
      %broadcast_in_dim3A_475 = vector.broadcast %broadcast_in_dim3A_474 : f32 to vector<16xf32>
      %broadcast_in_dim3A_476 = arith.constant 0.000000e+00 : f32
      %broadcast_in_dim3A_477 = vector.broadcast %broadcast_in_dim3A_476 : f32 to vector<16xf32>
      %broadcast_in_dim3A_478 = arith.constant 0.000000e+00 : f32
      %broadcast_in_dim3A_479 = vector.broadcast %broadcast_in_dim3A_478 : f32 to vector<16xf32>
      %broadcast_in_dim3A_480 = arith.constant 0.000000e+00 : f32
      %broadcast_in_dim3A_481 = vector.broadcast %broadcast_in_dim3A_480 : f32 to vector<16xf32>
      %broadcast_in_dim3A_482 = arith.constant 0.000000e+00 : f32
      %broadcast_in_dim3A_483 = vector.broadcast %broadcast_in_dim3A_482 : f32 to vector<16xf32>
      %scan3A_484 = arith.constant 0 : i32
      %scan3A_485 = arith.constant 32 : i32
      %scan3A_486 = arith.addi %scan3A_484, %scan3A_485 : i32
      %scan3A_487 = arith.constant 1 : i32
      %scan3A_488:8 = scf.for %scan3A_2005 = %scan3A_484 to %scan3A_486 step %scan3A_487 iter_args(%scan3A_2006 = %broadcast_in_dim3A_469, %scan3A_2007 = %broadcast_in_dim3A_471, %scan3A_2008 = %broadcast_in_dim3A_473, %scan3A_2009 = %broadcast_in_dim3A_475, %scan3A_2010 = %broadcast_in_dim3A_477, %scan3A_2011 = %broadcast_in_dim3A_479, %scan3A_2012 = %broadcast_in_dim3A_481, %scan3A_2013 = %broadcast_in_dim3A_483) -> (vector<16xf32>, vector<16xf32>, vector<16xf32>, vector<16xf32>, vector<16xf32>, vector<16xf32>, vector<16xf32>, vector<16xf32>)  : i32 {
        %add3A_2014 = arith.constant 32 : i32
        %add3A_2015 = arith.addi %add3A_2014, %scan3A_2005 : i32
        %get3A_2016 = arith.constant 0 : i32
        %get3A_2017 = arith.index_cast %get3A_2016 : i32 to index
        %get3A_2018 = arith.index_cast %add3A_2015 : i32 to index
        %get3A_2019 = arith.constant 0 : index
        %get3A_2020 = tpu.vector_load %arg7[%get3A_2017, %get3A_2018, %get3A_2019] {strides = array<i32>} : memref<4x128x128xf32, #tpu.memory_space<vmem>>, vector<1x1x16xf32>,
        %get3A_2021 = vector.shape_cast %get3A_2020 : vector<1x1x16xf32> to vector<16xf32>
        %add3A_2022 = arith.addf %scan3A_2006, %get3A_2021 : vector<16xf32>
        %add3A_2023 = arith.constant 32 : i32
        %add3A_2024 = arith.addi %add3A_2023, %scan3A_2005 : i32
        %get3A_2025 = arith.constant 0 : i32
        %get3A_2026 = arith.index_cast %get3A_2025 : i32 to index
        %get3A_2027 = arith.index_cast %add3A_2024 : i32 to index
        %get3A_2028 = arith.constant 16 : index
        %get3A_2029 = tpu.vector_load %arg7[%get3A_2026, %get3A_2027, %get3A_2028] {strides = array<i32>} : memref<4x128x128xf32, #tpu.memory_space<vmem>>, vector<1x1x16xf32>,
        %get3A_2030 = vector.shape_cast %get3A_2029 : vector<1x1x16xf32> to vector<16xf32>
        %add3A_2031 = arith.addf %scan3A_2007, %get3A_2030 : vector<16xf32>
        %add3A_2032 = arith.constant 32 : i32
        %add3A_2033 = arith.addi %add3A_2032, %scan3A_2005 : i32
        %get3A_2034 = arith.constant 0 : i32
        %get3A_2035 = arith.index_cast %get3A_2034 : i32 to index
        %get3A_2036 = arith.index_cast %add3A_2033 : i32 to index
        %get3A_2037 = arith.constant 32 : index
        %get3A_2038 = tpu.vector_load %arg7[%get3A_2035, %get3A_2036, %get3A_2037] {strides = array<i32>} : memref<4x128x128xf32, #tpu.memory_space<vmem>>, vector<1x1x16xf32>,
        %get3A_2039 = vector.shape_cast %get3A_2038 : vector<1x1x16xf32> to vector<16xf32>
        %add3A_2040 = arith.addf %scan3A_2008, %get3A_2039 : vector<16xf32>
        %add3A_2041 = arith.constant 32 : i32
        %add3A_2042 = arith.addi %add3A_2041, %scan3A_2005 : i32
        %get3A_2043 = arith.constant 0 : i32
        %get3A_2044 = arith.index_cast %get3A_2043 : i32 to index
        %get3A_2045 = arith.index_cast %add3A_2042 : i32 to index
        %get3A_2046 = arith.constant 48 : index
        %get3A_2047 = tpu.vector_load %arg7[%get3A_2044, %get3A_2045, %get3A_2046] {strides = array<i32>} : memref<4x128x128xf32, #tpu.memory_space<vmem>>, vector<1x1x16xf32>,
        %get3A_2048 = vector.shape_cast %get3A_2047 : vector<1x1x16xf32> to vector<16xf32>
        %add3A_2049 = arith.addf %scan3A_2009, %get3A_2048 : vector<16xf32>
        %add3A_2050 = arith.constant 32 : i32
        %add3A_2051 = arith.addi %add3A_2050, %scan3A_2005 : i32
        %get3A_2052 = arith.constant 0 : i32
        %get3A_2053 = arith.index_cast %get3A_2052 : i32 to index
        %get3A_2054 = arith.index_cast %add3A_2051 : i32 to index
        %get3A_2055 = arith.constant 64 : index
        %get3A_2056 = tpu.vector_load %arg7[%get3A_2053, %get3A_2054, %get3A_2055] {strides = array<i32>} : memref<4x128x128xf32, #tpu.memory_space<vmem>>, vector<1x1x16xf32>,
        %get3A_2057 = vector.shape_cast %get3A_2056 : vector<1x1x16xf32> to vector<16xf32>
        %add3A_2058 = arith.addf %scan3A_2010, %get3A_2057 : vector<16xf32>
        %add3A_2059 = arith.constant 32 : i32
        %add3A_2060 = arith.addi %add3A_2059, %scan3A_2005 : i32
        %get3A_2061 = arith.constant 0 : i32
        %get3A_2062 = arith.index_cast %get3A_2061 : i32 to index
        %get3A_2063 = arith.index_cast %add3A_2060 : i32 to index
        %get3A_2064 = arith.constant 80 : index
        %get3A_2065 = tpu.vector_load %arg7[%get3A_2062, %get3A_2063, %get3A_2064] {strides = array<i32>} : memref<4x128x128xf32, #tpu.memory_space<vmem>>, vector<1x1x16xf32>,
        %get3A_2066 = vector.shape_cast %get3A_2065 : vector<1x1x16xf32> to vector<16xf32>
        %add3A_2067 = arith.addf %scan3A_2011, %get3A_2066 : vector<16xf32>
        %add3A_2068 = arith.constant 32 : i32
        %add3A_2069 = arith.addi %add3A_2068, %scan3A_2005 : i32
        %get3A_2070 = arith.constant 0 : i32
        %get3A_2071 = arith.index_cast %get3A_2070 : i32 to index
        %get3A_2072 = arith.index_cast %add3A_2069 : i32 to index
        %get3A_2073 = arith.constant 96 : index
        %get3A_2074 = tpu.vector_load %arg7[%get3A_2071, %get3A_2072, %get3A_2073] {strides = array<i32>} : memref<4x128x128xf32, #tpu.memory_space<vmem>>, vector<1x1x16xf32>,
        %get3A_2075 = vector.shape_cast %get3A_2074 : vector<1x1x16xf32> to vector<16xf32>
        %add3A_2076 = arith.addf %scan3A_2012, %get3A_2075 : vector<16xf32>
        %add3A_2077 = arith.constant 32 : i32
        %add3A_2078 = arith.addi %add3A_2077, %scan3A_2005 : i32
        %get3A_2079 = arith.constant 0 : i32
        %get3A_2080 = arith.index_cast %get3A_2079 : i32 to index
        %get3A_2081 = arith.index_cast %add3A_2078 : i32 to index
        %get3A_2082 = arith.constant 112 : index
        %get3A_2083 = tpu.vector_load %arg7[%get3A_2080, %get3A_2081, %get3A_2082] {strides = array<i32>} : memref<4x128x128xf32, #tpu.memory_space<vmem>>, vector<1x1x16xf32>,
        %get3A_2084 = vector.shape_cast %get3A_2083 : vector<1x1x16xf32> to vector<16xf32>
        %add3A_2085 = arith.addf %scan3A_2013, %get3A_2084 : vector<16xf32>
        scf.yield %add3A_2022, %add3A_2031, %add3A_2040, %add3A_2049, %add3A_2058, %add3A_2067, %add3A_2076, %add3A_2085 : vector<16xf32>, vector<16xf32>, vector<16xf32>, vector<16xf32>, vector<16xf32>, vector<16xf32>, vector<16xf32>, vector<16xf32>
      }
      %scan3A_489 = arith.constant 32 : i32
      %mul3A_490 = arith.constant 3.125000e-02 : f32
      %mul3A_491 = vector.broadcast %mul3A_490 : f32 to vector<16xf32>
      %mul3A_492 = arith.mulf %scan3A_488#0, %mul3A_491 : vector<16xf32>
      %swap3A_493 = arith.constant 1 : i32
      %swap3A_494 = arith.index_cast %swap3A_493 : i32 to index
      %swap3A_495 = arith.constant 0 : index
      %swap3A_496 = tpu.vector_load %arg8[%swap3A_494, %swap3A_495] {strides = array<i32>} : memref<4x128xf32, #tpu.memory_space<vmem>>, vector<1x16xf32>,
      %swap3A_497 = vector.shape_cast %swap3A_496 : vector<1x16xf32> to vector<16xf32>
      %swap3A_498 = vector.shape_cast %mul3A_492 : vector<16xf32> to vector<1x16xf32>
      tpu.vector_store %arg8[%swap3A_494, %swap3A_495], %swap3A_498 {strides = array<i32>} : memref<4x128xf32, #tpu.memory_space<vmem>>, vector<1x16xf32>,
      %mul3A_499 = arith.constant 3.125000e-02 : f32
      %mul3A_500 = vector.broadcast %mul3A_499 : f32 to vector<16xf32>
      %mul3A_501 = arith.mulf %scan3A_488#1, %mul3A_500 : vector<16xf32>
      %swap3A_502 = arith.constant 1 : i32
      %swap3A_503 = arith.index_cast %swap3A_502 : i32 to index
      %swap3A_504 = arith.constant 16 : index
      %swap3A_505 = tpu.vector_load %arg8[%swap3A_503, %swap3A_504] {strides = array<i32>} : memref<4x128xf32, #tpu.memory_space<vmem>>, vector<1x16xf32>,
      %swap3A_506 = vector.shape_cast %swap3A_505 : vector<1x16xf32> to vector<16xf32>
      %swap3A_507 = vector.shape_cast %mul3A_501 : vector<16xf32> to vector<1x16xf32>
      tpu.vector_store %arg8[%swap3A_503, %swap3A_504], %swap3A_507 {strides = array<i32>} : memref<4x128xf32, #tpu.memory_space<vmem>>, vector<1x16xf32>,
      %mul3A_508 = arith.constant 3.125000e-02 : f32
      %mul3A_509 = vector.broadcast %mul3A_508 : f32 to vector<16xf32>
      %mul3A_510 = arith.mulf %scan3A_488#2, %mul3A_509 : vector<16xf32>
      %swap3A_511 = arith.constant 1 : i32
      %swap3A_512 = arith.index_cast %swap3A_511 : i32 to index
      %swap3A_513 = arith.constant 32 : index
      %swap3A_514 = tpu.vector_load %arg8[%swap3A_512, %swap3A_513] {strides = array<i32>} : memref<4x128xf32, #tpu.memory_space<vmem>>, vector<1x16xf32>,
      %swap3A_515 = vector.shape_cast %swap3A_514 : vector<1x16xf32> to vector<16xf32>
      %swap3A_516 = vector.shape_cast %mul3A_510 : vector<16xf32> to vector<1x16xf32>
      tpu.vector_store %arg8[%swap3A_512, %swap3A_513], %swap3A_516 {strides = array<i32>} : memref<4x128xf32, #tpu.memory_space<vmem>>, vector<1x16xf32>,
      %mul3A_517 = arith.constant 3.125000e-02 : f32
      %mul3A_518 = vector.broadcast %mul3A_517 : f32 to vector<16xf32>
      %mul3A_519 = arith.mulf %scan3A_488#3, %mul3A_518 : vector<16xf32>
      %swap3A_520 = arith.constant 1 : i32
      %swap3A_521 = arith.index_cast %swap3A_520 : i32 to index
      %swap3A_522 = arith.constant 48 : index
      %swap3A_523 = tpu.vector_load %arg8[%swap3A_521, %swap3A_522] {strides = array<i32>} : memref<4x128xf32, #tpu.memory_space<vmem>>, vector<1x16xf32>,
      %swap3A_524 = vector.shape_cast %swap3A_523 : vector<1x16xf32> to vector<16xf32>
      %swap3A_525 = vector.shape_cast %mul3A_519 : vector<16xf32> to vector<1x16xf32>
      tpu.vector_store %arg8[%swap3A_521, %swap3A_522], %swap3A_525 {strides = array<i32>} : memref<4x128xf32, #tpu.memory_space<vmem>>, vector<1x16xf32>,
      %mul3A_526 = arith.constant 3.125000e-02 : f32
      %mul3A_527 = vector.broadcast %mul3A_526 : f32 to vector<16xf32>
      %mul3A_528 = arith.mulf %scan3A_488#4, %mul3A_527 : vector<16xf32>
      %swap3A_529 = arith.constant 1 : i32
      %swap3A_530 = arith.index_cast %swap3A_529 : i32 to index
      %swap3A_531 = arith.constant 64 : index
      %swap3A_532 = tpu.vector_load %arg8[%swap3A_530, %swap3A_531] {strides = array<i32>} : memref<4x128xf32, #tpu.memory_space<vmem>>, vector<1x16xf32>,
      %swap3A_533 = vector.shape_cast %swap3A_532 : vector<1x16xf32> to vector<16xf32>
      %swap3A_534 = vector.shape_cast %mul3A_528 : vector<16xf32> to vector<1x16xf32>
      tpu.vector_store %arg8[%swap3A_530, %swap3A_531], %swap3A_534 {strides = array<i32>} : memref<4x128xf32, #tpu.memory_space<vmem>>, vector<1x16xf32>,
      %mul3A_535 = arith.constant 3.125000e-02 : f32
      %mul3A_536 = vector.broadcast %mul3A_535 : f32 to vector<16xf32>
      %mul3A_537 = arith.mulf %scan3A_488#5, %mul3A_536 : vector<16xf32>
      %swap3A_538 = arith.constant 1 : i32
      %swap3A_539 = arith.index_cast %swap3A_538 : i32 to index
      %swap3A_540 = arith.constant 80 : index
      %swap3A_541 = tpu.vector_load %arg8[%swap3A_539, %swap3A_540] {strides = array<i32>} : memref<4x128xf32, #tpu.memory_space<vmem>>, vector<1x16xf32>,
      %swap3A_542 = vector.shape_cast %swap3A_541 : vector<1x16xf32> to vector<16xf32>
      %swap3A_543 = vector.shape_cast %mul3A_537 : vector<16xf32> to vector<1x16xf32>
      tpu.vector_store %arg8[%swap3A_539, %swap3A_540], %swap3A_543 {strides = array<i32>} : memref<4x128xf32, #tpu.memory_space<vmem>>, vector<1x16xf32>,
      %mul3A_544 = arith.constant 3.125000e-02 : f32
      %mul3A_545 = vector.broadcast %mul3A_544 : f32 to vector<16xf32>
      %mul3A_546 = arith.mulf %scan3A_488#6, %mul3A_545 : vector<16xf32>
      %swap3A_547 = arith.constant 1 : i32
      %swap3A_548 = arith.index_cast %swap3A_547 : i32 to index
      %swap3A_549 = arith.constant 96 : index
      %swap3A_550 = tpu.vector_load %arg8[%swap3A_548, %swap3A_549] {strides = array<i32>} : memref<4x128xf32, #tpu.memory_space<vmem>>, vector<1x16xf32>,
      %swap3A_551 = vector.shape_cast %swap3A_550 : vector<1x16xf32> to vector<16xf32>
      %swap3A_552 = vector.shape_cast %mul3A_546 : vector<16xf32> to vector<1x16xf32>
      tpu.vector_store %arg8[%swap3A_548, %swap3A_549], %swap3A_552 {strides = array<i32>} : memref<4x128xf32, #tpu.memory_space<vmem>>, vector<1x16xf32>,
      %mul3A_553 = arith.constant 3.125000e-02 : f32
      %mul3A_554 = vector.broadcast %mul3A_553 : f32 to vector<16xf32>
      %mul3A_555 = arith.mulf %scan3A_488#7, %mul3A_554 : vector<16xf32>
      %swap3A_556 = arith.constant 1 : i32
      %swap3A_557 = arith.index_cast %swap3A_556 : i32 to index
      %swap3A_558 = arith.constant 112 : index
      %swap3A_559 = tpu.vector_load %arg8[%swap3A_557, %swap3A_558] {strides = array<i32>} : memref<4x128xf32, #tpu.memory_space<vmem>>, vector<1x16xf32>,
      %swap3A_560 = vector.shape_cast %swap3A_559 : vector<1x16xf32> to vector<16xf32>
      %swap3A_561 = vector.shape_cast %mul3A_555 : vector<16xf32> to vector<1x16xf32>
      tpu.vector_store %arg8[%swap3A_557, %swap3A_558], %swap3A_561 {strides = array<i32>} : memref<4x128xf32, #tpu.memory_space<vmem>>, vector<1x16xf32>,
      %broadcast_in_dim3A_562 = arith.constant 0.000000e+00 : f32
      %broadcast_in_dim3A_563 = vector.broadcast %broadcast_in_dim3A_562 : f32 to vector<16xf32>
      %broadcast_in_dim3A_564 = arith.constant 0.000000e+00 : f32
      %broadcast_in_dim3A_565 = vector.broadcast %broadcast_in_dim3A_564 : f32 to vector<16xf32>
      %broadcast_in_dim3A_566 = arith.constant 0.000000e+00 : f32
      %broadcast_in_dim3A_567 = vector.broadcast %broadcast_in_dim3A_566 : f32 to vector<16xf32>
      %broadcast_in_dim3A_568 = arith.constant 0.000000e+00 : f32
      %broadcast_in_dim3A_569 = vector.broadcast %broadcast_in_dim3A_568 : f32 to vector<16xf32>
      %broadcast_in_dim3A_570 = arith.constant 0.000000e+00 : f32
      %broadcast_in_dim3A_571 = vector.broadcast %broadcast_in_dim3A_570 : f32 to vector<16xf32>
      %broadcast_in_dim3A_572 = arith.constant 0.000000e+00 : f32
      %broadcast_in_dim3A_573 = vector.broadcast %broadcast_in_dim3A_572 : f32 to vector<16xf32>
      %broadcast_in_dim3A_574 = arith.constant 0.000000e+00 : f32
      %broadcast_in_dim3A_575 = vector.broadcast %broadcast_in_dim3A_574 : f32 to vector<16xf32>
      %broadcast_in_dim3A_576 = arith.constant 0.000000e+00 : f32
      %broadcast_in_dim3A_577 = vector.broadcast %broadcast_in_dim3A_576 : f32 to vector<16xf32>
      %scan3A_578 = arith.constant 0 : i32
      %scan3A_579 = arith.constant 32 : i32
      %scan3A_580 = arith.addi %scan3A_578, %scan3A_579 : i32
      %scan3A_581 = arith.constant 1 : i32
      %scan3A_582:8 = scf.for %scan3A_2005 = %scan3A_578 to %scan3A_580 step %scan3A_581 iter_args(%scan3A_2006 = %broadcast_in_dim3A_563, %scan3A_2007 = %broadcast_in_dim3A_565, %scan3A_2008 = %broadcast_in_dim3A_567, %scan3A_2009 = %broadcast_in_dim3A_569, %scan3A_2010 = %broadcast_in_dim3A_571, %scan3A_2011 = %broadcast_in_dim3A_573, %scan3A_2012 = %broadcast_in_dim3A_575, %scan3A_2013 = %broadcast_in_dim3A_577) -> (vector<16xf32>, vector<16xf32>, vector<16xf32>, vector<16xf32>, vector<16xf32>, vector<16xf32>, vector<16xf32>, vector<16xf32>)  : i32 {
        %add3A_2014 = arith.constant 64 : i32
        %add3A_2015 = arith.addi %add3A_2014, %scan3A_2005 : i32
        %get3A_2016 = arith.constant 0 : i32
        %get3A_2017 = arith.index_cast %get3A_2016 : i32 to index
        %get3A_2018 = arith.index_cast %add3A_2015 : i32 to index
        %get3A_2019 = arith.constant 0 : index
        %get3A_2020 = tpu.vector_load %arg7[%get3A_2017, %get3A_2018, %get3A_2019] {strides = array<i32>} : memref<4x128x128xf32, #tpu.memory_space<vmem>>, vector<1x1x16xf32>,
        %get3A_2021 = vector.shape_cast %get3A_2020 : vector<1x1x16xf32> to vector<16xf32>
        %add3A_2022 = arith.addf %scan3A_2006, %get3A_2021 : vector<16xf32>
        %add3A_2023 = arith.constant 64 : i32
        %add3A_2024 = arith.addi %add3A_2023, %scan3A_2005 : i32
        %get3A_2025 = arith.constant 0 : i32
        %get3A_2026 = arith.index_cast %get3A_2025 : i32 to index
        %get3A_2027 = arith.index_cast %add3A_2024 : i32 to index
        %get3A_2028 = arith.constant 16 : index
        %get3A_2029 = tpu.vector_load %arg7[%get3A_2026, %get3A_2027, %get3A_2028] {strides = array<i32>} : memref<4x128x128xf32, #tpu.memory_space<vmem>>, vector<1x1x16xf32>,
        %get3A_2030 = vector.shape_cast %get3A_2029 : vector<1x1x16xf32> to vector<16xf32>
        %add3A_2031 = arith.addf %scan3A_2007, %get3A_2030 : vector<16xf32>
        %add3A_2032 = arith.constant 64 : i32
        %add3A_2033 = arith.addi %add3A_2032, %scan3A_2005 : i32
        %get3A_2034 = arith.constant 0 : i32
        %get3A_2035 = arith.index_cast %get3A_2034 : i32 to index
        %get3A_2036 = arith.index_cast %add3A_2033 : i32 to index
        %get3A_2037 = arith.constant 32 : index
        %get3A_2038 = tpu.vector_load %arg7[%get3A_2035, %get3A_2036, %get3A_2037] {strides = array<i32>} : memref<4x128x128xf32, #tpu.memory_space<vmem>>, vector<1x1x16xf32>,
        %get3A_2039 = vector.shape_cast %get3A_2038 : vector<1x1x16xf32> to vector<16xf32>
        %add3A_2040 = arith.addf %scan3A_2008, %get3A_2039 : vector<16xf32>
        %add3A_2041 = arith.constant 64 : i32
        %add3A_2042 = arith.addi %add3A_2041, %scan3A_2005 : i32
        %get3A_2043 = arith.constant 0 : i32
        %get3A_2044 = arith.index_cast %get3A_2043 : i32 to index
        %get3A_2045 = arith.index_cast %add3A_2042 : i32 to index
        %get3A_2046 = arith.constant 48 : index
        %get3A_2047 = tpu.vector_load %arg7[%get3A_2044, %get3A_2045, %get3A_2046] {strides = array<i32>} : memref<4x128x128xf32, #tpu.memory_space<vmem>>, vector<1x1x16xf32>,
        %get3A_2048 = vector.shape_cast %get3A_2047 : vector<1x1x16xf32> to vector<16xf32>
        %add3A_2049 = arith.addf %scan3A_2009, %get3A_2048 : vector<16xf32>
        %add3A_2050 = arith.constant 64 : i32
        %add3A_2051 = arith.addi %add3A_2050, %scan3A_2005 : i32
        %get3A_2052 = arith.constant 0 : i32
        %get3A_2053 = arith.index_cast %get3A_2052 : i32 to index
        %get3A_2054 = arith.index_cast %add3A_2051 : i32 to index
        %get3A_2055 = arith.constant 64 : index
        %get3A_2056 = tpu.vector_load %arg7[%get3A_2053, %get3A_2054, %get3A_2055] {strides = array<i32>} : memref<4x128x128xf32, #tpu.memory_space<vmem>>, vector<1x1x16xf32>,
        %get3A_2057 = vector.shape_cast %get3A_2056 : vector<1x1x16xf32> to vector<16xf32>
        %add3A_2058 = arith.addf %scan3A_2010, %get3A_2057 : vector<16xf32>
        %add3A_2059 = arith.constant 64 : i32
        %add3A_2060 = arith.addi %add3A_2059, %scan3A_2005 : i32
        %get3A_2061 = arith.constant 0 : i32
        %get3A_2062 = arith.index_cast %get3A_2061 : i32 to index
        %get3A_2063 = arith.index_cast %add3A_2060 : i32 to index
        %get3A_2064 = arith.constant 80 : index
        %get3A_2065 = tpu.vector_load %arg7[%get3A_2062, %get3A_2063, %get3A_2064] {strides = array<i32>} : memref<4x128x128xf32, #tpu.memory_space<vmem>>, vector<1x1x16xf32>,
        %get3A_2066 = vector.shape_cast %get3A_2065 : vector<1x1x16xf32> to vector<16xf32>
        %add3A_2067 = arith.addf %scan3A_2011, %get3A_2066 : vector<16xf32>
        %add3A_2068 = arith.constant 64 : i32
        %add3A_2069 = arith.addi %add3A_2068, %scan3A_2005 : i32
        %get3A_2070 = arith.constant 0 : i32
        %get3A_2071 = arith.index_cast %get3A_2070 : i32 to index
        %get3A_2072 = arith.index_cast %add3A_2069 : i32 to index
        %get3A_2073 = arith.constant 96 : index
        %get3A_2074 = tpu.vector_load %arg7[%get3A_2071, %get3A_2072, %get3A_2073] {strides = array<i32>} : memref<4x128x128xf32, #tpu.memory_space<vmem>>, vector<1x1x16xf32>,
        %get3A_2075 = vector.shape_cast %get3A_2074 : vector<1x1x16xf32> to vector<16xf32>
        %add3A_2076 = arith.addf %scan3A_2012, %get3A_2075 : vector<16xf32>
        %add3A_2077 = arith.constant 64 : i32
        %add3A_2078 = arith.addi %add3A_2077, %scan3A_2005 : i32
        %get3A_2079 = arith.constant 0 : i32
        %get3A_2080 = arith.index_cast %get3A_2079 : i32 to index
        %get3A_2081 = arith.index_cast %add3A_2078 : i32 to index
        %get3A_2082 = arith.constant 112 : index
        %get3A_2083 = tpu.vector_load %arg7[%get3A_2080, %get3A_2081, %get3A_2082] {strides = array<i32>} : memref<4x128x128xf32, #tpu.memory_space<vmem>>, vector<1x1x16xf32>,
        %get3A_2084 = vector.shape_cast %get3A_2083 : vector<1x1x16xf32> to vector<16xf32>
        %add3A_2085 = arith.addf %scan3A_2013, %get3A_2084 : vector<16xf32>
        scf.yield %add3A_2022, %add3A_2031, %add3A_2040, %add3A_2049, %add3A_2058, %add3A_2067, %add3A_2076, %add3A_2085 : vector<16xf32>, vector<16xf32>, vector<16xf32>, vector<16xf32>, vector<16xf32>, vector<16xf32>, vector<16xf32>, vector<16xf32>
      }
      %scan3A_583 = arith.constant 32 : i32
      %mul3A_584 = arith.constant 3.125000e-02 : f32
      %mul3A_585 = vector.broadcast %mul3A_584 : f32 to vector<16xf32>
      %mul3A_586 = arith.mulf %scan3A_582#0, %mul3A_585 : vector<16xf32>
      %swap3A_587 = arith.constant 2 : i32
      %swap3A_588 = arith.index_cast %swap3A_587 : i32 to index
      %swap3A_589 = arith.constant 0 : index
      %swap3A_590 = tpu.vector_load %arg8[%swap3A_588, %swap3A_589] {strides = array<i32>} : memref<4x128xf32, #tpu.memory_space<vmem>>, vector<1x16xf32>,
      %swap3A_591 = vector.shape_cast %swap3A_590 : vector<1x16xf32> to vector<16xf32>
      %swap3A_592 = vector.shape_cast %mul3A_586 : vector<16xf32> to vector<1x16xf32>
      tpu.vector_store %arg8[%swap3A_588, %swap3A_589], %swap3A_592 {strides = array<i32>} : memref<4x128xf32, #tpu.memory_space<vmem>>, vector<1x16xf32>,
      %mul3A_593 = arith.constant 3.125000e-02 : f32
      %mul3A_594 = vector.broadcast %mul3A_593 : f32 to vector<16xf32>
      %mul3A_595 = arith.mulf %scan3A_582#1, %mul3A_594 : vector<16xf32>
      %swap3A_596 = arith.constant 2 : i32
      %swap3A_597 = arith.index_cast %swap3A_596 : i32 to index
      %swap3A_598 = arith.constant 16 : index
      %swap3A_599 = tpu.vector_load %arg8[%swap3A_597, %swap3A_598] {strides = array<i32>} : memref<4x128xf32, #tpu.memory_space<vmem>>, vector<1x16xf32>,
      %swap3A_600 = vector.shape_cast %swap3A_599 : vector<1x16xf32> to vector<16xf32>
      %swap3A_601 = vector.shape_cast %mul3A_595 : vector<16xf32> to vector<1x16xf32>
      tpu.vector_store %arg8[%swap3A_597, %swap3A_598], %swap3A_601 {strides = array<i32>} : memref<4x128xf32, #tpu.memory_space<vmem>>, vector<1x16xf32>,
      %mul3A_602 = arith.constant 3.125000e-02 : f32
      %mul3A_603 = vector.broadcast %mul3A_602 : f32 to vector<16xf32>
      %mul3A_604 = arith.mulf %scan3A_582#2, %mul3A_603 : vector<16xf32>
      %swap3A_605 = arith.constant 2 : i32
      %swap3A_606 = arith.index_cast %swap3A_605 : i32 to index
      %swap3A_607 = arith.constant 32 : index
      %swap3A_608 = tpu.vector_load %arg8[%swap3A_606, %swap3A_607] {strides = array<i32>} : memref<4x128xf32, #tpu.memory_space<vmem>>, vector<1x16xf32>,
      %swap3A_609 = vector.shape_cast %swap3A_608 : vector<1x16xf32> to vector<16xf32>
      %swap3A_610 = vector.shape_cast %mul3A_604 : vector<16xf32> to vector<1x16xf32>
      tpu.vector_store %arg8[%swap3A_606, %swap3A_607], %swap3A_610 {strides = array<i32>} : memref<4x128xf32, #tpu.memory_space<vmem>>, vector<1x16xf32>,
      %mul3A_611 = arith.constant 3.125000e-02 : f32
      %mul3A_612 = vector.broadcast %mul3A_611 : f32 to vector<16xf32>
      %mul3A_613 = arith.mulf %scan3A_582#3, %mul3A_612 : vector<16xf32>
      %swap3A_614 = arith.constant 2 : i32
      %swap3A_615 = arith.index_cast %swap3A_614 : i32 to index
      %swap3A_616 = arith.constant 48 : index
      %swap3A_617 = tpu.vector_load %arg8[%swap3A_615, %swap3A_616] {strides = array<i32>} : memref<4x128xf32, #tpu.memory_space<vmem>>, vector<1x16xf32>,
      %swap3A_618 = vector.shape_cast %swap3A_617 : vector<1x16xf32> to vector<16xf32>
      %swap3A_619 = vector.shape_cast %mul3A_613 : vector<16xf32> to vector<1x16xf32>
      tpu.vector_store %arg8[%swap3A_615, %swap3A_616], %swap3A_619 {strides = array<i32>} : memref<4x128xf32, #tpu.memory_space<vmem>>, vector<1x16xf32>,
      %mul3A_620 = arith.constant 3.125000e-02 : f32
      %mul3A_621 = vector.broadcast %mul3A_620 : f32 to vector<16xf32>
      %mul3A_622 = arith.mulf %scan3A_582#4, %mul3A_621 : vector<16xf32>
      %swap3A_623 = arith.constant 2 : i32
      %swap3A_624 = arith.index_cast %swap3A_623 : i32 to index
      %swap3A_625 = arith.constant 64 : index
      %swap3A_626 = tpu.vector_load %arg8[%swap3A_624, %swap3A_625] {strides = array<i32>} : memref<4x128xf32, #tpu.memory_space<vmem>>, vector<1x16xf32>,
      %swap3A_627 = vector.shape_cast %swap3A_626 : vector<1x16xf32> to vector<16xf32>
      %swap3A_628 = vector.shape_cast %mul3A_622 : vector<16xf32> to vector<1x16xf32>
      tpu.vector_store %arg8[%swap3A_624, %swap3A_625], %swap3A_628 {strides = array<i32>} : memref<4x128xf32, #tpu.memory_space<vmem>>, vector<1x16xf32>,
      %mul3A_629 = arith.constant 3.125000e-02 : f32
      %mul3A_630 = vector.broadcast %mul3A_629 : f32 to vector<16xf32>
      %mul3A_631 = arith.mulf %scan3A_582#5, %mul3A_630 : vector<16xf32>
      %swap3A_632 = arith.constant 2 : i32
      %swap3A_633 = arith.index_cast %swap3A_632 : i32 to index
      %swap3A_634 = arith.constant 80 : index
      %swap3A_635 = tpu.vector_load %arg8[%swap3A_633, %swap3A_634] {strides = array<i32>} : memref<4x128xf32, #tpu.memory_space<vmem>>, vector<1x16xf32>,
      %swap3A_636 = vector.shape_cast %swap3A_635 : vector<1x16xf32> to vector<16xf32>
      %swap3A_637 = vector.shape_cast %mul3A_631 : vector<16xf32> to vector<1x16xf32>
      tpu.vector_store %arg8[%swap3A_633, %swap3A_634], %swap3A_637 {strides = array<i32>} : memref<4x128xf32, #tpu.memory_space<vmem>>, vector<1x16xf32>,
      %mul3A_638 = arith.constant 3.125000e-02 : f32
      %mul3A_639 = vector.broadcast %mul3A_638 : f32 to vector<16xf32>
      %mul3A_640 = arith.mulf %scan3A_582#6, %mul3A_639 : vector<16xf32>
      %swap3A_641 = arith.constant 2 : i32
      %swap3A_642 = arith.index_cast %swap3A_641 : i32 to index
      %swap3A_643 = arith.constant 96 : index
      %swap3A_644 = tpu.vector_load %arg8[%swap3A_642, %swap3A_643] {strides = array<i32>} : memref<4x128xf32, #tpu.memory_space<vmem>>, vector<1x16xf32>,
      %swap3A_645 = vector.shape_cast %swap3A_644 : vector<1x16xf32> to vector<16xf32>
      %swap3A_646 = vector.shape_cast %mul3A_640 : vector<16xf32> to vector<1x16xf32>
      tpu.vector_store %arg8[%swap3A_642, %swap3A_643], %swap3A_646 {strides = array<i32>} : memref<4x128xf32, #tpu.memory_space<vmem>>, vector<1x16xf32>,
      %mul3A_647 = arith.constant 3.125000e-02 : f32
      %mul3A_648 = vector.broadcast %mul3A_647 : f32 to vector<16xf32>
      %mul3A_649 = arith.mulf %scan3A_582#7, %mul3A_648 : vector<16xf32>
      %swap3A_650 = arith.constant 2 : i32
      %swap3A_651 = arith.index_cast %swap3A_650 : i32 to index
      %swap3A_652 = arith.constant 112 : index
      %swap3A_653 = tpu.vector_load %arg8[%swap3A_651, %swap3A_652] {strides = array<i32>} : memref<4x128xf32, #tpu.memory_space<vmem>>, vector<1x16xf32>,
      %swap3A_654 = vector.shape_cast %swap3A_653 : vector<1x16xf32> to vector<16xf32>
      %swap3A_655 = vector.shape_cast %mul3A_649 : vector<16xf32> to vector<1x16xf32>
      tpu.vector_store %arg8[%swap3A_651, %swap3A_652], %swap3A_655 {strides = array<i32>} : memref<4x128xf32, #tpu.memory_space<vmem>>, vector<1x16xf32>,
      %broadcast_in_dim3A_656 = arith.constant 0.000000e+00 : f32
      %broadcast_in_dim3A_657 = vector.broadcast %broadcast_in_dim3A_656 : f32 to vector<16xf32>
      %broadcast_in_dim3A_658 = arith.constant 0.000000e+00 : f32
      %broadcast_in_dim3A_659 = vector.broadcast %broadcast_in_dim3A_658 : f32 to vector<16xf32>
      %broadcast_in_dim3A_660 = arith.constant 0.000000e+00 : f32
      %broadcast_in_dim3A_661 = vector.broadcast %broadcast_in_dim3A_660 : f32 to vector<16xf32>
      %broadcast_in_dim3A_662 = arith.constant 0.000000e+00 : f32
      %broadcast_in_dim3A_663 = vector.broadcast %broadcast_in_dim3A_662 : f32 to vector<16xf32>
      %broadcast_in_dim3A_664 = arith.constant 0.000000e+00 : f32
      %broadcast_in_dim3A_665 = vector.broadcast %broadcast_in_dim3A_664 : f32 to vector<16xf32>
      %broadcast_in_dim3A_666 = arith.constant 0.000000e+00 : f32
      %broadcast_in_dim3A_667 = vector.broadcast %broadcast_in_dim3A_666 : f32 to vector<16xf32>
      %broadcast_in_dim3A_668 = arith.constant 0.000000e+00 : f32
      %broadcast_in_dim3A_669 = vector.broadcast %broadcast_in_dim3A_668 : f32 to vector<16xf32>
      %broadcast_in_dim3A_670 = arith.constant 0.000000e+00 : f32
      %broadcast_in_dim3A_671 = vector.broadcast %broadcast_in_dim3A_670 : f32 to vector<16xf32>
      %scan3A_672 = arith.constant 0 : i32
      %scan3A_673 = arith.constant 32 : i32
      %scan3A_674 = arith.addi %scan3A_672, %scan3A_673 : i32
      %scan3A_675 = arith.constant 1 : i32
      %scan3A_676:8 = scf.for %scan3A_2005 = %scan3A_672 to %scan3A_674 step %scan3A_675 iter_args(%scan3A_2006 = %broadcast_in_dim3A_657, %scan3A_2007 = %broadcast_in_dim3A_659, %scan3A_2008 = %broadcast_in_dim3A_661, %scan3A_2009 = %broadcast_in_dim3A_663, %scan3A_2010 = %broadcast_in_dim3A_665, %scan3A_2011 = %broadcast_in_dim3A_667, %scan3A_2012 = %broadcast_in_dim3A_669, %scan3A_2013 = %broadcast_in_dim3A_671) -> (vector<16xf32>, vector<16xf32>, vector<16xf32>, vector<16xf32>, vector<16xf32>, vector<16xf32>, vector<16xf32>, vector<16xf32>)  : i32 {
        %add3A_2014 = arith.constant 96 : i32
        %add3A_2015 = arith.addi %add3A_2014, %scan3A_2005 : i32
        %get3A_2016 = arith.constant 0 : i32
        %get3A_2017 = arith.index_cast %get3A_2016 : i32 to index
        %get3A_2018 = arith.index_cast %add3A_2015 : i32 to index
        %get3A_2019 = arith.constant 0 : index
        %get3A_2020 = tpu.vector_load %arg7[%get3A_2017, %get3A_2018, %get3A_2019] {strides = array<i32>} : memref<4x128x128xf32, #tpu.memory_space<vmem>>, vector<1x1x16xf32>,
        %get3A_2021 = vector.shape_cast %get3A_2020 : vector<1x1x16xf32> to vector<16xf32>
        %add3A_2022 = arith.addf %scan3A_2006, %get3A_2021 : vector<16xf32>
        %add3A_2023 = arith.constant 96 : i32
        %add3A_2024 = arith.addi %add3A_2023, %scan3A_2005 : i32
        %get3A_2025 = arith.constant 0 : i32
        %get3A_2026 = arith.index_cast %get3A_2025 : i32 to index
        %get3A_2027 = arith.index_cast %add3A_2024 : i32 to index
        %get3A_2028 = arith.constant 16 : index
        %get3A_2029 = tpu.vector_load %arg7[%get3A_2026, %get3A_2027, %get3A_2028] {strides = array<i32>} : memref<4x128x128xf32, #tpu.memory_space<vmem>>, vector<1x1x16xf32>,
        %get3A_2030 = vector.shape_cast %get3A_2029 : vector<1x1x16xf32> to vector<16xf32>
        %add3A_2031 = arith.addf %scan3A_2007, %get3A_2030 : vector<16xf32>
        %add3A_2032 = arith.constant 96 : i32
        %add3A_2033 = arith.addi %add3A_2032, %scan3A_2005 : i32
        %get3A_2034 = arith.constant 0 : i32
        %get3A_2035 = arith.index_cast %get3A_2034 : i32 to index
        %get3A_2036 = arith.index_cast %add3A_2033 : i32 to index
        %get3A_2037 = arith.constant 32 : index
        %get3A_2038 = tpu.vector_load %arg7[%get3A_2035, %get3A_2036, %get3A_2037] {strides = array<i32>} : memref<4x128x128xf32, #tpu.memory_space<vmem>>, vector<1x1x16xf32>,
        %get3A_2039 = vector.shape_cast %get3A_2038 : vector<1x1x16xf32> to vector<16xf32>
        %add3A_2040 = arith.addf %scan3A_2008, %get3A_2039 : vector<16xf32>
        %add3A_2041 = arith.constant 96 : i32
        %add3A_2042 = arith.addi %add3A_2041, %scan3A_2005 : i32
        %get3A_2043 = arith.constant 0 : i32
        %get3A_2044 = arith.index_cast %get3A_2043 : i32 to index
        %get3A_2045 = arith.index_cast %add3A_2042 : i32 to index
        %get3A_2046 = arith.constant 48 : index
        %get3A_2047 = tpu.vector_load %arg7[%get3A_2044, %get3A_2045, %get3A_2046] {strides = array<i32>} : memref<4x128x128xf32, #tpu.memory_space<vmem>>, vector<1x1x16xf32>,
        %get3A_2048 = vector.shape_cast %get3A_2047 : vector<1x1x16xf32> to vector<16xf32>
        %add3A_2049 = arith.addf %scan3A_2009, %get3A_2048 : vector<16xf32>
        %add3A_2050 = arith.constant 96 : i32
        %add3A_2051 = arith.addi %add3A_2050, %scan3A_2005 : i32
        %get3A_2052 = arith.constant 0 : i32
        %get3A_2053 = arith.index_cast %get3A_2052 : i32 to index
        %get3A_2054 = arith.index_cast %add3A_2051 : i32 to index
        %get3A_2055 = arith.constant 64 : index
        %get3A_2056 = tpu.vector_load %arg7[%get3A_2053, %get3A_2054, %get3A_2055] {strides = array<i32>} : memref<4x128x128xf32, #tpu.memory_space<vmem>>, vector<1x1x16xf32>,
        %get3A_2057 = vector.shape_cast %get3A_2056 : vector<1x1x16xf32> to vector<16xf32>
        %add3A_2058 = arith.addf %scan3A_2010, %get3A_2057 : vector<16xf32>
        %add3A_2059 = arith.constant 96 : i32
        %add3A_2060 = arith.addi %add3A_2059, %scan3A_2005 : i32
        %get3A_2061 = arith.constant 0 : i32
        %get3A_2062 = arith.index_cast %get3A_2061 : i32 to index
        %get3A_2063 = arith.index_cast %add3A_2060 : i32 to index
        %get3A_2064 = arith.constant 80 : index
        %get3A_2065 = tpu.vector_load %arg7[%get3A_2062, %get3A_2063, %get3A_2064] {strides = array<i32>} : memref<4x128x128xf32, #tpu.memory_space<vmem>>, vector<1x1x16xf32>,
        %get3A_2066 = vector.shape_cast %get3A_2065 : vector<1x1x16xf32> to vector<16xf32>
        %add3A_2067 = arith.addf %scan3A_2011, %get3A_2066 : vector<16xf32>
        %add3A_2068 = arith.constant 96 : i32
        %add3A_2069 = arith.addi %add3A_2068, %scan3A_2005 : i32
        %get3A_2070 = arith.constant 0 : i32
        %get3A_2071 = arith.index_cast %get3A_2070 : i32 to index
        %get3A_2072 = arith.index_cast %add3A_2069 : i32 to index
        %get3A_2073 = arith.constant 96 : index
        %get3A_2074 = tpu.vector_load %arg7[%get3A_2071, %get3A_2072, %get3A_2073] {strides = array<i32>} : memref<4x128x128xf32, #tpu.memory_space<vmem>>, vector<1x1x16xf32>,
        %get3A_2075 = vector.shape_cast %get3A_2074 : vector<1x1x16xf32> to vector<16xf32>
        %add3A_2076 = arith.addf %scan3A_2012, %get3A_2075 : vector<16xf32>
        %add3A_2077 = arith.constant 96 : i32
        %add3A_2078 = arith.addi %add3A_2077, %scan3A_2005 : i32
        %get3A_2079 = arith.constant 0 : i32
        %get3A_2080 = arith.index_cast %get3A_2079 : i32 to index
        %get3A_2081 = arith.index_cast %add3A_2078 : i32 to index
        %get3A_2082 = arith.constant 112 : index
        %get3A_2083 = tpu.vector_load %arg7[%get3A_2080, %get3A_2081, %get3A_2082] {strides = array<i32>} : memref<4x128x128xf32, #tpu.memory_space<vmem>>, vector<1x1x16xf32>,
        %get3A_2084 = vector.shape_cast %get3A_2083 : vector<1x1x16xf32> to vector<16xf32>
        %add3A_2085 = arith.addf %scan3A_2013, %get3A_2084 : vector<16xf32>
        scf.yield %add3A_2022, %add3A_2031, %add3A_2040, %add3A_2049, %add3A_2058, %add3A_2067, %add3A_2076, %add3A_2085 : vector<16xf32>, vector<16xf32>, vector<16xf32>, vector<16xf32>, vector<16xf32>, vector<16xf32>, vector<16xf32>, vector<16xf32>
      }
      %scan3A_677 = arith.constant 32 : i32
      %mul3A_678 = arith.constant 3.125000e-02 : f32
      %mul3A_679 = vector.broadcast %mul3A_678 : f32 to vector<16xf32>
      %mul3A_680 = arith.mulf %scan3A_676#0, %mul3A_679 : vector<16xf32>
      %swap3A_681 = arith.constant 3 : i32
      %swap3A_682 = arith.index_cast %swap3A_681 : i32 to index
      %swap3A_683 = arith.constant 0 : index
      %swap3A_684 = tpu.vector_load %arg8[%swap3A_682, %swap3A_683] {strides = array<i32>} : memref<4x128xf32, #tpu.memory_space<vmem>>, vector<1x16xf32>,
      %swap3A_685 = vector.shape_cast %swap3A_684 : vector<1x16xf32> to vector<16xf32>
      %swap3A_686 = vector.shape_cast %mul3A_680 : vector<16xf32> to vector<1x16xf32>
      tpu.vector_store %arg8[%swap3A_682, %swap3A_683], %swap3A_686 {strides = array<i32>} : memref<4x128xf32, #tpu.memory_space<vmem>>, vector<1x16xf32>,
      %mul3A_687 = arith.constant 3.125000e-02 : f32
      %mul3A_688 = vector.broadcast %mul3A_687 : f32 to vector<16xf32>
      %mul3A_689 = arith.mulf %scan3A_676#1, %mul3A_688 : vector<16xf32>
      %swap3A_690 = arith.constant 3 : i32
      %swap3A_691 = arith.index_cast %swap3A_690 : i32 to index
      %swap3A_692 = arith.constant 16 : index
      %swap3A_693 = tpu.vector_load %arg8[%swap3A_691, %swap3A_692] {strides = array<i32>} : memref<4x128xf32, #tpu.memory_space<vmem>>, vector<1x16xf32>,
      %swap3A_694 = vector.shape_cast %swap3A_693 : vector<1x16xf32> to vector<16xf32>
      %swap3A_695 = vector.shape_cast %mul3A_689 : vector<16xf32> to vector<1x16xf32>
      tpu.vector_store %arg8[%swap3A_691, %swap3A_692], %swap3A_695 {strides = array<i32>} : memref<4x128xf32, #tpu.memory_space<vmem>>, vector<1x16xf32>,
      %mul3A_696 = arith.constant 3.125000e-02 : f32
      %mul3A_697 = vector.broadcast %mul3A_696 : f32 to vector<16xf32>
      %mul3A_698 = arith.mulf %scan3A_676#2, %mul3A_697 : vector<16xf32>
      %swap3A_699 = arith.constant 3 : i32
      %swap3A_700 = arith.index_cast %swap3A_699 : i32 to index
      %swap3A_701 = arith.constant 32 : index
      %swap3A_702 = tpu.vector_load %arg8[%swap3A_700, %swap3A_701] {strides = array<i32>} : memref<4x128xf32, #tpu.memory_space<vmem>>, vector<1x16xf32>,
      %swap3A_703 = vector.shape_cast %swap3A_702 : vector<1x16xf32> to vector<16xf32>
      %swap3A_704 = vector.shape_cast %mul3A_698 : vector<16xf32> to vector<1x16xf32>
      tpu.vector_store %arg8[%swap3A_700, %swap3A_701], %swap3A_704 {strides = array<i32>} : memref<4x128xf32, #tpu.memory_space<vmem>>, vector<1x16xf32>,
      %mul3A_705 = arith.constant 3.125000e-02 : f32
      %mul3A_706 = vector.broadcast %mul3A_705 : f32 to vector<16xf32>
      %mul3A_707 = arith.mulf %scan3A_676#3, %mul3A_706 : vector<16xf32>
      %swap3A_708 = arith.constant 3 : i32
      %swap3A_709 = arith.index_cast %swap3A_708 : i32 to index
      %swap3A_710 = arith.constant 48 : index
      %swap3A_711 = tpu.vector_load %arg8[%swap3A_709, %swap3A_710] {strides = array<i32>} : memref<4x128xf32, #tpu.memory_space<vmem>>, vector<1x16xf32>,
      %swap3A_712 = vector.shape_cast %swap3A_711 : vector<1x16xf32> to vector<16xf32>
      %swap3A_713 = vector.shape_cast %mul3A_707 : vector<16xf32> to vector<1x16xf32>
      tpu.vector_store %arg8[%swap3A_709, %swap3A_710], %swap3A_713 {strides = array<i32>} : memref<4x128xf32, #tpu.memory_space<vmem>>, vector<1x16xf32>,
      %mul3A_714 = arith.constant 3.125000e-02 : f32
      %mul3A_715 = vector.broadcast %mul3A_714 : f32 to vector<16xf32>
      %mul3A_716 = arith.mulf %scan3A_676#4, %mul3A_715 : vector<16xf32>
      %swap3A_717 = arith.constant 3 : i32
      %swap3A_718 = arith.index_cast %swap3A_717 : i32 to index
      %swap3A_719 = arith.constant 64 : index
      %swap3A_720 = tpu.vector_load %arg8[%swap3A_718, %swap3A_719] {strides = array<i32>} : memref<4x128xf32, #tpu.memory_space<vmem>>, vector<1x16xf32>,
      %swap3A_721 = vector.shape_cast %swap3A_720 : vector<1x16xf32> to vector<16xf32>
      %swap3A_722 = vector.shape_cast %mul3A_716 : vector<16xf32> to vector<1x16xf32>
      tpu.vector_store %arg8[%swap3A_718, %swap3A_719], %swap3A_722 {strides = array<i32>} : memref<4x128xf32, #tpu.memory_space<vmem>>, vector<1x16xf32>,
      %mul3A_723 = arith.constant 3.125000e-02 : f32
      %mul3A_724 = vector.broadcast %mul3A_723 : f32 to vector<16xf32>
      %mul3A_725 = arith.mulf %scan3A_676#5, %mul3A_724 : vector<16xf32>
      %swap3A_726 = arith.constant 3 : i32
      %swap3A_727 = arith.index_cast %swap3A_726 : i32 to index
      %swap3A_728 = arith.constant 80 : index
      %swap3A_729 = tpu.vector_load %arg8[%swap3A_727, %swap3A_728] {strides = array<i32>} : memref<4x128xf32, #tpu.memory_space<vmem>>, vector<1x16xf32>,
      %swap3A_730 = vector.shape_cast %swap3A_729 : vector<1x16xf32> to vector<16xf32>
      %swap3A_731 = vector.shape_cast %mul3A_725 : vector<16xf32> to vector<1x16xf32>
      tpu.vector_store %arg8[%swap3A_727, %swap3A_728], %swap3A_731 {strides = array<i32>} : memref<4x128xf32, #tpu.memory_space<vmem>>, vector<1x16xf32>,
      %mul3A_732 = arith.constant 3.125000e-02 : f32
      %mul3A_733 = vector.broadcast %mul3A_732 : f32 to vector<16xf32>
      %mul3A_734 = arith.mulf %scan3A_676#6, %mul3A_733 : vector<16xf32>
      %swap3A_735 = arith.constant 3 : i32
      %swap3A_736 = arith.index_cast %swap3A_735 : i32 to index
      %swap3A_737 = arith.constant 96 : index
      %swap3A_738 = tpu.vector_load %arg8[%swap3A_736, %swap3A_737] {strides = array<i32>} : memref<4x128xf32, #tpu.memory_space<vmem>>, vector<1x16xf32>,
      %swap3A_739 = vector.shape_cast %swap3A_738 : vector<1x16xf32> to vector<16xf32>
      %swap3A_740 = vector.shape_cast %mul3A_734 : vector<16xf32> to vector<1x16xf32>
      tpu.vector_store %arg8[%swap3A_736, %swap3A_737], %swap3A_740 {strides = array<i32>} : memref<4x128xf32, #tpu.memory_space<vmem>>, vector<1x16xf32>,
      %mul3A_741 = arith.constant 3.125000e-02 : f32
      %mul3A_742 = vector.broadcast %mul3A_741 : f32 to vector<16xf32>
      %mul3A_743 = arith.mulf %scan3A_676#7, %mul3A_742 : vector<16xf32>
      %swap3A_744 = arith.constant 3 : i32
      %swap3A_745 = arith.index_cast %swap3A_744 : i32 to index
      %swap3A_746 = arith.constant 112 : index
      %swap3A_747 = tpu.vector_load %arg8[%swap3A_745, %swap3A_746] {strides = array<i32>} : memref<4x128xf32, #tpu.memory_space<vmem>>, vector<1x16xf32>,
      %swap3A_748 = vector.shape_cast %swap3A_747 : vector<1x16xf32> to vector<16xf32>
      %swap3A_749 = vector.shape_cast %mul3A_743 : vector<16xf32> to vector<1x16xf32>
      tpu.vector_store %arg8[%swap3A_745, %swap3A_746], %swap3A_749 {strides = array<i32>} : memref<4x128xf32, #tpu.memory_space<vmem>>, vector<1x16xf32>,
      %mul3A_750 = arith.constant 4 : i32
      %mul3A_751 = arith.muli %add3A_349, %mul3A_750 : i32
      %add3A_752 = arith.addi %mul3A_2, %mul3A_751 : i32
      %dma_start3A_753 = arith.constant 0 : i32
      %dma_start3A_754 = tpu.memref_slice %arg4[%add3A_752, %dma_start3A_753] : memref<16384x128xf32, #tpu.memory_space<hbm>> -> memref<4x128xf32, #tpu.memory_space<hbm>>
      %dma_start3A_755 = arith.constant 0 : i32
      %dma_start3A_756 = tpu.memref_slice %arg4[%add3A_752, %dma_start3A_755] : memref<16384x128xf32, #tpu.memory_space<hbm>> -> memref<4x128xf32, #tpu.memory_space<hbm>>
      tpu.enqueue_dma source(%arg8 : memref<4x128xf32, #tpu.memory_space<vmem>>) target(%dma_start3A_756 : memref<4x128xf32, #tpu.memory_space<hbm>>) target_semaphore(%arg13 : memref<!tpu.dma_semaphore, #tpu.memory_space<semaphore_mem>>)
      %add3A_757 = arith.constant 1 : i32
      %add3A_758 = arith.addi %add3A_347, %add3A_757 : i32
      %dma_wait3A_759 = arith.constant 1 : i32
      %dma_wait3A_760 = arith.constant 1 : i32
      %dma_wait3A_761 = arith.constant 0 : i32
      %dma_wait3A_762 = arith.constant 0 : i32
      %dma_wait3A_763 = tpu.memref_slice %arg7[%dma_wait3A_760, %dma_wait3A_761, %dma_wait3A_762] : memref<4x128x128xf32, #tpu.memory_space<vmem>> -> memref<1x128x128xf32, #tpu.memory_space<vmem>>
      %dma_wait3A_764 = tpu.memref_squeeze %dma_wait3A_763 : memref<1x128x128xf32, #tpu.memory_space<vmem>> -> memref<128x128xf32, #tpu.memory_space<vmem>>
      %dma_wait3A_765 = arith.constant 0 : i32
      %dma_wait3A_766 = tpu.memref_slice %arg6[%dma_wait3A_759, %dma_wait3A_765] : memref<4x128xi32, #tpu.memory_space<vmem>> -> memref<1x128xi32, #tpu.memory_space<vmem>>
      %dma_wait3A_767 = tpu.memref_squeeze %dma_wait3A_766 : memref<1x128xi32, #tpu.memory_space<vmem>> -> memref<128xi32, #tpu.memory_space<vmem>>
      %dma_wait3A_768 = arith.constant 0 : i32
      %dma_wait3A_769 = arith.constant 0 : i32
      %dma_wait3A_770 = tpu.memref_slice %arg3[%dma_wait3A_768, %dma_wait3A_769] : memref<100000x128xf32, #tpu.memory_space<hbm>> -> memref<100000x128xf32, #tpu.memory_space<hbm>>
      tpu.wait_indirect_dma semaphore(%arg10 : memref<!tpu.dma_semaphore, #tpu.memory_space<semaphore_mem>>) src(%dma_wait3A_770 : memref<100000x128xf32, #tpu.memory_space<hbm>>) dst(%dma_wait3A_764 : memref<128x128xf32, #tpu.memory_space<vmem>>)
      %add3A_771 = arith.constant 4 : i32
      %add3A_772 = arith.addi %add3A_758, %add3A_771 : i32
      %sub3A_773 = arith.constant 1 : i32
      %sub3A_774 = arith.subi %add3A_772, %sub3A_773 : i32
      %eq3A_775 = arith.constant 64 : i32
      %eq3A_776 = arith.cmpi eq, %sub3A_774, %eq3A_775 : i32
      %convert_element_type3A_777 = arith.extui %eq3A_776 : i1 to i32
      %cond3A_778 = arith.constant 0 : i32
      %cond3A_779 = arith.cmpi ne, %convert_element_type3A_777, %cond3A_778 : i32
      scf.if %cond3A_779 {
        %mul3A_2005 = arith.constant 128 : i32
        %mul3A_2006 = arith.muli %add3A, %mul3A_2005 : i32
        %add3A_2007 = arith.constant 64 : i32
        %add3A_2008 = arith.addi %mul3A_2006, %add3A_2007 : i32
        "tpu.region"() ({
          %run_scoped3A = tpu.sem_alloc : memref<!tpu.dma_semaphore, #tpu.memory_space<semaphore_mem>>
          %dma_start3A_2009 = arith.constant 0 : i32
          %dma_start3A_2010 = arith.constant 0 : i32
          %dma_start3A_2011 = tpu.memref_slice %arg2[%add3A_2008, %dma_start3A_2009, %dma_start3A_2010] : memref<4096x4x32xi32, #tpu.memory_space<hbm>> -> memref<64x4x32xi32, #tpu.memory_space<hbm>>
          %dma_start3A_2012 = arith.constant 0 : i32
          %dma_start3A_2013 = arith.constant 0 : i32
          %dma_start3A_2014 = tpu.memref_slice %arg2[%add3A_2008, %dma_start3A_2012, %dma_start3A_2013] : memref<4096x4x32xi32, #tpu.memory_space<hbm>> -> memref<64x4x32xi32, #tpu.memory_space<hbm>>
          tpu.enqueue_dma source(%dma_start3A_2014 : memref<64x4x32xi32, #tpu.memory_space<hbm>>) target(%arg5 : memref<64x4x32xi32, #tpu.memory_space<vmem>>) target_semaphore(%run_scoped3A : memref<!tpu.dma_semaphore, #tpu.memory_space<semaphore_mem>>)
          %dma_wait3A_2015 = arith.constant 0 : i32
          %dma_wait3A_2016 = arith.constant 0 : i32
          %dma_wait3A_2017 = tpu.memref_slice %arg2[%add3A_2008, %dma_wait3A_2015, %dma_wait3A_2016] : memref<4096x4x32xi32, #tpu.memory_space<hbm>> -> memref<64x4x32xi32, #tpu.memory_space<hbm>>
          %dma_wait3A_2018 = arith.constant 0 : i32
          %dma_wait3A_2019 = arith.constant 0 : i32
          %dma_wait3A_2020 = tpu.memref_slice %arg2[%add3A_2008, %dma_wait3A_2018, %dma_wait3A_2019] : memref<4096x4x32xi32, #tpu.memory_space<hbm>> -> memref<64x4x32xi32, #tpu.memory_space<hbm>>
          tpu.wait_dma2 semaphore(%run_scoped3A : memref<!tpu.dma_semaphore, #tpu.memory_space<semaphore_mem>>) src(%dma_wait3A_2020 : memref<64x4x32xi32, #tpu.memory_space<hbm>>) dst(%arg5 : memref<64x4x32xi32, #tpu.memory_space<vmem>>)
          tpu.yield
        }) : () -> ()
      } else {
      }
      %lt3A_780 = arith.constant 128 : i32
      %lt3A_781 = arith.cmpi slt, %sub3A_774, %lt3A_780 : i32
      %convert_element_type3A_782 = arith.extui %lt3A_781 : i1 to i32
      %cond3A_783 = arith.constant 0 : i32
      %cond3A_784 = arith.cmpi ne, %convert_element_type3A_782, %cond3A_783 : i32
      scf.if %cond3A_784 {
        %rem3A_2005 = arith.constant 64 : i32
        %rem3A_2006 = arith.remsi %sub3A_774, %rem3A_2005 : i32
        %get3A_2007 = arith.constant 0 : i32
        %get3A_2008 = arith.index_cast %rem3A_2006 : i32 to index
        %get3A_2009 = arith.index_cast %get3A_2007 : i32 to index
        %get3A_2010 = arith.constant 0 : index
        %get3A_2011 = tpu.vector_load %arg5[%get3A_2008, %get3A_2009, %get3A_2010] {strides = array<i32>} : memref<64x4x32xi32, #tpu.memory_space<vmem>>, vector<1x1x16xi32>,
        %get3A_2012 = vector.shape_cast %get3A_2011 : vector<1x1x16xi32> to vector<16xi32>
        %swap3A_2013 = arith.constant 0 : i32
        %swap3A_2014 = arith.index_cast %swap3A_2013 : i32 to index
        %swap3A_2015 = arith.constant 0 : index
        %swap3A_2016 = tpu.vector_load %arg6[%swap3A_2014, %swap3A_2015] {strides = array<i32>} : memref<4x128xi32, #tpu.memory_space<vmem>>, vector<1x16xi32>,
        %swap3A_2017 = vector.shape_cast %swap3A_2016 : vector<1x16xi32> to vector<16xi32>
        %swap3A_2018 = vector.shape_cast %get3A_2012 : vector<16xi32> to vector<1x16xi32>
        tpu.vector_store %arg6[%swap3A_2014, %swap3A_2015], %swap3A_2018 {strides = array<i32>} : memref<4x128xi32, #tpu.memory_space<vmem>>, vector<1x16xi32>,
        %get3A_2019 = arith.constant 0 : i32
        %get3A_2020 = arith.index_cast %rem3A_2006 : i32 to index
        %get3A_2021 = arith.index_cast %get3A_2019 : i32 to index
        %get3A_2022 = arith.constant 16 : index
        %get3A_2023 = tpu.vector_load %arg5[%get3A_2020, %get3A_2021, %get3A_2022] {strides = array<i32>} : memref<64x4x32xi32, #tpu.memory_space<vmem>>, vector<1x1x16xi32>,
        %get3A_2024 = vector.shape_cast %get3A_2023 : vector<1x1x16xi32> to vector<16xi32>
        %swap3A_2025 = arith.constant 0 : i32
        %swap3A_2026 = arith.index_cast %swap3A_2025 : i32 to index
        %swap3A_2027 = arith.constant 16 : index
        %swap3A_2028 = tpu.vector_load %arg6[%swap3A_2026, %swap3A_2027] {strides = array<i32>} : memref<4x128xi32, #tpu.memory_space<vmem>>, vector<1x16xi32>,
        %swap3A_2029 = vector.shape_cast %swap3A_2028 : vector<1x16xi32> to vector<16xi32>
        %swap3A_2030 = vector.shape_cast %get3A_2024 : vector<16xi32> to vector<1x16xi32>
        tpu.vector_store %arg6[%swap3A_2026, %swap3A_2027], %swap3A_2030 {strides = array<i32>} : memref<4x128xi32, #tpu.memory_space<vmem>>, vector<1x16xi32>,
        %get3A_2031 = arith.constant 1 : i32
        %get3A_2032 = arith.index_cast %rem3A_2006 : i32 to index
        %get3A_2033 = arith.index_cast %get3A_2031 : i32 to index
        %get3A_2034 = arith.constant 0 : index
        %get3A_2035 = tpu.vector_load %arg5[%get3A_2032, %get3A_2033, %get3A_2034] {strides = array<i32>} : memref<64x4x32xi32, #tpu.memory_space<vmem>>, vector<1x1x16xi32>,
        %get3A_2036 = vector.shape_cast %get3A_2035 : vector<1x1x16xi32> to vector<16xi32>
        %swap3A_2037 = arith.constant 0 : i32
        %swap3A_2038 = arith.index_cast %swap3A_2037 : i32 to index
        %swap3A_2039 = arith.constant 32 : index
        %swap3A_2040 = tpu.vector_load %arg6[%swap3A_2038, %swap3A_2039] {strides = array<i32>} : memref<4x128xi32, #tpu.memory_space<vmem>>, vector<1x16xi32>,
        %swap3A_2041 = vector.shape_cast %swap3A_2040 : vector<1x16xi32> to vector<16xi32>
        %swap3A_2042 = vector.shape_cast %get3A_2036 : vector<16xi32> to vector<1x16xi32>
        tpu.vector_store %arg6[%swap3A_2038, %swap3A_2039], %swap3A_2042 {strides = array<i32>} : memref<4x128xi32, #tpu.memory_space<vmem>>, vector<1x16xi32>,
        %get3A_2043 = arith.constant 1 : i32
        %get3A_2044 = arith.index_cast %rem3A_2006 : i32 to index
        %get3A_2045 = arith.index_cast %get3A_2043 : i32 to index
        %get3A_2046 = arith.constant 16 : index
        %get3A_2047 = tpu.vector_load %arg5[%get3A_2044, %get3A_2045, %get3A_2046] {strides = array<i32>} : memref<64x4x32xi32, #tpu.memory_space<vmem>>, vector<1x1x16xi32>,
        %get3A_2048 = vector.shape_cast %get3A_2047 : vector<1x1x16xi32> to vector<16xi32>
        %swap3A_2049 = arith.constant 0 : i32
        %swap3A_2050 = arith.index_cast %swap3A_2049 : i32 to index
        %swap3A_2051 = arith.constant 48 : index
        %swap3A_2052 = tpu.vector_load %arg6[%swap3A_2050, %swap3A_2051] {strides = array<i32>} : memref<4x128xi32, #tpu.memory_space<vmem>>, vector<1x16xi32>,
        %swap3A_2053 = vector.shape_cast %swap3A_2052 : vector<1x16xi32> to vector<16xi32>
        %swap3A_2054 = vector.shape_cast %get3A_2048 : vector<16xi32> to vector<1x16xi32>
        tpu.vector_store %arg6[%swap3A_2050, %swap3A_2051], %swap3A_2054 {strides = array<i32>} : memref<4x128xi32, #tpu.memory_space<vmem>>, vector<1x16xi32>,
        %get3A_2055 = arith.constant 2 : i32
        %get3A_2056 = arith.index_cast %rem3A_2006 : i32 to index
        %get3A_2057 = arith.index_cast %get3A_2055 : i32 to index
        %get3A_2058 = arith.constant 0 : index
        %get3A_2059 = tpu.vector_load %arg5[%get3A_2056, %get3A_2057, %get3A_2058] {strides = array<i32>} : memref<64x4x32xi32, #tpu.memory_space<vmem>>, vector<1x1x16xi32>,
        %get3A_2060 = vector.shape_cast %get3A_2059 : vector<1x1x16xi32> to vector<16xi32>
        %swap3A_2061 = arith.constant 0 : i32
        %swap3A_2062 = arith.index_cast %swap3A_2061 : i32 to index
        %swap3A_2063 = arith.constant 64 : index
        %swap3A_2064 = tpu.vector_load %arg6[%swap3A_2062, %swap3A_2063] {strides = array<i32>} : memref<4x128xi32, #tpu.memory_space<vmem>>, vector<1x16xi32>,
        %swap3A_2065 = vector.shape_cast %swap3A_2064 : vector<1x16xi32> to vector<16xi32>
        %swap3A_2066 = vector.shape_cast %get3A_2060 : vector<16xi32> to vector<1x16xi32>
        tpu.vector_store %arg6[%swap3A_2062, %swap3A_2063], %swap3A_2066 {strides = array<i32>} : memref<4x128xi32, #tpu.memory_space<vmem>>, vector<1x16xi32>,
        %get3A_2067 = arith.constant 2 : i32
        %get3A_2068 = arith.index_cast %rem3A_2006 : i32 to index
        %get3A_2069 = arith.index_cast %get3A_2067 : i32 to index
        %get3A_2070 = arith.constant 16 : index
        %get3A_2071 = tpu.vector_load %arg5[%get3A_2068, %get3A_2069, %get3A_2070] {strides = array<i32>} : memref<64x4x32xi32, #tpu.memory_space<vmem>>, vector<1x1x16xi32>,
        %get3A_2072 = vector.shape_cast %get3A_2071 : vector<1x1x16xi32> to vector<16xi32>
        %swap3A_2073 = arith.constant 0 : i32
        %swap3A_2074 = arith.index_cast %swap3A_2073 : i32 to index
        %swap3A_2075 = arith.constant 80 : index
        %swap3A_2076 = tpu.vector_load %arg6[%swap3A_2074, %swap3A_2075] {strides = array<i32>} : memref<4x128xi32, #tpu.memory_space<vmem>>, vector<1x16xi32>,
        %swap3A_2077 = vector.shape_cast %swap3A_2076 : vector<1x16xi32> to vector<16xi32>
        %swap3A_2078 = vector.shape_cast %get3A_2072 : vector<16xi32> to vector<1x16xi32>
        tpu.vector_store %arg6[%swap3A_2074, %swap3A_2075], %swap3A_2078 {strides = array<i32>} : memref<4x128xi32, #tpu.memory_space<vmem>>, vector<1x16xi32>,
        %get3A_2079 = arith.constant 3 : i32
        %get3A_2080 = arith.index_cast %rem3A_2006 : i32 to index
        %get3A_2081 = arith.index_cast %get3A_2079 : i32 to index
        %get3A_2082 = arith.constant 0 : index
        %get3A_2083 = tpu.vector_load %arg5[%get3A_2080, %get3A_2081, %get3A_2082] {strides = array<i32>} : memref<64x4x32xi32, #tpu.memory_space<vmem>>, vector<1x1x16xi32>,
        %get3A_2084 = vector.shape_cast %get3A_2083 : vector<1x1x16xi32> to vector<16xi32>
        %swap3A_2085 = arith.constant 0 : i32
        %swap3A_2086 = arith.index_cast %swap3A_2085 : i32 to index
        %swap3A_2087 = arith.constant 96 : index
        %swap3A_2088 = tpu.vector_load %arg6[%swap3A_2086, %swap3A_2087] {strides = array<i32>} : memref<4x128xi32, #tpu.memory_space<vmem>>, vector<1x16xi32>,
        %swap3A_2089 = vector.shape_cast %swap3A_2088 : vector<1x16xi32> to vector<16xi32>
        %swap3A_2090 = vector.shape_cast %get3A_2084 : vector<16xi32> to vector<1x16xi32>
        tpu.vector_store %arg6[%swap3A_2086, %swap3A_2087], %swap3A_2090 {strides = array<i32>} : memref<4x128xi32, #tpu.memory_space<vmem>>, vector<1x16xi32>,
        %get3A_2091 = arith.constant 3 : i32
        %get3A_2092 = arith.index_cast %rem3A_2006 : i32 to index
        %get3A_2093 = arith.index_cast %get3A_2091 : i32 to index
        %get3A_2094 = arith.constant 16 : index
        %get3A_2095 = tpu.vector_load %arg5[%get3A_2092, %get3A_2093, %get3A_2094] {strides = array<i32>} : memref<64x4x32xi32, #tpu.memory_space<vmem>>, vector<1x1x16xi32>,
        %get3A_2096 = vector.shape_cast %get3A_2095 : vector<1x1x16xi32> to vector<16xi32>
        %swap3A_2097 = arith.constant 0 : i32
        %swap3A_2098 = arith.index_cast %swap3A_2097 : i32 to index
        %swap3A_2099 = arith.constant 112 : index
        %swap3A_2100 = tpu.vector_load %arg6[%swap3A_2098, %swap3A_2099] {strides = array<i32>} : memref<4x128xi32, #tpu.memory_space<vmem>>, vector<1x16xi32>,
        %swap3A_2101 = vector.shape_cast %swap3A_2100 : vector<1x16xi32> to vector<16xi32>
        %swap3A_2102 = vector.shape_cast %get3A_2096 : vector<16xi32> to vector<1x16xi32>
        tpu.vector_store %arg6[%swap3A_2098, %swap3A_2099], %swap3A_2102 {strides = array<i32>} : memref<4x128xi32, #tpu.memory_space<vmem>>, vector<1x16xi32>,
        %dma_start3A_2103 = arith.constant 0 : i32
        %dma_start3A_2104 = arith.constant 0 : i32
        %dma_start3A_2105 = arith.constant 0 : i32
        %dma_start3A_2106 = arith.constant 0 : i32
        %dma_start3A_2107 = tpu.memref_slice %arg7[%dma_start3A_2104, %dma_start3A_2105, %dma_start3A_2106] : memref<4x128x128xf32, #tpu.memory_space<vmem>> -> memref<1x128x128xf32, #tpu.memory_space<vmem>>
        %dma_start3A_2108 = tpu.memref_squeeze %dma_start3A_2107 : memref<1x128x128xf32, #tpu.memory_space<vmem>> -> memref<128x128xf32, #tpu.memory_space<vmem>>
        %dma_start3A_2109 = arith.constant 0 : i32
        %dma_start3A_2110 = tpu.memref_slice %arg6[%dma_start3A_2103, %dma_start3A_2109] : memref<4x128xi32, #tpu.memory_space<vmem>> -> memref<1x128xi32, #tpu.memory_space<vmem>>
        %dma_start3A_2111 = tpu.memref_squeeze %dma_start3A_2110 : memref<1x128xi32, #tpu.memory_space<vmem>> -> memref<128xi32, #tpu.memory_space<vmem>>
        %dma_start3A_2112 = arith.constant 0 : i32
        %dma_start3A_2113 = arith.constant 0 : i32
        %dma_start3A_2114 = tpu.memref_slice %arg3[%dma_start3A_2112, %dma_start3A_2113] : memref<100000x128xf32, #tpu.memory_space<hbm>> -> memref<100000x128xf32, #tpu.memory_space<hbm>>
        tpu.enqueue_indirect_dma source(%dma_start3A_2114 : memref<100000x128xf32, #tpu.memory_space<hbm>>) target(%dma_start3A_2108 : memref<128x128xf32, #tpu.memory_space<vmem>>) offsets(%dma_start3A_2111 : memref<128xi32, #tpu.memory_space<vmem>>) semaphore(%arg9 : memref<!tpu.dma_semaphore, #tpu.memory_space<semaphore_mem>>)
      } else {
      }
      %ge3A_785 = arith.constant 1 : i32
      %ge3A_786 = arith.cmpi sge, %add3A_758, %ge3A_785 : i32
      %convert_element_type3A_787 = arith.extui %ge3A_786 : i1 to i32
      %cond3A_788 = arith.constant 0 : i32
      %cond3A_789 = arith.cmpi ne, %convert_element_type3A_787, %cond3A_788 : i32
      scf.if %cond3A_789 {
        %sub3A_2005 = arith.constant 1 : i32
        %sub3A_2006 = arith.subi %add3A_758, %sub3A_2005 : i32
        %mul3A_2007 = arith.constant 4 : i32
        %mul3A_2008 = arith.muli %sub3A_2006, %mul3A_2007 : i32
        %add3A_2009 = arith.addi %mul3A_2, %mul3A_2008 : i32
        %dma_wait3A_2010 = arith.constant 0 : i32
        %dma_wait3A_2011 = tpu.memref_slice %arg4[%add3A_2009, %dma_wait3A_2010] : memref<16384x128xf32, #tpu.memory_space<hbm>> -> memref<4x128xf32, #tpu.memory_space<hbm>>
        %dma_wait3A_2012 = arith.constant 0 : i32
        %dma_wait3A_2013 = tpu.memref_slice %arg4[%add3A_2009, %dma_wait3A_2012] : memref<16384x128xf32, #tpu.memory_space<hbm>> -> memref<4x128xf32, #tpu.memory_space<hbm>>
        tpu.wait_dma2 semaphore(%arg13 : memref<!tpu.dma_semaphore, #tpu.memory_space<semaphore_mem>>) src(%arg8 : memref<4x128xf32, #tpu.memory_space<vmem>>) dst(%dma_wait3A_2013 : memref<4x128xf32, #tpu.memory_space<hbm>>)
      } else {
      }
      %broadcast_in_dim3A_790 = arith.constant 0.000000e+00 : f32
      %broadcast_in_dim3A_791 = vector.broadcast %broadcast_in_dim3A_790 : f32 to vector<16xf32>
      %broadcast_in_dim3A_792 = arith.constant 0.000000e+00 : f32
      %broadcast_in_dim3A_793 = vector.broadcast %broadcast_in_dim3A_792 : f32 to vector<16xf32>
      %broadcast_in_dim3A_794 = arith.constant 0.000000e+00 : f32
      %broadcast_in_dim3A_795 = vector.broadcast %broadcast_in_dim3A_794 : f32 to vector<16xf32>
      %broadcast_in_dim3A_796 = arith.constant 0.000000e+00 : f32
      %broadcast_in_dim3A_797 = vector.broadcast %broadcast_in_dim3A_796 : f32 to vector<16xf32>
      %broadcast_in_dim3A_798 = arith.constant 0.000000e+00 : f32
      %broadcast_in_dim3A_799 = vector.broadcast %broadcast_in_dim3A_798 : f32 to vector<16xf32>
      %broadcast_in_dim3A_800 = arith.constant 0.000000e+00 : f32
      %broadcast_in_dim3A_801 = vector.broadcast %broadcast_in_dim3A_800 : f32 to vector<16xf32>
      %broadcast_in_dim3A_802 = arith.constant 0.000000e+00 : f32
      %broadcast_in_dim3A_803 = vector.broadcast %broadcast_in_dim3A_802 : f32 to vector<16xf32>
      %broadcast_in_dim3A_804 = arith.constant 0.000000e+00 : f32
      %broadcast_in_dim3A_805 = vector.broadcast %broadcast_in_dim3A_804 : f32 to vector<16xf32>
      %scan3A_806 = arith.constant 0 : i32
      %scan3A_807 = arith.constant 32 : i32
      %scan3A_808 = arith.addi %scan3A_806, %scan3A_807 : i32
      %scan3A_809 = arith.constant 1 : i32
      %scan3A_810:8 = scf.for %scan3A_2005 = %scan3A_806 to %scan3A_808 step %scan3A_809 iter_args(%scan3A_2006 = %broadcast_in_dim3A_791, %scan3A_2007 = %broadcast_in_dim3A_793, %scan3A_2008 = %broadcast_in_dim3A_795, %scan3A_2009 = %broadcast_in_dim3A_797, %scan3A_2010 = %broadcast_in_dim3A_799, %scan3A_2011 = %broadcast_in_dim3A_801, %scan3A_2012 = %broadcast_in_dim3A_803, %scan3A_2013 = %broadcast_in_dim3A_805) -> (vector<16xf32>, vector<16xf32>, vector<16xf32>, vector<16xf32>, vector<16xf32>, vector<16xf32>, vector<16xf32>, vector<16xf32>)  : i32 {
        %add3A_2014 = arith.constant 0 : i32
        %add3A_2015 = arith.addi %add3A_2014, %scan3A_2005 : i32
        %get3A_2016 = arith.constant 1 : i32
        %get3A_2017 = arith.index_cast %get3A_2016 : i32 to index
        %get3A_2018 = arith.index_cast %add3A_2015 : i32 to index
        %get3A_2019 = arith.constant 0 : index
        %get3A_2020 = tpu.vector_load %arg7[%get3A_2017, %get3A_2018, %get3A_2019] {strides = array<i32>} : memref<4x128x128xf32, #tpu.memory_space<vmem>>, vector<1x1x16xf32>,
        %get3A_2021 = vector.shape_cast %get3A_2020 : vector<1x1x16xf32> to vector<16xf32>
        %add3A_2022 = arith.addf %scan3A_2006, %get3A_2021 : vector<16xf32>
        %add3A_2023 = arith.constant 0 : i32
        %add3A_2024 = arith.addi %add3A_2023, %scan3A_2005 : i32
        %get3A_2025 = arith.constant 1 : i32
        %get3A_2026 = arith.index_cast %get3A_2025 : i32 to index
        %get3A_2027 = arith.index_cast %add3A_2024 : i32 to index
        %get3A_2028 = arith.constant 16 : index
        %get3A_2029 = tpu.vector_load %arg7[%get3A_2026, %get3A_2027, %get3A_2028] {strides = array<i32>} : memref<4x128x128xf32, #tpu.memory_space<vmem>>, vector<1x1x16xf32>,
        %get3A_2030 = vector.shape_cast %get3A_2029 : vector<1x1x16xf32> to vector<16xf32>
        %add3A_2031 = arith.addf %scan3A_2007, %get3A_2030 : vector<16xf32>
        %add3A_2032 = arith.constant 0 : i32
        %add3A_2033 = arith.addi %add3A_2032, %scan3A_2005 : i32
        %get3A_2034 = arith.constant 1 : i32
        %get3A_2035 = arith.index_cast %get3A_2034 : i32 to index
        %get3A_2036 = arith.index_cast %add3A_2033 : i32 to index
        %get3A_2037 = arith.constant 32 : index
        %get3A_2038 = tpu.vector_load %arg7[%get3A_2035, %get3A_2036, %get3A_2037] {strides = array<i32>} : memref<4x128x128xf32, #tpu.memory_space<vmem>>, vector<1x1x16xf32>,
        %get3A_2039 = vector.shape_cast %get3A_2038 : vector<1x1x16xf32> to vector<16xf32>
        %add3A_2040 = arith.addf %scan3A_2008, %get3A_2039 : vector<16xf32>
        %add3A_2041 = arith.constant 0 : i32
        %add3A_2042 = arith.addi %add3A_2041, %scan3A_2005 : i32
        %get3A_2043 = arith.constant 1 : i32
        %get3A_2044 = arith.index_cast %get3A_2043 : i32 to index
        %get3A_2045 = arith.index_cast %add3A_2042 : i32 to index
        %get3A_2046 = arith.constant 48 : index
        %get3A_2047 = tpu.vector_load %arg7[%get3A_2044, %get3A_2045, %get3A_2046] {strides = array<i32>} : memref<4x128x128xf32, #tpu.memory_space<vmem>>, vector<1x1x16xf32>,
        %get3A_2048 = vector.shape_cast %get3A_2047 : vector<1x1x16xf32> to vector<16xf32>
        %add3A_2049 = arith.addf %scan3A_2009, %get3A_2048 : vector<16xf32>
        %add3A_2050 = arith.constant 0 : i32
        %add3A_2051 = arith.addi %add3A_2050, %scan3A_2005 : i32
        %get3A_2052 = arith.constant 1 : i32
        %get3A_2053 = arith.index_cast %get3A_2052 : i32 to index
        %get3A_2054 = arith.index_cast %add3A_2051 : i32 to index
        %get3A_2055 = arith.constant 64 : index
        %get3A_2056 = tpu.vector_load %arg7[%get3A_2053, %get3A_2054, %get3A_2055] {strides = array<i32>} : memref<4x128x128xf32, #tpu.memory_space<vmem>>, vector<1x1x16xf32>,
        %get3A_2057 = vector.shape_cast %get3A_2056 : vector<1x1x16xf32> to vector<16xf32>
        %add3A_2058 = arith.addf %scan3A_2010, %get3A_2057 : vector<16xf32>
        %add3A_2059 = arith.constant 0 : i32
        %add3A_2060 = arith.addi %add3A_2059, %scan3A_2005 : i32
        %get3A_2061 = arith.constant 1 : i32
        %get3A_2062 = arith.index_cast %get3A_2061 : i32 to index
        %get3A_2063 = arith.index_cast %add3A_2060 : i32 to index
        %get3A_2064 = arith.constant 80 : index
        %get3A_2065 = tpu.vector_load %arg7[%get3A_2062, %get3A_2063, %get3A_2064] {strides = array<i32>} : memref<4x128x128xf32, #tpu.memory_space<vmem>>, vector<1x1x16xf32>,
        %get3A_2066 = vector.shape_cast %get3A_2065 : vector<1x1x16xf32> to vector<16xf32>
        %add3A_2067 = arith.addf %scan3A_2011, %get3A_2066 : vector<16xf32>
        %add3A_2068 = arith.constant 0 : i32
        %add3A_2069 = arith.addi %add3A_2068, %scan3A_2005 : i32
        %get3A_2070 = arith.constant 1 : i32
        %get3A_2071 = arith.index_cast %get3A_2070 : i32 to index
        %get3A_2072 = arith.index_cast %add3A_2069 : i32 to index
        %get3A_2073 = arith.constant 96 : index
        %get3A_2074 = tpu.vector_load %arg7[%get3A_2071, %get3A_2072, %get3A_2073] {strides = array<i32>} : memref<4x128x128xf32, #tpu.memory_space<vmem>>, vector<1x1x16xf32>,
        %get3A_2075 = vector.shape_cast %get3A_2074 : vector<1x1x16xf32> to vector<16xf32>
        %add3A_2076 = arith.addf %scan3A_2012, %get3A_2075 : vector<16xf32>
        %add3A_2077 = arith.constant 0 : i32
        %add3A_2078 = arith.addi %add3A_2077, %scan3A_2005 : i32
        %get3A_2079 = arith.constant 1 : i32
        %get3A_2080 = arith.index_cast %get3A_2079 : i32 to index
        %get3A_2081 = arith.index_cast %add3A_2078 : i32 to index
        %get3A_2082 = arith.constant 112 : index
        %get3A_2083 = tpu.vector_load %arg7[%get3A_2080, %get3A_2081, %get3A_2082] {strides = array<i32>} : memref<4x128x128xf32, #tpu.memory_space<vmem>>, vector<1x1x16xf32>,
        %get3A_2084 = vector.shape_cast %get3A_2083 : vector<1x1x16xf32> to vector<16xf32>
        %add3A_2085 = arith.addf %scan3A_2013, %get3A_2084 : vector<16xf32>
        scf.yield %add3A_2022, %add3A_2031, %add3A_2040, %add3A_2049, %add3A_2058, %add3A_2067, %add3A_2076, %add3A_2085 : vector<16xf32>, vector<16xf32>, vector<16xf32>, vector<16xf32>, vector<16xf32>, vector<16xf32>, vector<16xf32>, vector<16xf32>
      }
      %scan3A_811 = arith.constant 32 : i32
      %mul3A_812 = arith.constant 3.125000e-02 : f32
      %mul3A_813 = vector.broadcast %mul3A_812 : f32 to vector<16xf32>
      %mul3A_814 = arith.mulf %scan3A_810#0, %mul3A_813 : vector<16xf32>
      %swap3A_815 = arith.constant 0 : i32
      %swap3A_816 = arith.index_cast %swap3A_815 : i32 to index
      %swap3A_817 = arith.constant 0 : index
      %swap3A_818 = tpu.vector_load %arg8[%swap3A_816, %swap3A_817] {strides = array<i32>} : memref<4x128xf32, #tpu.memory_space<vmem>>, vector<1x16xf32>,
      %swap3A_819 = vector.shape_cast %swap3A_818 : vector<1x16xf32> to vector<16xf32>
      %swap3A_820 = vector.shape_cast %mul3A_814 : vector<16xf32> to vector<1x16xf32>
      tpu.vector_store %arg8[%swap3A_816, %swap3A_817], %swap3A_820 {strides = array<i32>} : memref<4x128xf32, #tpu.memory_space<vmem>>, vector<1x16xf32>,
      %mul3A_821 = arith.constant 3.125000e-02 : f32
      %mul3A_822 = vector.broadcast %mul3A_821 : f32 to vector<16xf32>
      %mul3A_823 = arith.mulf %scan3A_810#1, %mul3A_822 : vector<16xf32>
      %swap3A_824 = arith.constant 0 : i32
      %swap3A_825 = arith.index_cast %swap3A_824 : i32 to index
      %swap3A_826 = arith.constant 16 : index
      %swap3A_827 = tpu.vector_load %arg8[%swap3A_825, %swap3A_826] {strides = array<i32>} : memref<4x128xf32, #tpu.memory_space<vmem>>, vector<1x16xf32>,
      %swap3A_828 = vector.shape_cast %swap3A_827 : vector<1x16xf32> to vector<16xf32>
      %swap3A_829 = vector.shape_cast %mul3A_823 : vector<16xf32> to vector<1x16xf32>
      tpu.vector_store %arg8[%swap3A_825, %swap3A_826], %swap3A_829 {strides = array<i32>} : memref<4x128xf32, #tpu.memory_space<vmem>>, vector<1x16xf32>,
      %mul3A_830 = arith.constant 3.125000e-02 : f32
      %mul3A_831 = vector.broadcast %mul3A_830 : f32 to vector<16xf32>
      %mul3A_832 = arith.mulf %scan3A_810#2, %mul3A_831 : vector<16xf32>
      %swap3A_833 = arith.constant 0 : i32
      %swap3A_834 = arith.index_cast %swap3A_833 : i32 to index
      %swap3A_835 = arith.constant 32 : index
      %swap3A_836 = tpu.vector_load %arg8[%swap3A_834, %swap3A_835] {strides = array<i32>} : memref<4x128xf32, #tpu.memory_space<vmem>>, vector<1x16xf32>,
      %swap3A_837 = vector.shape_cast %swap3A_836 : vector<1x16xf32> to vector<16xf32>
      %swap3A_838 = vector.shape_cast %mul3A_832 : vector<16xf32> to vector<1x16xf32>
      tpu.vector_store %arg8[%swap3A_834, %swap3A_835], %swap3A_838 {strides = array<i32>} : memref<4x128xf32, #tpu.memory_space<vmem>>, vector<1x16xf32>,
      %mul3A_839 = arith.constant 3.125000e-02 : f32
      %mul3A_840 = vector.broadcast %mul3A_839 : f32 to vector<16xf32>
      %mul3A_841 = arith.mulf %scan3A_810#3, %mul3A_840 : vector<16xf32>
      %swap3A_842 = arith.constant 0 : i32
      %swap3A_843 = arith.index_cast %swap3A_842 : i32 to index
      %swap3A_844 = arith.constant 48 : index
      %swap3A_845 = tpu.vector_load %arg8[%swap3A_843, %swap3A_844] {strides = array<i32>} : memref<4x128xf32, #tpu.memory_space<vmem>>, vector<1x16xf32>,
      %swap3A_846 = vector.shape_cast %swap3A_845 : vector<1x16xf32> to vector<16xf32>
      %swap3A_847 = vector.shape_cast %mul3A_841 : vector<16xf32> to vector<1x16xf32>
      tpu.vector_store %arg8[%swap3A_843, %swap3A_844], %swap3A_847 {strides = array<i32>} : memref<4x128xf32, #tpu.memory_space<vmem>>, vector<1x16xf32>,
      %mul3A_848 = arith.constant 3.125000e-02 : f32
      %mul3A_849 = vector.broadcast %mul3A_848 : f32 to vector<16xf32>
      %mul3A_850 = arith.mulf %scan3A_810#4, %mul3A_849 : vector<16xf32>
      %swap3A_851 = arith.constant 0 : i32
      %swap3A_852 = arith.index_cast %swap3A_851 : i32 to index
      %swap3A_853 = arith.constant 64 : index
      %swap3A_854 = tpu.vector_load %arg8[%swap3A_852, %swap3A_853] {strides = array<i32>} : memref<4x128xf32, #tpu.memory_space<vmem>>, vector<1x16xf32>,
      %swap3A_855 = vector.shape_cast %swap3A_854 : vector<1x16xf32> to vector<16xf32>
      %swap3A_856 = vector.shape_cast %mul3A_850 : vector<16xf32> to vector<1x16xf32>
      tpu.vector_store %arg8[%swap3A_852, %swap3A_853], %swap3A_856 {strides = array<i32>} : memref<4x128xf32, #tpu.memory_space<vmem>>, vector<1x16xf32>,
      %mul3A_857 = arith.constant 3.125000e-02 : f32
      %mul3A_858 = vector.broadcast %mul3A_857 : f32 to vector<16xf32>
      %mul3A_859 = arith.mulf %scan3A_810#5, %mul3A_858 : vector<16xf32>
      %swap3A_860 = arith.constant 0 : i32
      %swap3A_861 = arith.index_cast %swap3A_860 : i32 to index
      %swap3A_862 = arith.constant 80 : index
      %swap3A_863 = tpu.vector_load %arg8[%swap3A_861, %swap3A_862] {strides = array<i32>} : memref<4x128xf32, #tpu.memory_space<vmem>>, vector<1x16xf32>,
      %swap3A_864 = vector.shape_cast %swap3A_863 : vector<1x16xf32> to vector<16xf32>
      %swap3A_865 = vector.shape_cast %mul3A_859 : vector<16xf32> to vector<1x16xf32>
      tpu.vector_store %arg8[%swap3A_861, %swap3A_862], %swap3A_865 {strides = array<i32>} : memref<4x128xf32, #tpu.memory_space<vmem>>, vector<1x16xf32>,
      %mul3A_866 = arith.constant 3.125000e-02 : f32
      %mul3A_867 = vector.broadcast %mul3A_866 : f32 to vector<16xf32>
      %mul3A_868 = arith.mulf %scan3A_810#6, %mul3A_867 : vector<16xf32>
      %swap3A_869 = arith.constant 0 : i32
      %swap3A_870 = arith.index_cast %swap3A_869 : i32 to index
      %swap3A_871 = arith.constant 96 : index
      %swap3A_872 = tpu.vector_load %arg8[%swap3A_870, %swap3A_871] {strides = array<i32>} : memref<4x128xf32, #tpu.memory_space<vmem>>, vector<1x16xf32>,
      %swap3A_873 = vector.shape_cast %swap3A_872 : vector<1x16xf32> to vector<16xf32>
      %swap3A_874 = vector.shape_cast %mul3A_868 : vector<16xf32> to vector<1x16xf32>
      tpu.vector_store %arg8[%swap3A_870, %swap3A_871], %swap3A_874 {strides = array<i32>} : memref<4x128xf32, #tpu.memory_space<vmem>>, vector<1x16xf32>,
      %mul3A_875 = arith.constant 3.125000e-02 : f32
      %mul3A_876 = vector.broadcast %mul3A_875 : f32 to vector<16xf32>
      %mul3A_877 = arith.mulf %scan3A_810#7, %mul3A_876 : vector<16xf32>
      %swap3A_878 = arith.constant 0 : i32
      %swap3A_879 = arith.index_cast %swap3A_878 : i32 to index
      %swap3A_880 = arith.constant 112 : index
      %swap3A_881 = tpu.vector_load %arg8[%swap3A_879, %swap3A_880] {strides = array<i32>} : memref<4x128xf32, #tpu.memory_space<vmem>>, vector<1x16xf32>,
      %swap3A_882 = vector.shape_cast %swap3A_881 : vector<1x16xf32> to vector<16xf32>
      %swap3A_883 = vector.shape_cast %mul3A_877 : vector<16xf32> to vector<1x16xf32>
      tpu.vector_store %arg8[%swap3A_879, %swap3A_880], %swap3A_883 {strides = array<i32>} : memref<4x128xf32, #tpu.memory_space<vmem>>, vector<1x16xf32>,
      %broadcast_in_dim3A_884 = arith.constant 0.000000e+00 : f32
      %broadcast_in_dim3A_885 = vector.broadcast %broadcast_in_dim3A_884 : f32 to vector<16xf32>
      %broadcast_in_dim3A_886 = arith.constant 0.000000e+00 : f32
      %broadcast_in_dim3A_887 = vector.broadcast %broadcast_in_dim3A_886 : f32 to vector<16xf32>
      %broadcast_in_dim3A_888 = arith.constant 0.000000e+00 : f32
      %broadcast_in_dim3A_889 = vector.broadcast %broadcast_in_dim3A_888 : f32 to vector<16xf32>
      %broadcast_in_dim3A_890 = arith.constant 0.000000e+00 : f32
      %broadcast_in_dim3A_891 = vector.broadcast %broadcast_in_dim3A_890 : f32 to vector<16xf32>
      %broadcast_in_dim3A_892 = arith.constant 0.000000e+00 : f32
      %broadcast_in_dim3A_893 = vector.broadcast %broadcast_in_dim3A_892 : f32 to vector<16xf32>
      %broadcast_in_dim3A_894 = arith.constant 0.000000e+00 : f32
      %broadcast_in_dim3A_895 = vector.broadcast %broadcast_in_dim3A_894 : f32 to vector<16xf32>
      %broadcast_in_dim3A_896 = arith.constant 0.000000e+00 : f32
      %broadcast_in_dim3A_897 = vector.broadcast %broadcast_in_dim3A_896 : f32 to vector<16xf32>
      %broadcast_in_dim3A_898 = arith.constant 0.000000e+00 : f32
      %broadcast_in_dim3A_899 = vector.broadcast %broadcast_in_dim3A_898 : f32 to vector<16xf32>
      %scan3A_900 = arith.constant 0 : i32
      %scan3A_901 = arith.constant 32 : i32
      %scan3A_902 = arith.addi %scan3A_900, %scan3A_901 : i32
      %scan3A_903 = arith.constant 1 : i32
      %scan3A_904:8 = scf.for %scan3A_2005 = %scan3A_900 to %scan3A_902 step %scan3A_903 iter_args(%scan3A_2006 = %broadcast_in_dim3A_885, %scan3A_2007 = %broadcast_in_dim3A_887, %scan3A_2008 = %broadcast_in_dim3A_889, %scan3A_2009 = %broadcast_in_dim3A_891, %scan3A_2010 = %broadcast_in_dim3A_893, %scan3A_2011 = %broadcast_in_dim3A_895, %scan3A_2012 = %broadcast_in_dim3A_897, %scan3A_2013 = %broadcast_in_dim3A_899) -> (vector<16xf32>, vector<16xf32>, vector<16xf32>, vector<16xf32>, vector<16xf32>, vector<16xf32>, vector<16xf32>, vector<16xf32>)  : i32 {
        %add3A_2014 = arith.constant 32 : i32
        %add3A_2015 = arith.addi %add3A_2014, %scan3A_2005 : i32
        %get3A_2016 = arith.constant 1 : i32
        %get3A_2017 = arith.index_cast %get3A_2016 : i32 to index
        %get3A_2018 = arith.index_cast %add3A_2015 : i32 to index
        %get3A_2019 = arith.constant 0 : index
        %get3A_2020 = tpu.vector_load %arg7[%get3A_2017, %get3A_2018, %get3A_2019] {strides = array<i32>} : memref<4x128x128xf32, #tpu.memory_space<vmem>>, vector<1x1x16xf32>,
        %get3A_2021 = vector.shape_cast %get3A_2020 : vector<1x1x16xf32> to vector<16xf32>
        %add3A_2022 = arith.addf %scan3A_2006, %get3A_2021 : vector<16xf32>
        %add3A_2023 = arith.constant 32 : i32
        %add3A_2024 = arith.addi %add3A_2023, %scan3A_2005 : i32
        %get3A_2025 = arith.constant 1 : i32
        %get3A_2026 = arith.index_cast %get3A_2025 : i32 to index
        %get3A_2027 = arith.index_cast %add3A_2024 : i32 to index
        %get3A_2028 = arith.constant 16 : index
        %get3A_2029 = tpu.vector_load %arg7[%get3A_2026, %get3A_2027, %get3A_2028] {strides = array<i32>} : memref<4x128x128xf32, #tpu.memory_space<vmem>>, vector<1x1x16xf32>,
        %get3A_2030 = vector.shape_cast %get3A_2029 : vector<1x1x16xf32> to vector<16xf32>
        %add3A_2031 = arith.addf %scan3A_2007, %get3A_2030 : vector<16xf32>
        %add3A_2032 = arith.constant 32 : i32
        %add3A_2033 = arith.addi %add3A_2032, %scan3A_2005 : i32
        %get3A_2034 = arith.constant 1 : i32
        %get3A_2035 = arith.index_cast %get3A_2034 : i32 to index
        %get3A_2036 = arith.index_cast %add3A_2033 : i32 to index
        %get3A_2037 = arith.constant 32 : index
        %get3A_2038 = tpu.vector_load %arg7[%get3A_2035, %get3A_2036, %get3A_2037] {strides = array<i32>} : memref<4x128x128xf32, #tpu.memory_space<vmem>>, vector<1x1x16xf32>,
        %get3A_2039 = vector.shape_cast %get3A_2038 : vector<1x1x16xf32> to vector<16xf32>
        %add3A_2040 = arith.addf %scan3A_2008, %get3A_2039 : vector<16xf32>
        %add3A_2041 = arith.constant 32 : i32
        %add3A_2042 = arith.addi %add3A_2041, %scan3A_2005 : i32
        %get3A_2043 = arith.constant 1 : i32
        %get3A_2044 = arith.index_cast %get3A_2043 : i32 to index
        %get3A_2045 = arith.index_cast %add3A_2042 : i32 to index
        %get3A_2046 = arith.constant 48 : index
        %get3A_2047 = tpu.vector_load %arg7[%get3A_2044, %get3A_2045, %get3A_2046] {strides = array<i32>} : memref<4x128x128xf32, #tpu.memory_space<vmem>>, vector<1x1x16xf32>,
        %get3A_2048 = vector.shape_cast %get3A_2047 : vector<1x1x16xf32> to vector<16xf32>
        %add3A_2049 = arith.addf %scan3A_2009, %get3A_2048 : vector<16xf32>
        %add3A_2050 = arith.constant 32 : i32
        %add3A_2051 = arith.addi %add3A_2050, %scan3A_2005 : i32
        %get3A_2052 = arith.constant 1 : i32
        %get3A_2053 = arith.index_cast %get3A_2052 : i32 to index
        %get3A_2054 = arith.index_cast %add3A_2051 : i32 to index
        %get3A_2055 = arith.constant 64 : index
        %get3A_2056 = tpu.vector_load %arg7[%get3A_2053, %get3A_2054, %get3A_2055] {strides = array<i32>} : memref<4x128x128xf32, #tpu.memory_space<vmem>>, vector<1x1x16xf32>,
        %get3A_2057 = vector.shape_cast %get3A_2056 : vector<1x1x16xf32> to vector<16xf32>
        %add3A_2058 = arith.addf %scan3A_2010, %get3A_2057 : vector<16xf32>
        %add3A_2059 = arith.constant 32 : i32
        %add3A_2060 = arith.addi %add3A_2059, %scan3A_2005 : i32
        %get3A_2061 = arith.constant 1 : i32
        %get3A_2062 = arith.index_cast %get3A_2061 : i32 to index
        %get3A_2063 = arith.index_cast %add3A_2060 : i32 to index
        %get3A_2064 = arith.constant 80 : index
        %get3A_2065 = tpu.vector_load %arg7[%get3A_2062, %get3A_2063, %get3A_2064] {strides = array<i32>} : memref<4x128x128xf32, #tpu.memory_space<vmem>>, vector<1x1x16xf32>,
        %get3A_2066 = vector.shape_cast %get3A_2065 : vector<1x1x16xf32> to vector<16xf32>
        %add3A_2067 = arith.addf %scan3A_2011, %get3A_2066 : vector<16xf32>
        %add3A_2068 = arith.constant 32 : i32
        %add3A_2069 = arith.addi %add3A_2068, %scan3A_2005 : i32
        %get3A_2070 = arith.constant 1 : i32
        %get3A_2071 = arith.index_cast %get3A_2070 : i32 to index
        %get3A_2072 = arith.index_cast %add3A_2069 : i32 to index
        %get3A_2073 = arith.constant 96 : index
        %get3A_2074 = tpu.vector_load %arg7[%get3A_2071, %get3A_2072, %get3A_2073] {strides = array<i32>} : memref<4x128x128xf32, #tpu.memory_space<vmem>>, vector<1x1x16xf32>,
        %get3A_2075 = vector.shape_cast %get3A_2074 : vector<1x1x16xf32> to vector<16xf32>
        %add3A_2076 = arith.addf %scan3A_2012, %get3A_2075 : vector<16xf32>
        %add3A_2077 = arith.constant 32 : i32
        %add3A_2078 = arith.addi %add3A_2077, %scan3A_2005 : i32
        %get3A_2079 = arith.constant 1 : i32
        %get3A_2080 = arith.index_cast %get3A_2079 : i32 to index
        %get3A_2081 = arith.index_cast %add3A_2078 : i32 to index
        %get3A_2082 = arith.constant 112 : index
        %get3A_2083 = tpu.vector_load %arg7[%get3A_2080, %get3A_2081, %get3A_2082] {strides = array<i32>} : memref<4x128x128xf32, #tpu.memory_space<vmem>>, vector<1x1x16xf32>,
        %get3A_2084 = vector.shape_cast %get3A_2083 : vector<1x1x16xf32> to vector<16xf32>
        %add3A_2085 = arith.addf %scan3A_2013, %get3A_2084 : vector<16xf32>
        scf.yield %add3A_2022, %add3A_2031, %add3A_2040, %add3A_2049, %add3A_2058, %add3A_2067, %add3A_2076, %add3A_2085 : vector<16xf32>, vector<16xf32>, vector<16xf32>, vector<16xf32>, vector<16xf32>, vector<16xf32>, vector<16xf32>, vector<16xf32>
      }
      %scan3A_905 = arith.constant 32 : i32
      %mul3A_906 = arith.constant 3.125000e-02 : f32
      %mul3A_907 = vector.broadcast %mul3A_906 : f32 to vector<16xf32>
      %mul3A_908 = arith.mulf %scan3A_904#0, %mul3A_907 : vector<16xf32>
      %swap3A_909 = arith.constant 1 : i32
      %swap3A_910 = arith.index_cast %swap3A_909 : i32 to index
      %swap3A_911 = arith.constant 0 : index
      %swap3A_912 = tpu.vector_load %arg8[%swap3A_910, %swap3A_911] {strides = array<i32>} : memref<4x128xf32, #tpu.memory_space<vmem>>, vector<1x16xf32>,
      %swap3A_913 = vector.shape_cast %swap3A_912 : vector<1x16xf32> to vector<16xf32>
      %swap3A_914 = vector.shape_cast %mul3A_908 : vector<16xf32> to vector<1x16xf32>
      tpu.vector_store %arg8[%swap3A_910, %swap3A_911], %swap3A_914 {strides = array<i32>} : memref<4x128xf32, #tpu.memory_space<vmem>>, vector<1x16xf32>,
      %mul3A_915 = arith.constant 3.125000e-02 : f32
      %mul3A_916 = vector.broadcast %mul3A_915 : f32 to vector<16xf32>
      %mul3A_917 = arith.mulf %scan3A_904#1, %mul3A_916 : vector<16xf32>
      %swap3A_918 = arith.constant 1 : i32
      %swap3A_919 = arith.index_cast %swap3A_918 : i32 to index
      %swap3A_920 = arith.constant 16 : index
      %swap3A_921 = tpu.vector_load %arg8[%swap3A_919, %swap3A_920] {strides = array<i32>} : memref<4x128xf32, #tpu.memory_space<vmem>>, vector<1x16xf32>,
      %swap3A_922 = vector.shape_cast %swap3A_921 : vector<1x16xf32> to vector<16xf32>
      %swap3A_923 = vector.shape_cast %mul3A_917 : vector<16xf32> to vector<1x16xf32>
      tpu.vector_store %arg8[%swap3A_919, %swap3A_920], %swap3A_923 {strides = array<i32>} : memref<4x128xf32, #tpu.memory_space<vmem>>, vector<1x16xf32>,
      %mul3A_924 = arith.constant 3.125000e-02 : f32
      %mul3A_925 = vector.broadcast %mul3A_924 : f32 to vector<16xf32>
      %mul3A_926 = arith.mulf %scan3A_904#2, %mul3A_925 : vector<16xf32>
      %swap3A_927 = arith.constant 1 : i32
      %swap3A_928 = arith.index_cast %swap3A_927 : i32 to index
      %swap3A_929 = arith.constant 32 : index
      %swap3A_930 = tpu.vector_load %arg8[%swap3A_928, %swap3A_929] {strides = array<i32>} : memref<4x128xf32, #tpu.memory_space<vmem>>, vector<1x16xf32>,
      %swap3A_931 = vector.shape_cast %swap3A_930 : vector<1x16xf32> to vector<16xf32>
      %swap3A_932 = vector.shape_cast %mul3A_926 : vector<16xf32> to vector<1x16xf32>
      tpu.vector_store %arg8[%swap3A_928, %swap3A_929], %swap3A_932 {strides = array<i32>} : memref<4x128xf32, #tpu.memory_space<vmem>>, vector<1x16xf32>,
      %mul3A_933 = arith.constant 3.125000e-02 : f32
      %mul3A_934 = vector.broadcast %mul3A_933 : f32 to vector<16xf32>
      %mul3A_935 = arith.mulf %scan3A_904#3, %mul3A_934 : vector<16xf32>
      %swap3A_936 = arith.constant 1 : i32
      %swap3A_937 = arith.index_cast %swap3A_936 : i32 to index
      %swap3A_938 = arith.constant 48 : index
      %swap3A_939 = tpu.vector_load %arg8[%swap3A_937, %swap3A_938] {strides = array<i32>} : memref<4x128xf32, #tpu.memory_space<vmem>>, vector<1x16xf32>,
      %swap3A_940 = vector.shape_cast %swap3A_939 : vector<1x16xf32> to vector<16xf32>
      %swap3A_941 = vector.shape_cast %mul3A_935 : vector<16xf32> to vector<1x16xf32>
      tpu.vector_store %arg8[%swap3A_937, %swap3A_938], %swap3A_941 {strides = array<i32>} : memref<4x128xf32, #tpu.memory_space<vmem>>, vector<1x16xf32>,
      %mul3A_942 = arith.constant 3.125000e-02 : f32
      %mul3A_943 = vector.broadcast %mul3A_942 : f32 to vector<16xf32>
      %mul3A_944 = arith.mulf %scan3A_904#4, %mul3A_943 : vector<16xf32>
      %swap3A_945 = arith.constant 1 : i32
      %swap3A_946 = arith.index_cast %swap3A_945 : i32 to index
      %swap3A_947 = arith.constant 64 : index
      %swap3A_948 = tpu.vector_load %arg8[%swap3A_946, %swap3A_947] {strides = array<i32>} : memref<4x128xf32, #tpu.memory_space<vmem>>, vector<1x16xf32>,
      %swap3A_949 = vector.shape_cast %swap3A_948 : vector<1x16xf32> to vector<16xf32>
      %swap3A_950 = vector.shape_cast %mul3A_944 : vector<16xf32> to vector<1x16xf32>
      tpu.vector_store %arg8[%swap3A_946, %swap3A_947], %swap3A_950 {strides = array<i32>} : memref<4x128xf32, #tpu.memory_space<vmem>>, vector<1x16xf32>,
      %mul3A_951 = arith.constant 3.125000e-02 : f32
      %mul3A_952 = vector.broadcast %mul3A_951 : f32 to vector<16xf32>
      %mul3A_953 = arith.mulf %scan3A_904#5, %mul3A_952 : vector<16xf32>
      %swap3A_954 = arith.constant 1 : i32
      %swap3A_955 = arith.index_cast %swap3A_954 : i32 to index
      %swap3A_956 = arith.constant 80 : index
      %swap3A_957 = tpu.vector_load %arg8[%swap3A_955, %swap3A_956] {strides = array<i32>} : memref<4x128xf32, #tpu.memory_space<vmem>>, vector<1x16xf32>,
      %swap3A_958 = vector.shape_cast %swap3A_957 : vector<1x16xf32> to vector<16xf32>
      %swap3A_959 = vector.shape_cast %mul3A_953 : vector<16xf32> to vector<1x16xf32>
      tpu.vector_store %arg8[%swap3A_955, %swap3A_956], %swap3A_959 {strides = array<i32>} : memref<4x128xf32, #tpu.memory_space<vmem>>, vector<1x16xf32>,
      %mul3A_960 = arith.constant 3.125000e-02 : f32
      %mul3A_961 = vector.broadcast %mul3A_960 : f32 to vector<16xf32>
      %mul3A_962 = arith.mulf %scan3A_904#6, %mul3A_961 : vector<16xf32>
      %swap3A_963 = arith.constant 1 : i32
      %swap3A_964 = arith.index_cast %swap3A_963 : i32 to index
      %swap3A_965 = arith.constant 96 : index
      %swap3A_966 = tpu.vector_load %arg8[%swap3A_964, %swap3A_965] {strides = array<i32>} : memref<4x128xf32, #tpu.memory_space<vmem>>, vector<1x16xf32>,
      %swap3A_967 = vector.shape_cast %swap3A_966 : vector<1x16xf32> to vector<16xf32>
      %swap3A_968 = vector.shape_cast %mul3A_962 : vector<16xf32> to vector<1x16xf32>
      tpu.vector_store %arg8[%swap3A_964, %swap3A_965], %swap3A_968 {strides = array<i32>} : memref<4x128xf32, #tpu.memory_space<vmem>>, vector<1x16xf32>,
      %mul3A_969 = arith.constant 3.125000e-02 : f32
      %mul3A_970 = vector.broadcast %mul3A_969 : f32 to vector<16xf32>
      %mul3A_971 = arith.mulf %scan3A_904#7, %mul3A_970 : vector<16xf32>
      %swap3A_972 = arith.constant 1 : i32
      %swap3A_973 = arith.index_cast %swap3A_972 : i32 to index
      %swap3A_974 = arith.constant 112 : index
      %swap3A_975 = tpu.vector_load %arg8[%swap3A_973, %swap3A_974] {strides = array<i32>} : memref<4x128xf32, #tpu.memory_space<vmem>>, vector<1x16xf32>,
      %swap3A_976 = vector.shape_cast %swap3A_975 : vector<1x16xf32> to vector<16xf32>
      %swap3A_977 = vector.shape_cast %mul3A_971 : vector<16xf32> to vector<1x16xf32>
      tpu.vector_store %arg8[%swap3A_973, %swap3A_974], %swap3A_977 {strides = array<i32>} : memref<4x128xf32, #tpu.memory_space<vmem>>, vector<1x16xf32>,
      %broadcast_in_dim3A_978 = arith.constant 0.000000e+00 : f32
      %broadcast_in_dim3A_979 = vector.broadcast %broadcast_in_dim3A_978 : f32 to vector<16xf32>
      %broadcast_in_dim3A_980 = arith.constant 0.000000e+00 : f32
      %broadcast_in_dim3A_981 = vector.broadcast %broadcast_in_dim3A_980 : f32 to vector<16xf32>
      %broadcast_in_dim3A_982 = arith.constant 0.000000e+00 : f32
      %broadcast_in_dim3A_983 = vector.broadcast %broadcast_in_dim3A_982 : f32 to vector<16xf32>
      %broadcast_in_dim3A_984 = arith.constant 0.000000e+00 : f32
      %broadcast_in_dim3A_985 = vector.broadcast %broadcast_in_dim3A_984 : f32 to vector<16xf32>
      %broadcast_in_dim3A_986 = arith.constant 0.000000e+00 : f32
      %broadcast_in_dim3A_987 = vector.broadcast %broadcast_in_dim3A_986 : f32 to vector<16xf32>
      %broadcast_in_dim3A_988 = arith.constant 0.000000e+00 : f32
      %broadcast_in_dim3A_989 = vector.broadcast %broadcast_in_dim3A_988 : f32 to vector<16xf32>
      %broadcast_in_dim3A_990 = arith.constant 0.000000e+00 : f32
      %broadcast_in_dim3A_991 = vector.broadcast %broadcast_in_dim3A_990 : f32 to vector<16xf32>
      %broadcast_in_dim3A_992 = arith.constant 0.000000e+00 : f32
      %broadcast_in_dim3A_993 = vector.broadcast %broadcast_in_dim3A_992 : f32 to vector<16xf32>
      %scan3A_994 = arith.constant 0 : i32
      %scan3A_995 = arith.constant 32 : i32
      %scan3A_996 = arith.addi %scan3A_994, %scan3A_995 : i32
      %scan3A_997 = arith.constant 1 : i32
      %scan3A_998:8 = scf.for %scan3A_2005 = %scan3A_994 to %scan3A_996 step %scan3A_997 iter_args(%scan3A_2006 = %broadcast_in_dim3A_979, %scan3A_2007 = %broadcast_in_dim3A_981, %scan3A_2008 = %broadcast_in_dim3A_983, %scan3A_2009 = %broadcast_in_dim3A_985, %scan3A_2010 = %broadcast_in_dim3A_987, %scan3A_2011 = %broadcast_in_dim3A_989, %scan3A_2012 = %broadcast_in_dim3A_991, %scan3A_2013 = %broadcast_in_dim3A_993) -> (vector<16xf32>, vector<16xf32>, vector<16xf32>, vector<16xf32>, vector<16xf32>, vector<16xf32>, vector<16xf32>, vector<16xf32>)  : i32 {
        %add3A_2014 = arith.constant 64 : i32
        %add3A_2015 = arith.addi %add3A_2014, %scan3A_2005 : i32
        %get3A_2016 = arith.constant 1 : i32
        %get3A_2017 = arith.index_cast %get3A_2016 : i32 to index
        %get3A_2018 = arith.index_cast %add3A_2015 : i32 to index
        %get3A_2019 = arith.constant 0 : index
        %get3A_2020 = tpu.vector_load %arg7[%get3A_2017, %get3A_2018, %get3A_2019] {strides = array<i32>} : memref<4x128x128xf32, #tpu.memory_space<vmem>>, vector<1x1x16xf32>,
        %get3A_2021 = vector.shape_cast %get3A_2020 : vector<1x1x16xf32> to vector<16xf32>
        %add3A_2022 = arith.addf %scan3A_2006, %get3A_2021 : vector<16xf32>
        %add3A_2023 = arith.constant 64 : i32
        %add3A_2024 = arith.addi %add3A_2023, %scan3A_2005 : i32
        %get3A_2025 = arith.constant 1 : i32
        %get3A_2026 = arith.index_cast %get3A_2025 : i32 to index
        %get3A_2027 = arith.index_cast %add3A_2024 : i32 to index
        %get3A_2028 = arith.constant 16 : index
        %get3A_2029 = tpu.vector_load %arg7[%get3A_2026, %get3A_2027, %get3A_2028] {strides = array<i32>} : memref<4x128x128xf32, #tpu.memory_space<vmem>>, vector<1x1x16xf32>,
        %get3A_2030 = vector.shape_cast %get3A_2029 : vector<1x1x16xf32> to vector<16xf32>
        %add3A_2031 = arith.addf %scan3A_2007, %get3A_2030 : vector<16xf32>
        %add3A_2032 = arith.constant 64 : i32
        %add3A_2033 = arith.addi %add3A_2032, %scan3A_2005 : i32
        %get3A_2034 = arith.constant 1 : i32
        %get3A_2035 = arith.index_cast %get3A_2034 : i32 to index
        %get3A_2036 = arith.index_cast %add3A_2033 : i32 to index
        %get3A_2037 = arith.constant 32 : index
        %get3A_2038 = tpu.vector_load %arg7[%get3A_2035, %get3A_2036, %get3A_2037] {strides = array<i32>} : memref<4x128x128xf32, #tpu.memory_space<vmem>>, vector<1x1x16xf32>,
        %get3A_2039 = vector.shape_cast %get3A_2038 : vector<1x1x16xf32> to vector<16xf32>
        %add3A_2040 = arith.addf %scan3A_2008, %get3A_2039 : vector<16xf32>
        %add3A_2041 = arith.constant 64 : i32
        %add3A_2042 = arith.addi %add3A_2041, %scan3A_2005 : i32
        %get3A_2043 = arith.constant 1 : i32
        %get3A_2044 = arith.index_cast %get3A_2043 : i32 to index
        %get3A_2045 = arith.index_cast %add3A_2042 : i32 to index
        %get3A_2046 = arith.constant 48 : index
        %get3A_2047 = tpu.vector_load %arg7[%get3A_2044, %get3A_2045, %get3A_2046] {strides = array<i32>} : memref<4x128x128xf32, #tpu.memory_space<vmem>>, vector<1x1x16xf32>,
        %get3A_2048 = vector.shape_cast %get3A_2047 : vector<1x1x16xf32> to vector<16xf32>
        %add3A_2049 = arith.addf %scan3A_2009, %get3A_2048 : vector<16xf32>
        %add3A_2050 = arith.constant 64 : i32
        %add3A_2051 = arith.addi %add3A_2050, %scan3A_2005 : i32
        %get3A_2052 = arith.constant 1 : i32
        %get3A_2053 = arith.index_cast %get3A_2052 : i32 to index
        %get3A_2054 = arith.index_cast %add3A_2051 : i32 to index
        %get3A_2055 = arith.constant 64 : index
        %get3A_2056 = tpu.vector_load %arg7[%get3A_2053, %get3A_2054, %get3A_2055] {strides = array<i32>} : memref<4x128x128xf32, #tpu.memory_space<vmem>>, vector<1x1x16xf32>,
        %get3A_2057 = vector.shape_cast %get3A_2056 : vector<1x1x16xf32> to vector<16xf32>
        %add3A_2058 = arith.addf %scan3A_2010, %get3A_2057 : vector<16xf32>
        %add3A_2059 = arith.constant 64 : i32
        %add3A_2060 = arith.addi %add3A_2059, %scan3A_2005 : i32
        %get3A_2061 = arith.constant 1 : i32
        %get3A_2062 = arith.index_cast %get3A_2061 : i32 to index
        %get3A_2063 = arith.index_cast %add3A_2060 : i32 to index
        %get3A_2064 = arith.constant 80 : index
        %get3A_2065 = tpu.vector_load %arg7[%get3A_2062, %get3A_2063, %get3A_2064] {strides = array<i32>} : memref<4x128x128xf32, #tpu.memory_space<vmem>>, vector<1x1x16xf32>,
        %get3A_2066 = vector.shape_cast %get3A_2065 : vector<1x1x16xf32> to vector<16xf32>
        %add3A_2067 = arith.addf %scan3A_2011, %get3A_2066 : vector<16xf32>
        %add3A_2068 = arith.constant 64 : i32
        %add3A_2069 = arith.addi %add3A_2068, %scan3A_2005 : i32
        %get3A_2070 = arith.constant 1 : i32
        %get3A_2071 = arith.index_cast %get3A_2070 : i32 to index
        %get3A_2072 = arith.index_cast %add3A_2069 : i32 to index
        %get3A_2073 = arith.constant 96 : index
        %get3A_2074 = tpu.vector_load %arg7[%get3A_2071, %get3A_2072, %get3A_2073] {strides = array<i32>} : memref<4x128x128xf32, #tpu.memory_space<vmem>>, vector<1x1x16xf32>,
        %get3A_2075 = vector.shape_cast %get3A_2074 : vector<1x1x16xf32> to vector<16xf32>
        %add3A_2076 = arith.addf %scan3A_2012, %get3A_2075 : vector<16xf32>
        %add3A_2077 = arith.constant 64 : i32
        %add3A_2078 = arith.addi %add3A_2077, %scan3A_2005 : i32
        %get3A_2079 = arith.constant 1 : i32
        %get3A_2080 = arith.index_cast %get3A_2079 : i32 to index
        %get3A_2081 = arith.index_cast %add3A_2078 : i32 to index
        %get3A_2082 = arith.constant 112 : index
        %get3A_2083 = tpu.vector_load %arg7[%get3A_2080, %get3A_2081, %get3A_2082] {strides = array<i32>} : memref<4x128x128xf32, #tpu.memory_space<vmem>>, vector<1x1x16xf32>,
        %get3A_2084 = vector.shape_cast %get3A_2083 : vector<1x1x16xf32> to vector<16xf32>
        %add3A_2085 = arith.addf %scan3A_2013, %get3A_2084 : vector<16xf32>
        scf.yield %add3A_2022, %add3A_2031, %add3A_2040, %add3A_2049, %add3A_2058, %add3A_2067, %add3A_2076, %add3A_2085 : vector<16xf32>, vector<16xf32>, vector<16xf32>, vector<16xf32>, vector<16xf32>, vector<16xf32>, vector<16xf32>, vector<16xf32>
      }
      %scan3A_999 = arith.constant 32 : i32
      %mul3A_1000 = arith.constant 3.125000e-02 : f32
      %mul3A_1001 = vector.broadcast %mul3A_1000 : f32 to vector<16xf32>
      %mul3A_1002 = arith.mulf %scan3A_998#0, %mul3A_1001 : vector<16xf32>
      %swap3A_1003 = arith.constant 2 : i32
      %swap3A_1004 = arith.index_cast %swap3A_1003 : i32 to index
      %swap3A_1005 = arith.constant 0 : index
      %swap3A_1006 = tpu.vector_load %arg8[%swap3A_1004, %swap3A_1005] {strides = array<i32>} : memref<4x128xf32, #tpu.memory_space<vmem>>, vector<1x16xf32>,
      %swap3A_1007 = vector.shape_cast %swap3A_1006 : vector<1x16xf32> to vector<16xf32>
      %swap3A_1008 = vector.shape_cast %mul3A_1002 : vector<16xf32> to vector<1x16xf32>
      tpu.vector_store %arg8[%swap3A_1004, %swap3A_1005], %swap3A_1008 {strides = array<i32>} : memref<4x128xf32, #tpu.memory_space<vmem>>, vector<1x16xf32>,
      %mul3A_1009 = arith.constant 3.125000e-02 : f32
      %mul3A_1010 = vector.broadcast %mul3A_1009 : f32 to vector<16xf32>
      %mul3A_1011 = arith.mulf %scan3A_998#1, %mul3A_1010 : vector<16xf32>
      %swap3A_1012 = arith.constant 2 : i32
      %swap3A_1013 = arith.index_cast %swap3A_1012 : i32 to index
      %swap3A_1014 = arith.constant 16 : index
      %swap3A_1015 = tpu.vector_load %arg8[%swap3A_1013, %swap3A_1014] {strides = array<i32>} : memref<4x128xf32, #tpu.memory_space<vmem>>, vector<1x16xf32>,
      %swap3A_1016 = vector.shape_cast %swap3A_1015 : vector<1x16xf32> to vector<16xf32>
      %swap3A_1017 = vector.shape_cast %mul3A_1011 : vector<16xf32> to vector<1x16xf32>
      tpu.vector_store %arg8[%swap3A_1013, %swap3A_1014], %swap3A_1017 {strides = array<i32>} : memref<4x128xf32, #tpu.memory_space<vmem>>, vector<1x16xf32>,
      %mul3A_1018 = arith.constant 3.125000e-02 : f32
      %mul3A_1019 = vector.broadcast %mul3A_1018 : f32 to vector<16xf32>
      %mul3A_1020 = arith.mulf %scan3A_998#2, %mul3A_1019 : vector<16xf32>
      %swap3A_1021 = arith.constant 2 : i32
      %swap3A_1022 = arith.index_cast %swap3A_1021 : i32 to index
      %swap3A_1023 = arith.constant 32 : index
      %swap3A_1024 = tpu.vector_load %arg8[%swap3A_1022, %swap3A_1023] {strides = array<i32>} : memref<4x128xf32, #tpu.memory_space<vmem>>, vector<1x16xf32>,
      %swap3A_1025 = vector.shape_cast %swap3A_1024 : vector<1x16xf32> to vector<16xf32>
      %swap3A_1026 = vector.shape_cast %mul3A_1020 : vector<16xf32> to vector<1x16xf32>
      tpu.vector_store %arg8[%swap3A_1022, %swap3A_1023], %swap3A_1026 {strides = array<i32>} : memref<4x128xf32, #tpu.memory_space<vmem>>, vector<1x16xf32>,
      %mul3A_1027 = arith.constant 3.125000e-02 : f32
      %mul3A_1028 = vector.broadcast %mul3A_1027 : f32 to vector<16xf32>
      %mul3A_1029 = arith.mulf %scan3A_998#3, %mul3A_1028 : vector<16xf32>
      %swap3A_1030 = arith.constant 2 : i32
      %swap3A_1031 = arith.index_cast %swap3A_1030 : i32 to index
      %swap3A_1032 = arith.constant 48 : index
      %swap3A_1033 = tpu.vector_load %arg8[%swap3A_1031, %swap3A_1032] {strides = array<i32>} : memref<4x128xf32, #tpu.memory_space<vmem>>, vector<1x16xf32>,
      %swap3A_1034 = vector.shape_cast %swap3A_1033 : vector<1x16xf32> to vector<16xf32>
      %swap3A_1035 = vector.shape_cast %mul3A_1029 : vector<16xf32> to vector<1x16xf32>
      tpu.vector_store %arg8[%swap3A_1031, %swap3A_1032], %swap3A_1035 {strides = array<i32>} : memref<4x128xf32, #tpu.memory_space<vmem>>, vector<1x16xf32>,
      %mul3A_1036 = arith.constant 3.125000e-02 : f32
      %mul3A_1037 = vector.broadcast %mul3A_1036 : f32 to vector<16xf32>
      %mul3A_1038 = arith.mulf %scan3A_998#4, %mul3A_1037 : vector<16xf32>
      %swap3A_1039 = arith.constant 2 : i32
      %swap3A_1040 = arith.index_cast %swap3A_1039 : i32 to index
      %swap3A_1041 = arith.constant 64 : index
      %swap3A_1042 = tpu.vector_load %arg8[%swap3A_1040, %swap3A_1041] {strides = array<i32>} : memref<4x128xf32, #tpu.memory_space<vmem>>, vector<1x16xf32>,
      %swap3A_1043 = vector.shape_cast %swap3A_1042 : vector<1x16xf32> to vector<16xf32>
      %swap3A_1044 = vector.shape_cast %mul3A_1038 : vector<16xf32> to vector<1x16xf32>
      tpu.vector_store %arg8[%swap3A_1040, %swap3A_1041], %swap3A_1044 {strides = array<i32>} : memref<4x128xf32, #tpu.memory_space<vmem>>, vector<1x16xf32>,
      %mul3A_1045 = arith.constant 3.125000e-02 : f32
      %mul3A_1046 = vector.broadcast %mul3A_1045 : f32 to vector<16xf32>
      %mul3A_1047 = arith.mulf %scan3A_998#5, %mul3A_1046 : vector<16xf32>
      %swap3A_1048 = arith.constant 2 : i32
      %swap3A_1049 = arith.index_cast %swap3A_1048 : i32 to index
      %swap3A_1050 = arith.constant 80 : index
      %swap3A_1051 = tpu.vector_load %arg8[%swap3A_1049, %swap3A_1050] {strides = array<i32>} : memref<4x128xf32, #tpu.memory_space<vmem>>, vector<1x16xf32>,
      %swap3A_1052 = vector.shape_cast %swap3A_1051 : vector<1x16xf32> to vector<16xf32>
      %swap3A_1053 = vector.shape_cast %mul3A_1047 : vector<16xf32> to vector<1x16xf32>
      tpu.vector_store %arg8[%swap3A_1049, %swap3A_1050], %swap3A_1053 {strides = array<i32>} : memref<4x128xf32, #tpu.memory_space<vmem>>, vector<1x16xf32>,
      %mul3A_1054 = arith.constant 3.125000e-02 : f32
      %mul3A_1055 = vector.broadcast %mul3A_1054 : f32 to vector<16xf32>
      %mul3A_1056 = arith.mulf %scan3A_998#6, %mul3A_1055 : vector<16xf32>
      %swap3A_1057 = arith.constant 2 : i32
      %swap3A_1058 = arith.index_cast %swap3A_1057 : i32 to index
      %swap3A_1059 = arith.constant 96 : index
      %swap3A_1060 = tpu.vector_load %arg8[%swap3A_1058, %swap3A_1059] {strides = array<i32>} : memref<4x128xf32, #tpu.memory_space<vmem>>, vector<1x16xf32>,
      %swap3A_1061 = vector.shape_cast %swap3A_1060 : vector<1x16xf32> to vector<16xf32>
      %swap3A_1062 = vector.shape_cast %mul3A_1056 : vector<16xf32> to vector<1x16xf32>
      tpu.vector_store %arg8[%swap3A_1058, %swap3A_1059], %swap3A_1062 {strides = array<i32>} : memref<4x128xf32, #tpu.memory_space<vmem>>, vector<1x16xf32>,
      %mul3A_1063 = arith.constant 3.125000e-02 : f32
      %mul3A_1064 = vector.broadcast %mul3A_1063 : f32 to vector<16xf32>
      %mul3A_1065 = arith.mulf %scan3A_998#7, %mul3A_1064 : vector<16xf32>
      %swap3A_1066 = arith.constant 2 : i32
      %swap3A_1067 = arith.index_cast %swap3A_1066 : i32 to index
      %swap3A_1068 = arith.constant 112 : index
      %swap3A_1069 = tpu.vector_load %arg8[%swap3A_1067, %swap3A_1068] {strides = array<i32>} : memref<4x128xf32, #tpu.memory_space<vmem>>, vector<1x16xf32>,
      %swap3A_1070 = vector.shape_cast %swap3A_1069 : vector<1x16xf32> to vector<16xf32>
      %swap3A_1071 = vector.shape_cast %mul3A_1065 : vector<16xf32> to vector<1x16xf32>
      tpu.vector_store %arg8[%swap3A_1067, %swap3A_1068], %swap3A_1071 {strides = array<i32>} : memref<4x128xf32, #tpu.memory_space<vmem>>, vector<1x16xf32>,
      %broadcast_in_dim3A_1072 = arith.constant 0.000000e+00 : f32
      %broadcast_in_dim3A_1073 = vector.broadcast %broadcast_in_dim3A_1072 : f32 to vector<16xf32>
      %broadcast_in_dim3A_1074 = arith.constant 0.000000e+00 : f32
      %broadcast_in_dim3A_1075 = vector.broadcast %broadcast_in_dim3A_1074 : f32 to vector<16xf32>
      %broadcast_in_dim3A_1076 = arith.constant 0.000000e+00 : f32
      %broadcast_in_dim3A_1077 = vector.broadcast %broadcast_in_dim3A_1076 : f32 to vector<16xf32>
      %broadcast_in_dim3A_1078 = arith.constant 0.000000e+00 : f32
      %broadcast_in_dim3A_1079 = vector.broadcast %broadcast_in_dim3A_1078 : f32 to vector<16xf32>
      %broadcast_in_dim3A_1080 = arith.constant 0.000000e+00 : f32
      %broadcast_in_dim3A_1081 = vector.broadcast %broadcast_in_dim3A_1080 : f32 to vector<16xf32>
      %broadcast_in_dim3A_1082 = arith.constant 0.000000e+00 : f32
      %broadcast_in_dim3A_1083 = vector.broadcast %broadcast_in_dim3A_1082 : f32 to vector<16xf32>
      %broadcast_in_dim3A_1084 = arith.constant 0.000000e+00 : f32
      %broadcast_in_dim3A_1085 = vector.broadcast %broadcast_in_dim3A_1084 : f32 to vector<16xf32>
      %broadcast_in_dim3A_1086 = arith.constant 0.000000e+00 : f32
      %broadcast_in_dim3A_1087 = vector.broadcast %broadcast_in_dim3A_1086 : f32 to vector<16xf32>
      %scan3A_1088 = arith.constant 0 : i32
      %scan3A_1089 = arith.constant 32 : i32
      %scan3A_1090 = arith.addi %scan3A_1088, %scan3A_1089 : i32
      %scan3A_1091 = arith.constant 1 : i32
      %scan3A_1092:8 = scf.for %scan3A_2005 = %scan3A_1088 to %scan3A_1090 step %scan3A_1091 iter_args(%scan3A_2006 = %broadcast_in_dim3A_1073, %scan3A_2007 = %broadcast_in_dim3A_1075, %scan3A_2008 = %broadcast_in_dim3A_1077, %scan3A_2009 = %broadcast_in_dim3A_1079, %scan3A_2010 = %broadcast_in_dim3A_1081, %scan3A_2011 = %broadcast_in_dim3A_1083, %scan3A_2012 = %broadcast_in_dim3A_1085, %scan3A_2013 = %broadcast_in_dim3A_1087) -> (vector<16xf32>, vector<16xf32>, vector<16xf32>, vector<16xf32>, vector<16xf32>, vector<16xf32>, vector<16xf32>, vector<16xf32>)  : i32 {
        %add3A_2014 = arith.constant 96 : i32
        %add3A_2015 = arith.addi %add3A_2014, %scan3A_2005 : i32
        %get3A_2016 = arith.constant 1 : i32
        %get3A_2017 = arith.index_cast %get3A_2016 : i32 to index
        %get3A_2018 = arith.index_cast %add3A_2015 : i32 to index
        %get3A_2019 = arith.constant 0 : index
        %get3A_2020 = tpu.vector_load %arg7[%get3A_2017, %get3A_2018, %get3A_2019] {strides = array<i32>} : memref<4x128x128xf32, #tpu.memory_space<vmem>>, vector<1x1x16xf32>,
        %get3A_2021 = vector.shape_cast %get3A_2020 : vector<1x1x16xf32> to vector<16xf32>
        %add3A_2022 = arith.addf %scan3A_2006, %get3A_2021 : vector<16xf32>
        %add3A_2023 = arith.constant 96 : i32
        %add3A_2024 = arith.addi %add3A_2023, %scan3A_2005 : i32
        %get3A_2025 = arith.constant 1 : i32
        %get3A_2026 = arith.index_cast %get3A_2025 : i32 to index
        %get3A_2027 = arith.index_cast %add3A_2024 : i32 to index
        %get3A_2028 = arith.constant 16 : index
        %get3A_2029 = tpu.vector_load %arg7[%get3A_2026, %get3A_2027, %get3A_2028] {strides = array<i32>} : memref<4x128x128xf32, #tpu.memory_space<vmem>>, vector<1x1x16xf32>,
        %get3A_2030 = vector.shape_cast %get3A_2029 : vector<1x1x16xf32> to vector<16xf32>
        %add3A_2031 = arith.addf %scan3A_2007, %get3A_2030 : vector<16xf32>
        %add3A_2032 = arith.constant 96 : i32
        %add3A_2033 = arith.addi %add3A_2032, %scan3A_2005 : i32
        %get3A_2034 = arith.constant 1 : i32
        %get3A_2035 = arith.index_cast %get3A_2034 : i32 to index
        %get3A_2036 = arith.index_cast %add3A_2033 : i32 to index
        %get3A_2037 = arith.constant 32 : index
        %get3A_2038 = tpu.vector_load %arg7[%get3A_2035, %get3A_2036, %get3A_2037] {strides = array<i32>} : memref<4x128x128xf32, #tpu.memory_space<vmem>>, vector<1x1x16xf32>,
        %get3A_2039 = vector.shape_cast %get3A_2038 : vector<1x1x16xf32> to vector<16xf32>
        %add3A_2040 = arith.addf %scan3A_2008, %get3A_2039 : vector<16xf32>
        %add3A_2041 = arith.constant 96 : i32
        %add3A_2042 = arith.addi %add3A_2041, %scan3A_2005 : i32
        %get3A_2043 = arith.constant 1 : i32
        %get3A_2044 = arith.index_cast %get3A_2043 : i32 to index
        %get3A_2045 = arith.index_cast %add3A_2042 : i32 to index
        %get3A_2046 = arith.constant 48 : index
        %get3A_2047 = tpu.vector_load %arg7[%get3A_2044, %get3A_2045, %get3A_2046] {strides = array<i32>} : memref<4x128x128xf32, #tpu.memory_space<vmem>>, vector<1x1x16xf32>,
        %get3A_2048 = vector.shape_cast %get3A_2047 : vector<1x1x16xf32> to vector<16xf32>
        %add3A_2049 = arith.addf %scan3A_2009, %get3A_2048 : vector<16xf32>
        %add3A_2050 = arith.constant 96 : i32
        %add3A_2051 = arith.addi %add3A_2050, %scan3A_2005 : i32
        %get3A_2052 = arith.constant 1 : i32
        %get3A_2053 = arith.index_cast %get3A_2052 : i32 to index
        %get3A_2054 = arith.index_cast %add3A_2051 : i32 to index
        %get3A_2055 = arith.constant 64 : index
        %get3A_2056 = tpu.vector_load %arg7[%get3A_2053, %get3A_2054, %get3A_2055] {strides = array<i32>} : memref<4x128x128xf32, #tpu.memory_space<vmem>>, vector<1x1x16xf32>,
        %get3A_2057 = vector.shape_cast %get3A_2056 : vector<1x1x16xf32> to vector<16xf32>
        %add3A_2058 = arith.addf %scan3A_2010, %get3A_2057 : vector<16xf32>
        %add3A_2059 = arith.constant 96 : i32
        %add3A_2060 = arith.addi %add3A_2059, %scan3A_2005 : i32
        %get3A_2061 = arith.constant 1 : i32
        %get3A_2062 = arith.index_cast %get3A_2061 : i32 to index
        %get3A_2063 = arith.index_cast %add3A_2060 : i32 to index
        %get3A_2064 = arith.constant 80 : index
        %get3A_2065 = tpu.vector_load %arg7[%get3A_2062, %get3A_2063, %get3A_2064] {strides = array<i32>} : memref<4x128x128xf32, #tpu.memory_space<vmem>>, vector<1x1x16xf32>,
        %get3A_2066 = vector.shape_cast %get3A_2065 : vector<1x1x16xf32> to vector<16xf32>
        %add3A_2067 = arith.addf %scan3A_2011, %get3A_2066 : vector<16xf32>
        %add3A_2068 = arith.constant 96 : i32
        %add3A_2069 = arith.addi %add3A_2068, %scan3A_2005 : i32
        %get3A_2070 = arith.constant 1 : i32
        %get3A_2071 = arith.index_cast %get3A_2070 : i32 to index
        %get3A_2072 = arith.index_cast %add3A_2069 : i32 to index
        %get3A_2073 = arith.constant 96 : index
        %get3A_2074 = tpu.vector_load %arg7[%get3A_2071, %get3A_2072, %get3A_2073] {strides = array<i32>} : memref<4x128x128xf32, #tpu.memory_space<vmem>>, vector<1x1x16xf32>,
        %get3A_2075 = vector.shape_cast %get3A_2074 : vector<1x1x16xf32> to vector<16xf32>
        %add3A_2076 = arith.addf %scan3A_2012, %get3A_2075 : vector<16xf32>
        %add3A_2077 = arith.constant 96 : i32
        %add3A_2078 = arith.addi %add3A_2077, %scan3A_2005 : i32
        %get3A_2079 = arith.constant 1 : i32
        %get3A_2080 = arith.index_cast %get3A_2079 : i32 to index
        %get3A_2081 = arith.index_cast %add3A_2078 : i32 to index
        %get3A_2082 = arith.constant 112 : index
        %get3A_2083 = tpu.vector_load %arg7[%get3A_2080, %get3A_2081, %get3A_2082] {strides = array<i32>} : memref<4x128x128xf32, #tpu.memory_space<vmem>>, vector<1x1x16xf32>,
        %get3A_2084 = vector.shape_cast %get3A_2083 : vector<1x1x16xf32> to vector<16xf32>
        %add3A_2085 = arith.addf %scan3A_2013, %get3A_2084 : vector<16xf32>
        scf.yield %add3A_2022, %add3A_2031, %add3A_2040, %add3A_2049, %add3A_2058, %add3A_2067, %add3A_2076, %add3A_2085 : vector<16xf32>, vector<16xf32>, vector<16xf32>, vector<16xf32>, vector<16xf32>, vector<16xf32>, vector<16xf32>, vector<16xf32>
      }
      %scan3A_1093 = arith.constant 32 : i32
      %mul3A_1094 = arith.constant 3.125000e-02 : f32
      %mul3A_1095 = vector.broadcast %mul3A_1094 : f32 to vector<16xf32>
      %mul3A_1096 = arith.mulf %scan3A_1092#0, %mul3A_1095 : vector<16xf32>
      %swap3A_1097 = arith.constant 3 : i32
      %swap3A_1098 = arith.index_cast %swap3A_1097 : i32 to index
      %swap3A_1099 = arith.constant 0 : index
      %swap3A_1100 = tpu.vector_load %arg8[%swap3A_1098, %swap3A_1099] {strides = array<i32>} : memref<4x128xf32, #tpu.memory_space<vmem>>, vector<1x16xf32>,
      %swap3A_1101 = vector.shape_cast %swap3A_1100 : vector<1x16xf32> to vector<16xf32>
      %swap3A_1102 = vector.shape_cast %mul3A_1096 : vector<16xf32> to vector<1x16xf32>
      tpu.vector_store %arg8[%swap3A_1098, %swap3A_1099], %swap3A_1102 {strides = array<i32>} : memref<4x128xf32, #tpu.memory_space<vmem>>, vector<1x16xf32>,
      %mul3A_1103 = arith.constant 3.125000e-02 : f32
      %mul3A_1104 = vector.broadcast %mul3A_1103 : f32 to vector<16xf32>
      %mul3A_1105 = arith.mulf %scan3A_1092#1, %mul3A_1104 : vector<16xf32>
      %swap3A_1106 = arith.constant 3 : i32
      %swap3A_1107 = arith.index_cast %swap3A_1106 : i32 to index
      %swap3A_1108 = arith.constant 16 : index
      %swap3A_1109 = tpu.vector_load %arg8[%swap3A_1107, %swap3A_1108] {strides = array<i32>} : memref<4x128xf32, #tpu.memory_space<vmem>>, vector<1x16xf32>,
      %swap3A_1110 = vector.shape_cast %swap3A_1109 : vector<1x16xf32> to vector<16xf32>
      %swap3A_1111 = vector.shape_cast %mul3A_1105 : vector<16xf32> to vector<1x16xf32>
      tpu.vector_store %arg8[%swap3A_1107, %swap3A_1108], %swap3A_1111 {strides = array<i32>} : memref<4x128xf32, #tpu.memory_space<vmem>>, vector<1x16xf32>,
      %mul3A_1112 = arith.constant 3.125000e-02 : f32
      %mul3A_1113 = vector.broadcast %mul3A_1112 : f32 to vector<16xf32>
      %mul3A_1114 = arith.mulf %scan3A_1092#2, %mul3A_1113 : vector<16xf32>
      %swap3A_1115 = arith.constant 3 : i32
      %swap3A_1116 = arith.index_cast %swap3A_1115 : i32 to index
      %swap3A_1117 = arith.constant 32 : index
      %swap3A_1118 = tpu.vector_load %arg8[%swap3A_1116, %swap3A_1117] {strides = array<i32>} : memref<4x128xf32, #tpu.memory_space<vmem>>, vector<1x16xf32>,
      %swap3A_1119 = vector.shape_cast %swap3A_1118 : vector<1x16xf32> to vector<16xf32>
      %swap3A_1120 = vector.shape_cast %mul3A_1114 : vector<16xf32> to vector<1x16xf32>
      tpu.vector_store %arg8[%swap3A_1116, %swap3A_1117], %swap3A_1120 {strides = array<i32>} : memref<4x128xf32, #tpu.memory_space<vmem>>, vector<1x16xf32>,
      %mul3A_1121 = arith.constant 3.125000e-02 : f32
      %mul3A_1122 = vector.broadcast %mul3A_1121 : f32 to vector<16xf32>
      %mul3A_1123 = arith.mulf %scan3A_1092#3, %mul3A_1122 : vector<16xf32>
      %swap3A_1124 = arith.constant 3 : i32
      %swap3A_1125 = arith.index_cast %swap3A_1124 : i32 to index
      %swap3A_1126 = arith.constant 48 : index
      %swap3A_1127 = tpu.vector_load %arg8[%swap3A_1125, %swap3A_1126] {strides = array<i32>} : memref<4x128xf32, #tpu.memory_space<vmem>>, vector<1x16xf32>,
      %swap3A_1128 = vector.shape_cast %swap3A_1127 : vector<1x16xf32> to vector<16xf32>
      %swap3A_1129 = vector.shape_cast %mul3A_1123 : vector<16xf32> to vector<1x16xf32>
      tpu.vector_store %arg8[%swap3A_1125, %swap3A_1126], %swap3A_1129 {strides = array<i32>} : memref<4x128xf32, #tpu.memory_space<vmem>>, vector<1x16xf32>,
      %mul3A_1130 = arith.constant 3.125000e-02 : f32
      %mul3A_1131 = vector.broadcast %mul3A_1130 : f32 to vector<16xf32>
      %mul3A_1132 = arith.mulf %scan3A_1092#4, %mul3A_1131 : vector<16xf32>
      %swap3A_1133 = arith.constant 3 : i32
      %swap3A_1134 = arith.index_cast %swap3A_1133 : i32 to index
      %swap3A_1135 = arith.constant 64 : index
      %swap3A_1136 = tpu.vector_load %arg8[%swap3A_1134, %swap3A_1135] {strides = array<i32>} : memref<4x128xf32, #tpu.memory_space<vmem>>, vector<1x16xf32>,
      %swap3A_1137 = vector.shape_cast %swap3A_1136 : vector<1x16xf32> to vector<16xf32>
      %swap3A_1138 = vector.shape_cast %mul3A_1132 : vector<16xf32> to vector<1x16xf32>
      tpu.vector_store %arg8[%swap3A_1134, %swap3A_1135], %swap3A_1138 {strides = array<i32>} : memref<4x128xf32, #tpu.memory_space<vmem>>, vector<1x16xf32>,
      %mul3A_1139 = arith.constant 3.125000e-02 : f32
      %mul3A_1140 = vector.broadcast %mul3A_1139 : f32 to vector<16xf32>
      %mul3A_1141 = arith.mulf %scan3A_1092#5, %mul3A_1140 : vector<16xf32>
      %swap3A_1142 = arith.constant 3 : i32
      %swap3A_1143 = arith.index_cast %swap3A_1142 : i32 to index
      %swap3A_1144 = arith.constant 80 : index
      %swap3A_1145 = tpu.vector_load %arg8[%swap3A_1143, %swap3A_1144] {strides = array<i32>} : memref<4x128xf32, #tpu.memory_space<vmem>>, vector<1x16xf32>,
      %swap3A_1146 = vector.shape_cast %swap3A_1145 : vector<1x16xf32> to vector<16xf32>
      %swap3A_1147 = vector.shape_cast %mul3A_1141 : vector<16xf32> to vector<1x16xf32>
      tpu.vector_store %arg8[%swap3A_1143, %swap3A_1144], %swap3A_1147 {strides = array<i32>} : memref<4x128xf32, #tpu.memory_space<vmem>>, vector<1x16xf32>,
      %mul3A_1148 = arith.constant 3.125000e-02 : f32
      %mul3A_1149 = vector.broadcast %mul3A_1148 : f32 to vector<16xf32>
      %mul3A_1150 = arith.mulf %scan3A_1092#6, %mul3A_1149 : vector<16xf32>
      %swap3A_1151 = arith.constant 3 : i32
      %swap3A_1152 = arith.index_cast %swap3A_1151 : i32 to index
      %swap3A_1153 = arith.constant 96 : index
      %swap3A_1154 = tpu.vector_load %arg8[%swap3A_1152, %swap3A_1153] {strides = array<i32>} : memref<4x128xf32, #tpu.memory_space<vmem>>, vector<1x16xf32>,
      %swap3A_1155 = vector.shape_cast %swap3A_1154 : vector<1x16xf32> to vector<16xf32>
      %swap3A_1156 = vector.shape_cast %mul3A_1150 : vector<16xf32> to vector<1x16xf32>
      tpu.vector_store %arg8[%swap3A_1152, %swap3A_1153], %swap3A_1156 {strides = array<i32>} : memref<4x128xf32, #tpu.memory_space<vmem>>, vector<1x16xf32>,
      %mul3A_1157 = arith.constant 3.125000e-02 : f32
      %mul3A_1158 = vector.broadcast %mul3A_1157 : f32 to vector<16xf32>
      %mul3A_1159 = arith.mulf %scan3A_1092#7, %mul3A_1158 : vector<16xf32>
      %swap3A_1160 = arith.constant 3 : i32
      %swap3A_1161 = arith.index_cast %swap3A_1160 : i32 to index
      %swap3A_1162 = arith.constant 112 : index
      %swap3A_1163 = tpu.vector_load %arg8[%swap3A_1161, %swap3A_1162] {strides = array<i32>} : memref<4x128xf32, #tpu.memory_space<vmem>>, vector<1x16xf32>,
      %swap3A_1164 = vector.shape_cast %swap3A_1163 : vector<1x16xf32> to vector<16xf32>
      %swap3A_1165 = vector.shape_cast %mul3A_1159 : vector<16xf32> to vector<1x16xf32>
      tpu.vector_store %arg8[%swap3A_1161, %swap3A_1162], %swap3A_1165 {strides = array<i32>} : memref<4x128xf32, #tpu.memory_space<vmem>>, vector<1x16xf32>,
      %mul3A_1166 = arith.constant 4 : i32
      %mul3A_1167 = arith.muli %add3A_758, %mul3A_1166 : i32
      %add3A_1168 = arith.addi %mul3A_2, %mul3A_1167 : i32
      %dma_start3A_1169 = arith.constant 0 : i32
      %dma_start3A_1170 = tpu.memref_slice %arg4[%add3A_1168, %dma_start3A_1169] : memref<16384x128xf32, #tpu.memory_space<hbm>> -> memref<4x128xf32, #tpu.memory_space<hbm>>
      %dma_start3A_1171 = arith.constant 0 : i32
      %dma_start3A_1172 = tpu.memref_slice %arg4[%add3A_1168, %dma_start3A_1171] : memref<16384x128xf32, #tpu.memory_space<hbm>> -> memref<4x128xf32, #tpu.memory_space<hbm>>
      tpu.enqueue_dma source(%arg8 : memref<4x128xf32, #tpu.memory_space<vmem>>) target(%dma_start3A_1172 : memref<4x128xf32, #tpu.memory_space<hbm>>) target_semaphore(%arg13 : memref<!tpu.dma_semaphore, #tpu.memory_space<semaphore_mem>>)
      %add3A_1173 = arith.constant 2 : i32
      %add3A_1174 = arith.addi %add3A_347, %add3A_1173 : i32
      %dma_wait3A_1175 = arith.constant 2 : i32
      %dma_wait3A_1176 = arith.constant 2 : i32
      %dma_wait3A_1177 = arith.constant 0 : i32
      %dma_wait3A_1178 = arith.constant 0 : i32
      %dma_wait3A_1179 = tpu.memref_slice %arg7[%dma_wait3A_1176, %dma_wait3A_1177, %dma_wait3A_1178] : memref<4x128x128xf32, #tpu.memory_space<vmem>> -> memref<1x128x128xf32, #tpu.memory_space<vmem>>
      %dma_wait3A_1180 = tpu.memref_squeeze %dma_wait3A_1179 : memref<1x128x128xf32, #tpu.memory_space<vmem>> -> memref<128x128xf32, #tpu.memory_space<vmem>>
      %dma_wait3A_1181 = arith.constant 0 : i32
      %dma_wait3A_1182 = tpu.memref_slice %arg6[%dma_wait3A_1175, %dma_wait3A_1181] : memref<4x128xi32, #tpu.memory_space<vmem>> -> memref<1x128xi32, #tpu.memory_space<vmem>>
      %dma_wait3A_1183 = tpu.memref_squeeze %dma_wait3A_1182 : memref<1x128xi32, #tpu.memory_space<vmem>> -> memref<128xi32, #tpu.memory_space<vmem>>
      %dma_wait3A_1184 = arith.constant 0 : i32
      %dma_wait3A_1185 = arith.constant 0 : i32
      %dma_wait3A_1186 = tpu.memref_slice %arg3[%dma_wait3A_1184, %dma_wait3A_1185] : memref<100000x128xf32, #tpu.memory_space<hbm>> -> memref<100000x128xf32, #tpu.memory_space<hbm>>
      tpu.wait_indirect_dma semaphore(%arg11 : memref<!tpu.dma_semaphore, #tpu.memory_space<semaphore_mem>>) src(%dma_wait3A_1186 : memref<100000x128xf32, #tpu.memory_space<hbm>>) dst(%dma_wait3A_1180 : memref<128x128xf32, #tpu.memory_space<vmem>>)
      %add3A_1187 = arith.constant 4 : i32
      %add3A_1188 = arith.addi %add3A_1174, %add3A_1187 : i32
      %sub3A_1189 = arith.constant 1 : i32
      %sub3A_1190 = arith.subi %add3A_1188, %sub3A_1189 : i32
      %eq3A_1191 = arith.constant 64 : i32
      %eq3A_1192 = arith.cmpi eq, %sub3A_1190, %eq3A_1191 : i32
      %convert_element_type3A_1193 = arith.extui %eq3A_1192 : i1 to i32
      %cond3A_1194 = arith.constant 0 : i32
      %cond3A_1195 = arith.cmpi ne, %convert_element_type3A_1193, %cond3A_1194 : i32
      scf.if %cond3A_1195 {
        %mul3A_2005 = arith.constant 128 : i32
        %mul3A_2006 = arith.muli %add3A, %mul3A_2005 : i32
        %add3A_2007 = arith.constant 64 : i32
        %add3A_2008 = arith.addi %mul3A_2006, %add3A_2007 : i32
        "tpu.region"() ({
          %run_scoped3A = tpu.sem_alloc : memref<!tpu.dma_semaphore, #tpu.memory_space<semaphore_mem>>
          %dma_start3A_2009 = arith.constant 0 : i32
          %dma_start3A_2010 = arith.constant 0 : i32
          %dma_start3A_2011 = tpu.memref_slice %arg2[%add3A_2008, %dma_start3A_2009, %dma_start3A_2010] : memref<4096x4x32xi32, #tpu.memory_space<hbm>> -> memref<64x4x32xi32, #tpu.memory_space<hbm>>
          %dma_start3A_2012 = arith.constant 0 : i32
          %dma_start3A_2013 = arith.constant 0 : i32
          %dma_start3A_2014 = tpu.memref_slice %arg2[%add3A_2008, %dma_start3A_2012, %dma_start3A_2013] : memref<4096x4x32xi32, #tpu.memory_space<hbm>> -> memref<64x4x32xi32, #tpu.memory_space<hbm>>
          tpu.enqueue_dma source(%dma_start3A_2014 : memref<64x4x32xi32, #tpu.memory_space<hbm>>) target(%arg5 : memref<64x4x32xi32, #tpu.memory_space<vmem>>) target_semaphore(%run_scoped3A : memref<!tpu.dma_semaphore, #tpu.memory_space<semaphore_mem>>)
          %dma_wait3A_2015 = arith.constant 0 : i32
          %dma_wait3A_2016 = arith.constant 0 : i32
          %dma_wait3A_2017 = tpu.memref_slice %arg2[%add3A_2008, %dma_wait3A_2015, %dma_wait3A_2016] : memref<4096x4x32xi32, #tpu.memory_space<hbm>> -> memref<64x4x32xi32, #tpu.memory_space<hbm>>
          %dma_wait3A_2018 = arith.constant 0 : i32
          %dma_wait3A_2019 = arith.constant 0 : i32
          %dma_wait3A_2020 = tpu.memref_slice %arg2[%add3A_2008, %dma_wait3A_2018, %dma_wait3A_2019] : memref<4096x4x32xi32, #tpu.memory_space<hbm>> -> memref<64x4x32xi32, #tpu.memory_space<hbm>>
          tpu.wait_dma2 semaphore(%run_scoped3A : memref<!tpu.dma_semaphore, #tpu.memory_space<semaphore_mem>>) src(%dma_wait3A_2020 : memref<64x4x32xi32, #tpu.memory_space<hbm>>) dst(%arg5 : memref<64x4x32xi32, #tpu.memory_space<vmem>>)
          tpu.yield
        }) : () -> ()
      } else {
      }
      %lt3A_1196 = arith.constant 128 : i32
      %lt3A_1197 = arith.cmpi slt, %sub3A_1190, %lt3A_1196 : i32
      %convert_element_type3A_1198 = arith.extui %lt3A_1197 : i1 to i32
      %cond3A_1199 = arith.constant 0 : i32
      %cond3A_1200 = arith.cmpi ne, %convert_element_type3A_1198, %cond3A_1199 : i32
      scf.if %cond3A_1200 {
        %rem3A_2005 = arith.constant 64 : i32
        %rem3A_2006 = arith.remsi %sub3A_1190, %rem3A_2005 : i32
        %get3A_2007 = arith.constant 0 : i32
        %get3A_2008 = arith.index_cast %rem3A_2006 : i32 to index
        %get3A_2009 = arith.index_cast %get3A_2007 : i32 to index
        %get3A_2010 = arith.constant 0 : index
        %get3A_2011 = tpu.vector_load %arg5[%get3A_2008, %get3A_2009, %get3A_2010] {strides = array<i32>} : memref<64x4x32xi32, #tpu.memory_space<vmem>>, vector<1x1x16xi32>,
        %get3A_2012 = vector.shape_cast %get3A_2011 : vector<1x1x16xi32> to vector<16xi32>
        %swap3A_2013 = arith.constant 1 : i32
        %swap3A_2014 = arith.index_cast %swap3A_2013 : i32 to index
        %swap3A_2015 = arith.constant 0 : index
        %swap3A_2016 = tpu.vector_load %arg6[%swap3A_2014, %swap3A_2015] {strides = array<i32>} : memref<4x128xi32, #tpu.memory_space<vmem>>, vector<1x16xi32>,
        %swap3A_2017 = vector.shape_cast %swap3A_2016 : vector<1x16xi32> to vector<16xi32>
        %swap3A_2018 = vector.shape_cast %get3A_2012 : vector<16xi32> to vector<1x16xi32>
        tpu.vector_store %arg6[%swap3A_2014, %swap3A_2015], %swap3A_2018 {strides = array<i32>} : memref<4x128xi32, #tpu.memory_space<vmem>>, vector<1x16xi32>,
        %get3A_2019 = arith.constant 0 : i32
        %get3A_2020 = arith.index_cast %rem3A_2006 : i32 to index
        %get3A_2021 = arith.index_cast %get3A_2019 : i32 to index
        %get3A_2022 = arith.constant 16 : index
        %get3A_2023 = tpu.vector_load %arg5[%get3A_2020, %get3A_2021, %get3A_2022] {strides = array<i32>} : memref<64x4x32xi32, #tpu.memory_space<vmem>>, vector<1x1x16xi32>,
        %get3A_2024 = vector.shape_cast %get3A_2023 : vector<1x1x16xi32> to vector<16xi32>
        %swap3A_2025 = arith.constant 1 : i32
        %swap3A_2026 = arith.index_cast %swap3A_2025 : i32 to index
        %swap3A_2027 = arith.constant 16 : index
        %swap3A_2028 = tpu.vector_load %arg6[%swap3A_2026, %swap3A_2027] {strides = array<i32>} : memref<4x128xi32, #tpu.memory_space<vmem>>, vector<1x16xi32>,
        %swap3A_2029 = vector.shape_cast %swap3A_2028 : vector<1x16xi32> to vector<16xi32>
        %swap3A_2030 = vector.shape_cast %get3A_2024 : vector<16xi32> to vector<1x16xi32>
        tpu.vector_store %arg6[%swap3A_2026, %swap3A_2027], %swap3A_2030 {strides = array<i32>} : memref<4x128xi32, #tpu.memory_space<vmem>>, vector<1x16xi32>,
        %get3A_2031 = arith.constant 1 : i32
        %get3A_2032 = arith.index_cast %rem3A_2006 : i32 to index
        %get3A_2033 = arith.index_cast %get3A_2031 : i32 to index
        %get3A_2034 = arith.constant 0 : index
        %get3A_2035 = tpu.vector_load %arg5[%get3A_2032, %get3A_2033, %get3A_2034] {strides = array<i32>} : memref<64x4x32xi32, #tpu.memory_space<vmem>>, vector<1x1x16xi32>,
        %get3A_2036 = vector.shape_cast %get3A_2035 : vector<1x1x16xi32> to vector<16xi32>
        %swap3A_2037 = arith.constant 1 : i32
        %swap3A_2038 = arith.index_cast %swap3A_2037 : i32 to index
        %swap3A_2039 = arith.constant 32 : index
        %swap3A_2040 = tpu.vector_load %arg6[%swap3A_2038, %swap3A_2039] {strides = array<i32>} : memref<4x128xi32, #tpu.memory_space<vmem>>, vector<1x16xi32>,
        %swap3A_2041 = vector.shape_cast %swap3A_2040 : vector<1x16xi32> to vector<16xi32>
        %swap3A_2042 = vector.shape_cast %get3A_2036 : vector<16xi32> to vector<1x16xi32>
        tpu.vector_store %arg6[%swap3A_2038, %swap3A_2039], %swap3A_2042 {strides = array<i32>} : memref<4x128xi32, #tpu.memory_space<vmem>>, vector<1x16xi32>,
        %get3A_2043 = arith.constant 1 : i32
        %get3A_2044 = arith.index_cast %rem3A_2006 : i32 to index
        %get3A_2045 = arith.index_cast %get3A_2043 : i32 to index
        %get3A_2046 = arith.constant 16 : index
        %get3A_2047 = tpu.vector_load %arg5[%get3A_2044, %get3A_2045, %get3A_2046] {strides = array<i32>} : memref<64x4x32xi32, #tpu.memory_space<vmem>>, vector<1x1x16xi32>,
        %get3A_2048 = vector.shape_cast %get3A_2047 : vector<1x1x16xi32> to vector<16xi32>
        %swap3A_2049 = arith.constant 1 : i32
        %swap3A_2050 = arith.index_cast %swap3A_2049 : i32 to index
        %swap3A_2051 = arith.constant 48 : index
        %swap3A_2052 = tpu.vector_load %arg6[%swap3A_2050, %swap3A_2051] {strides = array<i32>} : memref<4x128xi32, #tpu.memory_space<vmem>>, vector<1x16xi32>,
        %swap3A_2053 = vector.shape_cast %swap3A_2052 : vector<1x16xi32> to vector<16xi32>
        %swap3A_2054 = vector.shape_cast %get3A_2048 : vector<16xi32> to vector<1x16xi32>
        tpu.vector_store %arg6[%swap3A_2050, %swap3A_2051], %swap3A_2054 {strides = array<i32>} : memref<4x128xi32, #tpu.memory_space<vmem>>, vector<1x16xi32>,
        %get3A_2055 = arith.constant 2 : i32
        %get3A_2056 = arith.index_cast %rem3A_2006 : i32 to index
        %get3A_2057 = arith.index_cast %get3A_2055 : i32 to index
        %get3A_2058 = arith.constant 0 : index
        %get3A_2059 = tpu.vector_load %arg5[%get3A_2056, %get3A_2057, %get3A_2058] {strides = array<i32>} : memref<64x4x32xi32, #tpu.memory_space<vmem>>, vector<1x1x16xi32>,
        %get3A_2060 = vector.shape_cast %get3A_2059 : vector<1x1x16xi32> to vector<16xi32>
        %swap3A_2061 = arith.constant 1 : i32
        %swap3A_2062 = arith.index_cast %swap3A_2061 : i32 to index
        %swap3A_2063 = arith.constant 64 : index
        %swap3A_2064 = tpu.vector_load %arg6[%swap3A_2062, %swap3A_2063] {strides = array<i32>} : memref<4x128xi32, #tpu.memory_space<vmem>>, vector<1x16xi32>,
        %swap3A_2065 = vector.shape_cast %swap3A_2064 : vector<1x16xi32> to vector<16xi32>
        %swap3A_2066 = vector.shape_cast %get3A_2060 : vector<16xi32> to vector<1x16xi32>
        tpu.vector_store %arg6[%swap3A_2062, %swap3A_2063], %swap3A_2066 {strides = array<i32>} : memref<4x128xi32, #tpu.memory_space<vmem>>, vector<1x16xi32>,
        %get3A_2067 = arith.constant 2 : i32
        %get3A_2068 = arith.index_cast %rem3A_2006 : i32 to index
        %get3A_2069 = arith.index_cast %get3A_2067 : i32 to index
        %get3A_2070 = arith.constant 16 : index
        %get3A_2071 = tpu.vector_load %arg5[%get3A_2068, %get3A_2069, %get3A_2070] {strides = array<i32>} : memref<64x4x32xi32, #tpu.memory_space<vmem>>, vector<1x1x16xi32>,
        %get3A_2072 = vector.shape_cast %get3A_2071 : vector<1x1x16xi32> to vector<16xi32>
        %swap3A_2073 = arith.constant 1 : i32
        %swap3A_2074 = arith.index_cast %swap3A_2073 : i32 to index
        %swap3A_2075 = arith.constant 80 : index
        %swap3A_2076 = tpu.vector_load %arg6[%swap3A_2074, %swap3A_2075] {strides = array<i32>} : memref<4x128xi32, #tpu.memory_space<vmem>>, vector<1x16xi32>,
        %swap3A_2077 = vector.shape_cast %swap3A_2076 : vector<1x16xi32> to vector<16xi32>
        %swap3A_2078 = vector.shape_cast %get3A_2072 : vector<16xi32> to vector<1x16xi32>
        tpu.vector_store %arg6[%swap3A_2074, %swap3A_2075], %swap3A_2078 {strides = array<i32>} : memref<4x128xi32, #tpu.memory_space<vmem>>, vector<1x16xi32>,
        %get3A_2079 = arith.constant 3 : i32
        %get3A_2080 = arith.index_cast %rem3A_2006 : i32 to index
        %get3A_2081 = arith.index_cast %get3A_2079 : i32 to index
        %get3A_2082 = arith.constant 0 : index
        %get3A_2083 = tpu.vector_load %arg5[%get3A_2080, %get3A_2081, %get3A_2082] {strides = array<i32>} : memref<64x4x32xi32, #tpu.memory_space<vmem>>, vector<1x1x16xi32>,
        %get3A_2084 = vector.shape_cast %get3A_2083 : vector<1x1x16xi32> to vector<16xi32>
        %swap3A_2085 = arith.constant 1 : i32
        %swap3A_2086 = arith.index_cast %swap3A_2085 : i32 to index
        %swap3A_2087 = arith.constant 96 : index
        %swap3A_2088 = tpu.vector_load %arg6[%swap3A_2086, %swap3A_2087] {strides = array<i32>} : memref<4x128xi32, #tpu.memory_space<vmem>>, vector<1x16xi32>,
        %swap3A_2089 = vector.shape_cast %swap3A_2088 : vector<1x16xi32> to vector<16xi32>
        %swap3A_2090 = vector.shape_cast %get3A_2084 : vector<16xi32> to vector<1x16xi32>
        tpu.vector_store %arg6[%swap3A_2086, %swap3A_2087], %swap3A_2090 {strides = array<i32>} : memref<4x128xi32, #tpu.memory_space<vmem>>, vector<1x16xi32>,
        %get3A_2091 = arith.constant 3 : i32
        %get3A_2092 = arith.index_cast %rem3A_2006 : i32 to index
        %get3A_2093 = arith.index_cast %get3A_2091 : i32 to index
        %get3A_2094 = arith.constant 16 : index
        %get3A_2095 = tpu.vector_load %arg5[%get3A_2092, %get3A_2093, %get3A_2094] {strides = array<i32>} : memref<64x4x32xi32, #tpu.memory_space<vmem>>, vector<1x1x16xi32>,
        %get3A_2096 = vector.shape_cast %get3A_2095 : vector<1x1x16xi32> to vector<16xi32>
        %swap3A_2097 = arith.constant 1 : i32
        %swap3A_2098 = arith.index_cast %swap3A_2097 : i32 to index
        %swap3A_2099 = arith.constant 112 : index
        %swap3A_2100 = tpu.vector_load %arg6[%swap3A_2098, %swap3A_2099] {strides = array<i32>} : memref<4x128xi32, #tpu.memory_space<vmem>>, vector<1x16xi32>,
        %swap3A_2101 = vector.shape_cast %swap3A_2100 : vector<1x16xi32> to vector<16xi32>
        %swap3A_2102 = vector.shape_cast %get3A_2096 : vector<16xi32> to vector<1x16xi32>
        tpu.vector_store %arg6[%swap3A_2098, %swap3A_2099], %swap3A_2102 {strides = array<i32>} : memref<4x128xi32, #tpu.memory_space<vmem>>, vector<1x16xi32>,
        %dma_start3A_2103 = arith.constant 1 : i32
        %dma_start3A_2104 = arith.constant 1 : i32
        %dma_start3A_2105 = arith.constant 0 : i32
        %dma_start3A_2106 = arith.constant 0 : i32
        %dma_start3A_2107 = tpu.memref_slice %arg7[%dma_start3A_2104, %dma_start3A_2105, %dma_start3A_2106] : memref<4x128x128xf32, #tpu.memory_space<vmem>> -> memref<1x128x128xf32, #tpu.memory_space<vmem>>
        %dma_start3A_2108 = tpu.memref_squeeze %dma_start3A_2107 : memref<1x128x128xf32, #tpu.memory_space<vmem>> -> memref<128x128xf32, #tpu.memory_space<vmem>>
        %dma_start3A_2109 = arith.constant 0 : i32
        %dma_start3A_2110 = tpu.memref_slice %arg6[%dma_start3A_2103, %dma_start3A_2109] : memref<4x128xi32, #tpu.memory_space<vmem>> -> memref<1x128xi32, #tpu.memory_space<vmem>>
        %dma_start3A_2111 = tpu.memref_squeeze %dma_start3A_2110 : memref<1x128xi32, #tpu.memory_space<vmem>> -> memref<128xi32, #tpu.memory_space<vmem>>
        %dma_start3A_2112 = arith.constant 0 : i32
        %dma_start3A_2113 = arith.constant 0 : i32
        %dma_start3A_2114 = tpu.memref_slice %arg3[%dma_start3A_2112, %dma_start3A_2113] : memref<100000x128xf32, #tpu.memory_space<hbm>> -> memref<100000x128xf32, #tpu.memory_space<hbm>>
        tpu.enqueue_indirect_dma source(%dma_start3A_2114 : memref<100000x128xf32, #tpu.memory_space<hbm>>) target(%dma_start3A_2108 : memref<128x128xf32, #tpu.memory_space<vmem>>) offsets(%dma_start3A_2111 : memref<128xi32, #tpu.memory_space<vmem>>) semaphore(%arg10 : memref<!tpu.dma_semaphore, #tpu.memory_space<semaphore_mem>>)
      } else {
      }
      %ge3A_1201 = arith.constant 1 : i32
      %ge3A_1202 = arith.cmpi sge, %add3A_1174, %ge3A_1201 : i32
      %convert_element_type3A_1203 = arith.extui %ge3A_1202 : i1 to i32
      %cond3A_1204 = arith.constant 0 : i32
      %cond3A_1205 = arith.cmpi ne, %convert_element_type3A_1203, %cond3A_1204 : i32
      scf.if %cond3A_1205 {
        %sub3A_2005 = arith.constant 1 : i32
        %sub3A_2006 = arith.subi %add3A_1174, %sub3A_2005 : i32
        %mul3A_2007 = arith.constant 4 : i32
        %mul3A_2008 = arith.muli %sub3A_2006, %mul3A_2007 : i32
        %add3A_2009 = arith.addi %mul3A_2, %mul3A_2008 : i32
        %dma_wait3A_2010 = arith.constant 0 : i32
        %dma_wait3A_2011 = tpu.memref_slice %arg4[%add3A_2009, %dma_wait3A_2010] : memref<16384x128xf32, #tpu.memory_space<hbm>> -> memref<4x128xf32, #tpu.memory_space<hbm>>
        %dma_wait3A_2012 = arith.constant 0 : i32
        %dma_wait3A_2013 = tpu.memref_slice %arg4[%add3A_2009, %dma_wait3A_2012] : memref<16384x128xf32, #tpu.memory_space<hbm>> -> memref<4x128xf32, #tpu.memory_space<hbm>>
        tpu.wait_dma2 semaphore(%arg13 : memref<!tpu.dma_semaphore, #tpu.memory_space<semaphore_mem>>) src(%arg8 : memref<4x128xf32, #tpu.memory_space<vmem>>) dst(%dma_wait3A_2013 : memref<4x128xf32, #tpu.memory_space<hbm>>)
      } else {
      }
      %broadcast_in_dim3A_1206 = arith.constant 0.000000e+00 : f32
      %broadcast_in_dim3A_1207 = vector.broadcast %broadcast_in_dim3A_1206 : f32 to vector<16xf32>
      %broadcast_in_dim3A_1208 = arith.constant 0.000000e+00 : f32
      %broadcast_in_dim3A_1209 = vector.broadcast %broadcast_in_dim3A_1208 : f32 to vector<16xf32>
      %broadcast_in_dim3A_1210 = arith.constant 0.000000e+00 : f32
      %broadcast_in_dim3A_1211 = vector.broadcast %broadcast_in_dim3A_1210 : f32 to vector<16xf32>
      %broadcast_in_dim3A_1212 = arith.constant 0.000000e+00 : f32
      %broadcast_in_dim3A_1213 = vector.broadcast %broadcast_in_dim3A_1212 : f32 to vector<16xf32>
      %broadcast_in_dim3A_1214 = arith.constant 0.000000e+00 : f32
      %broadcast_in_dim3A_1215 = vector.broadcast %broadcast_in_dim3A_1214 : f32 to vector<16xf32>
      %broadcast_in_dim3A_1216 = arith.constant 0.000000e+00 : f32
      %broadcast_in_dim3A_1217 = vector.broadcast %broadcast_in_dim3A_1216 : f32 to vector<16xf32>
      %broadcast_in_dim3A_1218 = arith.constant 0.000000e+00 : f32
      %broadcast_in_dim3A_1219 = vector.broadcast %broadcast_in_dim3A_1218 : f32 to vector<16xf32>
      %broadcast_in_dim3A_1220 = arith.constant 0.000000e+00 : f32
      %broadcast_in_dim3A_1221 = vector.broadcast %broadcast_in_dim3A_1220 : f32 to vector<16xf32>
      %scan3A_1222 = arith.constant 0 : i32
      %scan3A_1223 = arith.constant 32 : i32
      %scan3A_1224 = arith.addi %scan3A_1222, %scan3A_1223 : i32
      %scan3A_1225 = arith.constant 1 : i32
      %scan3A_1226:8 = scf.for %scan3A_2005 = %scan3A_1222 to %scan3A_1224 step %scan3A_1225 iter_args(%scan3A_2006 = %broadcast_in_dim3A_1207, %scan3A_2007 = %broadcast_in_dim3A_1209, %scan3A_2008 = %broadcast_in_dim3A_1211, %scan3A_2009 = %broadcast_in_dim3A_1213, %scan3A_2010 = %broadcast_in_dim3A_1215, %scan3A_2011 = %broadcast_in_dim3A_1217, %scan3A_2012 = %broadcast_in_dim3A_1219, %scan3A_2013 = %broadcast_in_dim3A_1221) -> (vector<16xf32>, vector<16xf32>, vector<16xf32>, vector<16xf32>, vector<16xf32>, vector<16xf32>, vector<16xf32>, vector<16xf32>)  : i32 {
        %add3A_2014 = arith.constant 0 : i32
        %add3A_2015 = arith.addi %add3A_2014, %scan3A_2005 : i32
        %get3A_2016 = arith.constant 2 : i32
        %get3A_2017 = arith.index_cast %get3A_2016 : i32 to index
        %get3A_2018 = arith.index_cast %add3A_2015 : i32 to index
        %get3A_2019 = arith.constant 0 : index
        %get3A_2020 = tpu.vector_load %arg7[%get3A_2017, %get3A_2018, %get3A_2019] {strides = array<i32>} : memref<4x128x128xf32, #tpu.memory_space<vmem>>, vector<1x1x16xf32>,
        %get3A_2021 = vector.shape_cast %get3A_2020 : vector<1x1x16xf32> to vector<16xf32>
        %add3A_2022 = arith.addf %scan3A_2006, %get3A_2021 : vector<16xf32>
        %add3A_2023 = arith.constant 0 : i32
        %add3A_2024 = arith.addi %add3A_2023, %scan3A_2005 : i32
        %get3A_2025 = arith.constant 2 : i32
        %get3A_2026 = arith.index_cast %get3A_2025 : i32 to index
        %get3A_2027 = arith.index_cast %add3A_2024 : i32 to index
        %get3A_2028 = arith.constant 16 : index
        %get3A_2029 = tpu.vector_load %arg7[%get3A_2026, %get3A_2027, %get3A_2028] {strides = array<i32>} : memref<4x128x128xf32, #tpu.memory_space<vmem>>, vector<1x1x16xf32>,
        %get3A_2030 = vector.shape_cast %get3A_2029 : vector<1x1x16xf32> to vector<16xf32>
        %add3A_2031 = arith.addf %scan3A_2007, %get3A_2030 : vector<16xf32>
        %add3A_2032 = arith.constant 0 : i32
        %add3A_2033 = arith.addi %add3A_2032, %scan3A_2005 : i32
        %get3A_2034 = arith.constant 2 : i32
        %get3A_2035 = arith.index_cast %get3A_2034 : i32 to index
        %get3A_2036 = arith.index_cast %add3A_2033 : i32 to index
        %get3A_2037 = arith.constant 32 : index
        %get3A_2038 = tpu.vector_load %arg7[%get3A_2035, %get3A_2036, %get3A_2037] {strides = array<i32>} : memref<4x128x128xf32, #tpu.memory_space<vmem>>, vector<1x1x16xf32>,
        %get3A_2039 = vector.shape_cast %get3A_2038 : vector<1x1x16xf32> to vector<16xf32>
        %add3A_2040 = arith.addf %scan3A_2008, %get3A_2039 : vector<16xf32>
        %add3A_2041 = arith.constant 0 : i32
        %add3A_2042 = arith.addi %add3A_2041, %scan3A_2005 : i32
        %get3A_2043 = arith.constant 2 : i32
        %get3A_2044 = arith.index_cast %get3A_2043 : i32 to index
        %get3A_2045 = arith.index_cast %add3A_2042 : i32 to index
        %get3A_2046 = arith.constant 48 : index
        %get3A_2047 = tpu.vector_load %arg7[%get3A_2044, %get3A_2045, %get3A_2046] {strides = array<i32>} : memref<4x128x128xf32, #tpu.memory_space<vmem>>, vector<1x1x16xf32>,
        %get3A_2048 = vector.shape_cast %get3A_2047 : vector<1x1x16xf32> to vector<16xf32>
        %add3A_2049 = arith.addf %scan3A_2009, %get3A_2048 : vector<16xf32>
        %add3A_2050 = arith.constant 0 : i32
        %add3A_2051 = arith.addi %add3A_2050, %scan3A_2005 : i32
        %get3A_2052 = arith.constant 2 : i32
        %get3A_2053 = arith.index_cast %get3A_2052 : i32 to index
        %get3A_2054 = arith.index_cast %add3A_2051 : i32 to index
        %get3A_2055 = arith.constant 64 : index
        %get3A_2056 = tpu.vector_load %arg7[%get3A_2053, %get3A_2054, %get3A_2055] {strides = array<i32>} : memref<4x128x128xf32, #tpu.memory_space<vmem>>, vector<1x1x16xf32>,
        %get3A_2057 = vector.shape_cast %get3A_2056 : vector<1x1x16xf32> to vector<16xf32>
        %add3A_2058 = arith.addf %scan3A_2010, %get3A_2057 : vector<16xf32>
        %add3A_2059 = arith.constant 0 : i32
        %add3A_2060 = arith.addi %add3A_2059, %scan3A_2005 : i32
        %get3A_2061 = arith.constant 2 : i32
        %get3A_2062 = arith.index_cast %get3A_2061 : i32 to index
        %get3A_2063 = arith.index_cast %add3A_2060 : i32 to index
        %get3A_2064 = arith.constant 80 : index
        %get3A_2065 = tpu.vector_load %arg7[%get3A_2062, %get3A_2063, %get3A_2064] {strides = array<i32>} : memref<4x128x128xf32, #tpu.memory_space<vmem>>, vector<1x1x16xf32>,
        %get3A_2066 = vector.shape_cast %get3A_2065 : vector<1x1x16xf32> to vector<16xf32>
        %add3A_2067 = arith.addf %scan3A_2011, %get3A_2066 : vector<16xf32>
        %add3A_2068 = arith.constant 0 : i32
        %add3A_2069 = arith.addi %add3A_2068, %scan3A_2005 : i32
        %get3A_2070 = arith.constant 2 : i32
        %get3A_2071 = arith.index_cast %get3A_2070 : i32 to index
        %get3A_2072 = arith.index_cast %add3A_2069 : i32 to index
        %get3A_2073 = arith.constant 96 : index
        %get3A_2074 = tpu.vector_load %arg7[%get3A_2071, %get3A_2072, %get3A_2073] {strides = array<i32>} : memref<4x128x128xf32, #tpu.memory_space<vmem>>, vector<1x1x16xf32>,
        %get3A_2075 = vector.shape_cast %get3A_2074 : vector<1x1x16xf32> to vector<16xf32>
        %add3A_2076 = arith.addf %scan3A_2012, %get3A_2075 : vector<16xf32>
        %add3A_2077 = arith.constant 0 : i32
        %add3A_2078 = arith.addi %add3A_2077, %scan3A_2005 : i32
        %get3A_2079 = arith.constant 2 : i32
        %get3A_2080 = arith.index_cast %get3A_2079 : i32 to index
        %get3A_2081 = arith.index_cast %add3A_2078 : i32 to index
        %get3A_2082 = arith.constant 112 : index
        %get3A_2083 = tpu.vector_load %arg7[%get3A_2080, %get3A_2081, %get3A_2082] {strides = array<i32>} : memref<4x128x128xf32, #tpu.memory_space<vmem>>, vector<1x1x16xf32>,
        %get3A_2084 = vector.shape_cast %get3A_2083 : vector<1x1x16xf32> to vector<16xf32>
        %add3A_2085 = arith.addf %scan3A_2013, %get3A_2084 : vector<16xf32>
        scf.yield %add3A_2022, %add3A_2031, %add3A_2040, %add3A_2049, %add3A_2058, %add3A_2067, %add3A_2076, %add3A_2085 : vector<16xf32>, vector<16xf32>, vector<16xf32>, vector<16xf32>, vector<16xf32>, vector<16xf32>, vector<16xf32>, vector<16xf32>
      }
      %scan3A_1227 = arith.constant 32 : i32
      %mul3A_1228 = arith.constant 3.125000e-02 : f32
      %mul3A_1229 = vector.broadcast %mul3A_1228 : f32 to vector<16xf32>
      %mul3A_1230 = arith.mulf %scan3A_1226#0, %mul3A_1229 : vector<16xf32>
      %swap3A_1231 = arith.constant 0 : i32
      %swap3A_1232 = arith.index_cast %swap3A_1231 : i32 to index
      %swap3A_1233 = arith.constant 0 : index
      %swap3A_1234 = tpu.vector_load %arg8[%swap3A_1232, %swap3A_1233] {strides = array<i32>} : memref<4x128xf32, #tpu.memory_space<vmem>>, vector<1x16xf32>,
      %swap3A_1235 = vector.shape_cast %swap3A_1234 : vector<1x16xf32> to vector<16xf32>
      %swap3A_1236 = vector.shape_cast %mul3A_1230 : vector<16xf32> to vector<1x16xf32>
      tpu.vector_store %arg8[%swap3A_1232, %swap3A_1233], %swap3A_1236 {strides = array<i32>} : memref<4x128xf32, #tpu.memory_space<vmem>>, vector<1x16xf32>,
      %mul3A_1237 = arith.constant 3.125000e-02 : f32
      %mul3A_1238 = vector.broadcast %mul3A_1237 : f32 to vector<16xf32>
      %mul3A_1239 = arith.mulf %scan3A_1226#1, %mul3A_1238 : vector<16xf32>
      %swap3A_1240 = arith.constant 0 : i32
      %swap3A_1241 = arith.index_cast %swap3A_1240 : i32 to index
      %swap3A_1242 = arith.constant 16 : index
      %swap3A_1243 = tpu.vector_load %arg8[%swap3A_1241, %swap3A_1242] {strides = array<i32>} : memref<4x128xf32, #tpu.memory_space<vmem>>, vector<1x16xf32>,
      %swap3A_1244 = vector.shape_cast %swap3A_1243 : vector<1x16xf32> to vector<16xf32>
      %swap3A_1245 = vector.shape_cast %mul3A_1239 : vector<16xf32> to vector<1x16xf32>
      tpu.vector_store %arg8[%swap3A_1241, %swap3A_1242], %swap3A_1245 {strides = array<i32>} : memref<4x128xf32, #tpu.memory_space<vmem>>, vector<1x16xf32>,
      %mul3A_1246 = arith.constant 3.125000e-02 : f32
      %mul3A_1247 = vector.broadcast %mul3A_1246 : f32 to vector<16xf32>
      %mul3A_1248 = arith.mulf %scan3A_1226#2, %mul3A_1247 : vector<16xf32>
      %swap3A_1249 = arith.constant 0 : i32
      %swap3A_1250 = arith.index_cast %swap3A_1249 : i32 to index
      %swap3A_1251 = arith.constant 32 : index
      %swap3A_1252 = tpu.vector_load %arg8[%swap3A_1250, %swap3A_1251] {strides = array<i32>} : memref<4x128xf32, #tpu.memory_space<vmem>>, vector<1x16xf32>,
      %swap3A_1253 = vector.shape_cast %swap3A_1252 : vector<1x16xf32> to vector<16xf32>
      %swap3A_1254 = vector.shape_cast %mul3A_1248 : vector<16xf32> to vector<1x16xf32>
      tpu.vector_store %arg8[%swap3A_1250, %swap3A_1251], %swap3A_1254 {strides = array<i32>} : memref<4x128xf32, #tpu.memory_space<vmem>>, vector<1x16xf32>,
      %mul3A_1255 = arith.constant 3.125000e-02 : f32
      %mul3A_1256 = vector.broadcast %mul3A_1255 : f32 to vector<16xf32>
      %mul3A_1257 = arith.mulf %scan3A_1226#3, %mul3A_1256 : vector<16xf32>
      %swap3A_1258 = arith.constant 0 : i32
      %swap3A_1259 = arith.index_cast %swap3A_1258 : i32 to index
      %swap3A_1260 = arith.constant 48 : index
      %swap3A_1261 = tpu.vector_load %arg8[%swap3A_1259, %swap3A_1260] {strides = array<i32>} : memref<4x128xf32, #tpu.memory_space<vmem>>, vector<1x16xf32>,
      %swap3A_1262 = vector.shape_cast %swap3A_1261 : vector<1x16xf32> to vector<16xf32>
      %swap3A_1263 = vector.shape_cast %mul3A_1257 : vector<16xf32> to vector<1x16xf32>
      tpu.vector_store %arg8[%swap3A_1259, %swap3A_1260], %swap3A_1263 {strides = array<i32>} : memref<4x128xf32, #tpu.memory_space<vmem>>, vector<1x16xf32>,
      %mul3A_1264 = arith.constant 3.125000e-02 : f32
      %mul3A_1265 = vector.broadcast %mul3A_1264 : f32 to vector<16xf32>
      %mul3A_1266 = arith.mulf %scan3A_1226#4, %mul3A_1265 : vector<16xf32>
      %swap3A_1267 = arith.constant 0 : i32
      %swap3A_1268 = arith.index_cast %swap3A_1267 : i32 to index
      %swap3A_1269 = arith.constant 64 : index
      %swap3A_1270 = tpu.vector_load %arg8[%swap3A_1268, %swap3A_1269] {strides = array<i32>} : memref<4x128xf32, #tpu.memory_space<vmem>>, vector<1x16xf32>,
      %swap3A_1271 = vector.shape_cast %swap3A_1270 : vector<1x16xf32> to vector<16xf32>
      %swap3A_1272 = vector.shape_cast %mul3A_1266 : vector<16xf32> to vector<1x16xf32>
      tpu.vector_store %arg8[%swap3A_1268, %swap3A_1269], %swap3A_1272 {strides = array<i32>} : memref<4x128xf32, #tpu.memory_space<vmem>>, vector<1x16xf32>,
      %mul3A_1273 = arith.constant 3.125000e-02 : f32
      %mul3A_1274 = vector.broadcast %mul3A_1273 : f32 to vector<16xf32>
      %mul3A_1275 = arith.mulf %scan3A_1226#5, %mul3A_1274 : vector<16xf32>
      %swap3A_1276 = arith.constant 0 : i32
      %swap3A_1277 = arith.index_cast %swap3A_1276 : i32 to index
      %swap3A_1278 = arith.constant 80 : index
      %swap3A_1279 = tpu.vector_load %arg8[%swap3A_1277, %swap3A_1278] {strides = array<i32>} : memref<4x128xf32, #tpu.memory_space<vmem>>, vector<1x16xf32>,
      %swap3A_1280 = vector.shape_cast %swap3A_1279 : vector<1x16xf32> to vector<16xf32>
      %swap3A_1281 = vector.shape_cast %mul3A_1275 : vector<16xf32> to vector<1x16xf32>
      tpu.vector_store %arg8[%swap3A_1277, %swap3A_1278], %swap3A_1281 {strides = array<i32>} : memref<4x128xf32, #tpu.memory_space<vmem>>, vector<1x16xf32>,
      %mul3A_1282 = arith.constant 3.125000e-02 : f32
      %mul3A_1283 = vector.broadcast %mul3A_1282 : f32 to vector<16xf32>
      %mul3A_1284 = arith.mulf %scan3A_1226#6, %mul3A_1283 : vector<16xf32>
      %swap3A_1285 = arith.constant 0 : i32
      %swap3A_1286 = arith.index_cast %swap3A_1285 : i32 to index
      %swap3A_1287 = arith.constant 96 : index
      %swap3A_1288 = tpu.vector_load %arg8[%swap3A_1286, %swap3A_1287] {strides = array<i32>} : memref<4x128xf32, #tpu.memory_space<vmem>>, vector<1x16xf32>,
      %swap3A_1289 = vector.shape_cast %swap3A_1288 : vector<1x16xf32> to vector<16xf32>
      %swap3A_1290 = vector.shape_cast %mul3A_1284 : vector<16xf32> to vector<1x16xf32>
      tpu.vector_store %arg8[%swap3A_1286, %swap3A_1287], %swap3A_1290 {strides = array<i32>} : memref<4x128xf32, #tpu.memory_space<vmem>>, vector<1x16xf32>,
      %mul3A_1291 = arith.constant 3.125000e-02 : f32
      %mul3A_1292 = vector.broadcast %mul3A_1291 : f32 to vector<16xf32>
      %mul3A_1293 = arith.mulf %scan3A_1226#7, %mul3A_1292 : vector<16xf32>
      %swap3A_1294 = arith.constant 0 : i32
      %swap3A_1295 = arith.index_cast %swap3A_1294 : i32 to index
      %swap3A_1296 = arith.constant 112 : index
      %swap3A_1297 = tpu.vector_load %arg8[%swap3A_1295, %swap3A_1296] {strides = array<i32>} : memref<4x128xf32, #tpu.memory_space<vmem>>, vector<1x16xf32>,
      %swap3A_1298 = vector.shape_cast %swap3A_1297 : vector<1x16xf32> to vector<16xf32>
      %swap3A_1299 = vector.shape_cast %mul3A_1293 : vector<16xf32> to vector<1x16xf32>
      tpu.vector_store %arg8[%swap3A_1295, %swap3A_1296], %swap3A_1299 {strides = array<i32>} : memref<4x128xf32, #tpu.memory_space<vmem>>, vector<1x16xf32>,
      %broadcast_in_dim3A_1300 = arith.constant 0.000000e+00 : f32
      %broadcast_in_dim3A_1301 = vector.broadcast %broadcast_in_dim3A_1300 : f32 to vector<16xf32>
      %broadcast_in_dim3A_1302 = arith.constant 0.000000e+00 : f32
      %broadcast_in_dim3A_1303 = vector.broadcast %broadcast_in_dim3A_1302 : f32 to vector<16xf32>
      %broadcast_in_dim3A_1304 = arith.constant 0.000000e+00 : f32
      %broadcast_in_dim3A_1305 = vector.broadcast %broadcast_in_dim3A_1304 : f32 to vector<16xf32>
      %broadcast_in_dim3A_1306 = arith.constant 0.000000e+00 : f32
      %broadcast_in_dim3A_1307 = vector.broadcast %broadcast_in_dim3A_1306 : f32 to vector<16xf32>
      %broadcast_in_dim3A_1308 = arith.constant 0.000000e+00 : f32
      %broadcast_in_dim3A_1309 = vector.broadcast %broadcast_in_dim3A_1308 : f32 to vector<16xf32>
      %broadcast_in_dim3A_1310 = arith.constant 0.000000e+00 : f32
      %broadcast_in_dim3A_1311 = vector.broadcast %broadcast_in_dim3A_1310 : f32 to vector<16xf32>
      %broadcast_in_dim3A_1312 = arith.constant 0.000000e+00 : f32
      %broadcast_in_dim3A_1313 = vector.broadcast %broadcast_in_dim3A_1312 : f32 to vector<16xf32>
      %broadcast_in_dim3A_1314 = arith.constant 0.000000e+00 : f32
      %broadcast_in_dim3A_1315 = vector.broadcast %broadcast_in_dim3A_1314 : f32 to vector<16xf32>
      %scan3A_1316 = arith.constant 0 : i32
      %scan3A_1317 = arith.constant 32 : i32
      %scan3A_1318 = arith.addi %scan3A_1316, %scan3A_1317 : i32
      %scan3A_1319 = arith.constant 1 : i32
      %scan3A_1320:8 = scf.for %scan3A_2005 = %scan3A_1316 to %scan3A_1318 step %scan3A_1319 iter_args(%scan3A_2006 = %broadcast_in_dim3A_1301, %scan3A_2007 = %broadcast_in_dim3A_1303, %scan3A_2008 = %broadcast_in_dim3A_1305, %scan3A_2009 = %broadcast_in_dim3A_1307, %scan3A_2010 = %broadcast_in_dim3A_1309, %scan3A_2011 = %broadcast_in_dim3A_1311, %scan3A_2012 = %broadcast_in_dim3A_1313, %scan3A_2013 = %broadcast_in_dim3A_1315) -> (vector<16xf32>, vector<16xf32>, vector<16xf32>, vector<16xf32>, vector<16xf32>, vector<16xf32>, vector<16xf32>, vector<16xf32>)  : i32 {
        %add3A_2014 = arith.constant 32 : i32
        %add3A_2015 = arith.addi %add3A_2014, %scan3A_2005 : i32
        %get3A_2016 = arith.constant 2 : i32
        %get3A_2017 = arith.index_cast %get3A_2016 : i32 to index
        %get3A_2018 = arith.index_cast %add3A_2015 : i32 to index
        %get3A_2019 = arith.constant 0 : index
        %get3A_2020 = tpu.vector_load %arg7[%get3A_2017, %get3A_2018, %get3A_2019] {strides = array<i32>} : memref<4x128x128xf32, #tpu.memory_space<vmem>>, vector<1x1x16xf32>,
        %get3A_2021 = vector.shape_cast %get3A_2020 : vector<1x1x16xf32> to vector<16xf32>
        %add3A_2022 = arith.addf %scan3A_2006, %get3A_2021 : vector<16xf32>
        %add3A_2023 = arith.constant 32 : i32
        %add3A_2024 = arith.addi %add3A_2023, %scan3A_2005 : i32
        %get3A_2025 = arith.constant 2 : i32
        %get3A_2026 = arith.index_cast %get3A_2025 : i32 to index
        %get3A_2027 = arith.index_cast %add3A_2024 : i32 to index
        %get3A_2028 = arith.constant 16 : index
        %get3A_2029 = tpu.vector_load %arg7[%get3A_2026, %get3A_2027, %get3A_2028] {strides = array<i32>} : memref<4x128x128xf32, #tpu.memory_space<vmem>>, vector<1x1x16xf32>,
        %get3A_2030 = vector.shape_cast %get3A_2029 : vector<1x1x16xf32> to vector<16xf32>
        %add3A_2031 = arith.addf %scan3A_2007, %get3A_2030 : vector<16xf32>
        %add3A_2032 = arith.constant 32 : i32
        %add3A_2033 = arith.addi %add3A_2032, %scan3A_2005 : i32
        %get3A_2034 = arith.constant 2 : i32
        %get3A_2035 = arith.index_cast %get3A_2034 : i32 to index
        %get3A_2036 = arith.index_cast %add3A_2033 : i32 to index
        %get3A_2037 = arith.constant 32 : index
        %get3A_2038 = tpu.vector_load %arg7[%get3A_2035, %get3A_2036, %get3A_2037] {strides = array<i32>} : memref<4x128x128xf32, #tpu.memory_space<vmem>>, vector<1x1x16xf32>,
        %get3A_2039 = vector.shape_cast %get3A_2038 : vector<1x1x16xf32> to vector<16xf32>
        %add3A_2040 = arith.addf %scan3A_2008, %get3A_2039 : vector<16xf32>
        %add3A_2041 = arith.constant 32 : i32
        %add3A_2042 = arith.addi %add3A_2041, %scan3A_2005 : i32
        %get3A_2043 = arith.constant 2 : i32
        %get3A_2044 = arith.index_cast %get3A_2043 : i32 to index
        %get3A_2045 = arith.index_cast %add3A_2042 : i32 to index
        %get3A_2046 = arith.constant 48 : index
        %get3A_2047 = tpu.vector_load %arg7[%get3A_2044, %get3A_2045, %get3A_2046] {strides = array<i32>} : memref<4x128x128xf32, #tpu.memory_space<vmem>>, vector<1x1x16xf32>,
        %get3A_2048 = vector.shape_cast %get3A_2047 : vector<1x1x16xf32> to vector<16xf32>
        %add3A_2049 = arith.addf %scan3A_2009, %get3A_2048 : vector<16xf32>
        %add3A_2050 = arith.constant 32 : i32
        %add3A_2051 = arith.addi %add3A_2050, %scan3A_2005 : i32
        %get3A_2052 = arith.constant 2 : i32
        %get3A_2053 = arith.index_cast %get3A_2052 : i32 to index
        %get3A_2054 = arith.index_cast %add3A_2051 : i32 to index
        %get3A_2055 = arith.constant 64 : index
        %get3A_2056 = tpu.vector_load %arg7[%get3A_2053, %get3A_2054, %get3A_2055] {strides = array<i32>} : memref<4x128x128xf32, #tpu.memory_space<vmem>>, vector<1x1x16xf32>,
        %get3A_2057 = vector.shape_cast %get3A_2056 : vector<1x1x16xf32> to vector<16xf32>
        %add3A_2058 = arith.addf %scan3A_2010, %get3A_2057 : vector<16xf32>
        %add3A_2059 = arith.constant 32 : i32
        %add3A_2060 = arith.addi %add3A_2059, %scan3A_2005 : i32
        %get3A_2061 = arith.constant 2 : i32
        %get3A_2062 = arith.index_cast %get3A_2061 : i32 to index
        %get3A_2063 = arith.index_cast %add3A_2060 : i32 to index
        %get3A_2064 = arith.constant 80 : index
        %get3A_2065 = tpu.vector_load %arg7[%get3A_2062, %get3A_2063, %get3A_2064] {strides = array<i32>} : memref<4x128x128xf32, #tpu.memory_space<vmem>>, vector<1x1x16xf32>,
        %get3A_2066 = vector.shape_cast %get3A_2065 : vector<1x1x16xf32> to vector<16xf32>
        %add3A_2067 = arith.addf %scan3A_2011, %get3A_2066 : vector<16xf32>
        %add3A_2068 = arith.constant 32 : i32
        %add3A_2069 = arith.addi %add3A_2068, %scan3A_2005 : i32
        %get3A_2070 = arith.constant 2 : i32
        %get3A_2071 = arith.index_cast %get3A_2070 : i32 to index
        %get3A_2072 = arith.index_cast %add3A_2069 : i32 to index
        %get3A_2073 = arith.constant 96 : index
        %get3A_2074 = tpu.vector_load %arg7[%get3A_2071, %get3A_2072, %get3A_2073] {strides = array<i32>} : memref<4x128x128xf32, #tpu.memory_space<vmem>>, vector<1x1x16xf32>,
        %get3A_2075 = vector.shape_cast %get3A_2074 : vector<1x1x16xf32> to vector<16xf32>
        %add3A_2076 = arith.addf %scan3A_2012, %get3A_2075 : vector<16xf32>
        %add3A_2077 = arith.constant 32 : i32
        %add3A_2078 = arith.addi %add3A_2077, %scan3A_2005 : i32
        %get3A_2079 = arith.constant 2 : i32
        %get3A_2080 = arith.index_cast %get3A_2079 : i32 to index
        %get3A_2081 = arith.index_cast %add3A_2078 : i32 to index
        %get3A_2082 = arith.constant 112 : index
        %get3A_2083 = tpu.vector_load %arg7[%get3A_2080, %get3A_2081, %get3A_2082] {strides = array<i32>} : memref<4x128x128xf32, #tpu.memory_space<vmem>>, vector<1x1x16xf32>,
        %get3A_2084 = vector.shape_cast %get3A_2083 : vector<1x1x16xf32> to vector<16xf32>
        %add3A_2085 = arith.addf %scan3A_2013, %get3A_2084 : vector<16xf32>
        scf.yield %add3A_2022, %add3A_2031, %add3A_2040, %add3A_2049, %add3A_2058, %add3A_2067, %add3A_2076, %add3A_2085 : vector<16xf32>, vector<16xf32>, vector<16xf32>, vector<16xf32>, vector<16xf32>, vector<16xf32>, vector<16xf32>, vector<16xf32>
      }
      %scan3A_1321 = arith.constant 32 : i32
      %mul3A_1322 = arith.constant 3.125000e-02 : f32
      %mul3A_1323 = vector.broadcast %mul3A_1322 : f32 to vector<16xf32>
      %mul3A_1324 = arith.mulf %scan3A_1320#0, %mul3A_1323 : vector<16xf32>
      %swap3A_1325 = arith.constant 1 : i32
      %swap3A_1326 = arith.index_cast %swap3A_1325 : i32 to index
      %swap3A_1327 = arith.constant 0 : index
      %swap3A_1328 = tpu.vector_load %arg8[%swap3A_1326, %swap3A_1327] {strides = array<i32>} : memref<4x128xf32, #tpu.memory_space<vmem>>, vector<1x16xf32>,
      %swap3A_1329 = vector.shape_cast %swap3A_1328 : vector<1x16xf32> to vector<16xf32>
      %swap3A_1330 = vector.shape_cast %mul3A_1324 : vector<16xf32> to vector<1x16xf32>
      tpu.vector_store %arg8[%swap3A_1326, %swap3A_1327], %swap3A_1330 {strides = array<i32>} : memref<4x128xf32, #tpu.memory_space<vmem>>, vector<1x16xf32>,
      %mul3A_1331 = arith.constant 3.125000e-02 : f32
      %mul3A_1332 = vector.broadcast %mul3A_1331 : f32 to vector<16xf32>
      %mul3A_1333 = arith.mulf %scan3A_1320#1, %mul3A_1332 : vector<16xf32>
      %swap3A_1334 = arith.constant 1 : i32
      %swap3A_1335 = arith.index_cast %swap3A_1334 : i32 to index
      %swap3A_1336 = arith.constant 16 : index
      %swap3A_1337 = tpu.vector_load %arg8[%swap3A_1335, %swap3A_1336] {strides = array<i32>} : memref<4x128xf32, #tpu.memory_space<vmem>>, vector<1x16xf32>,
      %swap3A_1338 = vector.shape_cast %swap3A_1337 : vector<1x16xf32> to vector<16xf32>
      %swap3A_1339 = vector.shape_cast %mul3A_1333 : vector<16xf32> to vector<1x16xf32>
      tpu.vector_store %arg8[%swap3A_1335, %swap3A_1336], %swap3A_1339 {strides = array<i32>} : memref<4x128xf32, #tpu.memory_space<vmem>>, vector<1x16xf32>,
      %mul3A_1340 = arith.constant 3.125000e-02 : f32
      %mul3A_1341 = vector.broadcast %mul3A_1340 : f32 to vector<16xf32>
      %mul3A_1342 = arith.mulf %scan3A_1320#2, %mul3A_1341 : vector<16xf32>
      %swap3A_1343 = arith.constant 1 : i32
      %swap3A_1344 = arith.index_cast %swap3A_1343 : i32 to index
      %swap3A_1345 = arith.constant 32 : index
      %swap3A_1346 = tpu.vector_load %arg8[%swap3A_1344, %swap3A_1345] {strides = array<i32>} : memref<4x128xf32, #tpu.memory_space<vmem>>, vector<1x16xf32>,
      %swap3A_1347 = vector.shape_cast %swap3A_1346 : vector<1x16xf32> to vector<16xf32>
      %swap3A_1348 = vector.shape_cast %mul3A_1342 : vector<16xf32> to vector<1x16xf32>
      tpu.vector_store %arg8[%swap3A_1344, %swap3A_1345], %swap3A_1348 {strides = array<i32>} : memref<4x128xf32, #tpu.memory_space<vmem>>, vector<1x16xf32>,
      %mul3A_1349 = arith.constant 3.125000e-02 : f32
      %mul3A_1350 = vector.broadcast %mul3A_1349 : f32 to vector<16xf32>
      %mul3A_1351 = arith.mulf %scan3A_1320#3, %mul3A_1350 : vector<16xf32>
      %swap3A_1352 = arith.constant 1 : i32
      %swap3A_1353 = arith.index_cast %swap3A_1352 : i32 to index
      %swap3A_1354 = arith.constant 48 : index
      %swap3A_1355 = tpu.vector_load %arg8[%swap3A_1353, %swap3A_1354] {strides = array<i32>} : memref<4x128xf32, #tpu.memory_space<vmem>>, vector<1x16xf32>,
      %swap3A_1356 = vector.shape_cast %swap3A_1355 : vector<1x16xf32> to vector<16xf32>
      %swap3A_1357 = vector.shape_cast %mul3A_1351 : vector<16xf32> to vector<1x16xf32>
      tpu.vector_store %arg8[%swap3A_1353, %swap3A_1354], %swap3A_1357 {strides = array<i32>} : memref<4x128xf32, #tpu.memory_space<vmem>>, vector<1x16xf32>,
      %mul3A_1358 = arith.constant 3.125000e-02 : f32
      %mul3A_1359 = vector.broadcast %mul3A_1358 : f32 to vector<16xf32>
      %mul3A_1360 = arith.mulf %scan3A_1320#4, %mul3A_1359 : vector<16xf32>
      %swap3A_1361 = arith.constant 1 : i32
      %swap3A_1362 = arith.index_cast %swap3A_1361 : i32 to index
      %swap3A_1363 = arith.constant 64 : index
      %swap3A_1364 = tpu.vector_load %arg8[%swap3A_1362, %swap3A_1363] {strides = array<i32>} : memref<4x128xf32, #tpu.memory_space<vmem>>, vector<1x16xf32>,
      %swap3A_1365 = vector.shape_cast %swap3A_1364 : vector<1x16xf32> to vector<16xf32>
      %swap3A_1366 = vector.shape_cast %mul3A_1360 : vector<16xf32> to vector<1x16xf32>
      tpu.vector_store %arg8[%swap3A_1362, %swap3A_1363], %swap3A_1366 {strides = array<i32>} : memref<4x128xf32, #tpu.memory_space<vmem>>, vector<1x16xf32>,
      %mul3A_1367 = arith.constant 3.125000e-02 : f32
      %mul3A_1368 = vector.broadcast %mul3A_1367 : f32 to vector<16xf32>
      %mul3A_1369 = arith.mulf %scan3A_1320#5, %mul3A_1368 : vector<16xf32>
      %swap3A_1370 = arith.constant 1 : i32
      %swap3A_1371 = arith.index_cast %swap3A_1370 : i32 to index
      %swap3A_1372 = arith.constant 80 : index
      %swap3A_1373 = tpu.vector_load %arg8[%swap3A_1371, %swap3A_1372] {strides = array<i32>} : memref<4x128xf32, #tpu.memory_space<vmem>>, vector<1x16xf32>,
      %swap3A_1374 = vector.shape_cast %swap3A_1373 : vector<1x16xf32> to vector<16xf32>
      %swap3A_1375 = vector.shape_cast %mul3A_1369 : vector<16xf32> to vector<1x16xf32>
      tpu.vector_store %arg8[%swap3A_1371, %swap3A_1372], %swap3A_1375 {strides = array<i32>} : memref<4x128xf32, #tpu.memory_space<vmem>>, vector<1x16xf32>,
      %mul3A_1376 = arith.constant 3.125000e-02 : f32
      %mul3A_1377 = vector.broadcast %mul3A_1376 : f32 to vector<16xf32>
      %mul3A_1378 = arith.mulf %scan3A_1320#6, %mul3A_1377 : vector<16xf32>
      %swap3A_1379 = arith.constant 1 : i32
      %swap3A_1380 = arith.index_cast %swap3A_1379 : i32 to index
      %swap3A_1381 = arith.constant 96 : index
      %swap3A_1382 = tpu.vector_load %arg8[%swap3A_1380, %swap3A_1381] {strides = array<i32>} : memref<4x128xf32, #tpu.memory_space<vmem>>, vector<1x16xf32>,
      %swap3A_1383 = vector.shape_cast %swap3A_1382 : vector<1x16xf32> to vector<16xf32>
      %swap3A_1384 = vector.shape_cast %mul3A_1378 : vector<16xf32> to vector<1x16xf32>
      tpu.vector_store %arg8[%swap3A_1380, %swap3A_1381], %swap3A_1384 {strides = array<i32>} : memref<4x128xf32, #tpu.memory_space<vmem>>, vector<1x16xf32>,
      %mul3A_1385 = arith.constant 3.125000e-02 : f32
      %mul3A_1386 = vector.broadcast %mul3A_1385 : f32 to vector<16xf32>
      %mul3A_1387 = arith.mulf %scan3A_1320#7, %mul3A_1386 : vector<16xf32>
      %swap3A_1388 = arith.constant 1 : i32
      %swap3A_1389 = arith.index_cast %swap3A_1388 : i32 to index
      %swap3A_1390 = arith.constant 112 : index
      %swap3A_1391 = tpu.vector_load %arg8[%swap3A_1389, %swap3A_1390] {strides = array<i32>} : memref<4x128xf32, #tpu.memory_space<vmem>>, vector<1x16xf32>,
      %swap3A_1392 = vector.shape_cast %swap3A_1391 : vector<1x16xf32> to vector<16xf32>
      %swap3A_1393 = vector.shape_cast %mul3A_1387 : vector<16xf32> to vector<1x16xf32>
      tpu.vector_store %arg8[%swap3A_1389, %swap3A_1390], %swap3A_1393 {strides = array<i32>} : memref<4x128xf32, #tpu.memory_space<vmem>>, vector<1x16xf32>,
      %broadcast_in_dim3A_1394 = arith.constant 0.000000e+00 : f32
      %broadcast_in_dim3A_1395 = vector.broadcast %broadcast_in_dim3A_1394 : f32 to vector<16xf32>
      %broadcast_in_dim3A_1396 = arith.constant 0.000000e+00 : f32
      %broadcast_in_dim3A_1397 = vector.broadcast %broadcast_in_dim3A_1396 : f32 to vector<16xf32>
      %broadcast_in_dim3A_1398 = arith.constant 0.000000e+00 : f32
      %broadcast_in_dim3A_1399 = vector.broadcast %broadcast_in_dim3A_1398 : f32 to vector<16xf32>
      %broadcast_in_dim3A_1400 = arith.constant 0.000000e+00 : f32
      %broadcast_in_dim3A_1401 = vector.broadcast %broadcast_in_dim3A_1400 : f32 to vector<16xf32>
      %broadcast_in_dim3A_1402 = arith.constant 0.000000e+00 : f32
      %broadcast_in_dim3A_1403 = vector.broadcast %broadcast_in_dim3A_1402 : f32 to vector<16xf32>
      %broadcast_in_dim3A_1404 = arith.constant 0.000000e+00 : f32
      %broadcast_in_dim3A_1405 = vector.broadcast %broadcast_in_dim3A_1404 : f32 to vector<16xf32>
      %broadcast_in_dim3A_1406 = arith.constant 0.000000e+00 : f32
      %broadcast_in_dim3A_1407 = vector.broadcast %broadcast_in_dim3A_1406 : f32 to vector<16xf32>
      %broadcast_in_dim3A_1408 = arith.constant 0.000000e+00 : f32
      %broadcast_in_dim3A_1409 = vector.broadcast %broadcast_in_dim3A_1408 : f32 to vector<16xf32>
      %scan3A_1410 = arith.constant 0 : i32
      %scan3A_1411 = arith.constant 32 : i32
      %scan3A_1412 = arith.addi %scan3A_1410, %scan3A_1411 : i32
      %scan3A_1413 = arith.constant 1 : i32
      %scan3A_1414:8 = scf.for %scan3A_2005 = %scan3A_1410 to %scan3A_1412 step %scan3A_1413 iter_args(%scan3A_2006 = %broadcast_in_dim3A_1395, %scan3A_2007 = %broadcast_in_dim3A_1397, %scan3A_2008 = %broadcast_in_dim3A_1399, %scan3A_2009 = %broadcast_in_dim3A_1401, %scan3A_2010 = %broadcast_in_dim3A_1403, %scan3A_2011 = %broadcast_in_dim3A_1405, %scan3A_2012 = %broadcast_in_dim3A_1407, %scan3A_2013 = %broadcast_in_dim3A_1409) -> (vector<16xf32>, vector<16xf32>, vector<16xf32>, vector<16xf32>, vector<16xf32>, vector<16xf32>, vector<16xf32>, vector<16xf32>)  : i32 {
        %add3A_2014 = arith.constant 64 : i32
        %add3A_2015 = arith.addi %add3A_2014, %scan3A_2005 : i32
        %get3A_2016 = arith.constant 2 : i32
        %get3A_2017 = arith.index_cast %get3A_2016 : i32 to index
        %get3A_2018 = arith.index_cast %add3A_2015 : i32 to index
        %get3A_2019 = arith.constant 0 : index
        %get3A_2020 = tpu.vector_load %arg7[%get3A_2017, %get3A_2018, %get3A_2019] {strides = array<i32>} : memref<4x128x128xf32, #tpu.memory_space<vmem>>, vector<1x1x16xf32>,
        %get3A_2021 = vector.shape_cast %get3A_2020 : vector<1x1x16xf32> to vector<16xf32>
        %add3A_2022 = arith.addf %scan3A_2006, %get3A_2021 : vector<16xf32>
        %add3A_2023 = arith.constant 64 : i32
        %add3A_2024 = arith.addi %add3A_2023, %scan3A_2005 : i32
        %get3A_2025 = arith.constant 2 : i32
        %get3A_2026 = arith.index_cast %get3A_2025 : i32 to index
        %get3A_2027 = arith.index_cast %add3A_2024 : i32 to index
        %get3A_2028 = arith.constant 16 : index
        %get3A_2029 = tpu.vector_load %arg7[%get3A_2026, %get3A_2027, %get3A_2028] {strides = array<i32>} : memref<4x128x128xf32, #tpu.memory_space<vmem>>, vector<1x1x16xf32>,
        %get3A_2030 = vector.shape_cast %get3A_2029 : vector<1x1x16xf32> to vector<16xf32>
        %add3A_2031 = arith.addf %scan3A_2007, %get3A_2030 : vector<16xf32>
        %add3A_2032 = arith.constant 64 : i32
        %add3A_2033 = arith.addi %add3A_2032, %scan3A_2005 : i32
        %get3A_2034 = arith.constant 2 : i32
        %get3A_2035 = arith.index_cast %get3A_2034 : i32 to index
        %get3A_2036 = arith.index_cast %add3A_2033 : i32 to index
        %get3A_2037 = arith.constant 32 : index
        %get3A_2038 = tpu.vector_load %arg7[%get3A_2035, %get3A_2036, %get3A_2037] {strides = array<i32>} : memref<4x128x128xf32, #tpu.memory_space<vmem>>, vector<1x1x16xf32>,
        %get3A_2039 = vector.shape_cast %get3A_2038 : vector<1x1x16xf32> to vector<16xf32>
        %add3A_2040 = arith.addf %scan3A_2008, %get3A_2039 : vector<16xf32>
        %add3A_2041 = arith.constant 64 : i32
        %add3A_2042 = arith.addi %add3A_2041, %scan3A_2005 : i32
        %get3A_2043 = arith.constant 2 : i32
        %get3A_2044 = arith.index_cast %get3A_2043 : i32 to index
        %get3A_2045 = arith.index_cast %add3A_2042 : i32 to index
        %get3A_2046 = arith.constant 48 : index
        %get3A_2047 = tpu.vector_load %arg7[%get3A_2044, %get3A_2045, %get3A_2046] {strides = array<i32>} : memref<4x128x128xf32, #tpu.memory_space<vmem>>, vector<1x1x16xf32>,
        %get3A_2048 = vector.shape_cast %get3A_2047 : vector<1x1x16xf32> to vector<16xf32>
        %add3A_2049 = arith.addf %scan3A_2009, %get3A_2048 : vector<16xf32>
        %add3A_2050 = arith.constant 64 : i32
        %add3A_2051 = arith.addi %add3A_2050, %scan3A_2005 : i32
        %get3A_2052 = arith.constant 2 : i32
        %get3A_2053 = arith.index_cast %get3A_2052 : i32 to index
        %get3A_2054 = arith.index_cast %add3A_2051 : i32 to index
        %get3A_2055 = arith.constant 64 : index
        %get3A_2056 = tpu.vector_load %arg7[%get3A_2053, %get3A_2054, %get3A_2055] {strides = array<i32>} : memref<4x128x128xf32, #tpu.memory_space<vmem>>, vector<1x1x16xf32>,
        %get3A_2057 = vector.shape_cast %get3A_2056 : vector<1x1x16xf32> to vector<16xf32>
        %add3A_2058 = arith.addf %scan3A_2010, %get3A_2057 : vector<16xf32>
        %add3A_2059 = arith.constant 64 : i32
        %add3A_2060 = arith.addi %add3A_2059, %scan3A_2005 : i32
        %get3A_2061 = arith.constant 2 : i32
        %get3A_2062 = arith.index_cast %get3A_2061 : i32 to index
        %get3A_2063 = arith.index_cast %add3A_2060 : i32 to index
        %get3A_2064 = arith.constant 80 : index
        %get3A_2065 = tpu.vector_load %arg7[%get3A_2062, %get3A_2063, %get3A_2064] {strides = array<i32>} : memref<4x128x128xf32, #tpu.memory_space<vmem>>, vector<1x1x16xf32>,
        %get3A_2066 = vector.shape_cast %get3A_2065 : vector<1x1x16xf32> to vector<16xf32>
        %add3A_2067 = arith.addf %scan3A_2011, %get3A_2066 : vector<16xf32>
        %add3A_2068 = arith.constant 64 : i32
        %add3A_2069 = arith.addi %add3A_2068, %scan3A_2005 : i32
        %get3A_2070 = arith.constant 2 : i32
        %get3A_2071 = arith.index_cast %get3A_2070 : i32 to index
        %get3A_2072 = arith.index_cast %add3A_2069 : i32 to index
        %get3A_2073 = arith.constant 96 : index
        %get3A_2074 = tpu.vector_load %arg7[%get3A_2071, %get3A_2072, %get3A_2073] {strides = array<i32>} : memref<4x128x128xf32, #tpu.memory_space<vmem>>, vector<1x1x16xf32>,
        %get3A_2075 = vector.shape_cast %get3A_2074 : vector<1x1x16xf32> to vector<16xf32>
        %add3A_2076 = arith.addf %scan3A_2012, %get3A_2075 : vector<16xf32>
        %add3A_2077 = arith.constant 64 : i32
        %add3A_2078 = arith.addi %add3A_2077, %scan3A_2005 : i32
        %get3A_2079 = arith.constant 2 : i32
        %get3A_2080 = arith.index_cast %get3A_2079 : i32 to index
        %get3A_2081 = arith.index_cast %add3A_2078 : i32 to index
        %get3A_2082 = arith.constant 112 : index
        %get3A_2083 = tpu.vector_load %arg7[%get3A_2080, %get3A_2081, %get3A_2082] {strides = array<i32>} : memref<4x128x128xf32, #tpu.memory_space<vmem>>, vector<1x1x16xf32>,
        %get3A_2084 = vector.shape_cast %get3A_2083 : vector<1x1x16xf32> to vector<16xf32>
        %add3A_2085 = arith.addf %scan3A_2013, %get3A_2084 : vector<16xf32>
        scf.yield %add3A_2022, %add3A_2031, %add3A_2040, %add3A_2049, %add3A_2058, %add3A_2067, %add3A_2076, %add3A_2085 : vector<16xf32>, vector<16xf32>, vector<16xf32>, vector<16xf32>, vector<16xf32>, vector<16xf32>, vector<16xf32>, vector<16xf32>
      }
      %scan3A_1415 = arith.constant 32 : i32
      %mul3A_1416 = arith.constant 3.125000e-02 : f32
      %mul3A_1417 = vector.broadcast %mul3A_1416 : f32 to vector<16xf32>
      %mul3A_1418 = arith.mulf %scan3A_1414#0, %mul3A_1417 : vector<16xf32>
      %swap3A_1419 = arith.constant 2 : i32
      %swap3A_1420 = arith.index_cast %swap3A_1419 : i32 to index
      %swap3A_1421 = arith.constant 0 : index
      %swap3A_1422 = tpu.vector_load %arg8[%swap3A_1420, %swap3A_1421] {strides = array<i32>} : memref<4x128xf32, #tpu.memory_space<vmem>>, vector<1x16xf32>,
      %swap3A_1423 = vector.shape_cast %swap3A_1422 : vector<1x16xf32> to vector<16xf32>
      %swap3A_1424 = vector.shape_cast %mul3A_1418 : vector<16xf32> to vector<1x16xf32>
      tpu.vector_store %arg8[%swap3A_1420, %swap3A_1421], %swap3A_1424 {strides = array<i32>} : memref<4x128xf32, #tpu.memory_space<vmem>>, vector<1x16xf32>,
      %mul3A_1425 = arith.constant 3.125000e-02 : f32
      %mul3A_1426 = vector.broadcast %mul3A_1425 : f32 to vector<16xf32>
      %mul3A_1427 = arith.mulf %scan3A_1414#1, %mul3A_1426 : vector<16xf32>
      %swap3A_1428 = arith.constant 2 : i32
      %swap3A_1429 = arith.index_cast %swap3A_1428 : i32 to index
      %swap3A_1430 = arith.constant 16 : index
      %swap3A_1431 = tpu.vector_load %arg8[%swap3A_1429, %swap3A_1430] {strides = array<i32>} : memref<4x128xf32, #tpu.memory_space<vmem>>, vector<1x16xf32>,
      %swap3A_1432 = vector.shape_cast %swap3A_1431 : vector<1x16xf32> to vector<16xf32>
      %swap3A_1433 = vector.shape_cast %mul3A_1427 : vector<16xf32> to vector<1x16xf32>
      tpu.vector_store %arg8[%swap3A_1429, %swap3A_1430], %swap3A_1433 {strides = array<i32>} : memref<4x128xf32, #tpu.memory_space<vmem>>, vector<1x16xf32>,
      %mul3A_1434 = arith.constant 3.125000e-02 : f32
      %mul3A_1435 = vector.broadcast %mul3A_1434 : f32 to vector<16xf32>
      %mul3A_1436 = arith.mulf %scan3A_1414#2, %mul3A_1435 : vector<16xf32>
      %swap3A_1437 = arith.constant 2 : i32
      %swap3A_1438 = arith.index_cast %swap3A_1437 : i32 to index
      %swap3A_1439 = arith.constant 32 : index
      %swap3A_1440 = tpu.vector_load %arg8[%swap3A_1438, %swap3A_1439] {strides = array<i32>} : memref<4x128xf32, #tpu.memory_space<vmem>>, vector<1x16xf32>,
      %swap3A_1441 = vector.shape_cast %swap3A_1440 : vector<1x16xf32> to vector<16xf32>
      %swap3A_1442 = vector.shape_cast %mul3A_1436 : vector<16xf32> to vector<1x16xf32>
      tpu.vector_store %arg8[%swap3A_1438, %swap3A_1439], %swap3A_1442 {strides = array<i32>} : memref<4x128xf32, #tpu.memory_space<vmem>>, vector<1x16xf32>,
      %mul3A_1443 = arith.constant 3.125000e-02 : f32
      %mul3A_1444 = vector.broadcast %mul3A_1443 : f32 to vector<16xf32>
      %mul3A_1445 = arith.mulf %scan3A_1414#3, %mul3A_1444 : vector<16xf32>
      %swap3A_1446 = arith.constant 2 : i32
      %swap3A_1447 = arith.index_cast %swap3A_1446 : i32 to index
      %swap3A_1448 = arith.constant 48 : index
      %swap3A_1449 = tpu.vector_load %arg8[%swap3A_1447, %swap3A_1448] {strides = array<i32>} : memref<4x128xf32, #tpu.memory_space<vmem>>, vector<1x16xf32>,
      %swap3A_1450 = vector.shape_cast %swap3A_1449 : vector<1x16xf32> to vector<16xf32>
      %swap3A_1451 = vector.shape_cast %mul3A_1445 : vector<16xf32> to vector<1x16xf32>
      tpu.vector_store %arg8[%swap3A_1447, %swap3A_1448], %swap3A_1451 {strides = array<i32>} : memref<4x128xf32, #tpu.memory_space<vmem>>, vector<1x16xf32>,
      %mul3A_1452 = arith.constant 3.125000e-02 : f32
      %mul3A_1453 = vector.broadcast %mul3A_1452 : f32 to vector<16xf32>
      %mul3A_1454 = arith.mulf %scan3A_1414#4, %mul3A_1453 : vector<16xf32>
      %swap3A_1455 = arith.constant 2 : i32
      %swap3A_1456 = arith.index_cast %swap3A_1455 : i32 to index
      %swap3A_1457 = arith.constant 64 : index
      %swap3A_1458 = tpu.vector_load %arg8[%swap3A_1456, %swap3A_1457] {strides = array<i32>} : memref<4x128xf32, #tpu.memory_space<vmem>>, vector<1x16xf32>,
      %swap3A_1459 = vector.shape_cast %swap3A_1458 : vector<1x16xf32> to vector<16xf32>
      %swap3A_1460 = vector.shape_cast %mul3A_1454 : vector<16xf32> to vector<1x16xf32>
      tpu.vector_store %arg8[%swap3A_1456, %swap3A_1457], %swap3A_1460 {strides = array<i32>} : memref<4x128xf32, #tpu.memory_space<vmem>>, vector<1x16xf32>,
      %mul3A_1461 = arith.constant 3.125000e-02 : f32
      %mul3A_1462 = vector.broadcast %mul3A_1461 : f32 to vector<16xf32>
      %mul3A_1463 = arith.mulf %scan3A_1414#5, %mul3A_1462 : vector<16xf32>
      %swap3A_1464 = arith.constant 2 : i32
      %swap3A_1465 = arith.index_cast %swap3A_1464 : i32 to index
      %swap3A_1466 = arith.constant 80 : index
      %swap3A_1467 = tpu.vector_load %arg8[%swap3A_1465, %swap3A_1466] {strides = array<i32>} : memref<4x128xf32, #tpu.memory_space<vmem>>, vector<1x16xf32>,
      %swap3A_1468 = vector.shape_cast %swap3A_1467 : vector<1x16xf32> to vector<16xf32>
      %swap3A_1469 = vector.shape_cast %mul3A_1463 : vector<16xf32> to vector<1x16xf32>
      tpu.vector_store %arg8[%swap3A_1465, %swap3A_1466], %swap3A_1469 {strides = array<i32>} : memref<4x128xf32, #tpu.memory_space<vmem>>, vector<1x16xf32>,
      %mul3A_1470 = arith.constant 3.125000e-02 : f32
      %mul3A_1471 = vector.broadcast %mul3A_1470 : f32 to vector<16xf32>
      %mul3A_1472 = arith.mulf %scan3A_1414#6, %mul3A_1471 : vector<16xf32>
      %swap3A_1473 = arith.constant 2 : i32
      %swap3A_1474 = arith.index_cast %swap3A_1473 : i32 to index
      %swap3A_1475 = arith.constant 96 : index
      %swap3A_1476 = tpu.vector_load %arg8[%swap3A_1474, %swap3A_1475] {strides = array<i32>} : memref<4x128xf32, #tpu.memory_space<vmem>>, vector<1x16xf32>,
      %swap3A_1477 = vector.shape_cast %swap3A_1476 : vector<1x16xf32> to vector<16xf32>
      %swap3A_1478 = vector.shape_cast %mul3A_1472 : vector<16xf32> to vector<1x16xf32>
      tpu.vector_store %arg8[%swap3A_1474, %swap3A_1475], %swap3A_1478 {strides = array<i32>} : memref<4x128xf32, #tpu.memory_space<vmem>>, vector<1x16xf32>,
      %mul3A_1479 = arith.constant 3.125000e-02 : f32
      %mul3A_1480 = vector.broadcast %mul3A_1479 : f32 to vector<16xf32>
      %mul3A_1481 = arith.mulf %scan3A_1414#7, %mul3A_1480 : vector<16xf32>
      %swap3A_1482 = arith.constant 2 : i32
      %swap3A_1483 = arith.index_cast %swap3A_1482 : i32 to index
      %swap3A_1484 = arith.constant 112 : index
      %swap3A_1485 = tpu.vector_load %arg8[%swap3A_1483, %swap3A_1484] {strides = array<i32>} : memref<4x128xf32, #tpu.memory_space<vmem>>, vector<1x16xf32>,
      %swap3A_1486 = vector.shape_cast %swap3A_1485 : vector<1x16xf32> to vector<16xf32>
      %swap3A_1487 = vector.shape_cast %mul3A_1481 : vector<16xf32> to vector<1x16xf32>
      tpu.vector_store %arg8[%swap3A_1483, %swap3A_1484], %swap3A_1487 {strides = array<i32>} : memref<4x128xf32, #tpu.memory_space<vmem>>, vector<1x16xf32>,
      %broadcast_in_dim3A_1488 = arith.constant 0.000000e+00 : f32
      %broadcast_in_dim3A_1489 = vector.broadcast %broadcast_in_dim3A_1488 : f32 to vector<16xf32>
      %broadcast_in_dim3A_1490 = arith.constant 0.000000e+00 : f32
      %broadcast_in_dim3A_1491 = vector.broadcast %broadcast_in_dim3A_1490 : f32 to vector<16xf32>
      %broadcast_in_dim3A_1492 = arith.constant 0.000000e+00 : f32
      %broadcast_in_dim3A_1493 = vector.broadcast %broadcast_in_dim3A_1492 : f32 to vector<16xf32>
      %broadcast_in_dim3A_1494 = arith.constant 0.000000e+00 : f32
      %broadcast_in_dim3A_1495 = vector.broadcast %broadcast_in_dim3A_1494 : f32 to vector<16xf32>
      %broadcast_in_dim3A_1496 = arith.constant 0.000000e+00 : f32
      %broadcast_in_dim3A_1497 = vector.broadcast %broadcast_in_dim3A_1496 : f32 to vector<16xf32>
      %broadcast_in_dim3A_1498 = arith.constant 0.000000e+00 : f32
      %broadcast_in_dim3A_1499 = vector.broadcast %broadcast_in_dim3A_1498 : f32 to vector<16xf32>
      %broadcast_in_dim3A_1500 = arith.constant 0.000000e+00 : f32
      %broadcast_in_dim3A_1501 = vector.broadcast %broadcast_in_dim3A_1500 : f32 to vector<16xf32>
      %broadcast_in_dim3A_1502 = arith.constant 0.000000e+00 : f32
      %broadcast_in_dim3A_1503 = vector.broadcast %broadcast_in_dim3A_1502 : f32 to vector<16xf32>
      %scan3A_1504 = arith.constant 0 : i32
      %scan3A_1505 = arith.constant 32 : i32
      %scan3A_1506 = arith.addi %scan3A_1504, %scan3A_1505 : i32
      %scan3A_1507 = arith.constant 1 : i32
      %scan3A_1508:8 = scf.for %scan3A_2005 = %scan3A_1504 to %scan3A_1506 step %scan3A_1507 iter_args(%scan3A_2006 = %broadcast_in_dim3A_1489, %scan3A_2007 = %broadcast_in_dim3A_1491, %scan3A_2008 = %broadcast_in_dim3A_1493, %scan3A_2009 = %broadcast_in_dim3A_1495, %scan3A_2010 = %broadcast_in_dim3A_1497, %scan3A_2011 = %broadcast_in_dim3A_1499, %scan3A_2012 = %broadcast_in_dim3A_1501, %scan3A_2013 = %broadcast_in_dim3A_1503) -> (vector<16xf32>, vector<16xf32>, vector<16xf32>, vector<16xf32>, vector<16xf32>, vector<16xf32>, vector<16xf32>, vector<16xf32>)  : i32 {
        %add3A_2014 = arith.constant 96 : i32
        %add3A_2015 = arith.addi %add3A_2014, %scan3A_2005 : i32
        %get3A_2016 = arith.constant 2 : i32
        %get3A_2017 = arith.index_cast %get3A_2016 : i32 to index
        %get3A_2018 = arith.index_cast %add3A_2015 : i32 to index
        %get3A_2019 = arith.constant 0 : index
        %get3A_2020 = tpu.vector_load %arg7[%get3A_2017, %get3A_2018, %get3A_2019] {strides = array<i32>} : memref<4x128x128xf32, #tpu.memory_space<vmem>>, vector<1x1x16xf32>,
        %get3A_2021 = vector.shape_cast %get3A_2020 : vector<1x1x16xf32> to vector<16xf32>
        %add3A_2022 = arith.addf %scan3A_2006, %get3A_2021 : vector<16xf32>
        %add3A_2023 = arith.constant 96 : i32
        %add3A_2024 = arith.addi %add3A_2023, %scan3A_2005 : i32
        %get3A_2025 = arith.constant 2 : i32
        %get3A_2026 = arith.index_cast %get3A_2025 : i32 to index
        %get3A_2027 = arith.index_cast %add3A_2024 : i32 to index
        %get3A_2028 = arith.constant 16 : index
        %get3A_2029 = tpu.vector_load %arg7[%get3A_2026, %get3A_2027, %get3A_2028] {strides = array<i32>} : memref<4x128x128xf32, #tpu.memory_space<vmem>>, vector<1x1x16xf32>,
        %get3A_2030 = vector.shape_cast %get3A_2029 : vector<1x1x16xf32> to vector<16xf32>
        %add3A_2031 = arith.addf %scan3A_2007, %get3A_2030 : vector<16xf32>
        %add3A_2032 = arith.constant 96 : i32
        %add3A_2033 = arith.addi %add3A_2032, %scan3A_2005 : i32
        %get3A_2034 = arith.constant 2 : i32
        %get3A_2035 = arith.index_cast %get3A_2034 : i32 to index
        %get3A_2036 = arith.index_cast %add3A_2033 : i32 to index
        %get3A_2037 = arith.constant 32 : index
        %get3A_2038 = tpu.vector_load %arg7[%get3A_2035, %get3A_2036, %get3A_2037] {strides = array<i32>} : memref<4x128x128xf32, #tpu.memory_space<vmem>>, vector<1x1x16xf32>,
        %get3A_2039 = vector.shape_cast %get3A_2038 : vector<1x1x16xf32> to vector<16xf32>
        %add3A_2040 = arith.addf %scan3A_2008, %get3A_2039 : vector<16xf32>
        %add3A_2041 = arith.constant 96 : i32
        %add3A_2042 = arith.addi %add3A_2041, %scan3A_2005 : i32
        %get3A_2043 = arith.constant 2 : i32
        %get3A_2044 = arith.index_cast %get3A_2043 : i32 to index
        %get3A_2045 = arith.index_cast %add3A_2042 : i32 to index
        %get3A_2046 = arith.constant 48 : index
        %get3A_2047 = tpu.vector_load %arg7[%get3A_2044, %get3A_2045, %get3A_2046] {strides = array<i32>} : memref<4x128x128xf32, #tpu.memory_space<vmem>>, vector<1x1x16xf32>,
        %get3A_2048 = vector.shape_cast %get3A_2047 : vector<1x1x16xf32> to vector<16xf32>
        %add3A_2049 = arith.addf %scan3A_2009, %get3A_2048 : vector<16xf32>
        %add3A_2050 = arith.constant 96 : i32
        %add3A_2051 = arith.addi %add3A_2050, %scan3A_2005 : i32
        %get3A_2052 = arith.constant 2 : i32
        %get3A_2053 = arith.index_cast %get3A_2052 : i32 to index
        %get3A_2054 = arith.index_cast %add3A_2051 : i32 to index
        %get3A_2055 = arith.constant 64 : index
        %get3A_2056 = tpu.vector_load %arg7[%get3A_2053, %get3A_2054, %get3A_2055] {strides = array<i32>} : memref<4x128x128xf32, #tpu.memory_space<vmem>>, vector<1x1x16xf32>,
        %get3A_2057 = vector.shape_cast %get3A_2056 : vector<1x1x16xf32> to vector<16xf32>
        %add3A_2058 = arith.addf %scan3A_2010, %get3A_2057 : vector<16xf32>
        %add3A_2059 = arith.constant 96 : i32
        %add3A_2060 = arith.addi %add3A_2059, %scan3A_2005 : i32
        %get3A_2061 = arith.constant 2 : i32
        %get3A_2062 = arith.index_cast %get3A_2061 : i32 to index
        %get3A_2063 = arith.index_cast %add3A_2060 : i32 to index
        %get3A_2064 = arith.constant 80 : index
        %get3A_2065 = tpu.vector_load %arg7[%get3A_2062, %get3A_2063, %get3A_2064] {strides = array<i32>} : memref<4x128x128xf32, #tpu.memory_space<vmem>>, vector<1x1x16xf32>,
        %get3A_2066 = vector.shape_cast %get3A_2065 : vector<1x1x16xf32> to vector<16xf32>
        %add3A_2067 = arith.addf %scan3A_2011, %get3A_2066 : vector<16xf32>
        %add3A_2068 = arith.constant 96 : i32
        %add3A_2069 = arith.addi %add3A_2068, %scan3A_2005 : i32
        %get3A_2070 = arith.constant 2 : i32
        %get3A_2071 = arith.index_cast %get3A_2070 : i32 to index
        %get3A_2072 = arith.index_cast %add3A_2069 : i32 to index
        %get3A_2073 = arith.constant 96 : index
        %get3A_2074 = tpu.vector_load %arg7[%get3A_2071, %get3A_2072, %get3A_2073] {strides = array<i32>} : memref<4x128x128xf32, #tpu.memory_space<vmem>>, vector<1x1x16xf32>,
        %get3A_2075 = vector.shape_cast %get3A_2074 : vector<1x1x16xf32> to vector<16xf32>
        %add3A_2076 = arith.addf %scan3A_2012, %get3A_2075 : vector<16xf32>
        %add3A_2077 = arith.constant 96 : i32
        %add3A_2078 = arith.addi %add3A_2077, %scan3A_2005 : i32
        %get3A_2079 = arith.constant 2 : i32
        %get3A_2080 = arith.index_cast %get3A_2079 : i32 to index
        %get3A_2081 = arith.index_cast %add3A_2078 : i32 to index
        %get3A_2082 = arith.constant 112 : index
        %get3A_2083 = tpu.vector_load %arg7[%get3A_2080, %get3A_2081, %get3A_2082] {strides = array<i32>} : memref<4x128x128xf32, #tpu.memory_space<vmem>>, vector<1x1x16xf32>,
        %get3A_2084 = vector.shape_cast %get3A_2083 : vector<1x1x16xf32> to vector<16xf32>
        %add3A_2085 = arith.addf %scan3A_2013, %get3A_2084 : vector<16xf32>
        scf.yield %add3A_2022, %add3A_2031, %add3A_2040, %add3A_2049, %add3A_2058, %add3A_2067, %add3A_2076, %add3A_2085 : vector<16xf32>, vector<16xf32>, vector<16xf32>, vector<16xf32>, vector<16xf32>, vector<16xf32>, vector<16xf32>, vector<16xf32>
      }
      %scan3A_1509 = arith.constant 32 : i32
      %mul3A_1510 = arith.constant 3.125000e-02 : f32
      %mul3A_1511 = vector.broadcast %mul3A_1510 : f32 to vector<16xf32>
      %mul3A_1512 = arith.mulf %scan3A_1508#0, %mul3A_1511 : vector<16xf32>
      %swap3A_1513 = arith.constant 3 : i32
      %swap3A_1514 = arith.index_cast %swap3A_1513 : i32 to index
      %swap3A_1515 = arith.constant 0 : index
      %swap3A_1516 = tpu.vector_load %arg8[%swap3A_1514, %swap3A_1515] {strides = array<i32>} : memref<4x128xf32, #tpu.memory_space<vmem>>, vector<1x16xf32>,
      %swap3A_1517 = vector.shape_cast %swap3A_1516 : vector<1x16xf32> to vector<16xf32>
      %swap3A_1518 = vector.shape_cast %mul3A_1512 : vector<16xf32> to vector<1x16xf32>
      tpu.vector_store %arg8[%swap3A_1514, %swap3A_1515], %swap3A_1518 {strides = array<i32>} : memref<4x128xf32, #tpu.memory_space<vmem>>, vector<1x16xf32>,
      %mul3A_1519 = arith.constant 3.125000e-02 : f32
      %mul3A_1520 = vector.broadcast %mul3A_1519 : f32 to vector<16xf32>
      %mul3A_1521 = arith.mulf %scan3A_1508#1, %mul3A_1520 : vector<16xf32>
      %swap3A_1522 = arith.constant 3 : i32
      %swap3A_1523 = arith.index_cast %swap3A_1522 : i32 to index
      %swap3A_1524 = arith.constant 16 : index
      %swap3A_1525 = tpu.vector_load %arg8[%swap3A_1523, %swap3A_1524] {strides = array<i32>} : memref<4x128xf32, #tpu.memory_space<vmem>>, vector<1x16xf32>,
      %swap3A_1526 = vector.shape_cast %swap3A_1525 : vector<1x16xf32> to vector<16xf32>
      %swap3A_1527 = vector.shape_cast %mul3A_1521 : vector<16xf32> to vector<1x16xf32>
      tpu.vector_store %arg8[%swap3A_1523, %swap3A_1524], %swap3A_1527 {strides = array<i32>} : memref<4x128xf32, #tpu.memory_space<vmem>>, vector<1x16xf32>,
      %mul3A_1528 = arith.constant 3.125000e-02 : f32
      %mul3A_1529 = vector.broadcast %mul3A_1528 : f32 to vector<16xf32>
      %mul3A_1530 = arith.mulf %scan3A_1508#2, %mul3A_1529 : vector<16xf32>
      %swap3A_1531 = arith.constant 3 : i32
      %swap3A_1532 = arith.index_cast %swap3A_1531 : i32 to index
      %swap3A_1533 = arith.constant 32 : index
      %swap3A_1534 = tpu.vector_load %arg8[%swap3A_1532, %swap3A_1533] {strides = array<i32>} : memref<4x128xf32, #tpu.memory_space<vmem>>, vector<1x16xf32>,
      %swap3A_1535 = vector.shape_cast %swap3A_1534 : vector<1x16xf32> to vector<16xf32>
      %swap3A_1536 = vector.shape_cast %mul3A_1530 : vector<16xf32> to vector<1x16xf32>
      tpu.vector_store %arg8[%swap3A_1532, %swap3A_1533], %swap3A_1536 {strides = array<i32>} : memref<4x128xf32, #tpu.memory_space<vmem>>, vector<1x16xf32>,
      %mul3A_1537 = arith.constant 3.125000e-02 : f32
      %mul3A_1538 = vector.broadcast %mul3A_1537 : f32 to vector<16xf32>
      %mul3A_1539 = arith.mulf %scan3A_1508#3, %mul3A_1538 : vector<16xf32>
      %swap3A_1540 = arith.constant 3 : i32
      %swap3A_1541 = arith.index_cast %swap3A_1540 : i32 to index
      %swap3A_1542 = arith.constant 48 : index
      %swap3A_1543 = tpu.vector_load %arg8[%swap3A_1541, %swap3A_1542] {strides = array<i32>} : memref<4x128xf32, #tpu.memory_space<vmem>>, vector<1x16xf32>,
      %swap3A_1544 = vector.shape_cast %swap3A_1543 : vector<1x16xf32> to vector<16xf32>
      %swap3A_1545 = vector.shape_cast %mul3A_1539 : vector<16xf32> to vector<1x16xf32>
      tpu.vector_store %arg8[%swap3A_1541, %swap3A_1542], %swap3A_1545 {strides = array<i32>} : memref<4x128xf32, #tpu.memory_space<vmem>>, vector<1x16xf32>,
      %mul3A_1546 = arith.constant 3.125000e-02 : f32
      %mul3A_1547 = vector.broadcast %mul3A_1546 : f32 to vector<16xf32>
      %mul3A_1548 = arith.mulf %scan3A_1508#4, %mul3A_1547 : vector<16xf32>
      %swap3A_1549 = arith.constant 3 : i32
      %swap3A_1550 = arith.index_cast %swap3A_1549 : i32 to index
      %swap3A_1551 = arith.constant 64 : index
      %swap3A_1552 = tpu.vector_load %arg8[%swap3A_1550, %swap3A_1551] {strides = array<i32>} : memref<4x128xf32, #tpu.memory_space<vmem>>, vector<1x16xf32>,
      %swap3A_1553 = vector.shape_cast %swap3A_1552 : vector<1x16xf32> to vector<16xf32>
      %swap3A_1554 = vector.shape_cast %mul3A_1548 : vector<16xf32> to vector<1x16xf32>
      tpu.vector_store %arg8[%swap3A_1550, %swap3A_1551], %swap3A_1554 {strides = array<i32>} : memref<4x128xf32, #tpu.memory_space<vmem>>, vector<1x16xf32>,
      %mul3A_1555 = arith.constant 3.125000e-02 : f32
      %mul3A_1556 = vector.broadcast %mul3A_1555 : f32 to vector<16xf32>
      %mul3A_1557 = arith.mulf %scan3A_1508#5, %mul3A_1556 : vector<16xf32>
      %swap3A_1558 = arith.constant 3 : i32
      %swap3A_1559 = arith.index_cast %swap3A_1558 : i32 to index
      %swap3A_1560 = arith.constant 80 : index
      %swap3A_1561 = tpu.vector_load %arg8[%swap3A_1559, %swap3A_1560] {strides = array<i32>} : memref<4x128xf32, #tpu.memory_space<vmem>>, vector<1x16xf32>,
      %swap3A_1562 = vector.shape_cast %swap3A_1561 : vector<1x16xf32> to vector<16xf32>
      %swap3A_1563 = vector.shape_cast %mul3A_1557 : vector<16xf32> to vector<1x16xf32>
      tpu.vector_store %arg8[%swap3A_1559, %swap3A_1560], %swap3A_1563 {strides = array<i32>} : memref<4x128xf32, #tpu.memory_space<vmem>>, vector<1x16xf32>,
      %mul3A_1564 = arith.constant 3.125000e-02 : f32
      %mul3A_1565 = vector.broadcast %mul3A_1564 : f32 to vector<16xf32>
      %mul3A_1566 = arith.mulf %scan3A_1508#6, %mul3A_1565 : vector<16xf32>
      %swap3A_1567 = arith.constant 3 : i32
      %swap3A_1568 = arith.index_cast %swap3A_1567 : i32 to index
      %swap3A_1569 = arith.constant 96 : index
      %swap3A_1570 = tpu.vector_load %arg8[%swap3A_1568, %swap3A_1569] {strides = array<i32>} : memref<4x128xf32, #tpu.memory_space<vmem>>, vector<1x16xf32>,
      %swap3A_1571 = vector.shape_cast %swap3A_1570 : vector<1x16xf32> to vector<16xf32>
      %swap3A_1572 = vector.shape_cast %mul3A_1566 : vector<16xf32> to vector<1x16xf32>
      tpu.vector_store %arg8[%swap3A_1568, %swap3A_1569], %swap3A_1572 {strides = array<i32>} : memref<4x128xf32, #tpu.memory_space<vmem>>, vector<1x16xf32>,
      %mul3A_1573 = arith.constant 3.125000e-02 : f32
      %mul3A_1574 = vector.broadcast %mul3A_1573 : f32 to vector<16xf32>
      %mul3A_1575 = arith.mulf %scan3A_1508#7, %mul3A_1574 : vector<16xf32>
      %swap3A_1576 = arith.constant 3 : i32
      %swap3A_1577 = arith.index_cast %swap3A_1576 : i32 to index
      %swap3A_1578 = arith.constant 112 : index
      %swap3A_1579 = tpu.vector_load %arg8[%swap3A_1577, %swap3A_1578] {strides = array<i32>} : memref<4x128xf32, #tpu.memory_space<vmem>>, vector<1x16xf32>,
      %swap3A_1580 = vector.shape_cast %swap3A_1579 : vector<1x16xf32> to vector<16xf32>
      %swap3A_1581 = vector.shape_cast %mul3A_1575 : vector<16xf32> to vector<1x16xf32>
      tpu.vector_store %arg8[%swap3A_1577, %swap3A_1578], %swap3A_1581 {strides = array<i32>} : memref<4x128xf32, #tpu.memory_space<vmem>>, vector<1x16xf32>,
      %mul3A_1582 = arith.constant 4 : i32
      %mul3A_1583 = arith.muli %add3A_1174, %mul3A_1582 : i32
      %add3A_1584 = arith.addi %mul3A_2, %mul3A_1583 : i32
      %dma_start3A_1585 = arith.constant 0 : i32
      %dma_start3A_1586 = tpu.memref_slice %arg4[%add3A_1584, %dma_start3A_1585] : memref<16384x128xf32, #tpu.memory_space<hbm>> -> memref<4x128xf32, #tpu.memory_space<hbm>>
      %dma_start3A_1587 = arith.constant 0 : i32
      %dma_start3A_1588 = tpu.memref_slice %arg4[%add3A_1584, %dma_start3A_1587] : memref<16384x128xf32, #tpu.memory_space<hbm>> -> memref<4x128xf32, #tpu.memory_space<hbm>>
      tpu.enqueue_dma source(%arg8 : memref<4x128xf32, #tpu.memory_space<vmem>>) target(%dma_start3A_1588 : memref<4x128xf32, #tpu.memory_space<hbm>>) target_semaphore(%arg13 : memref<!tpu.dma_semaphore, #tpu.memory_space<semaphore_mem>>)
      %add3A_1589 = arith.constant 3 : i32
      %add3A_1590 = arith.addi %add3A_347, %add3A_1589 : i32
      %dma_wait3A_1591 = arith.constant 3 : i32
      %dma_wait3A_1592 = arith.constant 3 : i32
      %dma_wait3A_1593 = arith.constant 0 : i32
      %dma_wait3A_1594 = arith.constant 0 : i32
      %dma_wait3A_1595 = tpu.memref_slice %arg7[%dma_wait3A_1592, %dma_wait3A_1593, %dma_wait3A_1594] : memref<4x128x128xf32, #tpu.memory_space<vmem>> -> memref<1x128x128xf32, #tpu.memory_space<vmem>>
      %dma_wait3A_1596 = tpu.memref_squeeze %dma_wait3A_1595 : memref<1x128x128xf32, #tpu.memory_space<vmem>> -> memref<128x128xf32, #tpu.memory_space<vmem>>
      %dma_wait3A_1597 = arith.constant 0 : i32
      %dma_wait3A_1598 = tpu.memref_slice %arg6[%dma_wait3A_1591, %dma_wait3A_1597] : memref<4x128xi32, #tpu.memory_space<vmem>> -> memref<1x128xi32, #tpu.memory_space<vmem>>
      %dma_wait3A_1599 = tpu.memref_squeeze %dma_wait3A_1598 : memref<1x128xi32, #tpu.memory_space<vmem>> -> memref<128xi32, #tpu.memory_space<vmem>>
      %dma_wait3A_1600 = arith.constant 0 : i32
      %dma_wait3A_1601 = arith.constant 0 : i32
      %dma_wait3A_1602 = tpu.memref_slice %arg3[%dma_wait3A_1600, %dma_wait3A_1601] : memref<100000x128xf32, #tpu.memory_space<hbm>> -> memref<100000x128xf32, #tpu.memory_space<hbm>>
      tpu.wait_indirect_dma semaphore(%arg12 : memref<!tpu.dma_semaphore, #tpu.memory_space<semaphore_mem>>) src(%dma_wait3A_1602 : memref<100000x128xf32, #tpu.memory_space<hbm>>) dst(%dma_wait3A_1596 : memref<128x128xf32, #tpu.memory_space<vmem>>)
      %add3A_1603 = arith.constant 4 : i32
      %add3A_1604 = arith.addi %add3A_1590, %add3A_1603 : i32
      %sub3A_1605 = arith.constant 1 : i32
      %sub3A_1606 = arith.subi %add3A_1604, %sub3A_1605 : i32
      %eq3A_1607 = arith.constant 64 : i32
      %eq3A_1608 = arith.cmpi eq, %sub3A_1606, %eq3A_1607 : i32
      %convert_element_type3A_1609 = arith.extui %eq3A_1608 : i1 to i32
      %cond3A_1610 = arith.constant 0 : i32
      %cond3A_1611 = arith.cmpi ne, %convert_element_type3A_1609, %cond3A_1610 : i32
      scf.if %cond3A_1611 {
        %mul3A_2005 = arith.constant 128 : i32
        %mul3A_2006 = arith.muli %add3A, %mul3A_2005 : i32
        %add3A_2007 = arith.constant 64 : i32
        %add3A_2008 = arith.addi %mul3A_2006, %add3A_2007 : i32
        "tpu.region"() ({
          %run_scoped3A = tpu.sem_alloc : memref<!tpu.dma_semaphore, #tpu.memory_space<semaphore_mem>>
          %dma_start3A_2009 = arith.constant 0 : i32
          %dma_start3A_2010 = arith.constant 0 : i32
          %dma_start3A_2011 = tpu.memref_slice %arg2[%add3A_2008, %dma_start3A_2009, %dma_start3A_2010] : memref<4096x4x32xi32, #tpu.memory_space<hbm>> -> memref<64x4x32xi32, #tpu.memory_space<hbm>>
          %dma_start3A_2012 = arith.constant 0 : i32
          %dma_start3A_2013 = arith.constant 0 : i32
          %dma_start3A_2014 = tpu.memref_slice %arg2[%add3A_2008, %dma_start3A_2012, %dma_start3A_2013] : memref<4096x4x32xi32, #tpu.memory_space<hbm>> -> memref<64x4x32xi32, #tpu.memory_space<hbm>>
          tpu.enqueue_dma source(%dma_start3A_2014 : memref<64x4x32xi32, #tpu.memory_space<hbm>>) target(%arg5 : memref<64x4x32xi32, #tpu.memory_space<vmem>>) target_semaphore(%run_scoped3A : memref<!tpu.dma_semaphore, #tpu.memory_space<semaphore_mem>>)
          %dma_wait3A_2015 = arith.constant 0 : i32
          %dma_wait3A_2016 = arith.constant 0 : i32
          %dma_wait3A_2017 = tpu.memref_slice %arg2[%add3A_2008, %dma_wait3A_2015, %dma_wait3A_2016] : memref<4096x4x32xi32, #tpu.memory_space<hbm>> -> memref<64x4x32xi32, #tpu.memory_space<hbm>>
          %dma_wait3A_2018 = arith.constant 0 : i32
          %dma_wait3A_2019 = arith.constant 0 : i32
          %dma_wait3A_2020 = tpu.memref_slice %arg2[%add3A_2008, %dma_wait3A_2018, %dma_wait3A_2019] : memref<4096x4x32xi32, #tpu.memory_space<hbm>> -> memref<64x4x32xi32, #tpu.memory_space<hbm>>
          tpu.wait_dma2 semaphore(%run_scoped3A : memref<!tpu.dma_semaphore, #tpu.memory_space<semaphore_mem>>) src(%dma_wait3A_2020 : memref<64x4x32xi32, #tpu.memory_space<hbm>>) dst(%arg5 : memref<64x4x32xi32, #tpu.memory_space<vmem>>)
          tpu.yield
        }) : () -> ()
      } else {
      }
      %lt3A_1612 = arith.constant 128 : i32
      %lt3A_1613 = arith.cmpi slt, %sub3A_1606, %lt3A_1612 : i32
      %convert_element_type3A_1614 = arith.extui %lt3A_1613 : i1 to i32
      %cond3A_1615 = arith.constant 0 : i32
      %cond3A_1616 = arith.cmpi ne, %convert_element_type3A_1614, %cond3A_1615 : i32
      scf.if %cond3A_1616 {
        %rem3A_2005 = arith.constant 64 : i32
        %rem3A_2006 = arith.remsi %sub3A_1606, %rem3A_2005 : i32
        %get3A_2007 = arith.constant 0 : i32
        %get3A_2008 = arith.index_cast %rem3A_2006 : i32 to index
        %get3A_2009 = arith.index_cast %get3A_2007 : i32 to index
        %get3A_2010 = arith.constant 0 : index
        %get3A_2011 = tpu.vector_load %arg5[%get3A_2008, %get3A_2009, %get3A_2010] {strides = array<i32>} : memref<64x4x32xi32, #tpu.memory_space<vmem>>, vector<1x1x16xi32>,
        %get3A_2012 = vector.shape_cast %get3A_2011 : vector<1x1x16xi32> to vector<16xi32>
        %swap3A_2013 = arith.constant 2 : i32
        %swap3A_2014 = arith.index_cast %swap3A_2013 : i32 to index
        %swap3A_2015 = arith.constant 0 : index
        %swap3A_2016 = tpu.vector_load %arg6[%swap3A_2014, %swap3A_2015] {strides = array<i32>} : memref<4x128xi32, #tpu.memory_space<vmem>>, vector<1x16xi32>,
        %swap3A_2017 = vector.shape_cast %swap3A_2016 : vector<1x16xi32> to vector<16xi32>
        %swap3A_2018 = vector.shape_cast %get3A_2012 : vector<16xi32> to vector<1x16xi32>
        tpu.vector_store %arg6[%swap3A_2014, %swap3A_2015], %swap3A_2018 {strides = array<i32>} : memref<4x128xi32, #tpu.memory_space<vmem>>, vector<1x16xi32>,
        %get3A_2019 = arith.constant 0 : i32
        %get3A_2020 = arith.index_cast %rem3A_2006 : i32 to index
        %get3A_2021 = arith.index_cast %get3A_2019 : i32 to index
        %get3A_2022 = arith.constant 16 : index
        %get3A_2023 = tpu.vector_load %arg5[%get3A_2020, %get3A_2021, %get3A_2022] {strides = array<i32>} : memref<64x4x32xi32, #tpu.memory_space<vmem>>, vector<1x1x16xi32>,
        %get3A_2024 = vector.shape_cast %get3A_2023 : vector<1x1x16xi32> to vector<16xi32>
        %swap3A_2025 = arith.constant 2 : i32
        %swap3A_2026 = arith.index_cast %swap3A_2025 : i32 to index
        %swap3A_2027 = arith.constant 16 : index
        %swap3A_2028 = tpu.vector_load %arg6[%swap3A_2026, %swap3A_2027] {strides = array<i32>} : memref<4x128xi32, #tpu.memory_space<vmem>>, vector<1x16xi32>,
        %swap3A_2029 = vector.shape_cast %swap3A_2028 : vector<1x16xi32> to vector<16xi32>
        %swap3A_2030 = vector.shape_cast %get3A_2024 : vector<16xi32> to vector<1x16xi32>
        tpu.vector_store %arg6[%swap3A_2026, %swap3A_2027], %swap3A_2030 {strides = array<i32>} : memref<4x128xi32, #tpu.memory_space<vmem>>, vector<1x16xi32>,
        %get3A_2031 = arith.constant 1 : i32
        %get3A_2032 = arith.index_cast %rem3A_2006 : i32 to index
        %get3A_2033 = arith.index_cast %get3A_2031 : i32 to index
        %get3A_2034 = arith.constant 0 : index
        %get3A_2035 = tpu.vector_load %arg5[%get3A_2032, %get3A_2033, %get3A_2034] {strides = array<i32>} : memref<64x4x32xi32, #tpu.memory_space<vmem>>, vector<1x1x16xi32>,
        %get3A_2036 = vector.shape_cast %get3A_2035 : vector<1x1x16xi32> to vector<16xi32>
        %swap3A_2037 = arith.constant 2 : i32
        %swap3A_2038 = arith.index_cast %swap3A_2037 : i32 to index
        %swap3A_2039 = arith.constant 32 : index
        %swap3A_2040 = tpu.vector_load %arg6[%swap3A_2038, %swap3A_2039] {strides = array<i32>} : memref<4x128xi32, #tpu.memory_space<vmem>>, vector<1x16xi32>,
        %swap3A_2041 = vector.shape_cast %swap3A_2040 : vector<1x16xi32> to vector<16xi32>
        %swap3A_2042 = vector.shape_cast %get3A_2036 : vector<16xi32> to vector<1x16xi32>
        tpu.vector_store %arg6[%swap3A_2038, %swap3A_2039], %swap3A_2042 {strides = array<i32>} : memref<4x128xi32, #tpu.memory_space<vmem>>, vector<1x16xi32>,
        %get3A_2043 = arith.constant 1 : i32
        %get3A_2044 = arith.index_cast %rem3A_2006 : i32 to index
        %get3A_2045 = arith.index_cast %get3A_2043 : i32 to index
        %get3A_2046 = arith.constant 16 : index
        %get3A_2047 = tpu.vector_load %arg5[%get3A_2044, %get3A_2045, %get3A_2046] {strides = array<i32>} : memref<64x4x32xi32, #tpu.memory_space<vmem>>, vector<1x1x16xi32>,
        %get3A_2048 = vector.shape_cast %get3A_2047 : vector<1x1x16xi32> to vector<16xi32>
        %swap3A_2049 = arith.constant 2 : i32
        %swap3A_2050 = arith.index_cast %swap3A_2049 : i32 to index
        %swap3A_2051 = arith.constant 48 : index
        %swap3A_2052 = tpu.vector_load %arg6[%swap3A_2050, %swap3A_2051] {strides = array<i32>} : memref<4x128xi32, #tpu.memory_space<vmem>>, vector<1x16xi32>,
        %swap3A_2053 = vector.shape_cast %swap3A_2052 : vector<1x16xi32> to vector<16xi32>
        %swap3A_2054 = vector.shape_cast %get3A_2048 : vector<16xi32> to vector<1x16xi32>
        tpu.vector_store %arg6[%swap3A_2050, %swap3A_2051], %swap3A_2054 {strides = array<i32>} : memref<4x128xi32, #tpu.memory_space<vmem>>, vector<1x16xi32>,
        %get3A_2055 = arith.constant 2 : i32
        %get3A_2056 = arith.index_cast %rem3A_2006 : i32 to index
        %get3A_2057 = arith.index_cast %get3A_2055 : i32 to index
        %get3A_2058 = arith.constant 0 : index
        %get3A_2059 = tpu.vector_load %arg5[%get3A_2056, %get3A_2057, %get3A_2058] {strides = array<i32>} : memref<64x4x32xi32, #tpu.memory_space<vmem>>, vector<1x1x16xi32>,
        %get3A_2060 = vector.shape_cast %get3A_2059 : vector<1x1x16xi32> to vector<16xi32>
        %swap3A_2061 = arith.constant 2 : i32
        %swap3A_2062 = arith.index_cast %swap3A_2061 : i32 to index
        %swap3A_2063 = arith.constant 64 : index
        %swap3A_2064 = tpu.vector_load %arg6[%swap3A_2062, %swap3A_2063] {strides = array<i32>} : memref<4x128xi32, #tpu.memory_space<vmem>>, vector<1x16xi32>,
        %swap3A_2065 = vector.shape_cast %swap3A_2064 : vector<1x16xi32> to vector<16xi32>
        %swap3A_2066 = vector.shape_cast %get3A_2060 : vector<16xi32> to vector<1x16xi32>
        tpu.vector_store %arg6[%swap3A_2062, %swap3A_2063], %swap3A_2066 {strides = array<i32>} : memref<4x128xi32, #tpu.memory_space<vmem>>, vector<1x16xi32>,
        %get3A_2067 = arith.constant 2 : i32
        %get3A_2068 = arith.index_cast %rem3A_2006 : i32 to index
        %get3A_2069 = arith.index_cast %get3A_2067 : i32 to index
        %get3A_2070 = arith.constant 16 : index
        %get3A_2071 = tpu.vector_load %arg5[%get3A_2068, %get3A_2069, %get3A_2070] {strides = array<i32>} : memref<64x4x32xi32, #tpu.memory_space<vmem>>, vector<1x1x16xi32>,
        %get3A_2072 = vector.shape_cast %get3A_2071 : vector<1x1x16xi32> to vector<16xi32>
        %swap3A_2073 = arith.constant 2 : i32
        %swap3A_2074 = arith.index_cast %swap3A_2073 : i32 to index
        %swap3A_2075 = arith.constant 80 : index
        %swap3A_2076 = tpu.vector_load %arg6[%swap3A_2074, %swap3A_2075] {strides = array<i32>} : memref<4x128xi32, #tpu.memory_space<vmem>>, vector<1x16xi32>,
        %swap3A_2077 = vector.shape_cast %swap3A_2076 : vector<1x16xi32> to vector<16xi32>
        %swap3A_2078 = vector.shape_cast %get3A_2072 : vector<16xi32> to vector<1x16xi32>
        tpu.vector_store %arg6[%swap3A_2074, %swap3A_2075], %swap3A_2078 {strides = array<i32>} : memref<4x128xi32, #tpu.memory_space<vmem>>, vector<1x16xi32>,
        %get3A_2079 = arith.constant 3 : i32
        %get3A_2080 = arith.index_cast %rem3A_2006 : i32 to index
        %get3A_2081 = arith.index_cast %get3A_2079 : i32 to index
        %get3A_2082 = arith.constant 0 : index
        %get3A_2083 = tpu.vector_load %arg5[%get3A_2080, %get3A_2081, %get3A_2082] {strides = array<i32>} : memref<64x4x32xi32, #tpu.memory_space<vmem>>, vector<1x1x16xi32>,
        %get3A_2084 = vector.shape_cast %get3A_2083 : vector<1x1x16xi32> to vector<16xi32>
        %swap3A_2085 = arith.constant 2 : i32
        %swap3A_2086 = arith.index_cast %swap3A_2085 : i32 to index
        %swap3A_2087 = arith.constant 96 : index
        %swap3A_2088 = tpu.vector_load %arg6[%swap3A_2086, %swap3A_2087] {strides = array<i32>} : memref<4x128xi32, #tpu.memory_space<vmem>>, vector<1x16xi32>,
        %swap3A_2089 = vector.shape_cast %swap3A_2088 : vector<1x16xi32> to vector<16xi32>
        %swap3A_2090 = vector.shape_cast %get3A_2084 : vector<16xi32> to vector<1x16xi32>
        tpu.vector_store %arg6[%swap3A_2086, %swap3A_2087], %swap3A_2090 {strides = array<i32>} : memref<4x128xi32, #tpu.memory_space<vmem>>, vector<1x16xi32>,
        %get3A_2091 = arith.constant 3 : i32
        %get3A_2092 = arith.index_cast %rem3A_2006 : i32 to index
        %get3A_2093 = arith.index_cast %get3A_2091 : i32 to index
        %get3A_2094 = arith.constant 16 : index
        %get3A_2095 = tpu.vector_load %arg5[%get3A_2092, %get3A_2093, %get3A_2094] {strides = array<i32>} : memref<64x4x32xi32, #tpu.memory_space<vmem>>, vector<1x1x16xi32>,
        %get3A_2096 = vector.shape_cast %get3A_2095 : vector<1x1x16xi32> to vector<16xi32>
        %swap3A_2097 = arith.constant 2 : i32
        %swap3A_2098 = arith.index_cast %swap3A_2097 : i32 to index
        %swap3A_2099 = arith.constant 112 : index
        %swap3A_2100 = tpu.vector_load %arg6[%swap3A_2098, %swap3A_2099] {strides = array<i32>} : memref<4x128xi32, #tpu.memory_space<vmem>>, vector<1x16xi32>,
        %swap3A_2101 = vector.shape_cast %swap3A_2100 : vector<1x16xi32> to vector<16xi32>
        %swap3A_2102 = vector.shape_cast %get3A_2096 : vector<16xi32> to vector<1x16xi32>
        tpu.vector_store %arg6[%swap3A_2098, %swap3A_2099], %swap3A_2102 {strides = array<i32>} : memref<4x128xi32, #tpu.memory_space<vmem>>, vector<1x16xi32>,
        %dma_start3A_2103 = arith.constant 2 : i32
        %dma_start3A_2104 = arith.constant 2 : i32
        %dma_start3A_2105 = arith.constant 0 : i32
        %dma_start3A_2106 = arith.constant 0 : i32
        %dma_start3A_2107 = tpu.memref_slice %arg7[%dma_start3A_2104, %dma_start3A_2105, %dma_start3A_2106] : memref<4x128x128xf32, #tpu.memory_space<vmem>> -> memref<1x128x128xf32, #tpu.memory_space<vmem>>
        %dma_start3A_2108 = tpu.memref_squeeze %dma_start3A_2107 : memref<1x128x128xf32, #tpu.memory_space<vmem>> -> memref<128x128xf32, #tpu.memory_space<vmem>>
        %dma_start3A_2109 = arith.constant 0 : i32
        %dma_start3A_2110 = tpu.memref_slice %arg6[%dma_start3A_2103, %dma_start3A_2109] : memref<4x128xi32, #tpu.memory_space<vmem>> -> memref<1x128xi32, #tpu.memory_space<vmem>>
        %dma_start3A_2111 = tpu.memref_squeeze %dma_start3A_2110 : memref<1x128xi32, #tpu.memory_space<vmem>> -> memref<128xi32, #tpu.memory_space<vmem>>
        %dma_start3A_2112 = arith.constant 0 : i32
        %dma_start3A_2113 = arith.constant 0 : i32
        %dma_start3A_2114 = tpu.memref_slice %arg3[%dma_start3A_2112, %dma_start3A_2113] : memref<100000x128xf32, #tpu.memory_space<hbm>> -> memref<100000x128xf32, #tpu.memory_space<hbm>>
        tpu.enqueue_indirect_dma source(%dma_start3A_2114 : memref<100000x128xf32, #tpu.memory_space<hbm>>) target(%dma_start3A_2108 : memref<128x128xf32, #tpu.memory_space<vmem>>) offsets(%dma_start3A_2111 : memref<128xi32, #tpu.memory_space<vmem>>) semaphore(%arg11 : memref<!tpu.dma_semaphore, #tpu.memory_space<semaphore_mem>>)
      } else {
      }
      %ge3A_1617 = arith.constant 1 : i32
      %ge3A_1618 = arith.cmpi sge, %add3A_1590, %ge3A_1617 : i32
      %convert_element_type3A_1619 = arith.extui %ge3A_1618 : i1 to i32
      %cond3A_1620 = arith.constant 0 : i32
      %cond3A_1621 = arith.cmpi ne, %convert_element_type3A_1619, %cond3A_1620 : i32
      scf.if %cond3A_1621 {
        %sub3A_2005 = arith.constant 1 : i32
        %sub3A_2006 = arith.subi %add3A_1590, %sub3A_2005 : i32
        %mul3A_2007 = arith.constant 4 : i32
        %mul3A_2008 = arith.muli %sub3A_2006, %mul3A_2007 : i32
        %add3A_2009 = arith.addi %mul3A_2, %mul3A_2008 : i32
        %dma_wait3A_2010 = arith.constant 0 : i32
        %dma_wait3A_2011 = tpu.memref_slice %arg4[%add3A_2009, %dma_wait3A_2010] : memref<16384x128xf32, #tpu.memory_space<hbm>> -> memref<4x128xf32, #tpu.memory_space<hbm>>
        %dma_wait3A_2012 = arith.constant 0 : i32
        %dma_wait3A_2013 = tpu.memref_slice %arg4[%add3A_2009, %dma_wait3A_2012] : memref<16384x128xf32, #tpu.memory_space<hbm>> -> memref<4x128xf32, #tpu.memory_space<hbm>>
        tpu.wait_dma2 semaphore(%arg13 : memref<!tpu.dma_semaphore, #tpu.memory_space<semaphore_mem>>) src(%arg8 : memref<4x128xf32, #tpu.memory_space<vmem>>) dst(%dma_wait3A_2013 : memref<4x128xf32, #tpu.memory_space<hbm>>)
      } else {
      }
      %broadcast_in_dim3A_1622 = arith.constant 0.000000e+00 : f32
      %broadcast_in_dim3A_1623 = vector.broadcast %broadcast_in_dim3A_1622 : f32 to vector<16xf32>
      %broadcast_in_dim3A_1624 = arith.constant 0.000000e+00 : f32
      %broadcast_in_dim3A_1625 = vector.broadcast %broadcast_in_dim3A_1624 : f32 to vector<16xf32>
      %broadcast_in_dim3A_1626 = arith.constant 0.000000e+00 : f32
      %broadcast_in_dim3A_1627 = vector.broadcast %broadcast_in_dim3A_1626 : f32 to vector<16xf32>
      %broadcast_in_dim3A_1628 = arith.constant 0.000000e+00 : f32
      %broadcast_in_dim3A_1629 = vector.broadcast %broadcast_in_dim3A_1628 : f32 to vector<16xf32>
      %broadcast_in_dim3A_1630 = arith.constant 0.000000e+00 : f32
      %broadcast_in_dim3A_1631 = vector.broadcast %broadcast_in_dim3A_1630 : f32 to vector<16xf32>
      %broadcast_in_dim3A_1632 = arith.constant 0.000000e+00 : f32
      %broadcast_in_dim3A_1633 = vector.broadcast %broadcast_in_dim3A_1632 : f32 to vector<16xf32>
      %broadcast_in_dim3A_1634 = arith.constant 0.000000e+00 : f32
      %broadcast_in_dim3A_1635 = vector.broadcast %broadcast_in_dim3A_1634 : f32 to vector<16xf32>
      %broadcast_in_dim3A_1636 = arith.constant 0.000000e+00 : f32
      %broadcast_in_dim3A_1637 = vector.broadcast %broadcast_in_dim3A_1636 : f32 to vector<16xf32>
      %scan3A_1638 = arith.constant 0 : i32
      %scan3A_1639 = arith.constant 32 : i32
      %scan3A_1640 = arith.addi %scan3A_1638, %scan3A_1639 : i32
      %scan3A_1641 = arith.constant 1 : i32
      %scan3A_1642:8 = scf.for %scan3A_2005 = %scan3A_1638 to %scan3A_1640 step %scan3A_1641 iter_args(%scan3A_2006 = %broadcast_in_dim3A_1623, %scan3A_2007 = %broadcast_in_dim3A_1625, %scan3A_2008 = %broadcast_in_dim3A_1627, %scan3A_2009 = %broadcast_in_dim3A_1629, %scan3A_2010 = %broadcast_in_dim3A_1631, %scan3A_2011 = %broadcast_in_dim3A_1633, %scan3A_2012 = %broadcast_in_dim3A_1635, %scan3A_2013 = %broadcast_in_dim3A_1637) -> (vector<16xf32>, vector<16xf32>, vector<16xf32>, vector<16xf32>, vector<16xf32>, vector<16xf32>, vector<16xf32>, vector<16xf32>)  : i32 {
        %add3A_2014 = arith.constant 0 : i32
        %add3A_2015 = arith.addi %add3A_2014, %scan3A_2005 : i32
        %get3A_2016 = arith.constant 3 : i32
        %get3A_2017 = arith.index_cast %get3A_2016 : i32 to index
        %get3A_2018 = arith.index_cast %add3A_2015 : i32 to index
        %get3A_2019 = arith.constant 0 : index
        %get3A_2020 = tpu.vector_load %arg7[%get3A_2017, %get3A_2018, %get3A_2019] {strides = array<i32>} : memref<4x128x128xf32, #tpu.memory_space<vmem>>, vector<1x1x16xf32>,
        %get3A_2021 = vector.shape_cast %get3A_2020 : vector<1x1x16xf32> to vector<16xf32>
        %add3A_2022 = arith.addf %scan3A_2006, %get3A_2021 : vector<16xf32>
        %add3A_2023 = arith.constant 0 : i32
        %add3A_2024 = arith.addi %add3A_2023, %scan3A_2005 : i32
        %get3A_2025 = arith.constant 3 : i32
        %get3A_2026 = arith.index_cast %get3A_2025 : i32 to index
        %get3A_2027 = arith.index_cast %add3A_2024 : i32 to index
        %get3A_2028 = arith.constant 16 : index
        %get3A_2029 = tpu.vector_load %arg7[%get3A_2026, %get3A_2027, %get3A_2028] {strides = array<i32>} : memref<4x128x128xf32, #tpu.memory_space<vmem>>, vector<1x1x16xf32>,
        %get3A_2030 = vector.shape_cast %get3A_2029 : vector<1x1x16xf32> to vector<16xf32>
        %add3A_2031 = arith.addf %scan3A_2007, %get3A_2030 : vector<16xf32>
        %add3A_2032 = arith.constant 0 : i32
        %add3A_2033 = arith.addi %add3A_2032, %scan3A_2005 : i32
        %get3A_2034 = arith.constant 3 : i32
        %get3A_2035 = arith.index_cast %get3A_2034 : i32 to index
        %get3A_2036 = arith.index_cast %add3A_2033 : i32 to index
        %get3A_2037 = arith.constant 32 : index
        %get3A_2038 = tpu.vector_load %arg7[%get3A_2035, %get3A_2036, %get3A_2037] {strides = array<i32>} : memref<4x128x128xf32, #tpu.memory_space<vmem>>, vector<1x1x16xf32>,
        %get3A_2039 = vector.shape_cast %get3A_2038 : vector<1x1x16xf32> to vector<16xf32>
        %add3A_2040 = arith.addf %scan3A_2008, %get3A_2039 : vector<16xf32>
        %add3A_2041 = arith.constant 0 : i32
        %add3A_2042 = arith.addi %add3A_2041, %scan3A_2005 : i32
        %get3A_2043 = arith.constant 3 : i32
        %get3A_2044 = arith.index_cast %get3A_2043 : i32 to index
        %get3A_2045 = arith.index_cast %add3A_2042 : i32 to index
        %get3A_2046 = arith.constant 48 : index
        %get3A_2047 = tpu.vector_load %arg7[%get3A_2044, %get3A_2045, %get3A_2046] {strides = array<i32>} : memref<4x128x128xf32, #tpu.memory_space<vmem>>, vector<1x1x16xf32>,
        %get3A_2048 = vector.shape_cast %get3A_2047 : vector<1x1x16xf32> to vector<16xf32>
        %add3A_2049 = arith.addf %scan3A_2009, %get3A_2048 : vector<16xf32>
        %add3A_2050 = arith.constant 0 : i32
        %add3A_2051 = arith.addi %add3A_2050, %scan3A_2005 : i32
        %get3A_2052 = arith.constant 3 : i32
        %get3A_2053 = arith.index_cast %get3A_2052 : i32 to index
        %get3A_2054 = arith.index_cast %add3A_2051 : i32 to index
        %get3A_2055 = arith.constant 64 : index
        %get3A_2056 = tpu.vector_load %arg7[%get3A_2053, %get3A_2054, %get3A_2055] {strides = array<i32>} : memref<4x128x128xf32, #tpu.memory_space<vmem>>, vector<1x1x16xf32>,
        %get3A_2057 = vector.shape_cast %get3A_2056 : vector<1x1x16xf32> to vector<16xf32>
        %add3A_2058 = arith.addf %scan3A_2010, %get3A_2057 : vector<16xf32>
        %add3A_2059 = arith.constant 0 : i32
        %add3A_2060 = arith.addi %add3A_2059, %scan3A_2005 : i32
        %get3A_2061 = arith.constant 3 : i32
        %get3A_2062 = arith.index_cast %get3A_2061 : i32 to index
        %get3A_2063 = arith.index_cast %add3A_2060 : i32 to index
        %get3A_2064 = arith.constant 80 : index
        %get3A_2065 = tpu.vector_load %arg7[%get3A_2062, %get3A_2063, %get3A_2064] {strides = array<i32>} : memref<4x128x128xf32, #tpu.memory_space<vmem>>, vector<1x1x16xf32>,
        %get3A_2066 = vector.shape_cast %get3A_2065 : vector<1x1x16xf32> to vector<16xf32>
        %add3A_2067 = arith.addf %scan3A_2011, %get3A_2066 : vector<16xf32>
        %add3A_2068 = arith.constant 0 : i32
        %add3A_2069 = arith.addi %add3A_2068, %scan3A_2005 : i32
        %get3A_2070 = arith.constant 3 : i32
        %get3A_2071 = arith.index_cast %get3A_2070 : i32 to index
        %get3A_2072 = arith.index_cast %add3A_2069 : i32 to index
        %get3A_2073 = arith.constant 96 : index
        %get3A_2074 = tpu.vector_load %arg7[%get3A_2071, %get3A_2072, %get3A_2073] {strides = array<i32>} : memref<4x128x128xf32, #tpu.memory_space<vmem>>, vector<1x1x16xf32>,
        %get3A_2075 = vector.shape_cast %get3A_2074 : vector<1x1x16xf32> to vector<16xf32>
        %add3A_2076 = arith.addf %scan3A_2012, %get3A_2075 : vector<16xf32>
        %add3A_2077 = arith.constant 0 : i32
        %add3A_2078 = arith.addi %add3A_2077, %scan3A_2005 : i32
        %get3A_2079 = arith.constant 3 : i32
        %get3A_2080 = arith.index_cast %get3A_2079 : i32 to index
        %get3A_2081 = arith.index_cast %add3A_2078 : i32 to index
        %get3A_2082 = arith.constant 112 : index
        %get3A_2083 = tpu.vector_load %arg7[%get3A_2080, %get3A_2081, %get3A_2082] {strides = array<i32>} : memref<4x128x128xf32, #tpu.memory_space<vmem>>, vector<1x1x16xf32>,
        %get3A_2084 = vector.shape_cast %get3A_2083 : vector<1x1x16xf32> to vector<16xf32>
        %add3A_2085 = arith.addf %scan3A_2013, %get3A_2084 : vector<16xf32>
        scf.yield %add3A_2022, %add3A_2031, %add3A_2040, %add3A_2049, %add3A_2058, %add3A_2067, %add3A_2076, %add3A_2085 : vector<16xf32>, vector<16xf32>, vector<16xf32>, vector<16xf32>, vector<16xf32>, vector<16xf32>, vector<16xf32>, vector<16xf32>
      }
      %scan3A_1643 = arith.constant 32 : i32
      %mul3A_1644 = arith.constant 3.125000e-02 : f32
      %mul3A_1645 = vector.broadcast %mul3A_1644 : f32 to vector<16xf32>
      %mul3A_1646 = arith.mulf %scan3A_1642#0, %mul3A_1645 : vector<16xf32>
      %swap3A_1647 = arith.constant 0 : i32
      %swap3A_1648 = arith.index_cast %swap3A_1647 : i32 to index
      %swap3A_1649 = arith.constant 0 : index
      %swap3A_1650 = tpu.vector_load %arg8[%swap3A_1648, %swap3A_1649] {strides = array<i32>} : memref<4x128xf32, #tpu.memory_space<vmem>>, vector<1x16xf32>,
      %swap3A_1651 = vector.shape_cast %swap3A_1650 : vector<1x16xf32> to vector<16xf32>
      %swap3A_1652 = vector.shape_cast %mul3A_1646 : vector<16xf32> to vector<1x16xf32>
      tpu.vector_store %arg8[%swap3A_1648, %swap3A_1649], %swap3A_1652 {strides = array<i32>} : memref<4x128xf32, #tpu.memory_space<vmem>>, vector<1x16xf32>,
      %mul3A_1653 = arith.constant 3.125000e-02 : f32
      %mul3A_1654 = vector.broadcast %mul3A_1653 : f32 to vector<16xf32>
      %mul3A_1655 = arith.mulf %scan3A_1642#1, %mul3A_1654 : vector<16xf32>
      %swap3A_1656 = arith.constant 0 : i32
      %swap3A_1657 = arith.index_cast %swap3A_1656 : i32 to index
      %swap3A_1658 = arith.constant 16 : index
      %swap3A_1659 = tpu.vector_load %arg8[%swap3A_1657, %swap3A_1658] {strides = array<i32>} : memref<4x128xf32, #tpu.memory_space<vmem>>, vector<1x16xf32>,
      %swap3A_1660 = vector.shape_cast %swap3A_1659 : vector<1x16xf32> to vector<16xf32>
      %swap3A_1661 = vector.shape_cast %mul3A_1655 : vector<16xf32> to vector<1x16xf32>
      tpu.vector_store %arg8[%swap3A_1657, %swap3A_1658], %swap3A_1661 {strides = array<i32>} : memref<4x128xf32, #tpu.memory_space<vmem>>, vector<1x16xf32>,
      %mul3A_1662 = arith.constant 3.125000e-02 : f32
      %mul3A_1663 = vector.broadcast %mul3A_1662 : f32 to vector<16xf32>
      %mul3A_1664 = arith.mulf %scan3A_1642#2, %mul3A_1663 : vector<16xf32>
      %swap3A_1665 = arith.constant 0 : i32
      %swap3A_1666 = arith.index_cast %swap3A_1665 : i32 to index
      %swap3A_1667 = arith.constant 32 : index
      %swap3A_1668 = tpu.vector_load %arg8[%swap3A_1666, %swap3A_1667] {strides = array<i32>} : memref<4x128xf32, #tpu.memory_space<vmem>>, vector<1x16xf32>,
      %swap3A_1669 = vector.shape_cast %swap3A_1668 : vector<1x16xf32> to vector<16xf32>
      %swap3A_1670 = vector.shape_cast %mul3A_1664 : vector<16xf32> to vector<1x16xf32>
      tpu.vector_store %arg8[%swap3A_1666, %swap3A_1667], %swap3A_1670 {strides = array<i32>} : memref<4x128xf32, #tpu.memory_space<vmem>>, vector<1x16xf32>,
      %mul3A_1671 = arith.constant 3.125000e-02 : f32
      %mul3A_1672 = vector.broadcast %mul3A_1671 : f32 to vector<16xf32>
      %mul3A_1673 = arith.mulf %scan3A_1642#3, %mul3A_1672 : vector<16xf32>
      %swap3A_1674 = arith.constant 0 : i32
      %swap3A_1675 = arith.index_cast %swap3A_1674 : i32 to index
      %swap3A_1676 = arith.constant 48 : index
      %swap3A_1677 = tpu.vector_load %arg8[%swap3A_1675, %swap3A_1676] {strides = array<i32>} : memref<4x128xf32, #tpu.memory_space<vmem>>, vector<1x16xf32>,
      %swap3A_1678 = vector.shape_cast %swap3A_1677 : vector<1x16xf32> to vector<16xf32>
      %swap3A_1679 = vector.shape_cast %mul3A_1673 : vector<16xf32> to vector<1x16xf32>
      tpu.vector_store %arg8[%swap3A_1675, %swap3A_1676], %swap3A_1679 {strides = array<i32>} : memref<4x128xf32, #tpu.memory_space<vmem>>, vector<1x16xf32>,
      %mul3A_1680 = arith.constant 3.125000e-02 : f32
      %mul3A_1681 = vector.broadcast %mul3A_1680 : f32 to vector<16xf32>
      %mul3A_1682 = arith.mulf %scan3A_1642#4, %mul3A_1681 : vector<16xf32>
      %swap3A_1683 = arith.constant 0 : i32
      %swap3A_1684 = arith.index_cast %swap3A_1683 : i32 to index
      %swap3A_1685 = arith.constant 64 : index
      %swap3A_1686 = tpu.vector_load %arg8[%swap3A_1684, %swap3A_1685] {strides = array<i32>} : memref<4x128xf32, #tpu.memory_space<vmem>>, vector<1x16xf32>,
      %swap3A_1687 = vector.shape_cast %swap3A_1686 : vector<1x16xf32> to vector<16xf32>
      %swap3A_1688 = vector.shape_cast %mul3A_1682 : vector<16xf32> to vector<1x16xf32>
      tpu.vector_store %arg8[%swap3A_1684, %swap3A_1685], %swap3A_1688 {strides = array<i32>} : memref<4x128xf32, #tpu.memory_space<vmem>>, vector<1x16xf32>,
      %mul3A_1689 = arith.constant 3.125000e-02 : f32
      %mul3A_1690 = vector.broadcast %mul3A_1689 : f32 to vector<16xf32>
      %mul3A_1691 = arith.mulf %scan3A_1642#5, %mul3A_1690 : vector<16xf32>
      %swap3A_1692 = arith.constant 0 : i32
      %swap3A_1693 = arith.index_cast %swap3A_1692 : i32 to index
      %swap3A_1694 = arith.constant 80 : index
      %swap3A_1695 = tpu.vector_load %arg8[%swap3A_1693, %swap3A_1694] {strides = array<i32>} : memref<4x128xf32, #tpu.memory_space<vmem>>, vector<1x16xf32>,
      %swap3A_1696 = vector.shape_cast %swap3A_1695 : vector<1x16xf32> to vector<16xf32>
      %swap3A_1697 = vector.shape_cast %mul3A_1691 : vector<16xf32> to vector<1x16xf32>
      tpu.vector_store %arg8[%swap3A_1693, %swap3A_1694], %swap3A_1697 {strides = array<i32>} : memref<4x128xf32, #tpu.memory_space<vmem>>, vector<1x16xf32>,
      %mul3A_1698 = arith.constant 3.125000e-02 : f32
      %mul3A_1699 = vector.broadcast %mul3A_1698 : f32 to vector<16xf32>
      %mul3A_1700 = arith.mulf %scan3A_1642#6, %mul3A_1699 : vector<16xf32>
      %swap3A_1701 = arith.constant 0 : i32
      %swap3A_1702 = arith.index_cast %swap3A_1701 : i32 to index
      %swap3A_1703 = arith.constant 96 : index
      %swap3A_1704 = tpu.vector_load %arg8[%swap3A_1702, %swap3A_1703] {strides = array<i32>} : memref<4x128xf32, #tpu.memory_space<vmem>>, vector<1x16xf32>,
      %swap3A_1705 = vector.shape_cast %swap3A_1704 : vector<1x16xf32> to vector<16xf32>
      %swap3A_1706 = vector.shape_cast %mul3A_1700 : vector<16xf32> to vector<1x16xf32>
      tpu.vector_store %arg8[%swap3A_1702, %swap3A_1703], %swap3A_1706 {strides = array<i32>} : memref<4x128xf32, #tpu.memory_space<vmem>>, vector<1x16xf32>,
      %mul3A_1707 = arith.constant 3.125000e-02 : f32
      %mul3A_1708 = vector.broadcast %mul3A_1707 : f32 to vector<16xf32>
      %mul3A_1709 = arith.mulf %scan3A_1642#7, %mul3A_1708 : vector<16xf32>
      %swap3A_1710 = arith.constant 0 : i32
      %swap3A_1711 = arith.index_cast %swap3A_1710 : i32 to index
      %swap3A_1712 = arith.constant 112 : index
      %swap3A_1713 = tpu.vector_load %arg8[%swap3A_1711, %swap3A_1712] {strides = array<i32>} : memref<4x128xf32, #tpu.memory_space<vmem>>, vector<1x16xf32>,
      %swap3A_1714 = vector.shape_cast %swap3A_1713 : vector<1x16xf32> to vector<16xf32>
      %swap3A_1715 = vector.shape_cast %mul3A_1709 : vector<16xf32> to vector<1x16xf32>
      tpu.vector_store %arg8[%swap3A_1711, %swap3A_1712], %swap3A_1715 {strides = array<i32>} : memref<4x128xf32, #tpu.memory_space<vmem>>, vector<1x16xf32>,
      %broadcast_in_dim3A_1716 = arith.constant 0.000000e+00 : f32
      %broadcast_in_dim3A_1717 = vector.broadcast %broadcast_in_dim3A_1716 : f32 to vector<16xf32>
      %broadcast_in_dim3A_1718 = arith.constant 0.000000e+00 : f32
      %broadcast_in_dim3A_1719 = vector.broadcast %broadcast_in_dim3A_1718 : f32 to vector<16xf32>
      %broadcast_in_dim3A_1720 = arith.constant 0.000000e+00 : f32
      %broadcast_in_dim3A_1721 = vector.broadcast %broadcast_in_dim3A_1720 : f32 to vector<16xf32>
      %broadcast_in_dim3A_1722 = arith.constant 0.000000e+00 : f32
      %broadcast_in_dim3A_1723 = vector.broadcast %broadcast_in_dim3A_1722 : f32 to vector<16xf32>
      %broadcast_in_dim3A_1724 = arith.constant 0.000000e+00 : f32
      %broadcast_in_dim3A_1725 = vector.broadcast %broadcast_in_dim3A_1724 : f32 to vector<16xf32>
      %broadcast_in_dim3A_1726 = arith.constant 0.000000e+00 : f32
      %broadcast_in_dim3A_1727 = vector.broadcast %broadcast_in_dim3A_1726 : f32 to vector<16xf32>
      %broadcast_in_dim3A_1728 = arith.constant 0.000000e+00 : f32
      %broadcast_in_dim3A_1729 = vector.broadcast %broadcast_in_dim3A_1728 : f32 to vector<16xf32>
      %broadcast_in_dim3A_1730 = arith.constant 0.000000e+00 : f32
      %broadcast_in_dim3A_1731 = vector.broadcast %broadcast_in_dim3A_1730 : f32 to vector<16xf32>
      %scan3A_1732 = arith.constant 0 : i32
      %scan3A_1733 = arith.constant 32 : i32
      %scan3A_1734 = arith.addi %scan3A_1732, %scan3A_1733 : i32
      %scan3A_1735 = arith.constant 1 : i32
      %scan3A_1736:8 = scf.for %scan3A_2005 = %scan3A_1732 to %scan3A_1734 step %scan3A_1735 iter_args(%scan3A_2006 = %broadcast_in_dim3A_1717, %scan3A_2007 = %broadcast_in_dim3A_1719, %scan3A_2008 = %broadcast_in_dim3A_1721, %scan3A_2009 = %broadcast_in_dim3A_1723, %scan3A_2010 = %broadcast_in_dim3A_1725, %scan3A_2011 = %broadcast_in_dim3A_1727, %scan3A_2012 = %broadcast_in_dim3A_1729, %scan3A_2013 = %broadcast_in_dim3A_1731) -> (vector<16xf32>, vector<16xf32>, vector<16xf32>, vector<16xf32>, vector<16xf32>, vector<16xf32>, vector<16xf32>, vector<16xf32>)  : i32 {
        %add3A_2014 = arith.constant 32 : i32
        %add3A_2015 = arith.addi %add3A_2014, %scan3A_2005 : i32
        %get3A_2016 = arith.constant 3 : i32
        %get3A_2017 = arith.index_cast %get3A_2016 : i32 to index
        %get3A_2018 = arith.index_cast %add3A_2015 : i32 to index
        %get3A_2019 = arith.constant 0 : index
        %get3A_2020 = tpu.vector_load %arg7[%get3A_2017, %get3A_2018, %get3A_2019] {strides = array<i32>} : memref<4x128x128xf32, #tpu.memory_space<vmem>>, vector<1x1x16xf32>,
        %get3A_2021 = vector.shape_cast %get3A_2020 : vector<1x1x16xf32> to vector<16xf32>
        %add3A_2022 = arith.addf %scan3A_2006, %get3A_2021 : vector<16xf32>
        %add3A_2023 = arith.constant 32 : i32
        %add3A_2024 = arith.addi %add3A_2023, %scan3A_2005 : i32
        %get3A_2025 = arith.constant 3 : i32
        %get3A_2026 = arith.index_cast %get3A_2025 : i32 to index
        %get3A_2027 = arith.index_cast %add3A_2024 : i32 to index
        %get3A_2028 = arith.constant 16 : index
        %get3A_2029 = tpu.vector_load %arg7[%get3A_2026, %get3A_2027, %get3A_2028] {strides = array<i32>} : memref<4x128x128xf32, #tpu.memory_space<vmem>>, vector<1x1x16xf32>,
        %get3A_2030 = vector.shape_cast %get3A_2029 : vector<1x1x16xf32> to vector<16xf32>
        %add3A_2031 = arith.addf %scan3A_2007, %get3A_2030 : vector<16xf32>
        %add3A_2032 = arith.constant 32 : i32
        %add3A_2033 = arith.addi %add3A_2032, %scan3A_2005 : i32
        %get3A_2034 = arith.constant 3 : i32
        %get3A_2035 = arith.index_cast %get3A_2034 : i32 to index
        %get3A_2036 = arith.index_cast %add3A_2033 : i32 to index
        %get3A_2037 = arith.constant 32 : index
        %get3A_2038 = tpu.vector_load %arg7[%get3A_2035, %get3A_2036, %get3A_2037] {strides = array<i32>} : memref<4x128x128xf32, #tpu.memory_space<vmem>>, vector<1x1x16xf32>,
        %get3A_2039 = vector.shape_cast %get3A_2038 : vector<1x1x16xf32> to vector<16xf32>
        %add3A_2040 = arith.addf %scan3A_2008, %get3A_2039 : vector<16xf32>
        %add3A_2041 = arith.constant 32 : i32
        %add3A_2042 = arith.addi %add3A_2041, %scan3A_2005 : i32
        %get3A_2043 = arith.constant 3 : i32
        %get3A_2044 = arith.index_cast %get3A_2043 : i32 to index
        %get3A_2045 = arith.index_cast %add3A_2042 : i32 to index
        %get3A_2046 = arith.constant 48 : index
        %get3A_2047 = tpu.vector_load %arg7[%get3A_2044, %get3A_2045, %get3A_2046] {strides = array<i32>} : memref<4x128x128xf32, #tpu.memory_space<vmem>>, vector<1x1x16xf32>,
        %get3A_2048 = vector.shape_cast %get3A_2047 : vector<1x1x16xf32> to vector<16xf32>
        %add3A_2049 = arith.addf %scan3A_2009, %get3A_2048 : vector<16xf32>
        %add3A_2050 = arith.constant 32 : i32
        %add3A_2051 = arith.addi %add3A_2050, %scan3A_2005 : i32
        %get3A_2052 = arith.constant 3 : i32
        %get3A_2053 = arith.index_cast %get3A_2052 : i32 to index
        %get3A_2054 = arith.index_cast %add3A_2051 : i32 to index
        %get3A_2055 = arith.constant 64 : index
        %get3A_2056 = tpu.vector_load %arg7[%get3A_2053, %get3A_2054, %get3A_2055] {strides = array<i32>} : memref<4x128x128xf32, #tpu.memory_space<vmem>>, vector<1x1x16xf32>,
        %get3A_2057 = vector.shape_cast %get3A_2056 : vector<1x1x16xf32> to vector<16xf32>
        %add3A_2058 = arith.addf %scan3A_2010, %get3A_2057 : vector<16xf32>
        %add3A_2059 = arith.constant 32 : i32
        %add3A_2060 = arith.addi %add3A_2059, %scan3A_2005 : i32
        %get3A_2061 = arith.constant 3 : i32
        %get3A_2062 = arith.index_cast %get3A_2061 : i32 to index
        %get3A_2063 = arith.index_cast %add3A_2060 : i32 to index
        %get3A_2064 = arith.constant 80 : index
        %get3A_2065 = tpu.vector_load %arg7[%get3A_2062, %get3A_2063, %get3A_2064] {strides = array<i32>} : memref<4x128x128xf32, #tpu.memory_space<vmem>>, vector<1x1x16xf32>,
        %get3A_2066 = vector.shape_cast %get3A_2065 : vector<1x1x16xf32> to vector<16xf32>
        %add3A_2067 = arith.addf %scan3A_2011, %get3A_2066 : vector<16xf32>
        %add3A_2068 = arith.constant 32 : i32
        %add3A_2069 = arith.addi %add3A_2068, %scan3A_2005 : i32
        %get3A_2070 = arith.constant 3 : i32
        %get3A_2071 = arith.index_cast %get3A_2070 : i32 to index
        %get3A_2072 = arith.index_cast %add3A_2069 : i32 to index
        %get3A_2073 = arith.constant 96 : index
        %get3A_2074 = tpu.vector_load %arg7[%get3A_2071, %get3A_2072, %get3A_2073] {strides = array<i32>} : memref<4x128x128xf32, #tpu.memory_space<vmem>>, vector<1x1x16xf32>,
        %get3A_2075 = vector.shape_cast %get3A_2074 : vector<1x1x16xf32> to vector<16xf32>
        %add3A_2076 = arith.addf %scan3A_2012, %get3A_2075 : vector<16xf32>
        %add3A_2077 = arith.constant 32 : i32
        %add3A_2078 = arith.addi %add3A_2077, %scan3A_2005 : i32
        %get3A_2079 = arith.constant 3 : i32
        %get3A_2080 = arith.index_cast %get3A_2079 : i32 to index
        %get3A_2081 = arith.index_cast %add3A_2078 : i32 to index
        %get3A_2082 = arith.constant 112 : index
        %get3A_2083 = tpu.vector_load %arg7[%get3A_2080, %get3A_2081, %get3A_2082] {strides = array<i32>} : memref<4x128x128xf32, #tpu.memory_space<vmem>>, vector<1x1x16xf32>,
        %get3A_2084 = vector.shape_cast %get3A_2083 : vector<1x1x16xf32> to vector<16xf32>
        %add3A_2085 = arith.addf %scan3A_2013, %get3A_2084 : vector<16xf32>
        scf.yield %add3A_2022, %add3A_2031, %add3A_2040, %add3A_2049, %add3A_2058, %add3A_2067, %add3A_2076, %add3A_2085 : vector<16xf32>, vector<16xf32>, vector<16xf32>, vector<16xf32>, vector<16xf32>, vector<16xf32>, vector<16xf32>, vector<16xf32>
      }
      %scan3A_1737 = arith.constant 32 : i32
      %mul3A_1738 = arith.constant 3.125000e-02 : f32
      %mul3A_1739 = vector.broadcast %mul3A_1738 : f32 to vector<16xf32>
      %mul3A_1740 = arith.mulf %scan3A_1736#0, %mul3A_1739 : vector<16xf32>
      %swap3A_1741 = arith.constant 1 : i32
      %swap3A_1742 = arith.index_cast %swap3A_1741 : i32 to index
      %swap3A_1743 = arith.constant 0 : index
      %swap3A_1744 = tpu.vector_load %arg8[%swap3A_1742, %swap3A_1743] {strides = array<i32>} : memref<4x128xf32, #tpu.memory_space<vmem>>, vector<1x16xf32>,
      %swap3A_1745 = vector.shape_cast %swap3A_1744 : vector<1x16xf32> to vector<16xf32>
      %swap3A_1746 = vector.shape_cast %mul3A_1740 : vector<16xf32> to vector<1x16xf32>
      tpu.vector_store %arg8[%swap3A_1742, %swap3A_1743], %swap3A_1746 {strides = array<i32>} : memref<4x128xf32, #tpu.memory_space<vmem>>, vector<1x16xf32>,
      %mul3A_1747 = arith.constant 3.125000e-02 : f32
      %mul3A_1748 = vector.broadcast %mul3A_1747 : f32 to vector<16xf32>
      %mul3A_1749 = arith.mulf %scan3A_1736#1, %mul3A_1748 : vector<16xf32>
      %swap3A_1750 = arith.constant 1 : i32
      %swap3A_1751 = arith.index_cast %swap3A_1750 : i32 to index
      %swap3A_1752 = arith.constant 16 : index
      %swap3A_1753 = tpu.vector_load %arg8[%swap3A_1751, %swap3A_1752] {strides = array<i32>} : memref<4x128xf32, #tpu.memory_space<vmem>>, vector<1x16xf32>,
      %swap3A_1754 = vector.shape_cast %swap3A_1753 : vector<1x16xf32> to vector<16xf32>
      %swap3A_1755 = vector.shape_cast %mul3A_1749 : vector<16xf32> to vector<1x16xf32>
      tpu.vector_store %arg8[%swap3A_1751, %swap3A_1752], %swap3A_1755 {strides = array<i32>} : memref<4x128xf32, #tpu.memory_space<vmem>>, vector<1x16xf32>,
      %mul3A_1756 = arith.constant 3.125000e-02 : f32
      %mul3A_1757 = vector.broadcast %mul3A_1756 : f32 to vector<16xf32>
      %mul3A_1758 = arith.mulf %scan3A_1736#2, %mul3A_1757 : vector<16xf32>
      %swap3A_1759 = arith.constant 1 : i32
      %swap3A_1760 = arith.index_cast %swap3A_1759 : i32 to index
      %swap3A_1761 = arith.constant 32 : index
      %swap3A_1762 = tpu.vector_load %arg8[%swap3A_1760, %swap3A_1761] {strides = array<i32>} : memref<4x128xf32, #tpu.memory_space<vmem>>, vector<1x16xf32>,
      %swap3A_1763 = vector.shape_cast %swap3A_1762 : vector<1x16xf32> to vector<16xf32>
      %swap3A_1764 = vector.shape_cast %mul3A_1758 : vector<16xf32> to vector<1x16xf32>
      tpu.vector_store %arg8[%swap3A_1760, %swap3A_1761], %swap3A_1764 {strides = array<i32>} : memref<4x128xf32, #tpu.memory_space<vmem>>, vector<1x16xf32>,
      %mul3A_1765 = arith.constant 3.125000e-02 : f32
      %mul3A_1766 = vector.broadcast %mul3A_1765 : f32 to vector<16xf32>
      %mul3A_1767 = arith.mulf %scan3A_1736#3, %mul3A_1766 : vector<16xf32>
      %swap3A_1768 = arith.constant 1 : i32
      %swap3A_1769 = arith.index_cast %swap3A_1768 : i32 to index
      %swap3A_1770 = arith.constant 48 : index
      %swap3A_1771 = tpu.vector_load %arg8[%swap3A_1769, %swap3A_1770] {strides = array<i32>} : memref<4x128xf32, #tpu.memory_space<vmem>>, vector<1x16xf32>,
      %swap3A_1772 = vector.shape_cast %swap3A_1771 : vector<1x16xf32> to vector<16xf32>
      %swap3A_1773 = vector.shape_cast %mul3A_1767 : vector<16xf32> to vector<1x16xf32>
      tpu.vector_store %arg8[%swap3A_1769, %swap3A_1770], %swap3A_1773 {strides = array<i32>} : memref<4x128xf32, #tpu.memory_space<vmem>>, vector<1x16xf32>,
      %mul3A_1774 = arith.constant 3.125000e-02 : f32
      %mul3A_1775 = vector.broadcast %mul3A_1774 : f32 to vector<16xf32>
      %mul3A_1776 = arith.mulf %scan3A_1736#4, %mul3A_1775 : vector<16xf32>
      %swap3A_1777 = arith.constant 1 : i32
      %swap3A_1778 = arith.index_cast %swap3A_1777 : i32 to index
      %swap3A_1779 = arith.constant 64 : index
      %swap3A_1780 = tpu.vector_load %arg8[%swap3A_1778, %swap3A_1779] {strides = array<i32>} : memref<4x128xf32, #tpu.memory_space<vmem>>, vector<1x16xf32>,
      %swap3A_1781 = vector.shape_cast %swap3A_1780 : vector<1x16xf32> to vector<16xf32>
      %swap3A_1782 = vector.shape_cast %mul3A_1776 : vector<16xf32> to vector<1x16xf32>
      tpu.vector_store %arg8[%swap3A_1778, %swap3A_1779], %swap3A_1782 {strides = array<i32>} : memref<4x128xf32, #tpu.memory_space<vmem>>, vector<1x16xf32>,
      %mul3A_1783 = arith.constant 3.125000e-02 : f32
      %mul3A_1784 = vector.broadcast %mul3A_1783 : f32 to vector<16xf32>
      %mul3A_1785 = arith.mulf %scan3A_1736#5, %mul3A_1784 : vector<16xf32>
      %swap3A_1786 = arith.constant 1 : i32
      %swap3A_1787 = arith.index_cast %swap3A_1786 : i32 to index
      %swap3A_1788 = arith.constant 80 : index
      %swap3A_1789 = tpu.vector_load %arg8[%swap3A_1787, %swap3A_1788] {strides = array<i32>} : memref<4x128xf32, #tpu.memory_space<vmem>>, vector<1x16xf32>,
      %swap3A_1790 = vector.shape_cast %swap3A_1789 : vector<1x16xf32> to vector<16xf32>
      %swap3A_1791 = vector.shape_cast %mul3A_1785 : vector<16xf32> to vector<1x16xf32>
      tpu.vector_store %arg8[%swap3A_1787, %swap3A_1788], %swap3A_1791 {strides = array<i32>} : memref<4x128xf32, #tpu.memory_space<vmem>>, vector<1x16xf32>,
      %mul3A_1792 = arith.constant 3.125000e-02 : f32
      %mul3A_1793 = vector.broadcast %mul3A_1792 : f32 to vector<16xf32>
      %mul3A_1794 = arith.mulf %scan3A_1736#6, %mul3A_1793 : vector<16xf32>
      %swap3A_1795 = arith.constant 1 : i32
      %swap3A_1796 = arith.index_cast %swap3A_1795 : i32 to index
      %swap3A_1797 = arith.constant 96 : index
      %swap3A_1798 = tpu.vector_load %arg8[%swap3A_1796, %swap3A_1797] {strides = array<i32>} : memref<4x128xf32, #tpu.memory_space<vmem>>, vector<1x16xf32>,
      %swap3A_1799 = vector.shape_cast %swap3A_1798 : vector<1x16xf32> to vector<16xf32>
      %swap3A_1800 = vector.shape_cast %mul3A_1794 : vector<16xf32> to vector<1x16xf32>
      tpu.vector_store %arg8[%swap3A_1796, %swap3A_1797], %swap3A_1800 {strides = array<i32>} : memref<4x128xf32, #tpu.memory_space<vmem>>, vector<1x16xf32>,
      %mul3A_1801 = arith.constant 3.125000e-02 : f32
      %mul3A_1802 = vector.broadcast %mul3A_1801 : f32 to vector<16xf32>
      %mul3A_1803 = arith.mulf %scan3A_1736#7, %mul3A_1802 : vector<16xf32>
      %swap3A_1804 = arith.constant 1 : i32
      %swap3A_1805 = arith.index_cast %swap3A_1804 : i32 to index
      %swap3A_1806 = arith.constant 112 : index
      %swap3A_1807 = tpu.vector_load %arg8[%swap3A_1805, %swap3A_1806] {strides = array<i32>} : memref<4x128xf32, #tpu.memory_space<vmem>>, vector<1x16xf32>,
      %swap3A_1808 = vector.shape_cast %swap3A_1807 : vector<1x16xf32> to vector<16xf32>
      %swap3A_1809 = vector.shape_cast %mul3A_1803 : vector<16xf32> to vector<1x16xf32>
      tpu.vector_store %arg8[%swap3A_1805, %swap3A_1806], %swap3A_1809 {strides = array<i32>} : memref<4x128xf32, #tpu.memory_space<vmem>>, vector<1x16xf32>,
      %broadcast_in_dim3A_1810 = arith.constant 0.000000e+00 : f32
      %broadcast_in_dim3A_1811 = vector.broadcast %broadcast_in_dim3A_1810 : f32 to vector<16xf32>
      %broadcast_in_dim3A_1812 = arith.constant 0.000000e+00 : f32
      %broadcast_in_dim3A_1813 = vector.broadcast %broadcast_in_dim3A_1812 : f32 to vector<16xf32>
      %broadcast_in_dim3A_1814 = arith.constant 0.000000e+00 : f32
      %broadcast_in_dim3A_1815 = vector.broadcast %broadcast_in_dim3A_1814 : f32 to vector<16xf32>
      %broadcast_in_dim3A_1816 = arith.constant 0.000000e+00 : f32
      %broadcast_in_dim3A_1817 = vector.broadcast %broadcast_in_dim3A_1816 : f32 to vector<16xf32>
      %broadcast_in_dim3A_1818 = arith.constant 0.000000e+00 : f32
      %broadcast_in_dim3A_1819 = vector.broadcast %broadcast_in_dim3A_1818 : f32 to vector<16xf32>
      %broadcast_in_dim3A_1820 = arith.constant 0.000000e+00 : f32
      %broadcast_in_dim3A_1821 = vector.broadcast %broadcast_in_dim3A_1820 : f32 to vector<16xf32>
      %broadcast_in_dim3A_1822 = arith.constant 0.000000e+00 : f32
      %broadcast_in_dim3A_1823 = vector.broadcast %broadcast_in_dim3A_1822 : f32 to vector<16xf32>
      %broadcast_in_dim3A_1824 = arith.constant 0.000000e+00 : f32
      %broadcast_in_dim3A_1825 = vector.broadcast %broadcast_in_dim3A_1824 : f32 to vector<16xf32>
      %scan3A_1826 = arith.constant 0 : i32
      %scan3A_1827 = arith.constant 32 : i32
      %scan3A_1828 = arith.addi %scan3A_1826, %scan3A_1827 : i32
      %scan3A_1829 = arith.constant 1 : i32
      %scan3A_1830:8 = scf.for %scan3A_2005 = %scan3A_1826 to %scan3A_1828 step %scan3A_1829 iter_args(%scan3A_2006 = %broadcast_in_dim3A_1811, %scan3A_2007 = %broadcast_in_dim3A_1813, %scan3A_2008 = %broadcast_in_dim3A_1815, %scan3A_2009 = %broadcast_in_dim3A_1817, %scan3A_2010 = %broadcast_in_dim3A_1819, %scan3A_2011 = %broadcast_in_dim3A_1821, %scan3A_2012 = %broadcast_in_dim3A_1823, %scan3A_2013 = %broadcast_in_dim3A_1825) -> (vector<16xf32>, vector<16xf32>, vector<16xf32>, vector<16xf32>, vector<16xf32>, vector<16xf32>, vector<16xf32>, vector<16xf32>)  : i32 {
        %add3A_2014 = arith.constant 64 : i32
        %add3A_2015 = arith.addi %add3A_2014, %scan3A_2005 : i32
        %get3A_2016 = arith.constant 3 : i32
        %get3A_2017 = arith.index_cast %get3A_2016 : i32 to index
        %get3A_2018 = arith.index_cast %add3A_2015 : i32 to index
        %get3A_2019 = arith.constant 0 : index
        %get3A_2020 = tpu.vector_load %arg7[%get3A_2017, %get3A_2018, %get3A_2019] {strides = array<i32>} : memref<4x128x128xf32, #tpu.memory_space<vmem>>, vector<1x1x16xf32>,
        %get3A_2021 = vector.shape_cast %get3A_2020 : vector<1x1x16xf32> to vector<16xf32>
        %add3A_2022 = arith.addf %scan3A_2006, %get3A_2021 : vector<16xf32>
        %add3A_2023 = arith.constant 64 : i32
        %add3A_2024 = arith.addi %add3A_2023, %scan3A_2005 : i32
        %get3A_2025 = arith.constant 3 : i32
        %get3A_2026 = arith.index_cast %get3A_2025 : i32 to index
        %get3A_2027 = arith.index_cast %add3A_2024 : i32 to index
        %get3A_2028 = arith.constant 16 : index
        %get3A_2029 = tpu.vector_load %arg7[%get3A_2026, %get3A_2027, %get3A_2028] {strides = array<i32>} : memref<4x128x128xf32, #tpu.memory_space<vmem>>, vector<1x1x16xf32>,
        %get3A_2030 = vector.shape_cast %get3A_2029 : vector<1x1x16xf32> to vector<16xf32>
        %add3A_2031 = arith.addf %scan3A_2007, %get3A_2030 : vector<16xf32>
        %add3A_2032 = arith.constant 64 : i32
        %add3A_2033 = arith.addi %add3A_2032, %scan3A_2005 : i32
        %get3A_2034 = arith.constant 3 : i32
        %get3A_2035 = arith.index_cast %get3A_2034 : i32 to index
        %get3A_2036 = arith.index_cast %add3A_2033 : i32 to index
        %get3A_2037 = arith.constant 32 : index
        %get3A_2038 = tpu.vector_load %arg7[%get3A_2035, %get3A_2036, %get3A_2037] {strides = array<i32>} : memref<4x128x128xf32, #tpu.memory_space<vmem>>, vector<1x1x16xf32>,
        %get3A_2039 = vector.shape_cast %get3A_2038 : vector<1x1x16xf32> to vector<16xf32>
        %add3A_2040 = arith.addf %scan3A_2008, %get3A_2039 : vector<16xf32>
        %add3A_2041 = arith.constant 64 : i32
        %add3A_2042 = arith.addi %add3A_2041, %scan3A_2005 : i32
        %get3A_2043 = arith.constant 3 : i32
        %get3A_2044 = arith.index_cast %get3A_2043 : i32 to index
        %get3A_2045 = arith.index_cast %add3A_2042 : i32 to index
        %get3A_2046 = arith.constant 48 : index
        %get3A_2047 = tpu.vector_load %arg7[%get3A_2044, %get3A_2045, %get3A_2046] {strides = array<i32>} : memref<4x128x128xf32, #tpu.memory_space<vmem>>, vector<1x1x16xf32>,
        %get3A_2048 = vector.shape_cast %get3A_2047 : vector<1x1x16xf32> to vector<16xf32>
        %add3A_2049 = arith.addf %scan3A_2009, %get3A_2048 : vector<16xf32>
        %add3A_2050 = arith.constant 64 : i32
        %add3A_2051 = arith.addi %add3A_2050, %scan3A_2005 : i32
        %get3A_2052 = arith.constant 3 : i32
        %get3A_2053 = arith.index_cast %get3A_2052 : i32 to index
        %get3A_2054 = arith.index_cast %add3A_2051 : i32 to index
        %get3A_2055 = arith.constant 64 : index
        %get3A_2056 = tpu.vector_load %arg7[%get3A_2053, %get3A_2054, %get3A_2055] {strides = array<i32>} : memref<4x128x128xf32, #tpu.memory_space<vmem>>, vector<1x1x16xf32>,
        %get3A_2057 = vector.shape_cast %get3A_2056 : vector<1x1x16xf32> to vector<16xf32>
        %add3A_2058 = arith.addf %scan3A_2010, %get3A_2057 : vector<16xf32>
        %add3A_2059 = arith.constant 64 : i32
        %add3A_2060 = arith.addi %add3A_2059, %scan3A_2005 : i32
        %get3A_2061 = arith.constant 3 : i32
        %get3A_2062 = arith.index_cast %get3A_2061 : i32 to index
        %get3A_2063 = arith.index_cast %add3A_2060 : i32 to index
        %get3A_2064 = arith.constant 80 : index
        %get3A_2065 = tpu.vector_load %arg7[%get3A_2062, %get3A_2063, %get3A_2064] {strides = array<i32>} : memref<4x128x128xf32, #tpu.memory_space<vmem>>, vector<1x1x16xf32>,
        %get3A_2066 = vector.shape_cast %get3A_2065 : vector<1x1x16xf32> to vector<16xf32>
        %add3A_2067 = arith.addf %scan3A_2011, %get3A_2066 : vector<16xf32>
        %add3A_2068 = arith.constant 64 : i32
        %add3A_2069 = arith.addi %add3A_2068, %scan3A_2005 : i32
        %get3A_2070 = arith.constant 3 : i32
        %get3A_2071 = arith.index_cast %get3A_2070 : i32 to index
        %get3A_2072 = arith.index_cast %add3A_2069 : i32 to index
        %get3A_2073 = arith.constant 96 : index
        %get3A_2074 = tpu.vector_load %arg7[%get3A_2071, %get3A_2072, %get3A_2073] {strides = array<i32>} : memref<4x128x128xf32, #tpu.memory_space<vmem>>, vector<1x1x16xf32>,
        %get3A_2075 = vector.shape_cast %get3A_2074 : vector<1x1x16xf32> to vector<16xf32>
        %add3A_2076 = arith.addf %scan3A_2012, %get3A_2075 : vector<16xf32>
        %add3A_2077 = arith.constant 64 : i32
        %add3A_2078 = arith.addi %add3A_2077, %scan3A_2005 : i32
        %get3A_2079 = arith.constant 3 : i32
        %get3A_2080 = arith.index_cast %get3A_2079 : i32 to index
        %get3A_2081 = arith.index_cast %add3A_2078 : i32 to index
        %get3A_2082 = arith.constant 112 : index
        %get3A_2083 = tpu.vector_load %arg7[%get3A_2080, %get3A_2081, %get3A_2082] {strides = array<i32>} : memref<4x128x128xf32, #tpu.memory_space<vmem>>, vector<1x1x16xf32>,
        %get3A_2084 = vector.shape_cast %get3A_2083 : vector<1x1x16xf32> to vector<16xf32>
        %add3A_2085 = arith.addf %scan3A_2013, %get3A_2084 : vector<16xf32>
        scf.yield %add3A_2022, %add3A_2031, %add3A_2040, %add3A_2049, %add3A_2058, %add3A_2067, %add3A_2076, %add3A_2085 : vector<16xf32>, vector<16xf32>, vector<16xf32>, vector<16xf32>, vector<16xf32>, vector<16xf32>, vector<16xf32>, vector<16xf32>
      }
      %scan3A_1831 = arith.constant 32 : i32
      %mul3A_1832 = arith.constant 3.125000e-02 : f32
      %mul3A_1833 = vector.broadcast %mul3A_1832 : f32 to vector<16xf32>
      %mul3A_1834 = arith.mulf %scan3A_1830#0, %mul3A_1833 : vector<16xf32>
      %swap3A_1835 = arith.constant 2 : i32
      %swap3A_1836 = arith.index_cast %swap3A_1835 : i32 to index
      %swap3A_1837 = arith.constant 0 : index
      %swap3A_1838 = tpu.vector_load %arg8[%swap3A_1836, %swap3A_1837] {strides = array<i32>} : memref<4x128xf32, #tpu.memory_space<vmem>>, vector<1x16xf32>,
      %swap3A_1839 = vector.shape_cast %swap3A_1838 : vector<1x16xf32> to vector<16xf32>
      %swap3A_1840 = vector.shape_cast %mul3A_1834 : vector<16xf32> to vector<1x16xf32>
      tpu.vector_store %arg8[%swap3A_1836, %swap3A_1837], %swap3A_1840 {strides = array<i32>} : memref<4x128xf32, #tpu.memory_space<vmem>>, vector<1x16xf32>,
      %mul3A_1841 = arith.constant 3.125000e-02 : f32
      %mul3A_1842 = vector.broadcast %mul3A_1841 : f32 to vector<16xf32>
      %mul3A_1843 = arith.mulf %scan3A_1830#1, %mul3A_1842 : vector<16xf32>
      %swap3A_1844 = arith.constant 2 : i32
      %swap3A_1845 = arith.index_cast %swap3A_1844 : i32 to index
      %swap3A_1846 = arith.constant 16 : index
      %swap3A_1847 = tpu.vector_load %arg8[%swap3A_1845, %swap3A_1846] {strides = array<i32>} : memref<4x128xf32, #tpu.memory_space<vmem>>, vector<1x16xf32>,
      %swap3A_1848 = vector.shape_cast %swap3A_1847 : vector<1x16xf32> to vector<16xf32>
      %swap3A_1849 = vector.shape_cast %mul3A_1843 : vector<16xf32> to vector<1x16xf32>
      tpu.vector_store %arg8[%swap3A_1845, %swap3A_1846], %swap3A_1849 {strides = array<i32>} : memref<4x128xf32, #tpu.memory_space<vmem>>, vector<1x16xf32>,
      %mul3A_1850 = arith.constant 3.125000e-02 : f32
      %mul3A_1851 = vector.broadcast %mul3A_1850 : f32 to vector<16xf32>
      %mul3A_1852 = arith.mulf %scan3A_1830#2, %mul3A_1851 : vector<16xf32>
      %swap3A_1853 = arith.constant 2 : i32
      %swap3A_1854 = arith.index_cast %swap3A_1853 : i32 to index
      %swap3A_1855 = arith.constant 32 : index
      %swap3A_1856 = tpu.vector_load %arg8[%swap3A_1854, %swap3A_1855] {strides = array<i32>} : memref<4x128xf32, #tpu.memory_space<vmem>>, vector<1x16xf32>,
      %swap3A_1857 = vector.shape_cast %swap3A_1856 : vector<1x16xf32> to vector<16xf32>
      %swap3A_1858 = vector.shape_cast %mul3A_1852 : vector<16xf32> to vector<1x16xf32>
      tpu.vector_store %arg8[%swap3A_1854, %swap3A_1855], %swap3A_1858 {strides = array<i32>} : memref<4x128xf32, #tpu.memory_space<vmem>>, vector<1x16xf32>,
      %mul3A_1859 = arith.constant 3.125000e-02 : f32
      %mul3A_1860 = vector.broadcast %mul3A_1859 : f32 to vector<16xf32>
      %mul3A_1861 = arith.mulf %scan3A_1830#3, %mul3A_1860 : vector<16xf32>
      %swap3A_1862 = arith.constant 2 : i32
      %swap3A_1863 = arith.index_cast %swap3A_1862 : i32 to index
      %swap3A_1864 = arith.constant 48 : index
      %swap3A_1865 = tpu.vector_load %arg8[%swap3A_1863, %swap3A_1864] {strides = array<i32>} : memref<4x128xf32, #tpu.memory_space<vmem>>, vector<1x16xf32>,
      %swap3A_1866 = vector.shape_cast %swap3A_1865 : vector<1x16xf32> to vector<16xf32>
      %swap3A_1867 = vector.shape_cast %mul3A_1861 : vector<16xf32> to vector<1x16xf32>
      tpu.vector_store %arg8[%swap3A_1863, %swap3A_1864], %swap3A_1867 {strides = array<i32>} : memref<4x128xf32, #tpu.memory_space<vmem>>, vector<1x16xf32>,
      %mul3A_1868 = arith.constant 3.125000e-02 : f32
      %mul3A_1869 = vector.broadcast %mul3A_1868 : f32 to vector<16xf32>
      %mul3A_1870 = arith.mulf %scan3A_1830#4, %mul3A_1869 : vector<16xf32>
      %swap3A_1871 = arith.constant 2 : i32
      %swap3A_1872 = arith.index_cast %swap3A_1871 : i32 to index
      %swap3A_1873 = arith.constant 64 : index
      %swap3A_1874 = tpu.vector_load %arg8[%swap3A_1872, %swap3A_1873] {strides = array<i32>} : memref<4x128xf32, #tpu.memory_space<vmem>>, vector<1x16xf32>,
      %swap3A_1875 = vector.shape_cast %swap3A_1874 : vector<1x16xf32> to vector<16xf32>
      %swap3A_1876 = vector.shape_cast %mul3A_1870 : vector<16xf32> to vector<1x16xf32>
      tpu.vector_store %arg8[%swap3A_1872, %swap3A_1873], %swap3A_1876 {strides = array<i32>} : memref<4x128xf32, #tpu.memory_space<vmem>>, vector<1x16xf32>,
      %mul3A_1877 = arith.constant 3.125000e-02 : f32
      %mul3A_1878 = vector.broadcast %mul3A_1877 : f32 to vector<16xf32>
      %mul3A_1879 = arith.mulf %scan3A_1830#5, %mul3A_1878 : vector<16xf32>
      %swap3A_1880 = arith.constant 2 : i32
      %swap3A_1881 = arith.index_cast %swap3A_1880 : i32 to index
      %swap3A_1882 = arith.constant 80 : index
      %swap3A_1883 = tpu.vector_load %arg8[%swap3A_1881, %swap3A_1882] {strides = array<i32>} : memref<4x128xf32, #tpu.memory_space<vmem>>, vector<1x16xf32>,
      %swap3A_1884 = vector.shape_cast %swap3A_1883 : vector<1x16xf32> to vector<16xf32>
      %swap3A_1885 = vector.shape_cast %mul3A_1879 : vector<16xf32> to vector<1x16xf32>
      tpu.vector_store %arg8[%swap3A_1881, %swap3A_1882], %swap3A_1885 {strides = array<i32>} : memref<4x128xf32, #tpu.memory_space<vmem>>, vector<1x16xf32>,
      %mul3A_1886 = arith.constant 3.125000e-02 : f32
      %mul3A_1887 = vector.broadcast %mul3A_1886 : f32 to vector<16xf32>
      %mul3A_1888 = arith.mulf %scan3A_1830#6, %mul3A_1887 : vector<16xf32>
      %swap3A_1889 = arith.constant 2 : i32
      %swap3A_1890 = arith.index_cast %swap3A_1889 : i32 to index
      %swap3A_1891 = arith.constant 96 : index
      %swap3A_1892 = tpu.vector_load %arg8[%swap3A_1890, %swap3A_1891] {strides = array<i32>} : memref<4x128xf32, #tpu.memory_space<vmem>>, vector<1x16xf32>,
      %swap3A_1893 = vector.shape_cast %swap3A_1892 : vector<1x16xf32> to vector<16xf32>
      %swap3A_1894 = vector.shape_cast %mul3A_1888 : vector<16xf32> to vector<1x16xf32>
      tpu.vector_store %arg8[%swap3A_1890, %swap3A_1891], %swap3A_1894 {strides = array<i32>} : memref<4x128xf32, #tpu.memory_space<vmem>>, vector<1x16xf32>,
      %mul3A_1895 = arith.constant 3.125000e-02 : f32
      %mul3A_1896 = vector.broadcast %mul3A_1895 : f32 to vector<16xf32>
      %mul3A_1897 = arith.mulf %scan3A_1830#7, %mul3A_1896 : vector<16xf32>
      %swap3A_1898 = arith.constant 2 : i32
      %swap3A_1899 = arith.index_cast %swap3A_1898 : i32 to index
      %swap3A_1900 = arith.constant 112 : index
      %swap3A_1901 = tpu.vector_load %arg8[%swap3A_1899, %swap3A_1900] {strides = array<i32>} : memref<4x128xf32, #tpu.memory_space<vmem>>, vector<1x16xf32>,
      %swap3A_1902 = vector.shape_cast %swap3A_1901 : vector<1x16xf32> to vector<16xf32>
      %swap3A_1903 = vector.shape_cast %mul3A_1897 : vector<16xf32> to vector<1x16xf32>
      tpu.vector_store %arg8[%swap3A_1899, %swap3A_1900], %swap3A_1903 {strides = array<i32>} : memref<4x128xf32, #tpu.memory_space<vmem>>, vector<1x16xf32>,
      %broadcast_in_dim3A_1904 = arith.constant 0.000000e+00 : f32
      %broadcast_in_dim3A_1905 = vector.broadcast %broadcast_in_dim3A_1904 : f32 to vector<16xf32>
      %broadcast_in_dim3A_1906 = arith.constant 0.000000e+00 : f32
      %broadcast_in_dim3A_1907 = vector.broadcast %broadcast_in_dim3A_1906 : f32 to vector<16xf32>
      %broadcast_in_dim3A_1908 = arith.constant 0.000000e+00 : f32
      %broadcast_in_dim3A_1909 = vector.broadcast %broadcast_in_dim3A_1908 : f32 to vector<16xf32>
      %broadcast_in_dim3A_1910 = arith.constant 0.000000e+00 : f32
      %broadcast_in_dim3A_1911 = vector.broadcast %broadcast_in_dim3A_1910 : f32 to vector<16xf32>
      %broadcast_in_dim3A_1912 = arith.constant 0.000000e+00 : f32
      %broadcast_in_dim3A_1913 = vector.broadcast %broadcast_in_dim3A_1912 : f32 to vector<16xf32>
      %broadcast_in_dim3A_1914 = arith.constant 0.000000e+00 : f32
      %broadcast_in_dim3A_1915 = vector.broadcast %broadcast_in_dim3A_1914 : f32 to vector<16xf32>
      %broadcast_in_dim3A_1916 = arith.constant 0.000000e+00 : f32
      %broadcast_in_dim3A_1917 = vector.broadcast %broadcast_in_dim3A_1916 : f32 to vector<16xf32>
      %broadcast_in_dim3A_1918 = arith.constant 0.000000e+00 : f32
      %broadcast_in_dim3A_1919 = vector.broadcast %broadcast_in_dim3A_1918 : f32 to vector<16xf32>
      %scan3A_1920 = arith.constant 0 : i32
      %scan3A_1921 = arith.constant 32 : i32
      %scan3A_1922 = arith.addi %scan3A_1920, %scan3A_1921 : i32
      %scan3A_1923 = arith.constant 1 : i32
      %scan3A_1924:8 = scf.for %scan3A_2005 = %scan3A_1920 to %scan3A_1922 step %scan3A_1923 iter_args(%scan3A_2006 = %broadcast_in_dim3A_1905, %scan3A_2007 = %broadcast_in_dim3A_1907, %scan3A_2008 = %broadcast_in_dim3A_1909, %scan3A_2009 = %broadcast_in_dim3A_1911, %scan3A_2010 = %broadcast_in_dim3A_1913, %scan3A_2011 = %broadcast_in_dim3A_1915, %scan3A_2012 = %broadcast_in_dim3A_1917, %scan3A_2013 = %broadcast_in_dim3A_1919) -> (vector<16xf32>, vector<16xf32>, vector<16xf32>, vector<16xf32>, vector<16xf32>, vector<16xf32>, vector<16xf32>, vector<16xf32>)  : i32 {
        %add3A_2014 = arith.constant 96 : i32
        %add3A_2015 = arith.addi %add3A_2014, %scan3A_2005 : i32
        %get3A_2016 = arith.constant 3 : i32
        %get3A_2017 = arith.index_cast %get3A_2016 : i32 to index
        %get3A_2018 = arith.index_cast %add3A_2015 : i32 to index
        %get3A_2019 = arith.constant 0 : index
        %get3A_2020 = tpu.vector_load %arg7[%get3A_2017, %get3A_2018, %get3A_2019] {strides = array<i32>} : memref<4x128x128xf32, #tpu.memory_space<vmem>>, vector<1x1x16xf32>,
        %get3A_2021 = vector.shape_cast %get3A_2020 : vector<1x1x16xf32> to vector<16xf32>
        %add3A_2022 = arith.addf %scan3A_2006, %get3A_2021 : vector<16xf32>
        %add3A_2023 = arith.constant 96 : i32
        %add3A_2024 = arith.addi %add3A_2023, %scan3A_2005 : i32
        %get3A_2025 = arith.constant 3 : i32
        %get3A_2026 = arith.index_cast %get3A_2025 : i32 to index
        %get3A_2027 = arith.index_cast %add3A_2024 : i32 to index
        %get3A_2028 = arith.constant 16 : index
        %get3A_2029 = tpu.vector_load %arg7[%get3A_2026, %get3A_2027, %get3A_2028] {strides = array<i32>} : memref<4x128x128xf32, #tpu.memory_space<vmem>>, vector<1x1x16xf32>,
        %get3A_2030 = vector.shape_cast %get3A_2029 : vector<1x1x16xf32> to vector<16xf32>
        %add3A_2031 = arith.addf %scan3A_2007, %get3A_2030 : vector<16xf32>
        %add3A_2032 = arith.constant 96 : i32
        %add3A_2033 = arith.addi %add3A_2032, %scan3A_2005 : i32
        %get3A_2034 = arith.constant 3 : i32
        %get3A_2035 = arith.index_cast %get3A_2034 : i32 to index
        %get3A_2036 = arith.index_cast %add3A_2033 : i32 to index
        %get3A_2037 = arith.constant 32 : index
        %get3A_2038 = tpu.vector_load %arg7[%get3A_2035, %get3A_2036, %get3A_2037] {strides = array<i32>} : memref<4x128x128xf32, #tpu.memory_space<vmem>>, vector<1x1x16xf32>,
        %get3A_2039 = vector.shape_cast %get3A_2038 : vector<1x1x16xf32> to vector<16xf32>
        %add3A_2040 = arith.addf %scan3A_2008, %get3A_2039 : vector<16xf32>
        %add3A_2041 = arith.constant 96 : i32
        %add3A_2042 = arith.addi %add3A_2041, %scan3A_2005 : i32
        %get3A_2043 = arith.constant 3 : i32
        %get3A_2044 = arith.index_cast %get3A_2043 : i32 to index
        %get3A_2045 = arith.index_cast %add3A_2042 : i32 to index
        %get3A_2046 = arith.constant 48 : index
        %get3A_2047 = tpu.vector_load %arg7[%get3A_2044, %get3A_2045, %get3A_2046] {strides = array<i32>} : memref<4x128x128xf32, #tpu.memory_space<vmem>>, vector<1x1x16xf32>,
        %get3A_2048 = vector.shape_cast %get3A_2047 : vector<1x1x16xf32> to vector<16xf32>
        %add3A_2049 = arith.addf %scan3A_2009, %get3A_2048 : vector<16xf32>
        %add3A_2050 = arith.constant 96 : i32
        %add3A_2051 = arith.addi %add3A_2050, %scan3A_2005 : i32
        %get3A_2052 = arith.constant 3 : i32
        %get3A_2053 = arith.index_cast %get3A_2052 : i32 to index
        %get3A_2054 = arith.index_cast %add3A_2051 : i32 to index
        %get3A_2055 = arith.constant 64 : index
        %get3A_2056 = tpu.vector_load %arg7[%get3A_2053, %get3A_2054, %get3A_2055] {strides = array<i32>} : memref<4x128x128xf32, #tpu.memory_space<vmem>>, vector<1x1x16xf32>,
        %get3A_2057 = vector.shape_cast %get3A_2056 : vector<1x1x16xf32> to vector<16xf32>
        %add3A_2058 = arith.addf %scan3A_2010, %get3A_2057 : vector<16xf32>
        %add3A_2059 = arith.constant 96 : i32
        %add3A_2060 = arith.addi %add3A_2059, %scan3A_2005 : i32
        %get3A_2061 = arith.constant 3 : i32
        %get3A_2062 = arith.index_cast %get3A_2061 : i32 to index
        %get3A_2063 = arith.index_cast %add3A_2060 : i32 to index
        %get3A_2064 = arith.constant 80 : index
        %get3A_2065 = tpu.vector_load %arg7[%get3A_2062, %get3A_2063, %get3A_2064] {strides = array<i32>} : memref<4x128x128xf32, #tpu.memory_space<vmem>>, vector<1x1x16xf32>,
        %get3A_2066 = vector.shape_cast %get3A_2065 : vector<1x1x16xf32> to vector<16xf32>
        %add3A_2067 = arith.addf %scan3A_2011, %get3A_2066 : vector<16xf32>
        %add3A_2068 = arith.constant 96 : i32
        %add3A_2069 = arith.addi %add3A_2068, %scan3A_2005 : i32
        %get3A_2070 = arith.constant 3 : i32
        %get3A_2071 = arith.index_cast %get3A_2070 : i32 to index
        %get3A_2072 = arith.index_cast %add3A_2069 : i32 to index
        %get3A_2073 = arith.constant 96 : index
        %get3A_2074 = tpu.vector_load %arg7[%get3A_2071, %get3A_2072, %get3A_2073] {strides = array<i32>} : memref<4x128x128xf32, #tpu.memory_space<vmem>>, vector<1x1x16xf32>,
        %get3A_2075 = vector.shape_cast %get3A_2074 : vector<1x1x16xf32> to vector<16xf32>
        %add3A_2076 = arith.addf %scan3A_2012, %get3A_2075 : vector<16xf32>
        %add3A_2077 = arith.constant 96 : i32
        %add3A_2078 = arith.addi %add3A_2077, %scan3A_2005 : i32
        %get3A_2079 = arith.constant 3 : i32
        %get3A_2080 = arith.index_cast %get3A_2079 : i32 to index
        %get3A_2081 = arith.index_cast %add3A_2078 : i32 to index
        %get3A_2082 = arith.constant 112 : index
        %get3A_2083 = tpu.vector_load %arg7[%get3A_2080, %get3A_2081, %get3A_2082] {strides = array<i32>} : memref<4x128x128xf32, #tpu.memory_space<vmem>>, vector<1x1x16xf32>,
        %get3A_2084 = vector.shape_cast %get3A_2083 : vector<1x1x16xf32> to vector<16xf32>
        %add3A_2085 = arith.addf %scan3A_2013, %get3A_2084 : vector<16xf32>
        scf.yield %add3A_2022, %add3A_2031, %add3A_2040, %add3A_2049, %add3A_2058, %add3A_2067, %add3A_2076, %add3A_2085 : vector<16xf32>, vector<16xf32>, vector<16xf32>, vector<16xf32>, vector<16xf32>, vector<16xf32>, vector<16xf32>, vector<16xf32>
      }
      %scan3A_1925 = arith.constant 32 : i32
      %mul3A_1926 = arith.constant 3.125000e-02 : f32
      %mul3A_1927 = vector.broadcast %mul3A_1926 : f32 to vector<16xf32>
      %mul3A_1928 = arith.mulf %scan3A_1924#0, %mul3A_1927 : vector<16xf32>
      %swap3A_1929 = arith.constant 3 : i32
      %swap3A_1930 = arith.index_cast %swap3A_1929 : i32 to index
      %swap3A_1931 = arith.constant 0 : index
      %swap3A_1932 = tpu.vector_load %arg8[%swap3A_1930, %swap3A_1931] {strides = array<i32>} : memref<4x128xf32, #tpu.memory_space<vmem>>, vector<1x16xf32>,
      %swap3A_1933 = vector.shape_cast %swap3A_1932 : vector<1x16xf32> to vector<16xf32>
      %swap3A_1934 = vector.shape_cast %mul3A_1928 : vector<16xf32> to vector<1x16xf32>
      tpu.vector_store %arg8[%swap3A_1930, %swap3A_1931], %swap3A_1934 {strides = array<i32>} : memref<4x128xf32, #tpu.memory_space<vmem>>, vector<1x16xf32>,
      %mul3A_1935 = arith.constant 3.125000e-02 : f32
      %mul3A_1936 = vector.broadcast %mul3A_1935 : f32 to vector<16xf32>
      %mul3A_1937 = arith.mulf %scan3A_1924#1, %mul3A_1936 : vector<16xf32>
      %swap3A_1938 = arith.constant 3 : i32
      %swap3A_1939 = arith.index_cast %swap3A_1938 : i32 to index
      %swap3A_1940 = arith.constant 16 : index
      %swap3A_1941 = tpu.vector_load %arg8[%swap3A_1939, %swap3A_1940] {strides = array<i32>} : memref<4x128xf32, #tpu.memory_space<vmem>>, vector<1x16xf32>,
      %swap3A_1942 = vector.shape_cast %swap3A_1941 : vector<1x16xf32> to vector<16xf32>
      %swap3A_1943 = vector.shape_cast %mul3A_1937 : vector<16xf32> to vector<1x16xf32>
      tpu.vector_store %arg8[%swap3A_1939, %swap3A_1940], %swap3A_1943 {strides = array<i32>} : memref<4x128xf32, #tpu.memory_space<vmem>>, vector<1x16xf32>,
      %mul3A_1944 = arith.constant 3.125000e-02 : f32
      %mul3A_1945 = vector.broadcast %mul3A_1944 : f32 to vector<16xf32>
      %mul3A_1946 = arith.mulf %scan3A_1924#2, %mul3A_1945 : vector<16xf32>
      %swap3A_1947 = arith.constant 3 : i32
      %swap3A_1948 = arith.index_cast %swap3A_1947 : i32 to index
      %swap3A_1949 = arith.constant 32 : index
      %swap3A_1950 = tpu.vector_load %arg8[%swap3A_1948, %swap3A_1949] {strides = array<i32>} : memref<4x128xf32, #tpu.memory_space<vmem>>, vector<1x16xf32>,
      %swap3A_1951 = vector.shape_cast %swap3A_1950 : vector<1x16xf32> to vector<16xf32>
      %swap3A_1952 = vector.shape_cast %mul3A_1946 : vector<16xf32> to vector<1x16xf32>
      tpu.vector_store %arg8[%swap3A_1948, %swap3A_1949], %swap3A_1952 {strides = array<i32>} : memref<4x128xf32, #tpu.memory_space<vmem>>, vector<1x16xf32>,
      %mul3A_1953 = arith.constant 3.125000e-02 : f32
      %mul3A_1954 = vector.broadcast %mul3A_1953 : f32 to vector<16xf32>
      %mul3A_1955 = arith.mulf %scan3A_1924#3, %mul3A_1954 : vector<16xf32>
      %swap3A_1956 = arith.constant 3 : i32
      %swap3A_1957 = arith.index_cast %swap3A_1956 : i32 to index
      %swap3A_1958 = arith.constant 48 : index
      %swap3A_1959 = tpu.vector_load %arg8[%swap3A_1957, %swap3A_1958] {strides = array<i32>} : memref<4x128xf32, #tpu.memory_space<vmem>>, vector<1x16xf32>,
      %swap3A_1960 = vector.shape_cast %swap3A_1959 : vector<1x16xf32> to vector<16xf32>
      %swap3A_1961 = vector.shape_cast %mul3A_1955 : vector<16xf32> to vector<1x16xf32>
      tpu.vector_store %arg8[%swap3A_1957, %swap3A_1958], %swap3A_1961 {strides = array<i32>} : memref<4x128xf32, #tpu.memory_space<vmem>>, vector<1x16xf32>,
      %mul3A_1962 = arith.constant 3.125000e-02 : f32
      %mul3A_1963 = vector.broadcast %mul3A_1962 : f32 to vector<16xf32>
      %mul3A_1964 = arith.mulf %scan3A_1924#4, %mul3A_1963 : vector<16xf32>
      %swap3A_1965 = arith.constant 3 : i32
      %swap3A_1966 = arith.index_cast %swap3A_1965 : i32 to index
      %swap3A_1967 = arith.constant 64 : index
      %swap3A_1968 = tpu.vector_load %arg8[%swap3A_1966, %swap3A_1967] {strides = array<i32>} : memref<4x128xf32, #tpu.memory_space<vmem>>, vector<1x16xf32>,
      %swap3A_1969 = vector.shape_cast %swap3A_1968 : vector<1x16xf32> to vector<16xf32>
      %swap3A_1970 = vector.shape_cast %mul3A_1964 : vector<16xf32> to vector<1x16xf32>
      tpu.vector_store %arg8[%swap3A_1966, %swap3A_1967], %swap3A_1970 {strides = array<i32>} : memref<4x128xf32, #tpu.memory_space<vmem>>, vector<1x16xf32>,
      %mul3A_1971 = arith.constant 3.125000e-02 : f32
      %mul3A_1972 = vector.broadcast %mul3A_1971 : f32 to vector<16xf32>
      %mul3A_1973 = arith.mulf %scan3A_1924#5, %mul3A_1972 : vector<16xf32>
      %swap3A_1974 = arith.constant 3 : i32
      %swap3A_1975 = arith.index_cast %swap3A_1974 : i32 to index
      %swap3A_1976 = arith.constant 80 : index
      %swap3A_1977 = tpu.vector_load %arg8[%swap3A_1975, %swap3A_1976] {strides = array<i32>} : memref<4x128xf32, #tpu.memory_space<vmem>>, vector<1x16xf32>,
      %swap3A_1978 = vector.shape_cast %swap3A_1977 : vector<1x16xf32> to vector<16xf32>
      %swap3A_1979 = vector.shape_cast %mul3A_1973 : vector<16xf32> to vector<1x16xf32>
      tpu.vector_store %arg8[%swap3A_1975, %swap3A_1976], %swap3A_1979 {strides = array<i32>} : memref<4x128xf32, #tpu.memory_space<vmem>>, vector<1x16xf32>,
      %mul3A_1980 = arith.constant 3.125000e-02 : f32
      %mul3A_1981 = vector.broadcast %mul3A_1980 : f32 to vector<16xf32>
      %mul3A_1982 = arith.mulf %scan3A_1924#6, %mul3A_1981 : vector<16xf32>
      %swap3A_1983 = arith.constant 3 : i32
      %swap3A_1984 = arith.index_cast %swap3A_1983 : i32 to index
      %swap3A_1985 = arith.constant 96 : index
      %swap3A_1986 = tpu.vector_load %arg8[%swap3A_1984, %swap3A_1985] {strides = array<i32>} : memref<4x128xf32, #tpu.memory_space<vmem>>, vector<1x16xf32>,
      %swap3A_1987 = vector.shape_cast %swap3A_1986 : vector<1x16xf32> to vector<16xf32>
      %swap3A_1988 = vector.shape_cast %mul3A_1982 : vector<16xf32> to vector<1x16xf32>
      tpu.vector_store %arg8[%swap3A_1984, %swap3A_1985], %swap3A_1988 {strides = array<i32>} : memref<4x128xf32, #tpu.memory_space<vmem>>, vector<1x16xf32>,
      %mul3A_1989 = arith.constant 3.125000e-02 : f32
      %mul3A_1990 = vector.broadcast %mul3A_1989 : f32 to vector<16xf32>
      %mul3A_1991 = arith.mulf %scan3A_1924#7, %mul3A_1990 : vector<16xf32>
      %swap3A_1992 = arith.constant 3 : i32
      %swap3A_1993 = arith.index_cast %swap3A_1992 : i32 to index
      %swap3A_1994 = arith.constant 112 : index
      %swap3A_1995 = tpu.vector_load %arg8[%swap3A_1993, %swap3A_1994] {strides = array<i32>} : memref<4x128xf32, #tpu.memory_space<vmem>>, vector<1x16xf32>,
      %swap3A_1996 = vector.shape_cast %swap3A_1995 : vector<1x16xf32> to vector<16xf32>
      %swap3A_1997 = vector.shape_cast %mul3A_1991 : vector<16xf32> to vector<1x16xf32>
      tpu.vector_store %arg8[%swap3A_1993, %swap3A_1994], %swap3A_1997 {strides = array<i32>} : memref<4x128xf32, #tpu.memory_space<vmem>>, vector<1x16xf32>,
      %mul3A_1998 = arith.constant 4 : i32
      %mul3A_1999 = arith.muli %add3A_1590, %mul3A_1998 : i32
      %add3A_2000 = arith.addi %mul3A_2, %mul3A_1999 : i32
      %dma_start3A_2001 = arith.constant 0 : i32
      %dma_start3A_2002 = tpu.memref_slice %arg4[%add3A_2000, %dma_start3A_2001] : memref<16384x128xf32, #tpu.memory_space<hbm>> -> memref<4x128xf32, #tpu.memory_space<hbm>>
      %dma_start3A_2003 = arith.constant 0 : i32
      %dma_start3A_2004 = tpu.memref_slice %arg4[%add3A_2000, %dma_start3A_2003] : memref<16384x128xf32, #tpu.memory_space<hbm>> -> memref<4x128xf32, #tpu.memory_space<hbm>>
      tpu.enqueue_dma source(%arg8 : memref<4x128xf32, #tpu.memory_space<vmem>>) target(%dma_start3A_2004 : memref<4x128xf32, #tpu.memory_space<hbm>>) target_semaphore(%arg13 : memref<!tpu.dma_semaphore, #tpu.memory_space<semaphore_mem>>)
    }
    %scan3A_337 = arith.constant 32 : i32
    %add3A_338 = arith.constant 508 : i32
    %add3A_339 = arith.addi %mul3A_2, %add3A_338 : i32
    %dma_wait3A = arith.constant 0 : i32
    %dma_wait3A_340 = tpu.memref_slice %arg4[%add3A_339, %dma_wait3A] : memref<16384x128xf32, #tpu.memory_space<hbm>> -> memref<4x128xf32, #tpu.memory_space<hbm>>
    %dma_wait3A_341 = arith.constant 0 : i32
    %dma_wait3A_342 = tpu.memref_slice %arg4[%add3A_339, %dma_wait3A_341] : memref<16384x128xf32, #tpu.memory_space<hbm>> -> memref<4x128xf32, #tpu.memory_space<hbm>>
    tpu.wait_dma2 semaphore(%arg13 : memref<!tpu.dma_semaphore, #tpu.memory_space<semaphore_mem>>) src(%arg8 : memref<4x128xf32, #tpu.memory_space<vmem>>) dst(%dma_wait3A_342 : memref<4x128xf32, #tpu.memory_space<hbm>>)
    return
  }
}

module attributes {stable_mosaic.version = 14 : i64} {
  func.func @_gcn_body(%arg0: i32, %arg1: memref<1024x4x128xf32, #tpu.memory_space<vmem>>, %arg2: memref<4x128x128xf32, #tpu.memory_space<vmem>>, %arg3: memref<4x128xf32, #tpu.memory_space<vmem>>, %arg4: memref<1x1xf32, #tpu.memory_space<smem>>, %arg5: memref<1024x128xf32, #tpu.memory_space<vmem>>) attributes {dimension_semantics = [#tpu.dimension_semantics<arbitrary>], iteration_bounds = array<i64: 4>, scalar_prefetch = 0 : i64, scratch_operands = 0 : i64, tpu.core_type = #tpu.core_type<tc>, window_params = [{transform_indices = @transform_0, window_bounds = array<i64: 1024, 4, 128>}, {pipeline_mode = #tpu.pipeline_mode<synchronous>, transform_indices = @transform_1, window_bounds = array<i64: 4, 128, 128>}, {pipeline_mode = #tpu.pipeline_mode<synchronous>, transform_indices = @transform_2, window_bounds = array<i64: 4, 128>}, {transform_indices = @transform_3, window_bounds = array<i64: 1, 1>}, {transform_indices = @transform_4, window_bounds = array<i64: 1024, 128>}]} {
    %get3A = arith.constant 0 : index
    %get3A_0 = arith.constant 0 : index
    %get3A_1 = memref.load %arg4[%get3A, %get3A_0] : memref<1x1xf32, #tpu.memory_space<smem>>
    %get3A_2 = arith.constant 0 : index
    %get3A_3 = arith.constant 0 : index
    %get3A_4 = arith.constant 0 : index
    %get3A_5 = vector.load %arg1[%get3A_2, %get3A_3, %get3A_4] : memref<1024x4x128xf32, #tpu.memory_space<vmem>>, vector<1024x4x128xf32>
    %broadcast_in_dim3A = arith.constant 0.000000e+00 : f32
    %broadcast_in_dim3A_6 = vector.broadcast %broadcast_in_dim3A : f32 to vector<1024x128xf32>
    %slice3A = vector.extract_strided_slice %get3A_5 {offsets = [0, 0, 0], sizes = [1024, 1, 128], strides = [1, 1, 1]} : vector<1024x4x128xf32> to vector<1024x1x128xf32>
    %squeeze3A = vector.shape_cast %slice3A : vector<1024x1x128xf32> to vector<1024x128xf32>
    %get3A_7 = arith.constant 0 : index
    %get3A_8 = arith.constant 0 : index
    %get3A_9 = arith.constant 0 : index
    %get3A_10 = vector.load %arg2[%get3A_7, %get3A_8, %get3A_9] : memref<4x128x128xf32, #tpu.memory_space<vmem>>, vector<1x128x128xf32>
    %get3A_11 = vector.shape_cast %get3A_10 : vector<1x128x128xf32> to vector<128x128xf32>
    %dot_general3A = arith.constant dense<0.000000e+00> : vector<1024x128xf32>
    %dot_general3A_12 = tpu.matmul %squeeze3A, %get3A_11, %dot_general3A {dimension_numbers = #tpu.dot_dimension_numbers<[1], [0], [0], [1], [0, 0, 1, 1], [], []>, transpose_lhs_hint = false} : vector<1024x128xf32>, vector<128x128xf32>, vector<1024x128xf32> -> vector<1024x128xf32>
    %get3A_13 = arith.constant 0 : index
    %get3A_14 = arith.constant 0 : index
    %get3A_15 = vector.load %arg3[%get3A_13, %get3A_14] : memref<4x128xf32, #tpu.memory_space<vmem>>, vector<1x128xf32>
    %get3A_16 = vector.shape_cast %get3A_15 : vector<1x128xf32> to vector<128xf32>
    %broadcast_in_dim3A_17 = vector.shape_cast %get3A_16 : vector<128xf32> to vector<1x128xf32>
    %add3A = vector.broadcast %broadcast_in_dim3A_17 : vector<1x128xf32> to vector<1024x128xf32>
    %add3A_18 = arith.addf %dot_general3A_12, %add3A : vector<1024x128xf32>
    %gt3A = arith.constant 0.000000e+00 : f32
    %gt3A_19 = vector.broadcast %gt3A : f32 to vector<1024x128xf32>
    %gt3A_20 = arith.cmpf ogt, %add3A_18, %gt3A_19 : vector<1024x128xf32>
    %mul3A = vector.broadcast %get3A_1 : f32 to vector<1024x128xf32>
    %mul3A_21 = arith.mulf %mul3A, %add3A_18 : vector<1024x128xf32>
    %select_n3A = arith.select %gt3A_20, %add3A_18, %mul3A_21 : vector<1024x128xi1>, vector<1024x128xf32>
    %add3A_22 = arith.addf %broadcast_in_dim3A_6, %select_n3A : vector<1024x128xf32>
    %slice3A_23 = vector.extract_strided_slice %get3A_5 {offsets = [0, 1, 0], sizes = [1024, 1, 128], strides = [1, 1, 1]} : vector<1024x4x128xf32> to vector<1024x1x128xf32>
    %squeeze3A_24 = vector.shape_cast %slice3A_23 : vector<1024x1x128xf32> to vector<1024x128xf32>
    %get3A_25 = arith.constant 1 : index
    %get3A_26 = arith.constant 0 : index
    %get3A_27 = arith.constant 0 : index
    %get3A_28 = vector.load %arg2[%get3A_25, %get3A_26, %get3A_27] : memref<4x128x128xf32, #tpu.memory_space<vmem>>, vector<1x128x128xf32>
    %get3A_29 = vector.shape_cast %get3A_28 : vector<1x128x128xf32> to vector<128x128xf32>
    %dot_general3A_30 = arith.constant dense<0.000000e+00> : vector<1024x128xf32>
    %dot_general3A_31 = tpu.matmul %squeeze3A_24, %get3A_29, %dot_general3A_30 {dimension_numbers = #tpu.dot_dimension_numbers<[1], [0], [0], [1], [0, 0, 1, 1], [], []>, transpose_lhs_hint = false} : vector<1024x128xf32>, vector<128x128xf32>, vector<1024x128xf32> -> vector<1024x128xf32>
    %get3A_32 = arith.constant 1 : index
    %get3A_33 = arith.constant 0 : index
    %get3A_34 = vector.load %arg3[%get3A_32, %get3A_33] : memref<4x128xf32, #tpu.memory_space<vmem>>, vector<1x128xf32>
    %get3A_35 = vector.shape_cast %get3A_34 : vector<1x128xf32> to vector<128xf32>
    %broadcast_in_dim3A_36 = vector.shape_cast %get3A_35 : vector<128xf32> to vector<1x128xf32>
    %add3A_37 = vector.broadcast %broadcast_in_dim3A_36 : vector<1x128xf32> to vector<1024x128xf32>
    %add3A_38 = arith.addf %dot_general3A_31, %add3A_37 : vector<1024x128xf32>
    %gt3A_39 = arith.constant 0.000000e+00 : f32
    %gt3A_40 = vector.broadcast %gt3A_39 : f32 to vector<1024x128xf32>
    %gt3A_41 = arith.cmpf ogt, %add3A_38, %gt3A_40 : vector<1024x128xf32>
    %mul3A_42 = vector.broadcast %get3A_1 : f32 to vector<1024x128xf32>
    %mul3A_43 = arith.mulf %mul3A_42, %add3A_38 : vector<1024x128xf32>
    %select_n3A_44 = arith.select %gt3A_41, %add3A_38, %mul3A_43 : vector<1024x128xi1>, vector<1024x128xf32>
    %add3A_45 = arith.addf %add3A_22, %select_n3A_44 : vector<1024x128xf32>
    %slice3A_46 = vector.extract_strided_slice %get3A_5 {offsets = [0, 2, 0], sizes = [1024, 1, 128], strides = [1, 1, 1]} : vector<1024x4x128xf32> to vector<1024x1x128xf32>
    %squeeze3A_47 = vector.shape_cast %slice3A_46 : vector<1024x1x128xf32> to vector<1024x128xf32>
    %get3A_48 = arith.constant 2 : index
    %get3A_49 = arith.constant 0 : index
    %get3A_50 = arith.constant 0 : index
    %get3A_51 = vector.load %arg2[%get3A_48, %get3A_49, %get3A_50] : memref<4x128x128xf32, #tpu.memory_space<vmem>>, vector<1x128x128xf32>
    %get3A_52 = vector.shape_cast %get3A_51 : vector<1x128x128xf32> to vector<128x128xf32>
    %dot_general3A_53 = arith.constant dense<0.000000e+00> : vector<1024x128xf32>
    %dot_general3A_54 = tpu.matmul %squeeze3A_47, %get3A_52, %dot_general3A_53 {dimension_numbers = #tpu.dot_dimension_numbers<[1], [0], [0], [1], [0, 0, 1, 1], [], []>, transpose_lhs_hint = false} : vector<1024x128xf32>, vector<128x128xf32>, vector<1024x128xf32> -> vector<1024x128xf32>
    %get3A_55 = arith.constant 2 : index
    %get3A_56 = arith.constant 0 : index
    %get3A_57 = vector.load %arg3[%get3A_55, %get3A_56] : memref<4x128xf32, #tpu.memory_space<vmem>>, vector<1x128xf32>
    %get3A_58 = vector.shape_cast %get3A_57 : vector<1x128xf32> to vector<128xf32>
    %broadcast_in_dim3A_59 = vector.shape_cast %get3A_58 : vector<128xf32> to vector<1x128xf32>
    %add3A_60 = vector.broadcast %broadcast_in_dim3A_59 : vector<1x128xf32> to vector<1024x128xf32>
    %add3A_61 = arith.addf %dot_general3A_54, %add3A_60 : vector<1024x128xf32>
    %gt3A_62 = arith.constant 0.000000e+00 : f32
    %gt3A_63 = vector.broadcast %gt3A_62 : f32 to vector<1024x128xf32>
    %gt3A_64 = arith.cmpf ogt, %add3A_61, %gt3A_63 : vector<1024x128xf32>
    %mul3A_65 = vector.broadcast %get3A_1 : f32 to vector<1024x128xf32>
    %mul3A_66 = arith.mulf %mul3A_65, %add3A_61 : vector<1024x128xf32>
    %select_n3A_67 = arith.select %gt3A_64, %add3A_61, %mul3A_66 : vector<1024x128xi1>, vector<1024x128xf32>
    %add3A_68 = arith.addf %add3A_45, %select_n3A_67 : vector<1024x128xf32>
    %slice3A_69 = vector.extract_strided_slice %get3A_5 {offsets = [0, 3, 0], sizes = [1024, 1, 128], strides = [1, 1, 1]} : vector<1024x4x128xf32> to vector<1024x1x128xf32>
    %squeeze3A_70 = vector.shape_cast %slice3A_69 : vector<1024x1x128xf32> to vector<1024x128xf32>
    %get3A_71 = arith.constant 3 : index
    %get3A_72 = arith.constant 0 : index
    %get3A_73 = arith.constant 0 : index
    %get3A_74 = vector.load %arg2[%get3A_71, %get3A_72, %get3A_73] : memref<4x128x128xf32, #tpu.memory_space<vmem>>, vector<1x128x128xf32>
    %get3A_75 = vector.shape_cast %get3A_74 : vector<1x128x128xf32> to vector<128x128xf32>
    %dot_general3A_76 = arith.constant dense<0.000000e+00> : vector<1024x128xf32>
    %dot_general3A_77 = tpu.matmul %squeeze3A_70, %get3A_75, %dot_general3A_76 {dimension_numbers = #tpu.dot_dimension_numbers<[1], [0], [0], [1], [0, 0, 1, 1], [], []>, transpose_lhs_hint = false} : vector<1024x128xf32>, vector<128x128xf32>, vector<1024x128xf32> -> vector<1024x128xf32>
    %get3A_78 = arith.constant 3 : index
    %get3A_79 = arith.constant 0 : index
    %get3A_80 = vector.load %arg3[%get3A_78, %get3A_79] : memref<4x128xf32, #tpu.memory_space<vmem>>, vector<1x128xf32>
    %get3A_81 = vector.shape_cast %get3A_80 : vector<1x128xf32> to vector<128xf32>
    %broadcast_in_dim3A_82 = vector.shape_cast %get3A_81 : vector<128xf32> to vector<1x128xf32>
    %add3A_83 = vector.broadcast %broadcast_in_dim3A_82 : vector<1x128xf32> to vector<1024x128xf32>
    %add3A_84 = arith.addf %dot_general3A_77, %add3A_83 : vector<1024x128xf32>
    %gt3A_85 = arith.constant 0.000000e+00 : f32
    %gt3A_86 = vector.broadcast %gt3A_85 : f32 to vector<1024x128xf32>
    %gt3A_87 = arith.cmpf ogt, %add3A_84, %gt3A_86 : vector<1024x128xf32>
    %mul3A_88 = vector.broadcast %get3A_1 : f32 to vector<1024x128xf32>
    %mul3A_89 = arith.mulf %mul3A_88, %add3A_84 : vector<1024x128xf32>
    %select_n3A_90 = arith.select %gt3A_87, %add3A_84, %mul3A_89 : vector<1024x128xi1>, vector<1024x128xf32>
    %add3A_91 = arith.addf %add3A_68, %select_n3A_90 : vector<1024x128xf32>
    %mul3A_92 = arith.constant 2.500000e-01 : f32
    %mul3A_93 = vector.broadcast %mul3A_92 : f32 to vector<1024x128xf32>
    %mul3A_94 = arith.mulf %add3A_91, %mul3A_93 : vector<1024x128xf32>
    %swap3A = arith.constant 0 : index
    %swap3A_95 = arith.constant 0 : index
    %swap3A_96 = vector.load %arg5[%swap3A, %swap3A_95] : memref<1024x128xf32, #tpu.memory_space<vmem>>, vector<1024x128xf32>
    tpu.vector_store %arg5[%swap3A, %swap3A_95], %mul3A_94 {strides = array<i32>} : memref<1024x128xf32, #tpu.memory_space<vmem>>, vector<1024x128xf32>,
    return
  }
  func.func @transform_0(%arg0: i32) -> (i32, i32, i32) {
    %c0_i32 = arith.constant 0 : i32
    %c0_i32_0 = arith.constant 0 : i32
    %c0_i32_1 = arith.constant 0 : i32
    return %arg0, %c0_i32, %c0_i32_0 : i32, i32, i32
  }
  func.func @transform_1(%arg0: i32) -> (i32, i32, i32) {
    %c0_i32 = arith.constant 0 : i32
    %c0_i32_0 = arith.constant 0 : i32
    %c0_i32_1 = arith.constant 0 : i32
    %c0_i32_2 = arith.constant 0 : i32
    return %c0_i32, %c0_i32_0, %c0_i32_1 : i32, i32, i32
  }
  func.func @transform_2(%arg0: i32) -> (i32, i32) {
    %c0_i32 = arith.constant 0 : i32
    %c0_i32_0 = arith.constant 0 : i32
    %c0_i32_1 = arith.constant 0 : i32
    return %c0_i32, %c0_i32_0 : i32, i32
  }
  func.func @transform_3(%arg0: i32) -> (i32, i32) {
    %c0_i32 = arith.constant 0 : i32
    %c0_i32_0 = arith.constant 0 : i32
    %c0_i32_1 = arith.constant 0 : i32
    return %c0_i32, %c0_i32_0 : i32, i32
  }
  func.func @transform_4(%arg0: i32) -> (i32, i32) {
    %c0_i32 = arith.constant 0 : i32
    %c0_i32_0 = arith.constant 0 : i32
    return %arg0, %c0_i32 : i32, i32
  }
}

</mosaic_0001>

<sc_bundles>
// kernel: kernel.4.cloned.1.call-start
scs
__scs_entry_jumppad:
0x0: {  	(pc) =	sbr.rel $0x88, $3  }
0x1: {  	(tag) =	ssettag $0x0;
	lr =	simm.s32 $0x1  }
0x2: {  	[smem:$0x3F9C] =	sst lr;
	_ =	strace $0xD0000000  }
0x3: {  	_ = 	snop  }
0x4: {  	_ = 	snop  }
0x5: {  	_ = 	snop  }
0x6: {  	_ = 	snop  }
0x7: {  	_ = 	snop  }
__scs_overlays_trampoline_lowered:
0x8: {  	[smem:$0x3FAB] =	sst s0  }
0x9: {  	[smem:$0x3FAC] =	sst s1  }
0xa: {  	[smem:$0x3FAD] =	sst s2  }
0xb: {  	[smem:$0x3FAE] =	sst s3  }
0xc: {  	[smem:$0x3FAF] =	sst s4  }
0xd: {  	[smem:$0x3FB0] =	sst s5  }
0xe: {  	[smem:$0x3FB1] =	sst s6  }
0xf: {  	[smem:$0x3FB2] =	sst s7  }
0x10: {  	[smem:$0x3FB3] =	sst s8  }
0x11: {  	[smem:$0x3FB4] =	sst s9;
	s0 =	simm.s32 @!p0 $0x0  }
0x12: {  	s1 =	sld [smem:$0x3F9A];
	s0 =	simm.s32 @p0 $0x1  }
0x13: {  	[smem:$0x3FB5] =	sst s0;
	s0 =	simm.s32 @!p1 $0x0  }
0x14: {  	s2 =	sld [smem:$0x3F99];
	s0 =	simm.s32 @p1 $0x1  }
0x15: {  	[smem:$0x3FB6] =	sst s0;
	s0 =	simm.s32 @!p2 $0x0  }
0x16: {  	s3 =	sld [smem:$0x3FDB];
	s0 =	simm.s32 @p2 $0x1  }
0x17: {  	s4 =	simm.s32 $0x1BF5;
	[smem:$0x3FB8] =	sst s0  }
0x18: {  	s0 =	sld [smem:$0x3F9B];
	_ =	swait.ge [sflag:s4], $0x0  }
0x19: {  	s7 =	sld [smem:$0x3F9C]  }
0x1a: {  	s8 =	sadd.s32 $0xFFFFE003, lr  }
0x1b: {  	s9 =	sadd.s32 $0xFFFFFEF7, lr;
	s5 =	simm.s32 $0xFFFFFFFF;
	p2 =	slt.u32 s8, $0xFFFFF086  }
0x1c: {  	p1 =	slt.u32 s9, $0xF7A;
	s5 =	simm.s32 @!p2 $0x0  }
0x1d: {  	s5 =	simm.s32 @p1 $0x1;
	p0 =	seq.s32 s7, s2  }
0x1e: {  	s7 =	smul.u32 @!p0 $0xF7A, s2;
	p2 =	seq.s32 @!p0 s5, $0x0  }
0x1f: {  	s9 =	smul.u32 $0xF7A, s1;
	s8 =	simm.s32 @!p0 $0x1BF5;
	p2 =	por !p2, p0  }
0x20: {  	[sflag:s8] =	ssyncset.s32 @!p0 $0xFFFFF086;
	s6 =	sadd.s32 @!p0 s3, s7;
	s7 =	simm.s32 @!p0 $0x108  }
0x21: {  	s3 =	sadd.s32 s3, s9;
	s6 =	sadd.s32 @!p0 $0x88, s6;
	s7 =	simm.s32 @p2 $0x1082  }
0x22: {  	[simem:s7], [sflag:s8] =	dma.local @!p0 [hbm:s6], $0xF7A  }
0x23: {  	s9 =	sor.u32 $0xD0000000, s2;
	s6 =	simm.s32 $0x108;
	_ =	swait.ge @!p0 [sflag:s8], $0x0  }
0x24: {  	s3 =	sadd.s32 $0x88, s3;
	s6 =	simm.s32 @!p1 $0x1082;
	[sflag:s4] =	ssyncset.s32 $0xFFFFF086  }
0x25: {  	[simem:s6], [sflag:s4] =	dma.local [hbm:s3], $0xF7A  }
0x26: {  	[smem:$0x3F9C] =	sst s1;
	(tag) =	ssettag s2;
	_ =	strace s9  }
0x27: {  	s1 =	sld [smem:$0x3FAC]  }
0x28: {  	s2 =	sld [smem:$0x3FAD]  }
0x29: {  	s4 =	sld [smem:$0x3FAF]  }
0x2a: {  	p0 =	seq.s32 s5, $0x0;
	s5 =	sld [smem:$0x3FB0]  }
0x2b: {  	s6 =	sld [smem:$0x3FB1]  }
0x2c: {  	s7 =	sld [smem:$0x3FB2]  }
0x2d: {  	s3 =	simm.s32 $0x108;
	s8 =	sld [smem:$0x3FB3]  }
0x2e: {  	s3 =	simm.s32 @!p0 $0x1082;
	s9 =	sld [smem:$0x3FB4]  }
0x2f: {  	lr =	sadd.s32 s0, s3;
	s0 =	sld [smem:$0x3FAB]  }
0x30: {  	s3 =	sld [smem:$0x3FAE]  }
0x31: {  	[smem:$0x3FB7] =	sst s10  }
0x32: {  	s10 =	sld [smem:$0x3FB5];
	_ =	sdelay $0x3  }
0x33: {  	p0 =	seq.s32 s10, $0x1;
	s10 =	sld [smem:$0x3FB7];
	_ =	sdelay $0x3  }
0x34: {  	[smem:$0x3FB7] =	sst s10  }
0x35: {  	s10 =	sld [smem:$0x3FB6];
	_ =	sdelay $0x3  }
0x36: {  	p1 =	seq.s32 s10, $0x1;
	s10 =	sld [smem:$0x3FB7];
	_ =	sdelay $0x3  }
0x37: {  	[smem:$0x3FB7] =	sst s10  }
0x38: {  	s10 =	sld [smem:$0x3FB8]  }
0x39: {  	_ = 	snop;
	(pc) =	sbr.ind lr, $3  }
0x3a: {  	_ = 	snop  }
0x3b: {  	_ = 	snop  }
0x3c: {  	p2 =	seq.s32 s10, $0x1;
	s10 =	sld [smem:$0x3FB7]  }
0x3d: {  	_ =	shalt  }
0x3e: {  	_ =	shalt  }
0x3f: {  	_ =	shalt  }
0x40: {  	_ =	shalt  }
0x41: {  	_ =	shalt  }
0x42: {  	_ =	shalt  }
0x43: {  	_ =	shalt  }
0x44: {  	_ =	shalt  }
0x45: {  	_ =	shalt  }
0x46: {  	_ =	shalt  }
0x47: {  	_ =	shalt  }
0x48: {  	_ =	shalt  }
0x49: {  	_ =	shalt  }
0x4a: {  	_ =	shalt  }
0x4b: {  	_ =	shalt  }
0x4c: {  	_ =	shalt  }
0x4d: {  	_ =	shalt  }
0x4e: {  	_ =	shalt  }
0x4f: {  	_ =	shalt  }
0x50: {  	_ =	shalt  }
0x51: {  	_ =	shalt  }
0x52: {  	_ =	shalt  }
0x53: {  	_ =	shalt  }
0x54: {  	_ =	shalt  }
0x55: {  	_ =	shalt  }
0x56: {  	_ =	shalt  }
0x57: {  	_ =	shalt  }
0x58: {  	_ =	shalt  }
0x59: {  	_ =	shalt  }
0x5a: {  	_ =	shalt  }
0x5b: {  	_ =	shalt  }
0x5c: {  	_ =	shalt  }
0x5d: {  	_ =	shalt  }
0x5e: {  	_ =	shalt  }
0x5f: {  	_ =	shalt  }
0x60: {  	_ =	shalt  }
0x61: {  	_ =	shalt  }
0x62: {  	_ =	shalt  }
0x63: {  	_ =	shalt  }
0x64: {  	_ =	shalt  }
0x65: {  	_ =	shalt  }
0x66: {  	_ =	shalt  }
0x67: {  	_ =	shalt  }
0x68: {  	_ =	shalt  }
0x69: {  	_ =	shalt  }
0x6a: {  	_ =	shalt  }
0x6b: {  	_ =	shalt  }
0x6c: {  	_ =	shalt  }
0x6d: {  	_ =	shalt  }
0x6e: {  	_ =	shalt  }
0x6f: {  	_ =	shalt  }
0x70: {  	_ =	shalt  }
0x71: {  	_ =	shalt  }
0x72: {  	_ =	shalt  }
0x73: {  	_ =	shalt  }
0x74: {  	_ =	shalt  }
0x75: {  	_ =	shalt  }
0x76: {  	_ =	shalt  }
0x77: {  	_ =	shalt  }
0x78: {  	_ =	shalt  }
0x79: {  	_ =	shalt  }
0x7a: {  	_ =	shalt  }
0x7b: {  	_ =	shalt  }
0x7c: {  	_ =	shalt  }
0x7d: {  	_ =	shalt  }
0x7e: {  	_ =	shalt  }
0x7f: {  	_ =	shalt  }
0x80: {  	_ =	shalt  }
0x81: {  	_ =	shalt  }
0x82: {  	_ =	shalt  }
0x83: {  	_ =	shalt  }
0x84: {  	_ =	shalt  }
0x85: {  	_ =	shalt  }
0x86: {  	_ =	shalt  }
0x87: {  	_ =	shalt  }
.Lfunc_end0:
.L_simem_size_0:
called_computation_lowered:
.L_overlay_start_0:
0x88: {  	s2 =	sld [smem:$0x3FD9]  }
0x89: {  	s3 =	sld [smem:$0x3FFE];
	_ =	sdelay $0x1  }
0x8a: {  	s1 =	srdreg.scid  }
0x8b: {  	s0 =	sand.u32 $0x1, s1  }
0x8c: {  	s17 =	sshll.u32 s0, $0xA;
	s2 =	sadd.s32 s3, s2  }
0x8d: {  	s2 =	sadd.s32 s2, s17  }
0x8e: {  	[smem:$0x3FC3] =	sst s2  }
0x8f: {  	_ = 	snop  }
0x90: {  	s2 =	sld [smem:$0x3FC8];
	(tm) =	ssettm $0x1  }
0x91: {  	s18 =	sld [smem:$0x3FFB];
	_ =	sdelay $0x3  }
0x92: {  	_ =	strace s18  }
0x93: {  	s3 =	sld [smem:$0x3FFC];
	_ =	sdelay $0x3  }
0x94: {  	_ =	strace s3  }
0x95: {  	s3 =	sld [smem:$0x3FFD];
	_ =	sdelay $0x3  }
0x96: {  	_ =	strace s3  }
0x97: {  	_ =	strace $0x8FFFFFFF  }
0x98: {  	s19 =	sld [smem:$0x3FDB];
	_ =	sdelay $0x1  }
0x99: {  	s4 =	simm.s32 $_scs_section_size  }
0x9a: {  	s5 =	simm.s32 $_size__tile_overlayer_lowered;
	s6 =	simm.s32 $_tile_overlayer_lowered  }
0x9b: {  	s22 =	simm.s32 $0x1BFF;
	s21 =	sshll.u32 s6, $0x1;
	s3 =	sadd.s32 s4, s19  }
0x9c: {  	s7 =	simm.s32 $0x0;
	s20 =	sshll.u32 s5, $0x1;
	s5 =	sadd.s32 s21, s3  }
0x9d: {  	[timem:s7], [sflag:s22] =	dma.local [hbm:s5], s20  }
0x9e: {  	_ =	swait.ge [sflag:s22], s20  }
0x9f: {  	s4 =	ssub.s32 $0x0, s20;
	[sflag:s22] =	ssyncset.done $0x0  }
0xa0: {  	[sflag:s22] =	ssyncadd.s32 s4;
	_ =	sdelay $0x1  }
0xa1: {  	s23 =	simm.s32 $0x1B8B  }
0xa2: {  	_ =	swait.ge [sflag:s23], $0x1  }
0xa3: {  	[sflag:s23] =	ssyncset.done $0x0  }
0xa4: {  	s25 =	simm.s32 $0x1B8E;
	s24 =	sld [smem:$0x3FFE];
	[sflag:s23] =	ssyncadd.s32 $0xFFFFFFFF  }
0xa5: {  	s26 =	simm.s32 $execute0_lowered;
	[smem:$0x3FD2] =	sst s25  }
0xa6: {  	s5 =	sshll.u32 s26, $0x1;
	_ =	strace $0x80000046;
	[dreg:$0x1] =	wrdreg $0xFFFFFFFF  }
0xa7: {  	s28 =	simm.s32 $_size_execute0_lowered;
	s3 =	sadd.s32 s3, s5;
	[dreg:$0x0] =	wrdreg $0x0  }
0xa8: {  	s5 =	sshll.u32 s28, $0x1;
	[dreg:$0x2] =	wrdreg s3  }
0xa9: {  	[dreg:$0x3] =	wrdreg s5  }
0xaa: {  	[dreg:$0x4] =	wrdreg $0xC0  }
0xab: {  	_ =	task [dreg:s7], $0x5FFFF  }
0xac: {  	[dreg:$0x1] =	wrdreg $0xFFFFFFFF  }
0xad: {  	[dreg:$0x0] =	wrdreg $0x60  }
0xae: {  	[dreg:$0x2] =	wrdreg s24  }
0xaf: {  	[dreg:$0x3] =	wrdreg s2  }
0xb0: {  	[dreg:$0x4] =	wrdreg $0x9  }
0xb1: {  	_ =	task.clear_ibuf [dreg:s7], $0x5FFFF;
	_ =	strace $0x90000046  }
0xb2: {  	s29 =	simm.s32 $0x9;
	_ =	strace $0x80000048  }
0xb3: {  	_ =	swait.ge [sflag:s29], $0x1  }
0xb4: {  	[sflag:s29] =	ssyncadd.s32 $0xFFFFFFFF  }
0xb5: {  	_ =	strace $0x90000048  }
0xb6: {  	_ =	sfence  }
0xb7: {  	s30 =	sld [smem:$0x0];
	_ =	sdelay $0x2  }
0xb8: {  	s31 =	sshll.u32 s1, $0xD;
	s1 =	sshrl.u32 s1, $0x2  }
0xb9: {  	s3 =	sand.u32 $0x4000, s31;
	s1 =	sadd.s32 s1, s30  }
0xba: {  	s0 =	sor.u32 s3, s0;
	s1 =	sshll.u32 s1, $0x11  }
0xbb: {  	s0 =	sor.u32 s1, s0  }
0xbc: {  	s0 =	sadd.s32 $0x8F2B, s0  }
0xbd: {  	[sflag:s0] =	ssyncadd.remote.s32 $0x1  }
0xbe: {  	_ =	sfence.sel $0xFFFF  }
0xbf: {  	[dreg:$0x0] =	wrdreg $0xFFFFFFFF;
	(pc) =	sbr.abs _section_cstart, $3  }
0xc0: {  	[dreg:$0x1] =	wrdreg $0xFFFFFFFF  }
0xc1: {  	_ =	task.clear_ibuf [dreg:s7], $0x2FFFF;
	_ =	strace $0x9FFFFFFF  }
0xc2: {  	(tm) =	ssettm $0x7FFFFFFF  }
0xc3: {  	_ =	shalt  }
tec
execute0_lowered:
.L_overlay_start_1:
0x0: {  	(tag) =	ssettag $0x1  }
0x1: {  	s0 =	rddreg [dreg:$0x0];
	s1 =	srdreg.scid  }
0x2: {  	s3 =	stileid.u32;
	s2 =	rddreg [dreg:$0x1]  }
0x3: {  	s10 =	simm.s32 $0x6;
	s11 =	simm.s32 $0x80;
	s13 =	simm.s32 $0x8200  }
0x4: {  	s14 =	simm.s32 $0x8080;
	s15 =	simm.s32 $0xC200;
	s16 =	simm.s32 $0x8100  }
0x5: {  	s17 =	simm.s32 $0x10200;
	s18 =	simm.s32 $0x1;
	s19 =	simm.s32 $0x8180  }
0x6: {  	s20 =	simm.s32 $0x14200;
	s21 =	simm.s32 $0x18200;
	s22 =	simm.s32 $0x2  }
0x7: {  	s23 =	simm.s32 $0x5;
	s24 =	simm.s32 $0x3;
	s25 =	simm.s32 $0x4  }
0x8: {  	s1 =	sand.u32 $0x1, s1;
	s4 =	sshll.u32 s3, $0x1;
	s3 =	simm.s32 $0x0  }
0x9: {  	s26 =	simm.s32 $0x0;
	s5 =	sor.u32 s1, s4;
	[smem:$0x7FF] =	sst s3  }
0xa: {  	s1 =	ssub.s32 $0x2, s1;
	s4 =	sadd.s32 $0x40A00, s0;
	s7 =	sshll.u32 s5, $0xD  }
0xb: {  	_ =	strace $0x80000047;
	s6 =	sshrl.u32 s1, $0x1;
	s5 =	sshll.u32 s5, $0x9  }
0xc: {  	s8 =	sadd.s32 s7, s0;
	s31 =	ssub.s32 s1, s6;
	s7 =	sadd.s32 s4, s7  }
0xd: {  	s6 =	sadd.s32 $0xA00, s8;
	s8 =	sadd.s32 $0x1A00, s8;
	s9 =	smax.u32 s31, $0x1  }
.LBB2_1:
0xe: {  	[tilespmem:s3], [sflag:$0x6] =	stream.linear.gather [hbm4b:s6+s3], $0x8000, $0x38;
	[tilespmem:$0x18400] =	vst v63  }
0xf: {  	_ =	swait.ge [sflag:s10], $0x8000  }
0x10: {  	[sflag:s10] =	ssyncset.done $0x0  }
0x11: {  	[sflag:s10] =	ssyncadd.s32 $0xFFFF8000  }
0x12: {  	v0 =	vld [tilespmem:$0x0]  }
0x13: {  	v1 =	vld [tilespmem:$0x10]  }
0x14: {  	v2 =	vld [tilespmem:$0x80]  }
0x15: {  	v3 =	vld [tilespmem:$0x90]  }
0x16: {  	v4 =	vld [tilespmem:$0x100]  }
0x17: {  	v45 =	vld [tilespmem:$0x110];
	[tilespmem:$0x8000] =	vst v0  }
0x18: {  	v46 =	vld [tilespmem:$0x180];
	[tilespmem:$0x8010] =	vst v1  }
0x19: {  	v47 =	vld [tilespmem:$0x190];
	[tilespmem:$0x8020] =	vst v2  }
0x1a: {  	[tilespmem:$0x8030] =	vst v3  }
0x1b: {  	[tilespmem:$0x8040] =	vst v4  }
0x1c: {  	[tilespmem:$0x8050] =	vst v45  }
0x1d: {  	[tilespmem:$0x8060] =	vst v46  }
0x1e: {  	s0 =	simm.s32 $0x8000;
	[tilespmem:$0x8070] =	vst v47  }
0x1f: {  	[tilespmem:s13], [sflag:$0x1] =	stream.indirect.gather [hbm4b:s2+s11], $0x80, s0, s11, $0xb8;
	[tilespmem:$0x18400] =	vst v63  }
0x20: {  	v48 =	vld [tilespmem:$0x200]  }
0x21: {  	v49 =	vld [tilespmem:$0x210]  }
0x22: {  	v50 =	vld [tilespmem:$0x280]  }
0x23: {  	v51 =	vld [tilespmem:$0x290]  }
0x24: {  	v52 =	vld [tilespmem:$0x300]  }
0x25: {  	v53 =	vld [tilespmem:$0x310];
	[tilespmem:$0x8080] =	vst v48  }
0x26: {  	v54 =	vld [tilespmem:$0x380];
	[tilespmem:$0x8090] =	vst v49  }
0x27: {  	v55 =	vld [tilespmem:$0x390];
	[tilespmem:$0x80A0] =	vst v50  }
0x28: {  	[tilespmem:$0x80B0] =	vst v51  }
0x29: {  	[tilespmem:$0x80C0] =	vst v52  }
0x2a: {  	[tilespmem:$0x80D0] =	vst v53  }
0x2b: {  	[tilespmem:$0x80E0] =	vst v54  }
0x2c: {  	[tilespmem:$0x80F0] =	vst v55  }
0x2d: {  	[tilespmem:s15], [sflag:$0x2] =	stream.indirect.gather [hbm4b:s2+s11], $0x80, s14, s11, $0xb8;
	[tilespmem:$0x18400] =	vst v63  }
0x2e: {  	v56 =	vld [tilespmem:$0x400]  }
0x2f: {  	v57 =	vld [tilespmem:$0x410]  }
0x30: {  	v58 =	vld [tilespmem:$0x480]  }
0x31: {  	v59 =	vld [tilespmem:$0x490]  }
0x32: {  	v60 =	vld [tilespmem:$0x500]  }
0x33: {  	v61 =	vld [tilespmem:$0x510];
	[tilespmem:$0x8100] =	vst v56  }
0x34: {  	v62 =	vld [tilespmem:$0x580];
	[tilespmem:$0x8110] =	vst v57  }
0x35: {  	v63 =	vld [tilespmem:$0x590];
	[tilespmem:$0x8120] =	vst v58  }
0x36: {  	[tilespmem:$0x8130] =	vst v59  }
0x37: {  	[tilespmem:$0x8140] =	vst v60  }
0x38: {  	[tilespmem:$0x8150] =	vst v61  }
0x39: {  	[tilespmem:$0x8160] =	vst v62  }
0x3a: {  	s28 =	simm.s32 $0x0;
	[tilespmem:$0x8170] =	vst v63  }
0x3b: {  	[tilespmem:s17], [sflag:$0x3] =	stream.indirect.gather [hbm4b:s2+s11], $0x80, s16, s11, $0xb8;
	[tilespmem:$0x18400] =	vst v63  }
.LBB2_2:
0x3c: {  	_ =	swait.ge [sflag:s18], $0x4000;
	s29 =	sshllo.u32 s28, $0x2  }
0x3d: {  	[sflag:s18] =	ssyncset.done $0x0;
	s0 =	sshll.u32 s29, $0x9  }
0x3e: {  	[sflag:s18] =	ssyncadd.s32 $0xFFFFC000;
	s0 =	sand.u32 $0x7E00, s0  }
0x3f: {  	v0 =	vld [tilespmem:s0+$0x0];
	_ =	sdelay $0x4  }
0x40: {  	[tilespmem:$0x8180] =	vst v0  }
0x41: {  	v0 =	vld [tilespmem:s0+$0x10];
	_ =	sdelay $0x4  }
0x42: {  	[tilespmem:$0x8190] =	vst v0  }
0x43: {  	v0 =	vld [tilespmem:s0+$0x80];
	_ =	sdelay $0x4  }
0x44: {  	[tilespmem:$0x81A0] =	vst v0  }
0x45: {  	v0 =	vld [tilespmem:s0+$0x90];
	_ =	sdelay $0x4  }
0x46: {  	[tilespmem:$0x81B0] =	vst v0  }
0x47: {  	v0 =	vld [tilespmem:s0+$0x100];
	_ =	sdelay $0x4  }
0x48: {  	[tilespmem:$0x81C0] =	vst v0  }
0x49: {  	v0 =	vld [tilespmem:s0+$0x110];
	_ =	sdelay $0x4  }
0x4a: {  	[tilespmem:$0x81D0] =	vst v0  }
0x4b: {  	v0 =	vld [tilespmem:s0+$0x180];
	_ =	sdelay $0x4  }
0x4c: {  	[tilespmem:$0x81E0] =	vst v0  }
0x4d: {  	v0 =	vld [tilespmem:s0+$0x190];
	_ =	sdelay $0x3  }
0x4e: {  	p0 =	seq.s32 s28, $0x0  }
0x4f: {  	s0 =	simm.s32 @!p0 $0x5;
	[tilespmem:$0x81F0] =	vst v0  }
0x50: {  	[tilespmem:s20], [sflag:$0x4] =	stream.indirect.gather [hbm4b:s2+s11], $0x80, s19, s11, $0xb8;
	[tilespmem:$0x18400] =	vst v63  }
0x51: {  	_ =	swait.ge @!p0 [sflag:s0], $0x200  }
0x52: {  	[sflag:s0] =	ssyncset.done @!p0 $0x0  }
0x53: {  	s12 =	simm.s32 $0x0;
	[sflag:s0] =	ssyncadd.s32 @!p0 $0xFFFFFE00  }
0x54: {  	v0 =	vld [tilespmem:s12+$0x8270]  }
0x55: {  	v2 =	vld [tilespmem:s12+$0x8200]  }
0x56: {  	v3 =	vld [tilespmem:s12+$0x8210]  }
0x57: {  	v11 =	vld [tilespmem:s12+$0x8220]  }
0x58: {  	v9 =	vld [tilespmem:s12+$0x8230]  }
0x59: {  	v1 =	vimm.f32 $0.0e+00;
	v6 =	vimm.f32 $0.0e+00;
	v7 =	vld [tilespmem:s12+$0x8240]  }
0x5a: {  	v10 =	vimm.f32 $0.0e+00;
	v4 =	vimm.f32 $0.0e+00;
	v8 =	vld [tilespmem:s12+$0x8250];
	v0 =	vadd.f32 v0, v1  }
0x5b: {  	s30 =	sshll.u32 s28, $0x2;
	s31 =	simm.s32 $0x80;
	s1 =	simm.s32 $0x400;
	v12 =	vld [tilespmem:s12+$0x8260];
	v5 =	vadd.f32 v2, v1;
	v3 =	vadd.f32 v3, v1;
	v2 =	vimm.f32 $0.0e+00  }
.LBB2_3:
0x5c: {  	p0 =	sne.s32 s1, $0x3E00;
	v13 =	vld [tilespmem:s31+$0x8270];
	v1 =	vadd.f32 v11, v1  }
0x5d: {  	v14 =	vld [tilespmem:s31+$0x8200];
	v6 =	vadd.f32 v9, v6  }
0x5e: {  	v15 =	vld [tilespmem:s31+$0x8210];
	v10 =	vadd.f32 v7, v10  }
.Ltmp0:
0x5f: {  	v11 =	vld [tilespmem:s31+$0x8220];
	v4 =	vadd.f32 v8, v4;
	(pc) =	sbr.rel @p0 .LBB2_3-.Ltmp0, $4  }
0x60: {  	v9 =	vld [tilespmem:s31+$0x8230];
	v2 =	vadd.f32 v12, v2  }
0x61: {  	v7 =	vld [tilespmem:s31+$0x8240];
	v0 =	vadd.f32 v13, v0  }
0x62: {  	v5 =	vadd.f32 v14, v5;
	v8 =	vld [tilespmem:s31+$0x8250]  }
0x63: {  	v3 =	vadd.f32 v15, v3;
	v12 =	vld [tilespmem:s31+$0x8260];
	s31 =	sshra.s32 s1, $0x2;
	s1 =	sadd.s32 $0x200, s1  }
0x64: {  	v13 =	vld [tilespmem:s31+$0x8200]  }
0x65: {  	v14 =	vld [tilespmem:s31+$0x8210]  }
0x66: {  	v15 =	vld [tilespmem:s31+$0x8220]  }
0x67: {  	v16 =	vld [tilespmem:s31+$0x8230]  }
0x68: {  	v17 =	vld [tilespmem:s31+$0x8240];
	v1 =	vadd.f32 v11, v1  }
0x69: {  	v7 =	vadd.f32 v7, v10;
	v10 =	vld [tilespmem:s31+$0x8270];
	v5 =	vadd.f32 v13, v5  }
0x6a: {  	v11 =	vld [tilespmem:s31+$0x8250];
	v6 =	vadd.f32 v9, v6;
	v3 =	vadd.f32 v14, v3  }
0x6b: {  	v9 =	vld [tilespmem:s31+$0x8260];
	v1 =	vadd.f32 v15, v1;
	v5 =	vmul.f32 $3.125000000e-02, v5  }
0x6c: {  	v6 =	vadd.f32 v16, v6;
	v3 =	vmul.f32 $3.125000000e-02, v3  }
0x6d: {  	v4 =	vadd.f32 v8, v4;
	v7 =	vadd.f32 v17, v7;
	v1 =	vmul.f32 $3.125000000e-02, v1;
	[tilespmem:$0x18200] =	vst v5  }
0x6e: {  	v2 =	vadd.f32 v12, v2;
	v0 =	vadd.f32 v10, v0;
	[tilespmem:$0x18210] =	vst v3;
	v3 =	vmul.f32 $3.125000000e-02, v6  }
0x6f: {  	v4 =	vadd.f32 v11, v4;
	[tilespmem:$0x18220] =	vst v1;
	v1 =	vmul.f32 $3.125000000e-02, v7  }
0x70: {  	v2 =	vadd.f32 v9, v2;
	v0 =	vmul.f32 $3.125000000e-02, v0;
	[tilespmem:$0x18230] =	vst v3  }
0x71: {  	v3 =	vmul.f32 $3.125000000e-02, v4;
	[tilespmem:$0x18240] =	vst v1  }
0x72: {  	v1 =	vmul.f32 $3.125000000e-02, v2;
	[tilespmem:$0x18270] =	vst v0  }
0x73: {  	[tilespmem:$0x18250] =	vst v3  }
0x74: {  	s0 =	simm.s32 $0x0;
	[tilespmem:$0x18260] =	vst v1  }
0x75: {  	v0 =	vld [tilespmem:s0+$0x9270]  }
0x76: {  	v2 =	vld [tilespmem:s0+$0x9200]  }
0x77: {  	v3 =	vld [tilespmem:s0+$0x9210]  }
0x78: {  	v12 =	vld [tilespmem:s0+$0x9220]  }
0x79: {  	v10 =	vld [tilespmem:s0+$0x9230]  }
0x7a: {  	v9 =	vimm.f32 $0.0e+00;
	v1 =	vimm.f32 $0.0e+00;
	v7 =	vld [tilespmem:s0+$0x9240]  }
0x7b: {  	v6 =	vimm.f32 $0.0e+00;
	v8 =	vld [tilespmem:s0+$0x9250];
	v0 =	vadd.f32 v0, v1;
	v5 =	vadd.f32 v2, v1  }
0x7c: {  	s1 =	simm.s32 $0x400;
	s31 =	simm.s32 $0x80;
	v11 =	vld [tilespmem:s0+$0x9260];
	v4 =	vadd.f32 v3, v1;
	v3 =	vimm.f32 $0.0e+00;
	v2 =	vimm.f32 $0.0e+00  }
.LBB2_5:
0x7d: {  	p0 =	sne.s32 s1, $0x3E00;
	v13 =	vld [tilespmem:s31+$0x9270];
	v1 =	vadd.f32 v12, v1  }
0x7e: {  	v14 =	vld [tilespmem:s31+$0x9200];
	v6 =	vadd.f32 v10, v6  }
0x7f: {  	v15 =	vld [tilespmem:s31+$0x9210];
	v9 =	vadd.f32 v7, v9  }
.Ltmp1:
0x80: {  	v12 =	vld [tilespmem:s31+$0x9220];
	v3 =	vadd.f32 v8, v3;
	(pc) =	sbr.rel @p0 .LBB2_5-.Ltmp1, $4  }
0x81: {  	v10 =	vld [tilespmem:s31+$0x9230];
	v2 =	vadd.f32 v11, v2  }
0x82: {  	v7 =	vld [tilespmem:s31+$0x9240];
	v0 =	vadd.f32 v13, v0  }
0x83: {  	v5 =	vadd.f32 v14, v5;
	v8 =	vld [tilespmem:s31+$0x9250]  }
0x84: {  	v4 =	vadd.f32 v15, v4;
	v11 =	vld [tilespmem:s31+$0x9260];
	s31 =	sshra.s32 s1, $0x2;
	s1 =	sadd.s32 $0x200, s1  }
0x85: {  	v13 =	vld [tilespmem:s31+$0x9200]  }
0x86: {  	v14 =	vld [tilespmem:s31+$0x9210]  }
0x87: {  	v15 =	vld [tilespmem:s31+$0x9220]  }
0x88: {  	v1 =	vadd.f32 v12, v1;
	v12 =	vld [tilespmem:s31+$0x9250]  }
0x89: {  	v16 =	vld [tilespmem:s31+$0x9230]  }
0x8a: {  	v17 =	vld [tilespmem:s31+$0x9240];
	v7 =	vadd.f32 v7, v9;
	v5 =	vadd.f32 v13, v5  }
0x8b: {  	v9 =	vld [tilespmem:s31+$0x9270];
	v3 =	vadd.f32 v8, v3;
	v4 =	vadd.f32 v14, v4  }
0x8c: {  	v6 =	vadd.f32 v10, v6;
	v10 =	vld [tilespmem:s31+$0x9260];
	v1 =	vadd.f32 v15, v1;
	v5 =	vmul.f32 $3.125000000e-02, v5  }
0x8d: {  	v3 =	vadd.f32 v12, v3;
	v4 =	vmul.f32 $3.125000000e-02, v4  }
0x8e: {  	v6 =	vadd.f32 v16, v6;
	v1 =	vmul.f32 $3.125000000e-02, v1;
	[tilespmem:$0x18280] =	vst v5  }
0x8f: {  	v2 =	vadd.f32 v11, v2;
	v7 =	vadd.f32 v17, v7;
	v3 =	vmul.f32 $3.125000000e-02, v3;
	[tilespmem:$0x18290] =	vst v4  }
0x90: {  	v0 =	vadd.f32 v9, v0;
	v4 =	vmul.f32 $3.125000000e-02, v6;
	[tilespmem:$0x182A0] =	vst v1  }
0x91: {  	v2 =	vadd.f32 v10, v2;
	v1 =	vmul.f32 $3.125000000e-02, v7;
	[tilespmem:$0x182D0] =	vst v3  }
0x92: {  	v0 =	vmul.f32 $3.125000000e-02, v0;
	[tilespmem:$0x182B0] =	vst v4  }
0x93: {  	[tilespmem:$0x182C0] =	vst v1;
	v1 =	vmul.f32 $3.125000000e-02, v2  }
0x94: {  	[tilespmem:$0x182F0] =	vst v0  }
0x95: {  	s0 =	simm.s32 $0x0;
	[tilespmem:$0x182E0] =	vst v1  }
0x96: {  	v0 =	vld [tilespmem:s0+$0xA270]  }
0x97: {  	v2 =	vld [tilespmem:s0+$0xA200]  }
0x98: {  	v3 =	vld [tilespmem:s0+$0xA210]  }
0x99: {  	v12 =	vld [tilespmem:s0+$0xA220]  }
0x9a: {  	v10 =	vld [tilespmem:s0+$0xA230]  }
0x9b: {  	v9 =	vimm.f32 $0.0e+00;
	v1 =	vimm.f32 $0.0e+00;
	v7 =	vld [tilespmem:s0+$0xA240]  }
0x9c: {  	v6 =	vimm.f32 $0.0e+00;
	v8 =	vld [tilespmem:s0+$0xA250];
	v0 =	vadd.f32 v0, v1;
	v5 =	vadd.f32 v2, v1  }
0x9d: {  	s1 =	simm.s32 $0x400;
	s31 =	simm.s32 $0x80;
	v11 =	vld [tilespmem:s0+$0xA260];
	v4 =	vadd.f32 v3, v1;
	v3 =	vimm.f32 $0.0e+00;
	v2 =	vimm.f32 $0.0e+00  }
.LBB2_7:
0x9e: {  	p0 =	sne.s32 s1, $0x3E00;
	v13 =	vld [tilespmem:s31+$0xA270];
	v1 =	vadd.f32 v12, v1  }
0x9f: {  	v14 =	vld [tilespmem:s31+$0xA200];
	v6 =	vadd.f32 v10, v6  }
0xa0: {  	v15 =	vld [tilespmem:s31+$0xA210];
	v9 =	vadd.f32 v7, v9  }
.Ltmp2:
0xa1: {  	v12 =	vld [tilespmem:s31+$0xA220];
	v3 =	vadd.f32 v8, v3;
	(pc) =	sbr.rel @p0 .LBB2_7-.Ltmp2, $4  }
0xa2: {  	v10 =	vld [tilespmem:s31+$0xA230];
	v2 =	vadd.f32 v11, v2  }
0xa3: {  	v7 =	vld [tilespmem:s31+$0xA240];
	v0 =	vadd.f32 v13, v0  }
0xa4: {  	v5 =	vadd.f32 v14, v5;
	v8 =	vld [tilespmem:s31+$0xA250]  }
0xa5: {  	v4 =	vadd.f32 v15, v4;
	v11 =	vld [tilespmem:s31+$0xA260];
	s31 =	sshra.s32 s1, $0x2;
	s1 =	sadd.s32 $0x200, s1  }
0xa6: {  	v13 =	vld [tilespmem:s31+$0xA200]  }
0xa7: {  	v14 =	vld [tilespmem:s31+$0xA210]  }
0xa8: {  	v15 =	vld [tilespmem:s31+$0xA220]  }
0xa9: {  	v1 =	vadd.f32 v12, v1;
	v12 =	vld [tilespmem:s31+$0xA250]  }
0xaa: {  	v16 =	vld [tilespmem:s31+$0xA230]  }
0xab: {  	v17 =	vld [tilespmem:s31+$0xA240];
	v7 =	vadd.f32 v7, v9;
	v5 =	vadd.f32 v13, v5  }
0xac: {  	v9 =	vld [tilespmem:s31+$0xA270];
	v3 =	vadd.f32 v8, v3;
	v4 =	vadd.f32 v14, v4  }
0xad: {  	v6 =	vadd.f32 v10, v6;
	v10 =	vld [tilespmem:s31+$0xA260];
	v1 =	vadd.f32 v15, v1;
	v5 =	vmul.f32 $3.125000000e-02, v5  }
0xae: {  	v3 =	vadd.f32 v12, v3;
	v4 =	vmul.f32 $3.125000000e-02, v4  }
0xaf: {  	v6 =	vadd.f32 v16, v6;
	v1 =	vmul.f32 $3.125000000e-02, v1;
	[tilespmem:$0x18300] =	vst v5  }
0xb0: {  	v2 =	vadd.f32 v11, v2;
	v7 =	vadd.f32 v17, v7;
	v3 =	vmul.f32 $3.125000000e-02, v3;
	[tilespmem:$0x18310] =	vst v4  }
0xb1: {  	v0 =	vadd.f32 v9, v0;
	v4 =	vmul.f32 $3.125000000e-02, v6;
	[tilespmem:$0x18320] =	vst v1  }
0xb2: {  	v2 =	vadd.f32 v10, v2;
	v1 =	vmul.f32 $3.125000000e-02, v7;
	[tilespmem:$0x18350] =	vst v3  }
0xb3: {  	v0 =	vmul.f32 $3.125000000e-02, v0;
	[tilespmem:$0x18330] =	vst v4  }
0xb4: {  	[tilespmem:$0x18340] =	vst v1;
	v1 =	vmul.f32 $3.125000000e-02, v2  }
0xb5: {  	[tilespmem:$0x18370] =	vst v0  }
0xb6: {  	s0 =	simm.s32 $0x0;
	[tilespmem:$0x18360] =	vst v1  }
0xb7: {  	v0 =	vld [tilespmem:s0+$0xB270]  }
0xb8: {  	v2 =	vld [tilespmem:s0+$0xB200]  }
0xb9: {  	v3 =	vld [tilespmem:s0+$0xB210]  }
0xba: {  	v12 =	vld [tilespmem:s0+$0xB220]  }
0xbb: {  	v10 =	vld [tilespmem:s0+$0xB230]  }
0xbc: {  	v9 =	vimm.f32 $0.0e+00;
	v1 =	vimm.f32 $0.0e+00;
	v7 =	vld [tilespmem:s0+$0xB240]  }
0xbd: {  	v6 =	vimm.f32 $0.0e+00;
	v8 =	vld [tilespmem:s0+$0xB250];
	v0 =	vadd.f32 v0, v1;
	v5 =	vadd.f32 v2, v1  }
0xbe: {  	s1 =	simm.s32 $0x400;
	s31 =	simm.s32 $0x80;
	v11 =	vld [tilespmem:s0+$0xB260];
	v4 =	vadd.f32 v3, v1;
	v3 =	vimm.f32 $0.0e+00;
	v2 =	vimm.f32 $0.0e+00  }
.LBB2_9:
0xbf: {  	p0 =	sne.s32 s1, $0x3E00;
	v13 =	vld [tilespmem:s31+$0xB270];
	v1 =	vadd.f32 v12, v1  }
0xc0: {  	v14 =	vld [tilespmem:s31+$0xB200];
	v6 =	vadd.f32 v10, v6  }
0xc1: {  	v15 =	vld [tilespmem:s31+$0xB210];
	v9 =	vadd.f32 v7, v9  }
.Ltmp3:
0xc2: {  	v12 =	vld [tilespmem:s31+$0xB220];
	v3 =	vadd.f32 v8, v3;
	(pc) =	sbr.rel @p0 .LBB2_9-.Ltmp3, $4  }
0xc3: {  	v10 =	vld [tilespmem:s31+$0xB230];
	v2 =	vadd.f32 v11, v2  }
0xc4: {  	v7 =	vld [tilespmem:s31+$0xB240];
	v0 =	vadd.f32 v13, v0  }
0xc5: {  	v5 =	vadd.f32 v14, v5;
	v8 =	vld [tilespmem:s31+$0xB250]  }
0xc6: {  	v4 =	vadd.f32 v15, v4;
	v11 =	vld [tilespmem:s31+$0xB260];
	s31 =	sshra.s32 s1, $0x2;
	s1 =	sadd.s32 $0x200, s1  }
0xc7: {  	v13 =	vld [tilespmem:s31+$0xB200]  }
0xc8: {  	v14 =	vld [tilespmem:s31+$0xB210]  }
0xc9: {  	v15 =	vld [tilespmem:s31+$0xB220]  }
0xca: {  	v1 =	vadd.f32 v12, v1;
	v12 =	vld [tilespmem:s31+$0xB250]  }
0xcb: {  	v16 =	vld [tilespmem:s31+$0xB230]  }
0xcc: {  	v17 =	vld [tilespmem:s31+$0xB240];
	v7 =	vadd.f32 v7, v9;
	v5 =	vadd.f32 v13, v5  }
0xcd: {  	v9 =	vld [tilespmem:s31+$0xB270];
	v3 =	vadd.f32 v8, v3;
	v4 =	vadd.f32 v14, v4  }
0xce: {  	v6 =	vadd.f32 v10, v6;
	v10 =	vld [tilespmem:s31+$0xB260];
	v1 =	vadd.f32 v15, v1;
	v5 =	vmul.f32 $3.125000000e-02, v5  }
0xcf: {  	v3 =	vadd.f32 v12, v3;
	v4 =	vmul.f32 $3.125000000e-02, v4  }
0xd0: {  	v6 =	vadd.f32 v16, v6;
	v1 =	vmul.f32 $3.125000000e-02, v1;
	[tilespmem:$0x18380] =	vst v5  }
0xd1: {  	v2 =	vadd.f32 v11, v2;
	v7 =	vadd.f32 v17, v7;
	v3 =	vmul.f32 $3.125000000e-02, v3;
	[tilespmem:$0x18390] =	vst v4  }
0xd2: {  	v0 =	vadd.f32 v9, v0;
	v4 =	vmul.f32 $3.125000000e-02, v6;
	[tilespmem:$0x183A0] =	vst v1  }
0xd3: {  	v2 =	vadd.f32 v10, v2;
	v1 =	vmul.f32 $3.125000000e-02, v7;
	[tilespmem:$0x183D0] =	vst v3  }
0xd4: {  	v0 =	vmul.f32 $3.125000000e-02, v0;
	[tilespmem:$0x183B0] =	vst v4  }
0xd5: {  	[tilespmem:$0x183C0] =	vst v1;
	v1 =	vmul.f32 $3.125000000e-02, v2  }
0xd6: {  	s0 =	sshll.u32 s28, $0x8;
	[tilespmem:$0x183F0] =	vst v0  }
0xd7: {  	s0 =	sadd.s32 s0, s7;
	[tilespmem:$0x183E0] =	vst v1  }
0xd8: {  	[hbm4b:s0+s3] =	stream.linear.scatter [tilespmem:s21], [sflag:$0x5], $0x200, $0x38;
	[tilespmem:$0x18400] =	vst v63  }
0xd9: {  	s0 =	sadd.s32 $0x4, s30;
	_ =	swait.ge [sflag:s22], $0x4000  }
0xda: {  	p1 =	sne.s32 s0, $0x40;
	[sflag:s22] =	ssyncset.done $0x0  }
0xdb: {  	s1 =	simm.s32 @!p1 $0x0;
	[sflag:s22] =	ssyncadd.s32 $0xFFFFC000  }
0xdc: {  	[tilespmem:s1], [sflag:$0x6] =	stream.linear.gather @!p1 [hbm4b:s8+s1], $0x8000, $0x38;
	[tilespmem:$0x18400] =	vst v63  }
0xdd: {  	s1 =	simm.s32 @!p1 $0x6  }
0xde: {  	p0 =	seq.s32 s28, $0x1F;
	_ =	swait.ge @!p1 [sflag:s1], $0x8000  }
0xdf: {  	s0 =	sshll.u32 @!p0 s0, $0x9;
	[sflag:s1] =	ssyncset.done @!p1 $0x0  }
0xe0: {  	s0 =	sand.u32 @!p0 $0x7800, s0;
	[sflag:s1] =	ssyncadd.s32 @!p1 $0xFFFF8000  }
0xe1: {  	v0 =	vld @!p0 [tilespmem:s0+$0x0];
	_ =	sdelay $0x4  }
0xe2: {  	[tilespmem:$0x8000] =	vst @!p0 v0  }
0xe3: {  	v0 =	vld @!p0 [tilespmem:s0+$0x10];
	_ =	sdelay $0x4  }
0xe4: {  	[tilespmem:$0x8010] =	vst @!p0 v0  }
0xe5: {  	v0 =	vld @!p0 [tilespmem:s0+$0x80];
	_ =	sdelay $0x4  }
0xe6: {  	[tilespmem:$0x8020] =	vst @!p0 v0  }
0xe7: {  	v0 =	vld @!p0 [tilespmem:s0+$0x90];
	_ =	sdelay $0x4  }
0xe8: {  	[tilespmem:$0x8030] =	vst @!p0 v0  }
0xe9: {  	v0 =	vld @!p0 [tilespmem:s0+$0x100];
	_ =	sdelay $0x4  }
0xea: {  	[tilespmem:$0x8040] =	vst @!p0 v0  }
0xeb: {  	v0 =	vld @!p0 [tilespmem:s0+$0x110];
	_ =	sdelay $0x4  }
0xec: {  	[tilespmem:$0x8050] =	vst @!p0 v0  }
0xed: {  	v0 =	vld @!p0 [tilespmem:s0+$0x180];
	_ =	sdelay $0x4  }
0xee: {  	[tilespmem:$0x8060] =	vst @!p0 v0  }
0xef: {  	v0 =	vld @!p0 [tilespmem:s0+$0x190];
	_ =	sdelay $0x4  }
0xf0: {  	s30 =	simm.s32 @!p0 $0x8200;
	s1 =	simm.s32 @!p0 $0x8000;
	s0 =	simm.s32 @!p0 $0x80;
	[tilespmem:$0x8070] =	vst @!p0 v0  }
0xf1: {  	[tilespmem:s30], [sflag:$0x1] =	stream.indirect.gather @!p0 [hbm4b:s2+s0], $0x80, s1, s0, $0xb8;
	[tilespmem:$0x18400] =	vst v63  }
0xf2: {  	_ =	swait.ge [sflag:s23], $0x200  }
0xf3: {  	[sflag:s23] =	ssyncset.done $0x0  }
0xf4: {  	s31 =	simm.s32 $0x0;
	[sflag:s23] =	ssyncadd.s32 $0xFFFFFE00  }
0xf5: {  	v0 =	vld [tilespmem:s31+$0xC270]  }
0xf6: {  	v2 =	vld [tilespmem:s31+$0xC200]  }
0xf7: {  	v3 =	vld [tilespmem:s31+$0xC210]  }
0xf8: {  	v12 =	vld [tilespmem:s31+$0xC220]  }
0xf9: {  	v10 =	vld [tilespmem:s31+$0xC230]  }
0xfa: {  	v9 =	vimm.f32 $0.0e+00;
	v1 =	vimm.f32 $0.0e+00;
	v7 =	vld [tilespmem:s31+$0xC240]  }
0xfb: {  	v6 =	vimm.f32 $0.0e+00;
	v8 =	vld [tilespmem:s31+$0xC250];
	v0 =	vadd.f32 v0, v1;
	v5 =	vadd.f32 v2, v1  }
0xfc: {  	s30 =	simm.s32 $0x80;
	s1 =	simm.s32 $0x400;
	v11 =	vld [tilespmem:s31+$0xC260];
	v4 =	vadd.f32 v3, v1;
	v3 =	vimm.f32 $0.0e+00;
	v2 =	vimm.f32 $0.0e+00  }
.LBB2_11:
0xfd: {  	p1 =	sne.s32 s1, $0x3E00;
	v13 =	vld [tilespmem:s30+$0xC270];
	v1 =	vadd.f32 v12, v1  }
0xfe: {  	v14 =	vld [tilespmem:s30+$0xC200];
	v6 =	vadd.f32 v10, v6  }
0xff: {  	v15 =	vld [tilespmem:s30+$0xC210];
	v9 =	vadd.f32 v7, v9  }
.Ltmp4:
0x100: {  	v12 =	vld [tilespmem:s30+$0xC220];
	v3 =	vadd.f32 v8, v3;
	(pc) =	sbr.rel @p1 .LBB2_11-.Ltmp4, $4  }
0x101: {  	v10 =	vld [tilespmem:s30+$0xC230];
	v2 =	vadd.f32 v11, v2  }
0x102: {  	v7 =	vld [tilespmem:s30+$0xC240];
	v0 =	vadd.f32 v13, v0  }
0x103: {  	v5 =	vadd.f32 v14, v5;
	v8 =	vld [tilespmem:s30+$0xC250]  }
0x104: {  	v4 =	vadd.f32 v15, v4;
	v11 =	vld [tilespmem:s30+$0xC260];
	s30 =	sshra.s32 s1, $0x2;
	s1 =	sadd.s32 $0x200, s1  }
0x105: {  	v13 =	vld [tilespmem:s30+$0xC200]  }
0x106: {  	v14 =	vld [tilespmem:s30+$0xC210]  }
0x107: {  	v15 =	vld [tilespmem:s30+$0xC220]  }
0x108: {  	v1 =	vadd.f32 v12, v1;
	v12 =	vld [tilespmem:s30+$0xC250]  }
0x109: {  	v16 =	vld [tilespmem:s30+$0xC230]  }
0x10a: {  	v17 =	vld [tilespmem:s30+$0xC240];
	v7 =	vadd.f32 v7, v9;
	v5 =	vadd.f32 v13, v5  }
0x10b: {  	v9 =	vld [tilespmem:s30+$0xC270];
	v3 =	vadd.f32 v8, v3;
	v4 =	vadd.f32 v14, v4  }
0x10c: {  	v6 =	vadd.f32 v10, v6;
	v10 =	vld [tilespmem:s30+$0xC260];
	v1 =	vadd.f32 v15, v1;
	v5 =	vmul.f32 $3.125000000e-02, v5  }
0x10d: {  	v3 =	vadd.f32 v12, v3;
	v4 =	vmul.f32 $3.125000000e-02, v4  }
0x10e: {  	v6 =	vadd.f32 v16, v6;
	v1 =	vmul.f32 $3.125000000e-02, v1;
	[tilespmem:$0x18200] =	vst v5  }
0x10f: {  	v2 =	vadd.f32 v11, v2;
	v7 =	vadd.f32 v17, v7;
	v3 =	vmul.f32 $3.125000000e-02, v3;
	[tilespmem:$0x18210] =	vst v4  }
0x110: {  	v0 =	vadd.f32 v9, v0;
	v4 =	vmul.f32 $3.125000000e-02, v6;
	[tilespmem:$0x18220] =	vst v1  }
0x111: {  	v2 =	vadd.f32 v10, v2;
	v1 =	vmul.f32 $3.125000000e-02, v7;
	[tilespmem:$0x18250] =	vst v3  }
0x112: {  	v0 =	vmul.f32 $3.125000000e-02, v0;
	[tilespmem:$0x18230] =	vst v4  }
0x113: {  	[tilespmem:$0x18240] =	vst v1;
	v1 =	vmul.f32 $3.125000000e-02, v2  }
0x114: {  	[tilespmem:$0x18270] =	vst v0  }
0x115: {  	s0 =	simm.s32 $0x0;
	[tilespmem:$0x18260] =	vst v1  }
0x116: {  	v0 =	vld [tilespmem:s0+$0xD270]  }
0x117: {  	v2 =	vld [tilespmem:s0+$0xD200]  }
0x118: {  	v3 =	vld [tilespmem:s0+$0xD210]  }
0x119: {  	v12 =	vld [tilespmem:s0+$0xD220]  }
0x11a: {  	v10 =	vld [tilespmem:s0+$0xD230]  }
0x11b: {  	v9 =	vimm.f32 $0.0e+00;
	v1 =	vimm.f32 $0.0e+00;
	v7 =	vld [tilespmem:s0+$0xD240]  }
0x11c: {  	v6 =	vimm.f32 $0.0e+00;
	v8 =	vld [tilespmem:s0+$0xD250];
	v0 =	vadd.f32 v0, v1;
	v5 =	vadd.f32 v2, v1  }
0x11d: {  	s1 =	simm.s32 $0x400;
	s30 =	simm.s32 $0x80;
	v11 =	vld [tilespmem:s0+$0xD260];
	v4 =	vadd.f32 v3, v1;
	v3 =	vimm.f32 $0.0e+00;
	v2 =	vimm.f32 $0.0e+00  }
.LBB2_13:
0x11e: {  	p1 =	sne.s32 s1, $0x3E00;
	v13 =	vld [tilespmem:s30+$0xD270];
	v1 =	vadd.f32 v12, v1  }
0x11f: {  	v14 =	vld [tilespmem:s30+$0xD200];
	v6 =	vadd.f32 v10, v6  }
0x120: {  	v15 =	vld [tilespmem:s30+$0xD210];
	v9 =	vadd.f32 v7, v9  }
.Ltmp5:
0x121: {  	v12 =	vld [tilespmem:s30+$0xD220];
	v3 =	vadd.f32 v8, v3;
	(pc) =	sbr.rel @p1 .LBB2_13-.Ltmp5, $4  }
0x122: {  	v10 =	vld [tilespmem:s30+$0xD230];
	v2 =	vadd.f32 v11, v2  }
0x123: {  	v7 =	vld [tilespmem:s30+$0xD240];
	v0 =	vadd.f32 v13, v0  }
0x124: {  	v5 =	vadd.f32 v14, v5;
	v8 =	vld [tilespmem:s30+$0xD250]  }
0x125: {  	v4 =	vadd.f32 v15, v4;
	v11 =	vld [tilespmem:s30+$0xD260];
	s30 =	sshra.s32 s1, $0x2;
	s1 =	sadd.s32 $0x200, s1  }
0x126: {  	v13 =	vld [tilespmem:s30+$0xD200]  }
0x127: {  	v14 =	vld [tilespmem:s30+$0xD210]  }
0x128: {  	v15 =	vld [tilespmem:s30+$0xD220]  }
0x129: {  	v1 =	vadd.f32 v12, v1;
	v12 =	vld [tilespmem:s30+$0xD250]  }
0x12a: {  	v16 =	vld [tilespmem:s30+$0xD230]  }
0x12b: {  	v17 =	vld [tilespmem:s30+$0xD240];
	v7 =	vadd.f32 v7, v9;
	v5 =	vadd.f32 v13, v5  }
0x12c: {  	v9 =	vld [tilespmem:s30+$0xD270];
	v3 =	vadd.f32 v8, v3;
	v4 =	vadd.f32 v14, v4  }
0x12d: {  	v6 =	vadd.f32 v10, v6;
	v10 =	vld [tilespmem:s30+$0xD260];
	v1 =	vadd.f32 v15, v1;
	v5 =	vmul.f32 $3.125000000e-02, v5  }
0x12e: {  	v3 =	vadd.f32 v12, v3;
	v4 =	vmul.f32 $3.125000000e-02, v4  }
0x12f: {  	v6 =	vadd.f32 v16, v6;
	v1 =	vmul.f32 $3.125000000e-02, v1;
	[tilespmem:$0x18280] =	vst v5  }
0x130: {  	v2 =	vadd.f32 v11, v2;
	v7 =	vadd.f32 v17, v7;
	v3 =	vmul.f32 $3.125000000e-02, v3;
	[tilespmem:$0x18290] =	vst v4  }
0x131: {  	v0 =	vadd.f32 v9, v0;
	v4 =	vmul.f32 $3.125000000e-02, v6;
	[tilespmem:$0x182A0] =	vst v1  }
0x132: {  	v2 =	vadd.f32 v10, v2;
	v1 =	vmul.f32 $3.125000000e-02, v7;
	[tilespmem:$0x182D0] =	vst v3  }
0x133: {  	v0 =	vmul.f32 $3.125000000e-02, v0;
	[tilespmem:$0x182B0] =	vst v4  }
0x134: {  	[tilespmem:$0x182C0] =	vst v1;
	v1 =	vmul.f32 $3.125000000e-02, v2  }
0x135: {  	[tilespmem:$0x182F0] =	vst v0  }
0x136: {  	s0 =	simm.s32 $0x0;
	[tilespmem:$0x182E0] =	vst v1  }
0x137: {  	v0 =	vld [tilespmem:s0+$0xE270]  }
0x138: {  	v2 =	vld [tilespmem:s0+$0xE200]  }
0x139: {  	v3 =	vld [tilespmem:s0+$0xE210]  }
0x13a: {  	v12 =	vld [tilespmem:s0+$0xE220]  }
0x13b: {  	v10 =	vld [tilespmem:s0+$0xE230]  }
0x13c: {  	v9 =	vimm.f32 $0.0e+00;
	v1 =	vimm.f32 $0.0e+00;
	v7 =	vld [tilespmem:s0+$0xE240]  }
0x13d: {  	v6 =	vimm.f32 $0.0e+00;
	v8 =	vld [tilespmem:s0+$0xE250];
	v0 =	vadd.f32 v0, v1;
	v5 =	vadd.f32 v2, v1  }
0x13e: {  	s1 =	simm.s32 $0x400;
	s30 =	simm.s32 $0x80;
	v11 =	vld [tilespmem:s0+$0xE260];
	v4 =	vadd.f32 v3, v1;
	v3 =	vimm.f32 $0.0e+00;
	v2 =	vimm.f32 $0.0e+00  }
.LBB2_15:
0x13f: {  	p1 =	sne.s32 s1, $0x3E00;
	v13 =	vld [tilespmem:s30+$0xE270];
	v1 =	vadd.f32 v12, v1  }
0x140: {  	v14 =	vld [tilespmem:s30+$0xE200];
	v6 =	vadd.f32 v10, v6  }
0x141: {  	v15 =	vld [tilespmem:s30+$0xE210];
	v9 =	vadd.f32 v7, v9  }
.Ltmp6:
0x142: {  	v12 =	vld [tilespmem:s30+$0xE220];
	v3 =	vadd.f32 v8, v3;
	(pc) =	sbr.rel @p1 .LBB2_15-.Ltmp6, $4  }
0x143: {  	v10 =	vld [tilespmem:s30+$0xE230];
	v2 =	vadd.f32 v11, v2  }
0x144: {  	v7 =	vld [tilespmem:s30+$0xE240];
	v0 =	vadd.f32 v13, v0  }
0x145: {  	v5 =	vadd.f32 v14, v5;
	v8 =	vld [tilespmem:s30+$0xE250]  }
0x146: {  	v4 =	vadd.f32 v15, v4;
	v11 =	vld [tilespmem:s30+$0xE260];
	s30 =	sshra.s32 s1, $0x2;
	s1 =	sadd.s32 $0x200, s1  }
0x147: {  	v13 =	vld [tilespmem:s30+$0xE200]  }
0x148: {  	v14 =	vld [tilespmem:s30+$0xE210]  }
0x149: {  	v15 =	vld [tilespmem:s30+$0xE220]  }
0x14a: {  	v1 =	vadd.f32 v12, v1;
	v12 =	vld [tilespmem:s30+$0xE250]  }
0x14b: {  	v16 =	vld [tilespmem:s30+$0xE230]  }
0x14c: {  	v17 =	vld [tilespmem:s30+$0xE240];
	v7 =	vadd.f32 v7, v9;
	v5 =	vadd.f32 v13, v5  }
0x14d: {  	v9 =	vld [tilespmem:s30+$0xE270];
	v3 =	vadd.f32 v8, v3;
	v4 =	vadd.f32 v14, v4  }
0x14e: {  	v6 =	vadd.f32 v10, v6;
	v10 =	vld [tilespmem:s30+$0xE260];
	v1 =	vadd.f32 v15, v1;
	v5 =	vmul.f32 $3.125000000e-02, v5  }
0x14f: {  	v3 =	vadd.f32 v12, v3;
	v4 =	vmul.f32 $3.125000000e-02, v4  }
0x150: {  	v6 =	vadd.f32 v16, v6;
	v1 =	vmul.f32 $3.125000000e-02, v1;
	[tilespmem:$0x18300] =	vst v5  }
0x151: {  	v2 =	vadd.f32 v11, v2;
	v7 =	vadd.f32 v17, v7;
	v3 =	vmul.f32 $3.125000000e-02, v3;
	[tilespmem:$0x18310] =	vst v4  }
0x152: {  	v0 =	vadd.f32 v9, v0;
	v4 =	vmul.f32 $3.125000000e-02, v6;
	[tilespmem:$0x18320] =	vst v1  }
0x153: {  	v2 =	vadd.f32 v10, v2;
	v1 =	vmul.f32 $3.125000000e-02, v7;
	[tilespmem:$0x18350] =	vst v3  }
0x154: {  	v0 =	vmul.f32 $3.125000000e-02, v0;
	[tilespmem:$0x18330] =	vst v4  }
0x155: {  	[tilespmem:$0x18340] =	vst v1;
	v1 =	vmul.f32 $3.125000000e-02, v2  }
0x156: {  	[tilespmem:$0x18370] =	vst v0  }
0x157: {  	s0 =	simm.s32 $0x0;
	[tilespmem:$0x18360] =	vst v1  }
0x158: {  	v0 =	vld [tilespmem:s0+$0xF270]  }
0x159: {  	v2 =	vld [tilespmem:s0+$0xF200]  }
0x15a: {  	v3 =	vld [tilespmem:s0+$0xF210]  }
0x15b: {  	v12 =	vld [tilespmem:s0+$0xF220]  }
0x15c: {  	v10 =	vld [tilespmem:s0+$0xF230]  }
0x15d: {  	v9 =	vimm.f32 $0.0e+00;
	v1 =	vimm.f32 $0.0e+00;
	v7 =	vld [tilespmem:s0+$0xF240]  }
0x15e: {  	v6 =	vimm.f32 $0.0e+00;
	v8 =	vld [tilespmem:s0+$0xF250];
	v0 =	vadd.f32 v0, v1;
	v5 =	vadd.f32 v2, v1  }
0x15f: {  	s1 =	simm.s32 $0x400;
	s30 =	simm.s32 $0x80;
	v11 =	vld [tilespmem:s0+$0xF260];
	v4 =	vadd.f32 v3, v1;
	v3 =	vimm.f32 $0.0e+00;
	v2 =	vimm.f32 $0.0e+00  }
.LBB2_17:
0x160: {  	p1 =	sne.s32 s1, $0x3E00;
	v13 =	vld [tilespmem:s30+$0xF270];
	v1 =	vadd.f32 v12, v1  }
0x161: {  	v14 =	vld [tilespmem:s30+$0xF200];
	v6 =	vadd.f32 v10, v6  }
0x162: {  	v15 =	vld [tilespmem:s30+$0xF210];
	v9 =	vadd.f32 v7, v9  }
.Ltmp7:
0x163: {  	v12 =	vld [tilespmem:s30+$0xF220];
	v3 =	vadd.f32 v8, v3;
	(pc) =	sbr.rel @p1 .LBB2_17-.Ltmp7, $4  }
0x164: {  	v10 =	vld [tilespmem:s30+$0xF230];
	v2 =	vadd.f32 v11, v2  }
0x165: {  	v7 =	vld [tilespmem:s30+$0xF240];
	v0 =	vadd.f32 v13, v0  }
0x166: {  	v5 =	vadd.f32 v14, v5;
	v8 =	vld [tilespmem:s30+$0xF250]  }
0x167: {  	v4 =	vadd.f32 v15, v4;
	v11 =	vld [tilespmem:s30+$0xF260];
	s30 =	sshra.s32 s1, $0x2;
	s1 =	sadd.s32 $0x200, s1  }
0x168: {  	v13 =	vld [tilespmem:s30+$0xF200]  }
0x169: {  	v14 =	vld [tilespmem:s30+$0xF210]  }
0x16a: {  	v15 =	vld [tilespmem:s30+$0xF220]  }
0x16b: {  	v1 =	vadd.f32 v12, v1;
	v12 =	vld [tilespmem:s30+$0xF250]  }
0x16c: {  	v16 =	vld [tilespmem:s30+$0xF230]  }
0x16d: {  	v17 =	vld [tilespmem:s30+$0xF240];
	v7 =	vadd.f32 v7, v9;
	v5 =	vadd.f32 v13, v5  }
0x16e: {  	v9 =	vld [tilespmem:s30+$0xF270];
	v3 =	vadd.f32 v8, v3;
	v4 =	vadd.f32 v14, v4  }
0x16f: {  	v6 =	vadd.f32 v10, v6;
	v10 =	vld [tilespmem:s30+$0xF260];
	v1 =	vadd.f32 v15, v1;
	v5 =	vmul.f32 $3.125000000e-02, v5  }
0x170: {  	v3 =	vadd.f32 v12, v3;
	v4 =	vmul.f32 $3.125000000e-02, v4  }
0x171: {  	v6 =	vadd.f32 v16, v6;
	v1 =	vmul.f32 $3.125000000e-02, v1;
	[tilespmem:$0x18380] =	vst v5  }
0x172: {  	v2 =	vadd.f32 v11, v2;
	v7 =	vadd.f32 v17, v7;
	v3 =	vmul.f32 $3.125000000e-02, v3;
	[tilespmem:$0x18390] =	vst v4  }
0x173: {  	s0 =	sshll.u32 s28, $0x4;
	v0 =	vadd.f32 v9, v0;
	v4 =	vmul.f32 $3.125000000e-02, v6;
	[tilespmem:$0x183A0] =	vst v1  }
0x174: {  	s0 =	sadd.s32 s0, s5;
	v2 =	vadd.f32 v10, v2;
	v1 =	vmul.f32 $3.125000000e-02, v7;
	[tilespmem:$0x183D0] =	vst v3  }
0x175: {  	s30 =	sshll.u32 s0, $0x4;
	v0 =	vmul.f32 $3.125000000e-02, v0;
	[tilespmem:$0x183B0] =	vst v4  }
0x176: {  	s0 =	sadd.s32 $0x40, s30;
	[tilespmem:$0x183C0] =	vst v1;
	v1 =	vmul.f32 $3.125000000e-02, v2  }
0x177: {  	s0 =	sand.u32 $0x1FFFFF40, s0;
	[tilespmem:$0x183F0] =	vst v0  }
0x178: {  	s0 =	sadd.s32 s4, s0;
	[tilespmem:$0x183E0] =	vst v1  }
0x179: {  	[hbm4b:s0+s3] =	stream.linear.scatter [tilespmem:s21], [sflag:$0x5], $0x200, $0x38;
	[tilespmem:$0x18400] =	vst v63  }
0x17a: {  	s31 =	sshll.u32 @!p0 s28, $0xB;
	_ =	swait.ge [sflag:s24], $0x4000  }
0x17b: {  	s0 =	sadd.s32 @!p0 $0xA00, s31;
	[sflag:s24] =	ssyncset.done $0x0  }
0x17c: {  	s0 =	sand.u32 @!p0 $0x7A00, s0;
	[sflag:s24] =	ssyncadd.s32 $0xFFFFC000  }
0x17d: {  	v0 =	vld @!p0 [tilespmem:s0+$0x0];
	_ =	sdelay $0x4  }
0x17e: {  	[tilespmem:$0x8080] =	vst @!p0 v0  }
0x17f: {  	v0 =	vld @!p0 [tilespmem:s0+$0x10];
	_ =	sdelay $0x4  }
0x180: {  	[tilespmem:$0x8090] =	vst @!p0 v0  }
0x181: {  	v0 =	vld @!p0 [tilespmem:s0+$0x80];
	_ =	sdelay $0x4  }
0x182: {  	[tilespmem:$0x80A0] =	vst @!p0 v0  }
0x183: {  	v0 =	vld @!p0 [tilespmem:s0+$0x90];
	_ =	sdelay $0x4  }
0x184: {  	[tilespmem:$0x80B0] =	vst @!p0 v0  }
0x185: {  	v0 =	vld @!p0 [tilespmem:s0+$0x100];
	_ =	sdelay $0x4  }
0x186: {  	[tilespmem:$0x80C0] =	vst @!p0 v0  }
0x187: {  	v0 =	vld @!p0 [tilespmem:s0+$0x110];
	_ =	sdelay $0x4  }
0x188: {  	[tilespmem:$0x80D0] =	vst @!p0 v0  }
0x189: {  	v0 =	vld @!p0 [tilespmem:s0+$0x180];
	_ =	sdelay $0x4  }
0x18a: {  	[tilespmem:$0x80E0] =	vst @!p0 v0  }
0x18b: {  	v0 =	vld @!p0 [tilespmem:s0+$0x190];
	_ =	sdelay $0x4  }
0x18c: {  	s1 =	simm.s32 @!p0 $0x8080;
	s12 =	simm.s32 @!p0 $0xC200;
	s0 =	simm.s32 @!p0 $0x80;
	[tilespmem:$0x80F0] =	vst @!p0 v0  }
0x18d: {  	[tilespmem:s12], [sflag:$0x2] =	stream.indirect.gather @!p0 [hbm4b:s2+s0], $0x80, s1, s0, $0xb8;
	[tilespmem:$0x18400] =	vst v63  }
0x18e: {  	_ =	swait.ge [sflag:s23], $0x200  }
0x18f: {  	[sflag:s23] =	ssyncset.done $0x0  }
0x190: {  	s12 =	simm.s32 $0x0;
	[sflag:s23] =	ssyncadd.s32 $0xFFFFFE00  }
0x191: {  	v0 =	vld [tilespmem:s12+$0x10270]  }
0x192: {  	v2 =	vld [tilespmem:s12+$0x10200]  }
0x193: {  	v3 =	vld [tilespmem:s12+$0x10210]  }
0x194: {  	v12 =	vld [tilespmem:s12+$0x10220]  }
0x195: {  	v10 =	vld [tilespmem:s12+$0x10230]  }
0x196: {  	v9 =	vimm.f32 $0.0e+00;
	v1 =	vimm.f32 $0.0e+00;
	v7 =	vld [tilespmem:s12+$0x10240]  }
0x197: {  	v6 =	vimm.f32 $0.0e+00;
	v8 =	vld [tilespmem:s12+$0x10250];
	v0 =	vadd.f32 v0, v1;
	v5 =	vadd.f32 v2, v1  }
0x198: {  	s1 =	simm.s32 $0x80;
	s0 =	simm.s32 $0x400;
	v11 =	vld [tilespmem:s12+$0x10260];
	v4 =	vadd.f32 v3, v1;
	v3 =	vimm.f32 $0.0e+00;
	v2 =	vimm.f32 $0.0e+00  }
.LBB2_19:
0x199: {  	p1 =	sne.s32 s0, $0x3E00;
	v13 =	vld [tilespmem:s1+$0x10270];
	v1 =	vadd.f32 v12, v1  }
0x19a: {  	v14 =	vld [tilespmem:s1+$0x10200];
	v6 =	vadd.f32 v10, v6  }
0x19b: {  	v15 =	vld [tilespmem:s1+$0x10210];
	v9 =	vadd.f32 v7, v9  }
.Ltmp8:
0x19c: {  	v12 =	vld [tilespmem:s1+$0x10220];
	v3 =	vadd.f32 v8, v3;
	(pc) =	sbr.rel @p1 .LBB2_19-.Ltmp8, $4  }
0x19d: {  	v10 =	vld [tilespmem:s1+$0x10230];
	v2 =	vadd.f32 v11, v2  }
0x19e: {  	v7 =	vld [tilespmem:s1+$0x10240];
	v0 =	vadd.f32 v13, v0  }
0x19f: {  	v5 =	vadd.f32 v14, v5;
	v8 =	vld [tilespmem:s1+$0x10250]  }
0x1a0: {  	v4 =	vadd.f32 v15, v4;
	v11 =	vld [tilespmem:s1+$0x10260];
	s1 =	sshra.s32 s0, $0x2;
	s0 =	sadd.s32 $0x200, s0  }
0x1a1: {  	v13 =	vld [tilespmem:s1+$0x10200]  }
0x1a2: {  	v14 =	vld [tilespmem:s1+$0x10210]  }
0x1a3: {  	v15 =	vld [tilespmem:s1+$0x10220]  }
0x1a4: {  	v1 =	vadd.f32 v12, v1;
	v12 =	vld [tilespmem:s1+$0x10250]  }
0x1a5: {  	v16 =	vld [tilespmem:s1+$0x10230]  }
0x1a6: {  	v17 =	vld [tilespmem:s1+$0x10240];
	v7 =	vadd.f32 v7, v9;
	v5 =	vadd.f32 v13, v5  }
0x1a7: {  	v9 =	vld [tilespmem:s1+$0x10270];
	v3 =	vadd.f32 v8, v3;
	v4 =	vadd.f32 v14, v4  }
0x1a8: {  	v6 =	vadd.f32 v10, v6;
	v10 =	vld [tilespmem:s1+$0x10260];
	v1 =	vadd.f32 v15, v1;
	v5 =	vmul.f32 $3.125000000e-02, v5  }
0x1a9: {  	v3 =	vadd.f32 v12, v3;
	v4 =	vmul.f32 $3.125000000e-02, v4  }
0x1aa: {  	v6 =	vadd.f32 v16, v6;
	v1 =	vmul.f32 $3.125000000e-02, v1;
	[tilespmem:$0x18200] =	vst v5  }
0x1ab: {  	v2 =	vadd.f32 v11, v2;
	v7 =	vadd.f32 v17, v7;
	v3 =	vmul.f32 $3.125000000e-02, v3;
	[tilespmem:$0x18210] =	vst v4  }
0x1ac: {  	v0 =	vadd.f32 v9, v0;
	v4 =	vmul.f32 $3.125000000e-02, v6;
	[tilespmem:$0x18220] =	vst v1  }
0x1ad: {  	v2 =	vadd.f32 v10, v2;
	v1 =	vmul.f32 $3.125000000e-02, v7;
	[tilespmem:$0x18250] =	vst v3  }
0x1ae: {  	v0 =	vmul.f32 $3.125000000e-02, v0;
	[tilespmem:$0x18230] =	vst v4  }
0x1af: {  	[tilespmem:$0x18240] =	vst v1;
	v1 =	vmul.f32 $3.125000000e-02, v2  }
0x1b0: {  	[tilespmem:$0x18270] =	vst v0  }
0x1b1: {  	s12 =	simm.s32 $0x0;
	[tilespmem:$0x18260] =	vst v1  }
0x1b2: {  	v0 =	vld [tilespmem:s12+$0x11270]  }
0x1b3: {  	v2 =	vld [tilespmem:s12+$0x11200]  }
0x1b4: {  	v3 =	vld [tilespmem:s12+$0x11210]  }
0x1b5: {  	v12 =	vld [tilespmem:s12+$0x11220]  }
0x1b6: {  	v10 =	vld [tilespmem:s12+$0x11230]  }
0x1b7: {  	v9 =	vimm.f32 $0.0e+00;
	v1 =	vimm.f32 $0.0e+00;
	v7 =	vld [tilespmem:s12+$0x11240]  }
0x1b8: {  	v6 =	vimm.f32 $0.0e+00;
	v8 =	vld [tilespmem:s12+$0x11250];
	v0 =	vadd.f32 v0, v1;
	v5 =	vadd.f32 v2, v1  }
0x1b9: {  	s0 =	simm.s32 $0x400;
	s1 =	simm.s32 $0x80;
	v11 =	vld [tilespmem:s12+$0x11260];
	v4 =	vadd.f32 v3, v1;
	v3 =	vimm.f32 $0.0e+00;
	v2 =	vimm.f32 $0.0e+00  }
.LBB2_21:
0x1ba: {  	p1 =	sne.s32 s0, $0x3E00;
	v13 =	vld [tilespmem:s1+$0x11270];
	v1 =	vadd.f32 v12, v1  }
0x1bb: {  	v14 =	vld [tilespmem:s1+$0x11200];
	v6 =	vadd.f32 v10, v6  }
0x1bc: {  	v15 =	vld [tilespmem:s1+$0x11210];
	v9 =	vadd.f32 v7, v9  }
.Ltmp9:
0x1bd: {  	v12 =	vld [tilespmem:s1+$0x11220];
	v3 =	vadd.f32 v8, v3;
	(pc) =	sbr.rel @p1 .LBB2_21-.Ltmp9, $4  }
0x1be: {  	v10 =	vld [tilespmem:s1+$0x11230];
	v2 =	vadd.f32 v11, v2  }
0x1bf: {  	v7 =	vld [tilespmem:s1+$0x11240];
	v0 =	vadd.f32 v13, v0  }
0x1c0: {  	v5 =	vadd.f32 v14, v5;
	v8 =	vld [tilespmem:s1+$0x11250]  }
0x1c1: {  	v4 =	vadd.f32 v15, v4;
	v11 =	vld [tilespmem:s1+$0x11260];
	s1 =	sshra.s32 s0, $0x2;
	s0 =	sadd.s32 $0x200, s0  }
0x1c2: {  	v13 =	vld [tilespmem:s1+$0x11200]  }
0x1c3: {  	v14 =	vld [tilespmem:s1+$0x11210]  }
0x1c4: {  	v15 =	vld [tilespmem:s1+$0x11220]  }
0x1c5: {  	v1 =	vadd.f32 v12, v1;
	v12 =	vld [tilespmem:s1+$0x11250]  }
0x1c6: {  	v16 =	vld [tilespmem:s1+$0x11230]  }
0x1c7: {  	v17 =	vld [tilespmem:s1+$0x11240];
	v7 =	vadd.f32 v7, v9;
	v5 =	vadd.f32 v13, v5  }
0x1c8: {  	v9 =	vld [tilespmem:s1+$0x11270];
	v3 =	vadd.f32 v8, v3;
	v4 =	vadd.f32 v14, v4  }
0x1c9: {  	v6 =	vadd.f32 v10, v6;
	v10 =	vld [tilespmem:s1+$0x11260];
	v1 =	vadd.f32 v15, v1;
	v5 =	vmul.f32 $3.125000000e-02, v5  }
0x1ca: {  	v3 =	vadd.f32 v12, v3;
	v4 =	vmul.f32 $3.125000000e-02, v4  }
0x1cb: {  	v6 =	vadd.f32 v16, v6;
	v1 =	vmul.f32 $3.125000000e-02, v1;
	[tilespmem:$0x18280] =	vst v5  }
0x1cc: {  	v2 =	vadd.f32 v11, v2;
	v7 =	vadd.f32 v17, v7;
	v3 =	vmul.f32 $3.125000000e-02, v3;
	[tilespmem:$0x18290] =	vst v4  }
0x1cd: {  	v0 =	vadd.f32 v9, v0;
	v4 =	vmul.f32 $3.125000000e-02, v6;
	[tilespmem:$0x182A0] =	vst v1  }
0x1ce: {  	v2 =	vadd.f32 v10, v2;
	v1 =	vmul.f32 $3.125000000e-02, v7;
	[tilespmem:$0x182D0] =	vst v3  }
0x1cf: {  	v0 =	vmul.f32 $3.125000000e-02, v0;
	[tilespmem:$0x182B0] =	vst v4  }
0x1d0: {  	[tilespmem:$0x182C0] =	vst v1;
	v1 =	vmul.f32 $3.125000000e-02, v2  }
0x1d1: {  	[tilespmem:$0x182F0] =	vst v0  }
0x1d2: {  	s12 =	simm.s32 $0x0;
	[tilespmem:$0x182E0] =	vst v1  }
0x1d3: {  	v0 =	vld [tilespmem:s12+$0x12270]  }
0x1d4: {  	v2 =	vld [tilespmem:s12+$0x12200]  }
0x1d5: {  	v3 =	vld [tilespmem:s12+$0x12210]  }
0x1d6: {  	v12 =	vld [tilespmem:s12+$0x12220]  }
0x1d7: {  	v10 =	vld [tilespmem:s12+$0x12230]  }
0x1d8: {  	v9 =	vimm.f32 $0.0e+00;
	v1 =	vimm.f32 $0.0e+00;
	v7 =	vld [tilespmem:s12+$0x12240]  }
0x1d9: {  	v6 =	vimm.f32 $0.0e+00;
	v8 =	vld [tilespmem:s12+$0x12250];
	v0 =	vadd.f32 v0, v1;
	v5 =	vadd.f32 v2, v1  }
0x1da: {  	s0 =	simm.s32 $0x400;
	s1 =	simm.s32 $0x80;
	v11 =	vld [tilespmem:s12+$0x12260];
	v4 =	vadd.f32 v3, v1;
	v3 =	vimm.f32 $0.0e+00;
	v2 =	vimm.f32 $0.0e+00  }
.LBB2_23:
0x1db: {  	p1 =	sne.s32 s0, $0x3E00;
	v13 =	vld [tilespmem:s1+$0x12270];
	v1 =	vadd.f32 v12, v1  }
0x1dc: {  	v14 =	vld [tilespmem:s1+$0x12200];
	v6 =	vadd.f32 v10, v6  }
0x1dd: {  	v15 =	vld [tilespmem:s1+$0x12210];
	v9 =	vadd.f32 v7, v9  }
.Ltmp10:
0x1de: {  	v12 =	vld [tilespmem:s1+$0x12220];
	v3 =	vadd.f32 v8, v3;
	(pc) =	sbr.rel @p1 .LBB2_23-.Ltmp10, $4  }
0x1df: {  	v10 =	vld [tilespmem:s1+$0x12230];
	v2 =	vadd.f32 v11, v2  }
0x1e0: {  	v7 =	vld [tilespmem:s1+$0x12240];
	v0 =	vadd.f32 v13, v0  }
0x1e1: {  	v5 =	vadd.f32 v14, v5;
	v8 =	vld [tilespmem:s1+$0x12250]  }
0x1e2: {  	v4 =	vadd.f32 v15, v4;
	v11 =	vld [tilespmem:s1+$0x12260];
	s1 =	sshra.s32 s0, $0x2;
	s0 =	sadd.s32 $0x200, s0  }
0x1e3: {  	v13 =	vld [tilespmem:s1+$0x12200]  }
0x1e4: {  	v14 =	vld [tilespmem:s1+$0x12210]  }
0x1e5: {  	v15 =	vld [tilespmem:s1+$0x12220]  }
0x1e6: {  	v1 =	vadd.f32 v12, v1;
	v12 =	vld [tilespmem:s1+$0x12250]  }
0x1e7: {  	v16 =	vld [tilespmem:s1+$0x12230]  }
0x1e8: {  	v17 =	vld [tilespmem:s1+$0x12240];
	v7 =	vadd.f32 v7, v9;
	v5 =	vadd.f32 v13, v5  }
0x1e9: {  	v9 =	vld [tilespmem:s1+$0x12270];
	v3 =	vadd.f32 v8, v3;
	v4 =	vadd.f32 v14, v4  }
0x1ea: {  	v6 =	vadd.f32 v10, v6;
	v10 =	vld [tilespmem:s1+$0x12260];
	v1 =	vadd.f32 v15, v1;
	v5 =	vmul.f32 $3.125000000e-02, v5  }
0x1eb: {  	v3 =	vadd.f32 v12, v3;
	v4 =	vmul.f32 $3.125000000e-02, v4  }
0x1ec: {  	v6 =	vadd.f32 v16, v6;
	v1 =	vmul.f32 $3.125000000e-02, v1;
	[tilespmem:$0x18300] =	vst v5  }
0x1ed: {  	v2 =	vadd.f32 v11, v2;
	v7 =	vadd.f32 v17, v7;
	v3 =	vmul.f32 $3.125000000e-02, v3;
	[tilespmem:$0x18310] =	vst v4  }
0x1ee: {  	v0 =	vadd.f32 v9, v0;
	v4 =	vmul.f32 $3.125000000e-02, v6;
	[tilespmem:$0x18320] =	vst v1  }
0x1ef: {  	v2 =	vadd.f32 v10, v2;
	v1 =	vmul.f32 $3.125000000e-02, v7;
	[tilespmem:$0x18350] =	vst v3  }
0x1f0: {  	v0 =	vmul.f32 $3.125000000e-02, v0;
	[tilespmem:$0x18330] =	vst v4  }
0x1f1: {  	[tilespmem:$0x18340] =	vst v1;
	v1 =	vmul.f32 $3.125000000e-02, v2  }
0x1f2: {  	[tilespmem:$0x18370] =	vst v0  }
0x1f3: {  	s12 =	simm.s32 $0x0;
	[tilespmem:$0x18360] =	vst v1  }
0x1f4: {  	v0 =	vld [tilespmem:s12+$0x13270]  }
0x1f5: {  	v2 =	vld [tilespmem:s12+$0x13200]  }
0x1f6: {  	v3 =	vld [tilespmem:s12+$0x13210]  }
0x1f7: {  	v12 =	vld [tilespmem:s12+$0x13220]  }
0x1f8: {  	v10 =	vld [tilespmem:s12+$0x13230]  }
0x1f9: {  	v9 =	vimm.f32 $0.0e+00;
	v1 =	vimm.f32 $0.0e+00;
	v7 =	vld [tilespmem:s12+$0x13240]  }
0x1fa: {  	v6 =	vimm.f32 $0.0e+00;
	v8 =	vld [tilespmem:s12+$0x13250];
	v0 =	vadd.f32 v0, v1;
	v5 =	vadd.f32 v2, v1  }
0x1fb: {  	s0 =	simm.s32 $0x400;
	s1 =	simm.s32 $0x80;
	v11 =	vld [tilespmem:s12+$0x13260];
	v4 =	vadd.f32 v3, v1;
	v3 =	vimm.f32 $0.0e+00;
	v2 =	vimm.f32 $0.0e+00  }
.LBB2_25:
0x1fc: {  	p1 =	sne.s32 s0, $0x3E00;
	v13 =	vld [tilespmem:s1+$0x13270];
	v1 =	vadd.f32 v12, v1  }
0x1fd: {  	v14 =	vld [tilespmem:s1+$0x13200];
	v6 =	vadd.f32 v10, v6  }
0x1fe: {  	v15 =	vld [tilespmem:s1+$0x13210];
	v9 =	vadd.f32 v7, v9  }
.Ltmp11:
0x1ff: {  	v12 =	vld [tilespmem:s1+$0x13220];
	v3 =	vadd.f32 v8, v3;
	(pc) =	sbr.rel @p1 .LBB2_25-.Ltmp11, $4  }
0x200: {  	v10 =	vld [tilespmem:s1+$0x13230];
	v2 =	vadd.f32 v11, v2  }
0x201: {  	v7 =	vld [tilespmem:s1+$0x13240];
	v0 =	vadd.f32 v13, v0  }
0x202: {  	v5 =	vadd.f32 v14, v5;
	v8 =	vld [tilespmem:s1+$0x13250]  }
0x203: {  	v4 =	vadd.f32 v15, v4;
	v11 =	vld [tilespmem:s1+$0x13260];
	s1 =	sshra.s32 s0, $0x2;
	s0 =	sadd.s32 $0x200, s0  }
0x204: {  	v13 =	vld [tilespmem:s1+$0x13200]  }
0x205: {  	v14 =	vld [tilespmem:s1+$0x13210]  }
0x206: {  	v15 =	vld [tilespmem:s1+$0x13220]  }
0x207: {  	v1 =	vadd.f32 v12, v1;
	v12 =	vld [tilespmem:s1+$0x13250]  }
0x208: {  	v16 =	vld [tilespmem:s1+$0x13230]  }
0x209: {  	v17 =	vld [tilespmem:s1+$0x13240];
	v7 =	vadd.f32 v7, v9;
	v5 =	vadd.f32 v13, v5  }
0x20a: {  	v9 =	vld [tilespmem:s1+$0x13270];
	v3 =	vadd.f32 v8, v3;
	v4 =	vadd.f32 v14, v4  }
0x20b: {  	v6 =	vadd.f32 v10, v6;
	v10 =	vld [tilespmem:s1+$0x13260];
	v1 =	vadd.f32 v15, v1;
	v5 =	vmul.f32 $3.125000000e-02, v5  }
0x20c: {  	v3 =	vadd.f32 v12, v3;
	v4 =	vmul.f32 $3.125000000e-02, v4  }
0x20d: {  	v6 =	vadd.f32 v16, v6;
	v1 =	vmul.f32 $3.125000000e-02, v1;
	[tilespmem:$0x18380] =	vst v5  }
0x20e: {  	v2 =	vadd.f32 v11, v2;
	v7 =	vadd.f32 v17, v7;
	v3 =	vmul.f32 $3.125000000e-02, v3;
	[tilespmem:$0x18390] =	vst v4  }
0x20f: {  	v0 =	vadd.f32 v9, v0;
	v4 =	vmul.f32 $3.125000000e-02, v6;
	[tilespmem:$0x183A0] =	vst v1  }
0x210: {  	v2 =	vadd.f32 v10, v2;
	v1 =	vmul.f32 $3.125000000e-02, v7;
	[tilespmem:$0x183D0] =	vst v3  }
0x211: {  	v0 =	vmul.f32 $3.125000000e-02, v0;
	[tilespmem:$0x183B0] =	vst v4  }
0x212: {  	s0 =	sadd.s32 $0x80, s30;
	[tilespmem:$0x183C0] =	vst v1;
	v1 =	vmul.f32 $3.125000000e-02, v2  }
0x213: {  	s0 =	sand.u32 $0x1FFFFF80, s0;
	[tilespmem:$0x183F0] =	vst v0  }
0x214: {  	s0 =	sadd.s32 s4, s0;
	[tilespmem:$0x183E0] =	vst v1  }
0x215: {  	[hbm4b:s0+s3] =	stream.linear.scatter [tilespmem:s21], [sflag:$0x5], $0x200, $0x38;
	[tilespmem:$0x18400] =	vst v63  }
0x216: {  	_ =	swait.ge [sflag:s25], $0x4000  }
0x217: {  	s0 =	sadd.s32 @!p0 $0xC00, s31;
	[sflag:s25] =	ssyncset.done $0x0  }
0x218: {  	s0 =	sand.u32 @!p0 $0x7C00, s0;
	[sflag:s25] =	ssyncadd.s32 $0xFFFFC000  }
0x219: {  	v0 =	vld @!p0 [tilespmem:s0+$0x0];
	_ =	sdelay $0x4  }
0x21a: {  	[tilespmem:$0x8100] =	vst @!p0 v0  }
0x21b: {  	v0 =	vld @!p0 [tilespmem:s0+$0x10];
	_ =	sdelay $0x4  }
0x21c: {  	[tilespmem:$0x8110] =	vst @!p0 v0  }
0x21d: {  	v0 =	vld @!p0 [tilespmem:s0+$0x80];
	_ =	sdelay $0x4  }
0x21e: {  	[tilespmem:$0x8120] =	vst @!p0 v0  }
0x21f: {  	v0 =	vld @!p0 [tilespmem:s0+$0x90];
	_ =	sdelay $0x4  }
0x220: {  	[tilespmem:$0x8130] =	vst @!p0 v0  }
0x221: {  	v0 =	vld @!p0 [tilespmem:s0+$0x100];
	_ =	sdelay $0x4  }
0x222: {  	[tilespmem:$0x8140] =	vst @!p0 v0  }
0x223: {  	v0 =	vld @!p0 [tilespmem:s0+$0x110];
	_ =	sdelay $0x4  }
0x224: {  	[tilespmem:$0x8150] =	vst @!p0 v0  }
0x225: {  	v0 =	vld @!p0 [tilespmem:s0+$0x180];
	_ =	sdelay $0x4  }
0x226: {  	[tilespmem:$0x8160] =	vst @!p0 v0  }
0x227: {  	v0 =	vld @!p0 [tilespmem:s0+$0x190];
	_ =	sdelay $0x4  }
0x228: {  	s12 =	simm.s32 @!p0 $0x10200;
	s1 =	simm.s32 @!p0 $0x8100;
	s0 =	simm.s32 @!p0 $0x80;
	[tilespmem:$0x8170] =	vst @!p0 v0  }
0x229: {  	[tilespmem:s12], [sflag:$0x3] =	stream.indirect.gather @!p0 [hbm4b:s2+s0], $0x80, s1, s0, $0xb8;
	[tilespmem:$0x18400] =	vst v63  }
0x22a: {  	_ =	swait.ge [sflag:s23], $0x200  }
0x22b: {  	[sflag:s23] =	ssyncset.done $0x0  }
0x22c: {  	s31 =	simm.s32 $0x0;
	[sflag:s23] =	ssyncadd.s32 $0xFFFFFE00  }
0x22d: {  	v0 =	vld [tilespmem:s31+$0x14270]  }
0x22e: {  	v2 =	vld [tilespmem:s31+$0x14200]  }
0x22f: {  	v3 =	vld [tilespmem:s31+$0x14210]  }
0x230: {  	v12 =	vld [tilespmem:s31+$0x14220]  }
0x231: {  	v10 =	vld [tilespmem:s31+$0x14230]  }
0x232: {  	v9 =	vimm.f32 $0.0e+00;
	v1 =	vimm.f32 $0.0e+00;
	v7 =	vld [tilespmem:s31+$0x14240]  }
0x233: {  	v6 =	vimm.f32 $0.0e+00;
	v8 =	vld [tilespmem:s31+$0x14250];
	v0 =	vadd.f32 v0, v1;
	v5 =	vadd.f32 v2, v1  }
0x234: {  	s1 =	simm.s32 $0x80;
	s0 =	simm.s32 $0x400;
	v11 =	vld [tilespmem:s31+$0x14260];
	v4 =	vadd.f32 v3, v1;
	v3 =	vimm.f32 $0.0e+00;
	v2 =	vimm.f32 $0.0e+00  }
.LBB2_27:
0x235: {  	p0 =	sne.s32 s0, $0x3E00;
	v13 =	vld [tilespmem:s1+$0x14270];
	v1 =	vadd.f32 v12, v1  }
0x236: {  	v14 =	vld [tilespmem:s1+$0x14200];
	v6 =	vadd.f32 v10, v6  }
0x237: {  	v15 =	vld [tilespmem:s1+$0x14210];
	v9 =	vadd.f32 v7, v9  }
.Ltmp12:
0x238: {  	v12 =	vld [tilespmem:s1+$0x14220];
	v3 =	vadd.f32 v8, v3;
	(pc) =	sbr.rel @p0 .LBB2_27-.Ltmp12, $4  }
0x239: {  	v10 =	vld [tilespmem:s1+$0x14230];
	v2 =	vadd.f32 v11, v2  }
0x23a: {  	v7 =	vld [tilespmem:s1+$0x14240];
	v0 =	vadd.f32 v13, v0  }
0x23b: {  	v5 =	vadd.f32 v14, v5;
	v8 =	vld [tilespmem:s1+$0x14250]  }
0x23c: {  	v4 =	vadd.f32 v15, v4;
	v11 =	vld [tilespmem:s1+$0x14260];
	s1 =	sshra.s32 s0, $0x2;
	s0 =	sadd.s32 $0x200, s0  }
0x23d: {  	v13 =	vld [tilespmem:s1+$0x14200]  }
0x23e: {  	v14 =	vld [tilespmem:s1+$0x14210]  }
0x23f: {  	v15 =	vld [tilespmem:s1+$0x14220]  }
0x240: {  	v1 =	vadd.f32 v12, v1;
	v12 =	vld [tilespmem:s1+$0x14250]  }
0x241: {  	v16 =	vld [tilespmem:s1+$0x14230]  }
0x242: {  	v17 =	vld [tilespmem:s1+$0x14240];
	v7 =	vadd.f32 v7, v9;
	v5 =	vadd.f32 v13, v5  }
0x243: {  	v9 =	vld [tilespmem:s1+$0x14270];
	v3 =	vadd.f32 v8, v3;
	v4 =	vadd.f32 v14, v4  }
0x244: {  	v6 =	vadd.f32 v10, v6;
	v10 =	vld [tilespmem:s1+$0x14260];
	v1 =	vadd.f32 v15, v1;
	v5 =	vmul.f32 $3.125000000e-02, v5  }
0x245: {  	v3 =	vadd.f32 v12, v3;
	v4 =	vmul.f32 $3.125000000e-02, v4  }
0x246: {  	v6 =	vadd.f32 v16, v6;
	v1 =	vmul.f32 $3.125000000e-02, v1;
	[tilespmem:$0x18200] =	vst v5  }
0x247: {  	v2 =	vadd.f32 v11, v2;
	v7 =	vadd.f32 v17, v7;
	v3 =	vmul.f32 $3.125000000e-02, v3;
	[tilespmem:$0x18210] =	vst v4  }
0x248: {  	v0 =	vadd.f32 v9, v0;
	v4 =	vmul.f32 $3.125000000e-02, v6;
	[tilespmem:$0x18220] =	vst v1  }
0x249: {  	v2 =	vadd.f32 v10, v2;
	v1 =	vmul.f32 $3.125000000e-02, v7;
	[tilespmem:$0x18250] =	vst v3  }
0x24a: {  	v0 =	vmul.f32 $3.125000000e-02, v0;
	[tilespmem:$0x18230] =	vst v4  }
0x24b: {  	[tilespmem:$0x18240] =	vst v1;
	v1 =	vmul.f32 $3.125000000e-02, v2  }
0x24c: {  	[tilespmem:$0x18270] =	vst v0  }
0x24d: {  	s12 =	simm.s32 $0x0;
	[tilespmem:$0x18260] =	vst v1  }
0x24e: {  	v0 =	vld [tilespmem:s12+$0x15270]  }
0x24f: {  	v2 =	vld [tilespmem:s12+$0x15200]  }
0x250: {  	v3 =	vld [tilespmem:s12+$0x15210]  }
0x251: {  	v12 =	vld [tilespmem:s12+$0x15220]  }
0x252: {  	v10 =	vld [tilespmem:s12+$0x15230]  }
0x253: {  	v9 =	vimm.f32 $0.0e+00;
	v1 =	vimm.f32 $0.0e+00;
	v7 =	vld [tilespmem:s12+$0x15240]  }
0x254: {  	v6 =	vimm.f32 $0.0e+00;
	v8 =	vld [tilespmem:s12+$0x15250];
	v0 =	vadd.f32 v0, v1;
	v5 =	vadd.f32 v2, v1  }
0x255: {  	s0 =	simm.s32 $0x400;
	s1 =	simm.s32 $0x80;
	v11 =	vld [tilespmem:s12+$0x15260];
	v4 =	vadd.f32 v3, v1;
	v3 =	vimm.f32 $0.0e+00;
	v2 =	vimm.f32 $0.0e+00  }
.LBB2_29:
0x256: {  	p0 =	sne.s32 s0, $0x3E00;
	v13 =	vld [tilespmem:s1+$0x15270];
	v1 =	vadd.f32 v12, v1  }
0x257: {  	v14 =	vld [tilespmem:s1+$0x15200];
	v6 =	vadd.f32 v10, v6  }
0x258: {  	v15 =	vld [tilespmem:s1+$0x15210];
	v9 =	vadd.f32 v7, v9  }
.Ltmp13:
0x259: {  	v12 =	vld [tilespmem:s1+$0x15220];
	v3 =	vadd.f32 v8, v3;
	(pc) =	sbr.rel @p0 .LBB2_29-.Ltmp13, $4  }
0x25a: {  	v10 =	vld [tilespmem:s1+$0x15230];
	v2 =	vadd.f32 v11, v2  }
0x25b: {  	v7 =	vld [tilespmem:s1+$0x15240];
	v0 =	vadd.f32 v13, v0  }
0x25c: {  	v5 =	vadd.f32 v14, v5;
	v8 =	vld [tilespmem:s1+$0x15250]  }
0x25d: {  	v4 =	vadd.f32 v15, v4;
	v11 =	vld [tilespmem:s1+$0x15260];
	s1 =	sshra.s32 s0, $0x2;
	s0 =	sadd.s32 $0x200, s0  }
0x25e: {  	v13 =	vld [tilespmem:s1+$0x15200]  }
0x25f: {  	v14 =	vld [tilespmem:s1+$0x15210]  }
0x260: {  	v15 =	vld [tilespmem:s1+$0x15220]  }
0x261: {  	v1 =	vadd.f32 v12, v1;
	v12 =	vld [tilespmem:s1+$0x15250]  }
0x262: {  	v16 =	vld [tilespmem:s1+$0x15230]  }
0x263: {  	v17 =	vld [tilespmem:s1+$0x15240];
	v7 =	vadd.f32 v7, v9;
	v5 =	vadd.f32 v13, v5  }
0x264: {  	v9 =	vld [tilespmem:s1+$0x15270];
	v3 =	vadd.f32 v8, v3;
	v4 =	vadd.f32 v14, v4  }
0x265: {  	v6 =	vadd.f32 v10, v6;
	v10 =	vld [tilespmem:s1+$0x15260];
	v1 =	vadd.f32 v15, v1;
	v5 =	vmul.f32 $3.125000000e-02, v5  }
0x266: {  	v3 =	vadd.f32 v12, v3;
	v4 =	vmul.f32 $3.125000000e-02, v4  }
0x267: {  	v6 =	vadd.f32 v16, v6;
	v1 =	vmul.f32 $3.125000000e-02, v1;
	[tilespmem:$0x18280] =	vst v5  }
0x268: {  	v2 =	vadd.f32 v11, v2;
	v7 =	vadd.f32 v17, v7;
	v3 =	vmul.f32 $3.125000000e-02, v3;
	[tilespmem:$0x18290] =	vst v4  }
0x269: {  	v0 =	vadd.f32 v9, v0;
	v4 =	vmul.f32 $3.125000000e-02, v6;
	[tilespmem:$0x182A0] =	vst v1  }
0x26a: {  	v2 =	vadd.f32 v10, v2;
	v1 =	vmul.f32 $3.125000000e-02, v7;
	[tilespmem:$0x182D0] =	vst v3  }
0x26b: {  	v0 =	vmul.f32 $3.125000000e-02, v0;
	[tilespmem:$0x182B0] =	vst v4  }
0x26c: {  	[tilespmem:$0x182C0] =	vst v1;
	v1 =	vmul.f32 $3.125000000e-02, v2  }
0x26d: {  	[tilespmem:$0x182F0] =	vst v0  }
0x26e: {  	s12 =	simm.s32 $0x0;
	[tilespmem:$0x182E0] =	vst v1  }
0x26f: {  	v0 =	vld [tilespmem:s12+$0x16270]  }
0x270: {  	v2 =	vld [tilespmem:s12+$0x16200]  }
0x271: {  	v3 =	vld [tilespmem:s12+$0x16210]  }
0x272: {  	v12 =	vld [tilespmem:s12+$0x16220]  }
0x273: {  	v10 =	vld [tilespmem:s12+$0x16230]  }
0x274: {  	v9 =	vimm.f32 $0.0e+00;
	v1 =	vimm.f32 $0.0e+00;
	v7 =	vld [tilespmem:s12+$0x16240]  }
0x275: {  	v6 =	vimm.f32 $0.0e+00;
	v8 =	vld [tilespmem:s12+$0x16250];
	v0 =	vadd.f32 v0, v1;
	v5 =	vadd.f32 v2, v1  }
0x276: {  	s0 =	simm.s32 $0x400;
	s1 =	simm.s32 $0x80;
	v11 =	vld [tilespmem:s12+$0x16260];
	v4 =	vadd.f32 v3, v1;
	v3 =	vimm.f32 $0.0e+00;
	v2 =	vimm.f32 $0.0e+00  }
.LBB2_31:
0x277: {  	p0 =	sne.s32 s0, $0x3E00;
	v13 =	vld [tilespmem:s1+$0x16270];
	v1 =	vadd.f32 v12, v1  }
0x278: {  	v14 =	vld [tilespmem:s1+$0x16200];
	v6 =	vadd.f32 v10, v6  }
0x279: {  	v15 =	vld [tilespmem:s1+$0x16210];
	v9 =	vadd.f32 v7, v9  }
.Ltmp14:
0x27a: {  	v12 =	vld [tilespmem:s1+$0x16220];
	v3 =	vadd.f32 v8, v3;
	(pc) =	sbr.rel @p0 .LBB2_31-.Ltmp14, $4  }
0x27b: {  	v10 =	vld [tilespmem:s1+$0x16230];
	v2 =	vadd.f32 v11, v2  }
0x27c: {  	v7 =	vld [tilespmem:s1+$0x16240];
	v0 =	vadd.f32 v13, v0  }
0x27d: {  	v5 =	vadd.f32 v14, v5;
	v8 =	vld [tilespmem:s1+$0x16250]  }
0x27e: {  	v4 =	vadd.f32 v15, v4;
	v11 =	vld [tilespmem:s1+$0x16260];
	s1 =	sshra.s32 s0, $0x2;
	s0 =	sadd.s32 $0x200, s0  }
0x27f: {  	v13 =	vld [tilespmem:s1+$0x16200]  }
0x280: {  	v14 =	vld [tilespmem:s1+$0x16210]  }
0x281: {  	v15 =	vld [tilespmem:s1+$0x16220]  }
0x282: {  	v1 =	vadd.f32 v12, v1;
	v12 =	vld [tilespmem:s1+$0x16250]  }
0x283: {  	v16 =	vld [tilespmem:s1+$0x16230]  }
0x284: {  	v17 =	vld [tilespmem:s1+$0x16240];
	v7 =	vadd.f32 v7, v9;
	v5 =	vadd.f32 v13, v5  }
0x285: {  	v9 =	vld [tilespmem:s1+$0x16270];
	v3 =	vadd.f32 v8, v3;
	v4 =	vadd.f32 v14, v4  }
0x286: {  	v6 =	vadd.f32 v10, v6;
	v10 =	vld [tilespmem:s1+$0x16260];
	v1 =	vadd.f32 v15, v1;
	v5 =	vmul.f32 $3.125000000e-02, v5  }
0x287: {  	v3 =	vadd.f32 v12, v3;
	v4 =	vmul.f32 $3.125000000e-02, v4  }
0x288: {  	v6 =	vadd.f32 v16, v6;
	v1 =	vmul.f32 $3.125000000e-02, v1;
	[tilespmem:$0x18300] =	vst v5  }
0x289: {  	v2 =	vadd.f32 v11, v2;
	v7 =	vadd.f32 v17, v7;
	v3 =	vmul.f32 $3.125000000e-02, v3;
	[tilespmem:$0x18310] =	vst v4  }
0x28a: {  	v0 =	vadd.f32 v9, v0;
	v4 =	vmul.f32 $3.125000000e-02, v6;
	[tilespmem:$0x18320] =	vst v1  }
0x28b: {  	v2 =	vadd.f32 v10, v2;
	v1 =	vmul.f32 $3.125000000e-02, v7;
	[tilespmem:$0x18350] =	vst v3  }
0x28c: {  	v0 =	vmul.f32 $3.125000000e-02, v0;
	[tilespmem:$0x18330] =	vst v4  }
0x28d: {  	[tilespmem:$0x18340] =	vst v1;
	v1 =	vmul.f32 $3.125000000e-02, v2  }
0x28e: {  	[tilespmem:$0x18370] =	vst v0  }
0x28f: {  	s12 =	simm.s32 $0x0;
	[tilespmem:$0x18360] =	vst v1  }
0x290: {  	v0 =	vld [tilespmem:s12+$0x17270]  }
0x291: {  	v2 =	vld [tilespmem:s12+$0x17200]  }
0x292: {  	v3 =	vld [tilespmem:s12+$0x17210]  }
0x293: {  	v12 =	vld [tilespmem:s12+$0x17220]  }
0x294: {  	v10 =	vld [tilespmem:s12+$0x17230]  }
0x295: {  	v9 =	vimm.f32 $0.0e+00;
	v1 =	vimm.f32 $0.0e+00;
	v7 =	vld [tilespmem:s12+$0x17240]  }
0x296: {  	v6 =	vimm.f32 $0.0e+00;
	v8 =	vld [tilespmem:s12+$0x17250];
	v0 =	vadd.f32 v0, v1;
	v5 =	vadd.f32 v2, v1  }
0x297: {  	s0 =	simm.s32 $0x400;
	s1 =	simm.s32 $0x80;
	v11 =	vld [tilespmem:s12+$0x17260];
	v4 =	vadd.f32 v3, v1;
	v3 =	vimm.f32 $0.0e+00;
	v2 =	vimm.f32 $0.0e+00  }
.LBB2_33:
0x298: {  	p0 =	sne.s32 s0, $0x3E00;
	v13 =	vld [tilespmem:s1+$0x17270];
	v1 =	vadd.f32 v12, v1  }
0x299: {  	v14 =	vld [tilespmem:s1+$0x17200];
	v6 =	vadd.f32 v10, v6  }
0x29a: {  	v15 =	vld [tilespmem:s1+$0x17210];
	v9 =	vadd.f32 v7, v9  }
.Ltmp15:
0x29b: {  	v12 =	vld [tilespmem:s1+$0x17220];
	v3 =	vadd.f32 v8, v3;
	(pc) =	sbr.rel @p0 .LBB2_33-.Ltmp15, $4  }
0x29c: {  	v10 =	vld [tilespmem:s1+$0x17230];
	v2 =	vadd.f32 v11, v2  }
0x29d: {  	v7 =	vld [tilespmem:s1+$0x17240];
	v0 =	vadd.f32 v13, v0  }
0x29e: {  	v5 =	vadd.f32 v14, v5;
	v8 =	vld [tilespmem:s1+$0x17250]  }
0x29f: {  	v4 =	vadd.f32 v15, v4;
	v11 =	vld [tilespmem:s1+$0x17260];
	s1 =	sshra.s32 s0, $0x2;
	s0 =	sadd.s32 $0x200, s0  }
0x2a0: {  	v13 =	vld [tilespmem:s1+$0x17200]  }
0x2a1: {  	v14 =	vld [tilespmem:s1+$0x17210]  }
0x2a2: {  	v15 =	vld [tilespmem:s1+$0x17220]  }
0x2a3: {  	v16 =	vld [tilespmem:s1+$0x17230]  }
0x2a4: {  	v17 =	vld [tilespmem:s1+$0x17240]  }
0x2a5: {  	v1 =	vadd.f32 v12, v1;
	v58 =	vld [tilespmem:s1+$0x17250];
	v5 =	vadd.f32 v13, v5  }
0x2a6: {  	v60 =	vld [tilespmem:s1+$0x17270];
	v6 =	vadd.f32 v10, v6;
	v4 =	vadd.f32 v14, v4  }
0x2a7: {  	v59 =	vld [tilespmem:s1+$0x17260];
	v7 =	vadd.f32 v7, v9;
	v1 =	vadd.f32 v15, v1;
	v5 =	vmul.f32 $3.125000000e-02, v5  }
0x2a8: {  	v3 =	vadd.f32 v8, v3;
	v6 =	vadd.f32 v16, v6;
	v4 =	vmul.f32 $3.125000000e-02, v4  }
0x2a9: {  	v7 =	vadd.f32 v17, v7;
	v1 =	vmul.f32 $3.125000000e-02, v1;
	[tilespmem:$0x18380] =	vst v5  }
0x2aa: {  	v2 =	vadd.f32 v11, v2;
	v3 =	vadd.f32 v58, v3;
	v61 =	vmul.f32 $3.125000000e-02, v6;
	[tilespmem:$0x18390] =	vst v4  }
0x2ab: {  	s28 =	sadd.s32 $0x1, s28;
	v0 =	vadd.f32 v60, v0;
	v62 =	vmul.f32 $3.125000000e-02, v7;
	[tilespmem:$0x183A0] =	vst v1  }
0x2ac: {  	p0 =	sne.s32 s28, $0x20;
	v2 =	vadd.f32 v59, v2;
	v3 =	vmul.f32 $3.125000000e-02, v3;
	[tilespmem:$0x183B0] =	vst v61  }
.Ltmp16:
0x2ad: {  	v0 =	vmul.f32 $3.125000000e-02, v0;
	[tilespmem:$0x183C0] =	vst v62;
	(pc) =	sbr.rel @p0 .LBB2_2-.Ltmp16, $4  }
0x2ae: {  	v63 =	vmul.f32 $3.125000000e-02, v2;
	[tilespmem:$0x183D0] =	vst v3  }
0x2af: {  	s0 =	sshll.u32 s29, $0x6;
	[tilespmem:$0x183F0] =	vst v0  }
0x2b0: {  	s0 =	sadd.s32 s0, s7;
	[tilespmem:$0x183E0] =	vst v63  }
0x2b1: {  	[hbm4b:s0+s3] =	stream.linear.scatter [tilespmem:s21], [sflag:$0x5], $0x200, $0x38;
	[tilespmem:$0x18400] =	vst v63  }
0x2b2: {  	s26 =	sadd.s32 $0x1, s26  }
0x2b3: {  	p0 =	sne.s32 s26, s9  }
.Ltmp17:
0x2b4: {  	_ = 	snop;
	(pc) =	sbr.rel @p0 .LBB2_1-.Ltmp17, $4  }
0x2b5: {  	_ = 	snop  }
0x2b6: {  	_ =	swait.ge [sflag:s23], $0x200  }
0x2b7: {  	[sflag:s23] =	ssyncset.done $0x0  }
0x2b8: {  	[sflag:s23] =	ssyncadd.s32 $0xFFFFFE00  }
0x2b9: {  	_ =	sfence.sel $0x180000  }
0x2ba: {  	[bflag:$0x0] =	sbarrier.arrive $0xFFFF  }
0x2bb: {  	_ =	strace $0x90000047  }
0x2bc: {  	s0 =	stileid.u32;
	[bflag:$0x2] =	sbarrier.arrive $0xFFFF  }
0x2bd: {  	p0 =	sne.s32 s0, $0x0;
	s0 =	rddreg [dreg:$0x2]  }
0x2be: {  	s0 =	sadd.s32 @!p0 $0x100000, s0  }
0x2bf: {  	[sflag:s0] =	ssyncadd.tile.s32 @!p0 $0x1;
	_ =	shalt  }
.Lfunc_end2:
_tile_overlayer_lowered:
.L_overlay_start_2:
0x2c0: {  	(tag) =	ssettag $0x2  }
0x2c1: {  	s0 =	rddreg [dreg:$0x0];
	s2 =	stileid.u32  }
0x2c2: {  	s1 =	rddreg [dreg:$0x1];
	p0 =	sne.s32 s2, $0x0  }
0x2c3: {  	s3 =	rddreg [dreg:$0x2];
	[bflag:$0x3] =	sbarrier.arrive $0xFFFF;
	s2 =	simm.s32 @!p0 $0x1C06  }
0x2c4: {  	[timem:s3], [sflag:s2] =	dma.local @!p0 [hbm:s0], s1  }
0x2c5: {  	s0 =	simm.s32 @!p0 $0x6  }
0x2c6: {  	_ =	swait.ge @!p0 [sflag:s0], s1  }
0x2c7: {  	s1 =	ssub.s32 @!p0 $0x0, s1;
	[sflag:s0] =	ssyncset.done @!p0 $0x0  }
0x2c8: {  	[sflag:s0] =	ssyncadd.s32 @!p0 s1  }
0x2c9: {  	[bflag:$0x3] =	sbarrier.arrive $0xFFFF  }
0x2ca: {  	_ =	shalt  }

</sc_bundles>
